<compile_context>
chip_gen: v7x
topology: tpu7x:2x2x1
jax: 0.10.2.dev20260603
libtpu: 0.0.44.dev20260713+nightly
codegen_flags: <defaults>
</compile_context>

<pallas_src>
import jax
import jax.numpy as jnp
from jax import lax
from jax.experimental import pallas as pl
from jax.experimental.pallas import tpu as pltpu
from jax.experimental.pallas import tpu_sc as plsc

N = 100000
NP = 100096
E = 1600000
NC, NS = 2, 16
NW = NC * NS
EPW = E // NW
RING = 3
CB = 2560
_CHUNKS = []
_off = 0
while _off < EPW:
    _sz = min(CB, EPW - _off)
    _CHUNKS.append((_off, _sz))
    _off += _sz
NCHUNK = len(_CHUNKS)

PCOEF = 917.0 * 9.81
BCOEF = 1000.0 * 9.81


def _unroll(trips):
    for u in (5, 4, 3, 2):
        if trips % u == 0:
            return u
    return 1


def _phi_body(h_ref, b_ref, o_ref):
    o_ref[...] = PCOEF * h_ref[...] + BCOEF * b_ref[...]


def _sc_body(phi_hbm, head_hbm, tail_hbm, len_hbm, out_hbm, phi_v, *rest):
    c = lax.axis_index("c")
    s = lax.axis_index("s")
    wid = s * NC + c
    base = wid * EPW
    bufs = tuple(rest[4 * r:4 * r + 4] + (rest[4 * RING + 2 * r], rest[4 * RING + 2 * r + 1])
                 for r in range(RING))

    def fire_in(k):
        h, t, l, _, sin, _ = bufs[k % RING]
        off, sz = _CHUNKS[k]
        st = base + off
        return (
            pltpu.async_copy(head_hbm.at[pl.ds(st, sz)], h.at[pl.ds(0, sz)], sin),
            pltpu.async_copy(tail_hbm.at[pl.ds(st, sz)], t.at[pl.ds(0, sz)], sin),
            pltpu.async_copy(len_hbm.at[pl.ds(st, sz)], l.at[pl.ds(0, sz)], sin),
        )

    in_flight = {k: fire_in(k) for k in range(min(RING, NCHUNK))}
    pltpu.sync_copy(phi_hbm, phi_v)
    out_flight = {}
    for k in range(NCHUNK):
        h, t, l, o, _, sout = bufs[k % RING]
        off, sz = _CHUNKS[k]
        for cdesc in in_flight.pop(k):
            cdesc.wait()
        if k - RING in out_flight:
            out_flight.pop(k - RING).wait()

        @plsc.parallel_loop(0, sz, step=16, unroll=_unroll(sz // 16))
        def _gather(i):
            sl = pl.ds(i, 16)
            ph = plsc.load_gather(phi_v, [h[sl]])
            pt = plsc.load_gather(phi_v, [t[sl]])
            o[sl] = (pt - ph) / l[sl]

        st = base + off
        out_flight[k] = pltpu.async_copy(o.at[pl.ds(0, sz)], out_hbm.at[pl.ds(st, sz)], sout)
        if k + RING < NCHUNK:
            in_flight[k + RING] = fire_in(k + RING)
    for cdesc in out_flight.values():
        cdesc.wait()


_sc_call = pl.kernel(
    _sc_body,
    out_type=jax.ShapeDtypeStruct((E,), jnp.float32),
    mesh=plsc.VectorSubcoreMesh(core_axis_name="c", subcore_axis_name="s"),
    compiler_params=pltpu.CompilerParams(needs_layout_passes=False),
    scratch_types=(
        [pltpu.VMEM((NP,), jnp.float32)]
        + [pltpu.VMEM((CB,), dt)
           for _ in range(RING)
           for dt in (jnp.int32, jnp.int32, jnp.float32, jnp.float32)]
        + [pltpu.SemaphoreType.DMA] * (2 * RING)
    ),
)


def kernel(ice_thickness, bedrock_elevation, meltwater_input,
           ice_sliding_velocity, node_x, node_y, length_of_link,
           node_at_link_head, node_at_link_tail, links_at_node,
           link_dirs_at_node):
    hp = jnp.pad(ice_thickness, (0, NP - N)).reshape(NP // 128, 128)
    bp = jnp.pad(bedrock_elevation, (0, NP - N)).reshape(NP // 128, 128)
    phi = pl.pallas_call(
        _phi_body,
        out_shape=jax.ShapeDtypeStruct((NP // 128, 128), jnp.float32),
    )(hp, bp).reshape(NP)
    return _sc_call(phi, node_at_link_head, node_at_link_tail, length_of_link)

# --- scband reference (transcript-rebuilt; emitter-appended) ---
"""Pipeline reference for scband-glacier-85822036509380 (READ-ONLY COPY).

The authoritative reference and input builder live on the scoring server;
editing this copy changes nothing except your own understanding.
"""

import jax, jax.numpy as jnp
import numpy as np

N = 100000
E = 1600000
DEG = 16


def setup_inputs(seed: int = 0) -> dict:
    key = jax.random.key(seed)
    ks = jax.random.split(key, 12)
    node_x = jax.random.uniform(ks[0], (N,), dtype=jnp.float32)
    node_y = jax.random.uniform(ks[1], (N,), dtype=jnp.float32)
    # uniform fill; offset away from zero since lengths divide gradients
    length_of_link = jax.random.uniform(ks[2], (E,), dtype=jnp.float32, minval=1.0, maxval=100.0)
    node_at_link_head = jax.random.randint(ks[3], (E,), 0, N, dtype=jnp.int32)
    node_at_link_tail = jax.random.randint(ks[4], (E,), 0, N, dtype=jnp.int32)
    links_at_node = jax.random.randint(ks[5], (N, DEG), 0, E, dtype=jnp.int32)
    link_dirs_at_node = jax.random.randint(ks[6], (N, DEG), 0, 2, dtype=jnp.int32)
    ice_thickness = jax.random.uniform(ks[7], (N,), dtype=jnp.float32) * 1000.0
    bedrock_elevation = jax.random.normal(ks[8], (N,), dtype=jnp.float32) * 100.0
    meltwater_input = jax.random.uniform(ks[9], (N,), dtype=jnp.float32)
    ice_sliding_velocity = jax.random.uniform(ks[10], (E,), dtype=jnp.float32)
    return {
        "ice_thickness": ice_thickness,
        "bedrock_elevation": bedrock_elevation,
        "meltwater_input": meltwater_input,
        "ice_sliding_velocity": ice_sliding_velocity,
        "node_x": node_x,
        "node_y": node_y,
        "length_of_link": length_of_link,
        "node_at_link_head": node_at_link_head,
        "node_at_link_tail": node_at_link_tail,
        "links_at_node": links_at_node,
        "link_dirs_at_node": link_dirs_at_node,
    }


def reference(ice_thickness, bedrock_elevation, meltwater_input, ice_sliding_velocity,
              node_x, node_y, length_of_link, node_at_link_head, node_at_link_tail,
              links_at_node, link_dirs_at_node):
    # Faithful translation of Glacier.__post_init__ derived-field computation
    gravity = 9.81
    ice_density = 917.0
    water_density = 1000.0
    # overburden_pressure = rho_i * g * H  (node field)
    overburden_pressure = ice_density * gravity * ice_thickness
    # calc_grad_at_link: gather head/tail node values, difference, divide by link length
    pressure_slope = (overburden_pressure[node_at_link_head] - overburden_pressure[node_at_link_tail]) / length_of_link
    bedrock_slope = (bedrock_elevation[node_at_link_head] - bedrock_elevation[node_at_link_tail]) / length_of_link
    # base hydraulic gradient at links
    base_gradient = -pressure_slope - water_density * gravity * bedrock_slope
    return base_gradient

if __name__ == "__main__":
    import jax
    _d = setup_inputs()
    print(jax.jit(kernel)(*tuple(_d.values())))

</pallas_src>

<mosaic_0001>
#map = affine_map<(d0, d1) -> (0)>
module attributes {stable_mosaic.version = 14 : i64} {
  func.func @_sc_body(%arg0: i32, %arg1: i32, %arg2: memref<100096xf32, #tpu.memory_space<hbm>>, %arg3: memref<1600000xi32, #tpu.memory_space<hbm>>, %arg4: memref<1600000xi32, #tpu.memory_space<hbm>>, %arg5: memref<1600000xf32, #tpu.memory_space<hbm>>, %arg6: memref<1600000xf32, #tpu.memory_space<hbm>>, %arg7: memref<100096xf32, #tpu.memory_space<vmem>>, %arg8: memref<2560xi32, #tpu.memory_space<vmem>>, %arg9: memref<2560xi32, #tpu.memory_space<vmem>>, %arg10: memref<2560xf32, #tpu.memory_space<vmem>>, %arg11: memref<2560xf32, #tpu.memory_space<vmem>>, %arg12: memref<2560xi32, #tpu.memory_space<vmem>>, %arg13: memref<2560xi32, #tpu.memory_space<vmem>>, %arg14: memref<2560xf32, #tpu.memory_space<vmem>>, %arg15: memref<2560xf32, #tpu.memory_space<vmem>>, %arg16: memref<2560xi32, #tpu.memory_space<vmem>>, %arg17: memref<2560xi32, #tpu.memory_space<vmem>>, %arg18: memref<2560xf32, #tpu.memory_space<vmem>>, %arg19: memref<2560xf32, #tpu.memory_space<vmem>>, %arg20: memref<!tpu.dma_semaphore, #tpu.memory_space<semaphore_mem>>, %arg21: memref<!tpu.dma_semaphore, #tpu.memory_space<semaphore_mem>>, %arg22: memref<!tpu.dma_semaphore, #tpu.memory_space<semaphore_mem>>, %arg23: memref<!tpu.dma_semaphore, #tpu.memory_space<semaphore_mem>>, %arg24: memref<!tpu.dma_semaphore, #tpu.memory_space<semaphore_mem>>, %arg25: memref<!tpu.dma_semaphore, #tpu.memory_space<semaphore_mem>>) attributes {dimension_semantics = [#tpu.dimension_semantics<core_parallel>, #tpu.dimension_semantics<subcore_parallel>], iteration_bounds = array<i64: 2, 16>, scalar_prefetch = 0 : i64, scratch_operands = 19 : i64, tpu.core_type = #tpu.core_type<sc_vector_subcore>, window_params = [{transform_indices = #map}, {transform_indices = #map}, {transform_indices = #map}, {transform_indices = #map}, {transform_indices = #map}]} {
    %mul3A = arith.constant 2 : i32
    %mul3A_0 = arith.muli %arg1, %mul3A : i32
    %add3A = arith.addi %mul3A_0, %arg0 : i32
    %mul3A_1 = arith.constant 50000 : i32
    %mul3A_2 = arith.muli %add3A, %mul3A_1 : i32
    %add3A_3 = arith.constant 0 : i32
    %add3A_4 = arith.addi %mul3A_2, %add3A_3 : i32
    %dma_start3A = arith.constant 0 : i32
    %dma_start3A_5 = tpu.memref_slice %arg8[%dma_start3A] : memref<2560xi32, #tpu.memory_space<vmem>> -> memref<2560xi32, #tpu.memory_space<vmem>>
    %dma_start3A_6 = tpu.memref_slice %arg3[%add3A_4] : memref<1600000xi32, #tpu.memory_space<hbm>> -> memref<2560xi32, #tpu.memory_space<hbm>>
    %dma_start3A_7 = arith.constant 0 : i32
    %dma_start3A_8 = tpu.memref_slice %arg8[%dma_start3A_7] : memref<2560xi32, #tpu.memory_space<vmem>> -> memref<2560xi32, #tpu.memory_space<vmem>>
    %dma_start3A_9 = tpu.memref_slice %arg3[%add3A_4] : memref<1600000xi32, #tpu.memory_space<hbm>> -> memref<2560xi32, #tpu.memory_space<hbm>>
    tpu.enqueue_dma source(%dma_start3A_9 : memref<2560xi32, #tpu.memory_space<hbm>>) target(%dma_start3A_8 : memref<2560xi32, #tpu.memory_space<vmem>>) target_semaphore(%arg20 : memref<!tpu.dma_semaphore, #tpu.memory_space<semaphore_mem>>)
    %dma_start3A_10 = arith.constant 0 : i32
    %dma_start3A_11 = tpu.memref_slice %arg9[%dma_start3A_10] : memref<2560xi32, #tpu.memory_space<vmem>> -> memref<2560xi32, #tpu.memory_space<vmem>>
    %dma_start3A_12 = tpu.memref_slice %arg4[%add3A_4] : memref<1600000xi32, #tpu.memory_space<hbm>> -> memref<2560xi32, #tpu.memory_space<hbm>>
    %dma_start3A_13 = arith.constant 0 : i32
    %dma_start3A_14 = tpu.memref_slice %arg9[%dma_start3A_13] : memref<2560xi32, #tpu.memory_space<vmem>> -> memref<2560xi32, #tpu.memory_space<vmem>>
    %dma_start3A_15 = tpu.memref_slice %arg4[%add3A_4] : memref<1600000xi32, #tpu.memory_space<hbm>> -> memref<2560xi32, #tpu.memory_space<hbm>>
    tpu.enqueue_dma source(%dma_start3A_15 : memref<2560xi32, #tpu.memory_space<hbm>>) target(%dma_start3A_14 : memref<2560xi32, #tpu.memory_space<vmem>>) target_semaphore(%arg20 : memref<!tpu.dma_semaphore, #tpu.memory_space<semaphore_mem>>)
    %dma_start3A_16 = arith.constant 0 : i32
    %dma_start3A_17 = tpu.memref_slice %arg10[%dma_start3A_16] : memref<2560xf32, #tpu.memory_space<vmem>> -> memref<2560xf32, #tpu.memory_space<vmem>>
    %dma_start3A_18 = tpu.memref_slice %arg5[%add3A_4] : memref<1600000xf32, #tpu.memory_space<hbm>> -> memref<2560xf32, #tpu.memory_space<hbm>>
    %dma_start3A_19 = arith.constant 0 : i32
    %dma_start3A_20 = tpu.memref_slice %arg10[%dma_start3A_19] : memref<2560xf32, #tpu.memory_space<vmem>> -> memref<2560xf32, #tpu.memory_space<vmem>>
    %dma_start3A_21 = tpu.memref_slice %arg5[%add3A_4] : memref<1600000xf32, #tpu.memory_space<hbm>> -> memref<2560xf32, #tpu.memory_space<hbm>>
    tpu.enqueue_dma source(%dma_start3A_21 : memref<2560xf32, #tpu.memory_space<hbm>>) target(%dma_start3A_20 : memref<2560xf32, #tpu.memory_space<vmem>>) target_semaphore(%arg20 : memref<!tpu.dma_semaphore, #tpu.memory_space<semaphore_mem>>)
    %add3A_22 = arith.constant 2560 : i32
    %add3A_23 = arith.addi %mul3A_2, %add3A_22 : i32
    %dma_start3A_24 = arith.constant 0 : i32
    %dma_start3A_25 = tpu.memref_slice %arg12[%dma_start3A_24] : memref<2560xi32, #tpu.memory_space<vmem>> -> memref<2560xi32, #tpu.memory_space<vmem>>
    %dma_start3A_26 = tpu.memref_slice %arg3[%add3A_23] : memref<1600000xi32, #tpu.memory_space<hbm>> -> memref<2560xi32, #tpu.memory_space<hbm>>
    %dma_start3A_27 = arith.constant 0 : i32
    %dma_start3A_28 = tpu.memref_slice %arg12[%dma_start3A_27] : memref<2560xi32, #tpu.memory_space<vmem>> -> memref<2560xi32, #tpu.memory_space<vmem>>
    %dma_start3A_29 = tpu.memref_slice %arg3[%add3A_23] : memref<1600000xi32, #tpu.memory_space<hbm>> -> memref<2560xi32, #tpu.memory_space<hbm>>
    tpu.enqueue_dma source(%dma_start3A_29 : memref<2560xi32, #tpu.memory_space<hbm>>) target(%dma_start3A_28 : memref<2560xi32, #tpu.memory_space<vmem>>) target_semaphore(%arg22 : memref<!tpu.dma_semaphore, #tpu.memory_space<semaphore_mem>>)
    %dma_start3A_30 = arith.constant 0 : i32
    %dma_start3A_31 = tpu.memref_slice %arg13[%dma_start3A_30] : memref<2560xi32, #tpu.memory_space<vmem>> -> memref<2560xi32, #tpu.memory_space<vmem>>
    %dma_start3A_32 = tpu.memref_slice %arg4[%add3A_23] : memref<1600000xi32, #tpu.memory_space<hbm>> -> memref<2560xi32, #tpu.memory_space<hbm>>
    %dma_start3A_33 = arith.constant 0 : i32
    %dma_start3A_34 = tpu.memref_slice %arg13[%dma_start3A_33] : memref<2560xi32, #tpu.memory_space<vmem>> -> memref<2560xi32, #tpu.memory_space<vmem>>
    %dma_start3A_35 = tpu.memref_slice %arg4[%add3A_23] : memref<1600000xi32, #tpu.memory_space<hbm>> -> memref<2560xi32, #tpu.memory_space<hbm>>
    tpu.enqueue_dma source(%dma_start3A_35 : memref<2560xi32, #tpu.memory_space<hbm>>) target(%dma_start3A_34 : memref<2560xi32, #tpu.memory_space<vmem>>) target_semaphore(%arg22 : memref<!tpu.dma_semaphore, #tpu.memory_space<semaphore_mem>>)
    %dma_start3A_36 = arith.constant 0 : i32
    %dma_start3A_37 = tpu.memref_slice %arg14[%dma_start3A_36] : memref<2560xf32, #tpu.memory_space<vmem>> -> memref<2560xf32, #tpu.memory_space<vmem>>
    %dma_start3A_38 = tpu.memref_slice %arg5[%add3A_23] : memref<1600000xf32, #tpu.memory_space<hbm>> -> memref<2560xf32, #tpu.memory_space<hbm>>
    %dma_start3A_39 = arith.constant 0 : i32
    %dma_start3A_40 = tpu.memref_slice %arg14[%dma_start3A_39] : memref<2560xf32, #tpu.memory_space<vmem>> -> memref<2560xf32, #tpu.memory_space<vmem>>
    %dma_start3A_41 = tpu.memref_slice %arg5[%add3A_23] : memref<1600000xf32, #tpu.memory_space<hbm>> -> memref<2560xf32, #tpu.memory_space<hbm>>
    tpu.enqueue_dma source(%dma_start3A_41 : memref<2560xf32, #tpu.memory_space<hbm>>) target(%dma_start3A_40 : memref<2560xf32, #tpu.memory_space<vmem>>) target_semaphore(%arg22 : memref<!tpu.dma_semaphore, #tpu.memory_space<semaphore_mem>>)
    %add3A_42 = arith.constant 5120 : i32
    %add3A_43 = arith.addi %mul3A_2, %add3A_42 : i32
    %dma_start3A_44 = arith.constant 0 : i32
    %dma_start3A_45 = tpu.memref_slice %arg16[%dma_start3A_44] : memref<2560xi32, #tpu.memory_space<vmem>> -> memref<2560xi32, #tpu.memory_space<vmem>>
    %dma_start3A_46 = tpu.memref_slice %arg3[%add3A_43] : memref<1600000xi32, #tpu.memory_space<hbm>> -> memref<2560xi32, #tpu.memory_space<hbm>>
    %dma_start3A_47 = arith.constant 0 : i32
    %dma_start3A_48 = tpu.memref_slice %arg16[%dma_start3A_47] : memref<2560xi32, #tpu.memory_space<vmem>> -> memref<2560xi32, #tpu.memory_space<vmem>>
    %dma_start3A_49 = tpu.memref_slice %arg3[%add3A_43] : memref<1600000xi32, #tpu.memory_space<hbm>> -> memref<2560xi32, #tpu.memory_space<hbm>>
    tpu.enqueue_dma source(%dma_start3A_49 : memref<2560xi32, #tpu.memory_space<hbm>>) target(%dma_start3A_48 : memref<2560xi32, #tpu.memory_space<vmem>>) target_semaphore(%arg24 : memref<!tpu.dma_semaphore, #tpu.memory_space<semaphore_mem>>)
    %dma_start3A_50 = arith.constant 0 : i32
    %dma_start3A_51 = tpu.memref_slice %arg17[%dma_start3A_50] : memref<2560xi32, #tpu.memory_space<vmem>> -> memref<2560xi32, #tpu.memory_space<vmem>>
    %dma_start3A_52 = tpu.memref_slice %arg4[%add3A_43] : memref<1600000xi32, #tpu.memory_space<hbm>> -> memref<2560xi32, #tpu.memory_space<hbm>>
    %dma_start3A_53 = arith.constant 0 : i32
    %dma_start3A_54 = tpu.memref_slice %arg17[%dma_start3A_53] : memref<2560xi32, #tpu.memory_space<vmem>> -> memref<2560xi32, #tpu.memory_space<vmem>>
    %dma_start3A_55 = tpu.memref_slice %arg4[%add3A_43] : memref<1600000xi32, #tpu.memory_space<hbm>> -> memref<2560xi32, #tpu.memory_space<hbm>>
    tpu.enqueue_dma source(%dma_start3A_55 : memref<2560xi32, #tpu.memory_space<hbm>>) target(%dma_start3A_54 : memref<2560xi32, #tpu.memory_space<vmem>>) target_semaphore(%arg24 : memref<!tpu.dma_semaphore, #tpu.memory_space<semaphore_mem>>)
    %dma_start3A_56 = arith.constant 0 : i32
    %dma_start3A_57 = tpu.memref_slice %arg18[%dma_start3A_56] : memref<2560xf32, #tpu.memory_space<vmem>> -> memref<2560xf32, #tpu.memory_space<vmem>>
    %dma_start3A_58 = tpu.memref_slice %arg5[%add3A_43] : memref<1600000xf32, #tpu.memory_space<hbm>> -> memref<2560xf32, #tpu.memory_space<hbm>>
    %dma_start3A_59 = arith.constant 0 : i32
    %dma_start3A_60 = tpu.memref_slice %arg18[%dma_start3A_59] : memref<2560xf32, #tpu.memory_space<vmem>> -> memref<2560xf32, #tpu.memory_space<vmem>>
    %dma_start3A_61 = tpu.memref_slice %arg5[%add3A_43] : memref<1600000xf32, #tpu.memory_space<hbm>> -> memref<2560xf32, #tpu.memory_space<hbm>>
    tpu.enqueue_dma source(%dma_start3A_61 : memref<2560xf32, #tpu.memory_space<hbm>>) target(%dma_start3A_60 : memref<2560xf32, #tpu.memory_space<vmem>>) target_semaphore(%arg24 : memref<!tpu.dma_semaphore, #tpu.memory_space<semaphore_mem>>)
    "tpu.region"() ({
      %run_scoped3A = tpu.sem_alloc : memref<!tpu.dma_semaphore, #tpu.memory_space<semaphore_mem>>
      tpu.enqueue_dma source(%arg2 : memref<100096xf32, #tpu.memory_space<hbm>>) target(%arg7 : memref<100096xf32, #tpu.memory_space<vmem>>) target_semaphore(%run_scoped3A : memref<!tpu.dma_semaphore, #tpu.memory_space<semaphore_mem>>)
      tpu.wait_dma2 semaphore(%run_scoped3A : memref<!tpu.dma_semaphore, #tpu.memory_space<semaphore_mem>>) src(%arg2 : memref<100096xf32, #tpu.memory_space<hbm>>) dst(%arg7 : memref<100096xf32, #tpu.memory_space<vmem>>)
      tpu.yield
    }) : () -> ()
    %dma_wait3A = arith.constant 0 : i32
    %dma_wait3A_62 = tpu.memref_slice %arg8[%dma_wait3A] : memref<2560xi32, #tpu.memory_space<vmem>> -> memref<2560xi32, #tpu.memory_space<vmem>>
    %dma_wait3A_63 = tpu.memref_slice %arg3[%add3A_4] : memref<1600000xi32, #tpu.memory_space<hbm>> -> memref<2560xi32, #tpu.memory_space<hbm>>
    %dma_wait3A_64 = arith.constant 0 : i32
    %dma_wait3A_65 = tpu.memref_slice %arg8[%dma_wait3A_64] : memref<2560xi32, #tpu.memory_space<vmem>> -> memref<2560xi32, #tpu.memory_space<vmem>>
    %dma_wait3A_66 = tpu.memref_slice %arg3[%add3A_4] : memref<1600000xi32, #tpu.memory_space<hbm>> -> memref<2560xi32, #tpu.memory_space<hbm>>
    tpu.wait_dma2 semaphore(%arg20 : memref<!tpu.dma_semaphore, #tpu.memory_space<semaphore_mem>>) src(%dma_wait3A_66 : memref<2560xi32, #tpu.memory_space<hbm>>) dst(%dma_wait3A_65 : memref<2560xi32, #tpu.memory_space<vmem>>)
    %dma_wait3A_67 = arith.constant 0 : i32
    %dma_wait3A_68 = tpu.memref_slice %arg9[%dma_wait3A_67] : memref<2560xi32, #tpu.memory_space<vmem>> -> memref<2560xi32, #tpu.memory_space<vmem>>
    %dma_wait3A_69 = tpu.memref_slice %arg4[%add3A_4] : memref<1600000xi32, #tpu.memory_space<hbm>> -> memref<2560xi32, #tpu.memory_space<hbm>>
    %dma_wait3A_70 = arith.constant 0 : i32
    %dma_wait3A_71 = tpu.memref_slice %arg9[%dma_wait3A_70] : memref<2560xi32, #tpu.memory_space<vmem>> -> memref<2560xi32, #tpu.memory_space<vmem>>
    %dma_wait3A_72 = tpu.memref_slice %arg4[%add3A_4] : memref<1600000xi32, #tpu.memory_space<hbm>> -> memref<2560xi32, #tpu.memory_space<hbm>>
    tpu.wait_dma2 semaphore(%arg20 : memref<!tpu.dma_semaphore, #tpu.memory_space<semaphore_mem>>) src(%dma_wait3A_72 : memref<2560xi32, #tpu.memory_space<hbm>>) dst(%dma_wait3A_71 : memref<2560xi32, #tpu.memory_space<vmem>>)
    %dma_wait3A_73 = arith.constant 0 : i32
    %dma_wait3A_74 = tpu.memref_slice %arg10[%dma_wait3A_73] : memref<2560xf32, #tpu.memory_space<vmem>> -> memref<2560xf32, #tpu.memory_space<vmem>>
    %dma_wait3A_75 = tpu.memref_slice %arg5[%add3A_4] : memref<1600000xf32, #tpu.memory_space<hbm>> -> memref<2560xf32, #tpu.memory_space<hbm>>
    %dma_wait3A_76 = arith.constant 0 : i32
    %dma_wait3A_77 = tpu.memref_slice %arg10[%dma_wait3A_76] : memref<2560xf32, #tpu.memory_space<vmem>> -> memref<2560xf32, #tpu.memory_space<vmem>>
    %dma_wait3A_78 = tpu.memref_slice %arg5[%add3A_4] : memref<1600000xf32, #tpu.memory_space<hbm>> -> memref<2560xf32, #tpu.memory_space<hbm>>
    tpu.wait_dma2 semaphore(%arg20 : memref<!tpu.dma_semaphore, #tpu.memory_space<semaphore_mem>>) src(%dma_wait3A_78 : memref<2560xf32, #tpu.memory_space<hbm>>) dst(%dma_wait3A_77 : memref<2560xf32, #tpu.memory_space<vmem>>)
    %parallel_loop3A = arith.constant 0 : i32
    %parallel_loop3A_79 = arith.constant 2560 : i32
    %parallel_loop3A_80 = arith.constant 16 : i32
    scf.for %parallel_loop3A_1100 = %parallel_loop3A to %parallel_loop3A_79 step %parallel_loop3A_80  : i32 {
      %parallel_loop3A_1101 = arith.index_cast %parallel_loop3A_1100 : i32 to index
      %parallel_loop3A_1102 = tpu.vector_load %arg8[%parallel_loop3A_1101] {strides = array<i32>} : memref<2560xi32, #tpu.memory_space<vmem>>, vector<16xi32>,
      %parallel_loop3A_1103 = tpu.vector_load_idx %arg7[%parallel_loop3A_1102] : memref<100096xf32, #tpu.memory_space<vmem>>[vector<16xi32>], vector<16xf32>,
      %parallel_loop3A_1104 = arith.index_cast %parallel_loop3A_1100 : i32 to index
      %parallel_loop3A_1105 = tpu.vector_load %arg9[%parallel_loop3A_1104] {strides = array<i32>} : memref<2560xi32, #tpu.memory_space<vmem>>, vector<16xi32>,
      %parallel_loop3A_1106 = tpu.vector_load_idx %arg7[%parallel_loop3A_1105] : memref<100096xf32, #tpu.memory_space<vmem>>[vector<16xi32>], vector<16xf32>,
      %parallel_loop3A_1107 = arith.subf %parallel_loop3A_1106, %parallel_loop3A_1103 : vector<16xf32>
      %parallel_loop3A_1108 = arith.index_cast %parallel_loop3A_1100 : i32 to index
      %parallel_loop3A_1109 = tpu.vector_load %arg10[%parallel_loop3A_1108] {strides = array<i32>} : memref<2560xf32, #tpu.memory_space<vmem>>, vector<16xf32>,
      %parallel_loop3A_1110 = arith.divf %parallel_loop3A_1107, %parallel_loop3A_1109 : vector<16xf32>
      %parallel_loop3A_1111 = arith.index_cast %parallel_loop3A_1100 : i32 to index
      %parallel_loop3A_1112 = tpu.vector_load %arg11[%parallel_loop3A_1111] {strides = array<i32>} : memref<2560xf32, #tpu.memory_space<vmem>>, vector<16xf32>,
      tpu.vector_store %arg11[%parallel_loop3A_1111], %parallel_loop3A_1110 {strides = array<i32>} : memref<2560xf32, #tpu.memory_space<vmem>>, vector<16xf32>,
    } {sc.loop_unroll_factor = 5 : i64, sc.parallel_access}
    %add3A_81 = arith.constant 0 : i32
    %add3A_82 = arith.addi %mul3A_2, %add3A_81 : i32
    %dma_start3A_83 = arith.constant 0 : i32
    %dma_start3A_84 = tpu.memref_slice %arg11[%dma_start3A_83] : memref<2560xf32, #tpu.memory_space<vmem>> -> memref<2560xf32, #tpu.memory_space<vmem>>
    %dma_start3A_85 = tpu.memref_slice %arg6[%add3A_82] : memref<1600000xf32, #tpu.memory_space<hbm>> -> memref<2560xf32, #tpu.memory_space<hbm>>
    %dma_start3A_86 = tpu.memref_slice %arg6[%add3A_82] : memref<1600000xf32, #tpu.memory_space<hbm>> -> memref<2560xf32, #tpu.memory_space<hbm>>
    %dma_start3A_87 = arith.constant 0 : i32
    %dma_start3A_88 = tpu.memref_slice %arg11[%dma_start3A_87] : memref<2560xf32, #tpu.memory_space<vmem>> -> memref<2560xf32, #tpu.memory_space<vmem>>
    tpu.enqueue_dma source(%dma_start3A_88 : memref<2560xf32, #tpu.memory_space<vmem>>) target(%dma_start3A_86 : memref<2560xf32, #tpu.memory_space<hbm>>) target_semaphore(%arg21 : memref<!tpu.dma_semaphore, #tpu.memory_space<semaphore_mem>>)
    %add3A_89 = arith.constant 7680 : i32
    %add3A_90 = arith.addi %mul3A_2, %add3A_89 : i32
    %dma_start3A_91 = arith.constant 0 : i32
    %dma_start3A_92 = tpu.memref_slice %arg8[%dma_start3A_91] : memref<2560xi32, #tpu.memory_space<vmem>> -> memref<2560xi32, #tpu.memory_space<vmem>>
    %dma_start3A_93 = tpu.memref_slice %arg3[%add3A_90] : memref<1600000xi32, #tpu.memory_space<hbm>> -> memref<2560xi32, #tpu.memory_space<hbm>>
    %dma_start3A_94 = arith.constant 0 : i32
    %dma_start3A_95 = tpu.memref_slice %arg8[%dma_start3A_94] : memref<2560xi32, #tpu.memory_space<vmem>> -> memref<2560xi32, #tpu.memory_space<vmem>>
    %dma_start3A_96 = tpu.memref_slice %arg3[%add3A_90] : memref<1600000xi32, #tpu.memory_space<hbm>> -> memref<2560xi32, #tpu.memory_space<hbm>>
    tpu.enqueue_dma source(%dma_start3A_96 : memref<2560xi32, #tpu.memory_space<hbm>>) target(%dma_start3A_95 : memref<2560xi32, #tpu.memory_space<vmem>>) target_semaphore(%arg20 : memref<!tpu.dma_semaphore, #tpu.memory_space<semaphore_mem>>)
    %dma_start3A_97 = arith.constant 0 : i32
    %dma_start3A_98 = tpu.memref_slice %arg9[%dma_start3A_97] : memref<2560xi32, #tpu.memory_space<vmem>> -> memref<2560xi32, #tpu.memory_space<vmem>>
    %dma_start3A_99 = tpu.memref_slice %arg4[%add3A_90] : memref<1600000xi32, #tpu.memory_space<hbm>> -> memref<2560xi32, #tpu.memory_space<hbm>>
    %dma_start3A_100 = arith.constant 0 : i32
    %dma_start3A_101 = tpu.memref_slice %arg9[%dma_start3A_100] : memref<2560xi32, #tpu.memory_space<vmem>> -> memref<2560xi32, #tpu.memory_space<vmem>>
    %dma_start3A_102 = tpu.memref_slice %arg4[%add3A_90] : memref<1600000xi32, #tpu.memory_space<hbm>> -> memref<2560xi32, #tpu.memory_space<hbm>>
    tpu.enqueue_dma source(%dma_start3A_102 : memref<2560xi32, #tpu.memory_space<hbm>>) target(%dma_start3A_101 : memref<2560xi32, #tpu.memory_space<vmem>>) target_semaphore(%arg20 : memref<!tpu.dma_semaphore, #tpu.memory_space<semaphore_mem>>)
    %dma_start3A_103 = arith.constant 0 : i32
    %dma_start3A_104 = tpu.memref_slice %arg10[%dma_start3A_103] : memref<2560xf32, #tpu.memory_space<vmem>> -> memref<2560xf32, #tpu.memory_space<vmem>>
    %dma_start3A_105 = tpu.memref_slice %arg5[%add3A_90] : memref<1600000xf32, #tpu.memory_space<hbm>> -> memref<2560xf32, #tpu.memory_space<hbm>>
    %dma_start3A_106 = arith.constant 0 : i32
    %dma_start3A_107 = tpu.memref_slice %arg10[%dma_start3A_106] : memref<2560xf32, #tpu.memory_space<vmem>> -> memref<2560xf32, #tpu.memory_space<vmem>>
    %dma_start3A_108 = tpu.memref_slice %arg5[%add3A_90] : memref<1600000xf32, #tpu.memory_space<hbm>> -> memref<2560xf32, #tpu.memory_space<hbm>>
    tpu.enqueue_dma source(%dma_start3A_108 : memref<2560xf32, #tpu.memory_space<hbm>>) target(%dma_start3A_107 : memref<2560xf32, #tpu.memory_space<vmem>>) target_semaphore(%arg20 : memref<!tpu.dma_semaphore, #tpu.memory_space<semaphore_mem>>)
    %dma_wait3A_109 = arith.constant 0 : i32
    %dma_wait3A_110 = tpu.memref_slice %arg12[%dma_wait3A_109] : memref<2560xi32, #tpu.memory_space<vmem>> -> memref<2560xi32, #tpu.memory_space<vmem>>
    %dma_wait3A_111 = tpu.memref_slice %arg3[%add3A_23] : memref<1600000xi32, #tpu.memory_space<hbm>> -> memref<2560xi32, #tpu.memory_space<hbm>>
    %dma_wait3A_112 = arith.constant 0 : i32
    %dma_wait3A_113 = tpu.memref_slice %arg12[%dma_wait3A_112] : memref<2560xi32, #tpu.memory_space<vmem>> -> memref<2560xi32, #tpu.memory_space<vmem>>
    %dma_wait3A_114 = tpu.memref_slice %arg3[%add3A_23] : memref<1600000xi32, #tpu.memory_space<hbm>> -> memref<2560xi32, #tpu.memory_space<hbm>>
    tpu.wait_dma2 semaphore(%arg22 : memref<!tpu.dma_semaphore, #tpu.memory_space<semaphore_mem>>) src(%dma_wait3A_114 : memref<2560xi32, #tpu.memory_space<hbm>>) dst(%dma_wait3A_113 : memref<2560xi32, #tpu.memory_space<vmem>>)
    %dma_wait3A_115 = arith.constant 0 : i32
    %dma_wait3A_116 = tpu.memref_slice %arg13[%dma_wait3A_115] : memref<2560xi32, #tpu.memory_space<vmem>> -> memref<2560xi32, #tpu.memory_space<vmem>>
    %dma_wait3A_117 = tpu.memref_slice %arg4[%add3A_23] : memref<1600000xi32, #tpu.memory_space<hbm>> -> memref<2560xi32, #tpu.memory_space<hbm>>
    %dma_wait3A_118 = arith.constant 0 : i32
    %dma_wait3A_119 = tpu.memref_slice %arg13[%dma_wait3A_118] : memref<2560xi32, #tpu.memory_space<vmem>> -> memref<2560xi32, #tpu.memory_space<vmem>>
    %dma_wait3A_120 = tpu.memref_slice %arg4[%add3A_23] : memref<1600000xi32, #tpu.memory_space<hbm>> -> memref<2560xi32, #tpu.memory_space<hbm>>
    tpu.wait_dma2 semaphore(%arg22 : memref<!tpu.dma_semaphore, #tpu.memory_space<semaphore_mem>>) src(%dma_wait3A_120 : memref<2560xi32, #tpu.memory_space<hbm>>) dst(%dma_wait3A_119 : memref<2560xi32, #tpu.memory_space<vmem>>)
    %dma_wait3A_121 = arith.constant 0 : i32
    %dma_wait3A_122 = tpu.memref_slice %arg14[%dma_wait3A_121] : memref<2560xf32, #tpu.memory_space<vmem>> -> memref<2560xf32, #tpu.memory_space<vmem>>
    %dma_wait3A_123 = tpu.memref_slice %arg5[%add3A_23] : memref<1600000xf32, #tpu.memory_space<hbm>> -> memref<2560xf32, #tpu.memory_space<hbm>>
    %dma_wait3A_124 = arith.constant 0 : i32
    %dma_wait3A_125 = tpu.memref_slice %arg14[%dma_wait3A_124] : memref<2560xf32, #tpu.memory_space<vmem>> -> memref<2560xf32, #tpu.memory_space<vmem>>
    %dma_wait3A_126 = tpu.memref_slice %arg5[%add3A_23] : memref<1600000xf32, #tpu.memory_space<hbm>> -> memref<2560xf32, #tpu.memory_space<hbm>>
    tpu.wait_dma2 semaphore(%arg22 : memref<!tpu.dma_semaphore, #tpu.memory_space<semaphore_mem>>) src(%dma_wait3A_126 : memref<2560xf32, #tpu.memory_space<hbm>>) dst(%dma_wait3A_125 : memref<2560xf32, #tpu.memory_space<vmem>>)
    %parallel_loop3A_127 = arith.constant 0 : i32
    %parallel_loop3A_128 = arith.constant 2560 : i32
    %parallel_loop3A_129 = arith.constant 16 : i32
    scf.for %parallel_loop3A_1100 = %parallel_loop3A_127 to %parallel_loop3A_128 step %parallel_loop3A_129  : i32 {
      %parallel_loop3A_1101 = arith.index_cast %parallel_loop3A_1100 : i32 to index
      %parallel_loop3A_1102 = tpu.vector_load %arg12[%parallel_loop3A_1101] {strides = array<i32>} : memref<2560xi32, #tpu.memory_space<vmem>>, vector<16xi32>,
      %parallel_loop3A_1103 = tpu.vector_load_idx %arg7[%parallel_loop3A_1102] : memref<100096xf32, #tpu.memory_space<vmem>>[vector<16xi32>], vector<16xf32>,
      %parallel_loop3A_1104 = arith.index_cast %parallel_loop3A_1100 : i32 to index
      %parallel_loop3A_1105 = tpu.vector_load %arg13[%parallel_loop3A_1104] {strides = array<i32>} : memref<2560xi32, #tpu.memory_space<vmem>>, vector<16xi32>,
      %parallel_loop3A_1106 = tpu.vector_load_idx %arg7[%parallel_loop3A_1105] : memref<100096xf32, #tpu.memory_space<vmem>>[vector<16xi32>], vector<16xf32>,
      %parallel_loop3A_1107 = arith.subf %parallel_loop3A_1106, %parallel_loop3A_1103 : vector<16xf32>
      %parallel_loop3A_1108 = arith.index_cast %parallel_loop3A_1100 : i32 to index
      %parallel_loop3A_1109 = tpu.vector_load %arg14[%parallel_loop3A_1108] {strides = array<i32>} : memref<2560xf32, #tpu.memory_space<vmem>>, vector<16xf32>,
      %parallel_loop3A_1110 = arith.divf %parallel_loop3A_1107, %parallel_loop3A_1109 : vector<16xf32>
      %parallel_loop3A_1111 = arith.index_cast %parallel_loop3A_1100 : i32 to index
      %parallel_loop3A_1112 = tpu.vector_load %arg15[%parallel_loop3A_1111] {strides = array<i32>} : memref<2560xf32, #tpu.memory_space<vmem>>, vector<16xf32>,
      tpu.vector_store %arg15[%parallel_loop3A_1111], %parallel_loop3A_1110 {strides = array<i32>} : memref<2560xf32, #tpu.memory_space<vmem>>, vector<16xf32>,
    } {sc.loop_unroll_factor = 5 : i64, sc.parallel_access}
    %add3A_130 = arith.constant 2560 : i32
    %add3A_131 = arith.addi %mul3A_2, %add3A_130 : i32
    %dma_start3A_132 = arith.constant 0 : i32
    %dma_start3A_133 = tpu.memref_slice %arg15[%dma_start3A_132] : memref<2560xf32, #tpu.memory_space<vmem>> -> memref<2560xf32, #tpu.memory_space<vmem>>
    %dma_start3A_134 = tpu.memref_slice %arg6[%add3A_131] : memref<1600000xf32, #tpu.memory_space<hbm>> -> memref<2560xf32, #tpu.memory_space<hbm>>
    %dma_start3A_135 = tpu.memref_slice %arg6[%add3A_131] : memref<1600000xf32, #tpu.memory_space<hbm>> -> memref<2560xf32, #tpu.memory_space<hbm>>
    %dma_start3A_136 = arith.constant 0 : i32
    %dma_start3A_137 = tpu.memref_slice %arg15[%dma_start3A_136] : memref<2560xf32, #tpu.memory_space<vmem>> -> memref<2560xf32, #tpu.memory_space<vmem>>
    tpu.enqueue_dma source(%dma_start3A_137 : memref<2560xf32, #tpu.memory_space<vmem>>) target(%dma_start3A_135 : memref<2560xf32, #tpu.memory_space<hbm>>) target_semaphore(%arg23 : memref<!tpu.dma_semaphore, #tpu.memory_space<semaphore_mem>>)
    %add3A_138 = arith.constant 10240 : i32
    %add3A_139 = arith.addi %mul3A_2, %add3A_138 : i32
    %dma_start3A_140 = arith.constant 0 : i32
    %dma_start3A_141 = tpu.memref_slice %arg12[%dma_start3A_140] : memref<2560xi32, #tpu.memory_space<vmem>> -> memref<2560xi32, #tpu.memory_space<vmem>>
    %dma_start3A_142 = tpu.memref_slice %arg3[%add3A_139] : memref<1600000xi32, #tpu.memory_space<hbm>> -> memref<2560xi32, #tpu.memory_space<hbm>>
    %dma_start3A_143 = arith.constant 0 : i32
    %dma_start3A_144 = tpu.memref_slice %arg12[%dma_start3A_143] : memref<2560xi32, #tpu.memory_space<vmem>> -> memref<2560xi32, #tpu.memory_space<vmem>>
    %dma_start3A_145 = tpu.memref_slice %arg3[%add3A_139] : memref<1600000xi32, #tpu.memory_space<hbm>> -> memref<2560xi32, #tpu.memory_space<hbm>>
    tpu.enqueue_dma source(%dma_start3A_145 : memref<2560xi32, #tpu.memory_space<hbm>>) target(%dma_start3A_144 : memref<2560xi32, #tpu.memory_space<vmem>>) target_semaphore(%arg22 : memref<!tpu.dma_semaphore, #tpu.memory_space<semaphore_mem>>)
    %dma_start3A_146 = arith.constant 0 : i32
    %dma_start3A_147 = tpu.memref_slice %arg13[%dma_start3A_146] : memref<2560xi32, #tpu.memory_space<vmem>> -> memref<2560xi32, #tpu.memory_space<vmem>>
    %dma_start3A_148 = tpu.memref_slice %arg4[%add3A_139] : memref<1600000xi32, #tpu.memory_space<hbm>> -> memref<2560xi32, #tpu.memory_space<hbm>>
    %dma_start3A_149 = arith.constant 0 : i32
    %dma_start3A_150 = tpu.memref_slice %arg13[%dma_start3A_149] : memref<2560xi32, #tpu.memory_space<vmem>> -> memref<2560xi32, #tpu.memory_space<vmem>>
    %dma_start3A_151 = tpu.memref_slice %arg4[%add3A_139] : memref<1600000xi32, #tpu.memory_space<hbm>> -> memref<2560xi32, #tpu.memory_space<hbm>>
    tpu.enqueue_dma source(%dma_start3A_151 : memref<2560xi32, #tpu.memory_space<hbm>>) target(%dma_start3A_150 : memref<2560xi32, #tpu.memory_space<vmem>>) target_semaphore(%arg22 : memref<!tpu.dma_semaphore, #tpu.memory_space<semaphore_mem>>)
    %dma_start3A_152 = arith.constant 0 : i32
    %dma_start3A_153 = tpu.memref_slice %arg14[%dma_start3A_152] : memref<2560xf32, #tpu.memory_space<vmem>> -> memref<2560xf32, #tpu.memory_space<vmem>>
    %dma_start3A_154 = tpu.memref_slice %arg5[%add3A_139] : memref<1600000xf32, #tpu.memory_space<hbm>> -> memref<2560xf32, #tpu.memory_space<hbm>>
    %dma_start3A_155 = arith.constant 0 : i32
    %dma_start3A_156 = tpu.memref_slice %arg14[%dma_start3A_155] : memref<2560xf32, #tpu.memory_space<vmem>> -> memref<2560xf32, #tpu.memory_space<vmem>>
    %dma_start3A_157 = tpu.memref_slice %arg5[%add3A_139] : memref<1600000xf32, #tpu.memory_space<hbm>> -> memref<2560xf32, #tpu.memory_space<hbm>>
    tpu.enqueue_dma source(%dma_start3A_157 : memref<2560xf32, #tpu.memory_space<hbm>>) target(%dma_start3A_156 : memref<2560xf32, #tpu.memory_space<vmem>>) target_semaphore(%arg22 : memref<!tpu.dma_semaphore, #tpu.memory_space<semaphore_mem>>)
    %dma_wait3A_158 = arith.constant 0 : i32
    %dma_wait3A_159 = tpu.memref_slice %arg16[%dma_wait3A_158] : memref<2560xi32, #tpu.memory_space<vmem>> -> memref<2560xi32, #tpu.memory_space<vmem>>
    %dma_wait3A_160 = tpu.memref_slice %arg3[%add3A_43] : memref<1600000xi32, #tpu.memory_space<hbm>> -> memref<2560xi32, #tpu.memory_space<hbm>>
    %dma_wait3A_161 = arith.constant 0 : i32
    %dma_wait3A_162 = tpu.memref_slice %arg16[%dma_wait3A_161] : memref<2560xi32, #tpu.memory_space<vmem>> -> memref<2560xi32, #tpu.memory_space<vmem>>
    %dma_wait3A_163 = tpu.memref_slice %arg3[%add3A_43] : memref<1600000xi32, #tpu.memory_space<hbm>> -> memref<2560xi32, #tpu.memory_space<hbm>>
    tpu.wait_dma2 semaphore(%arg24 : memref<!tpu.dma_semaphore, #tpu.memory_space<semaphore_mem>>) src(%dma_wait3A_163 : memref<2560xi32, #tpu.memory_space<hbm>>) dst(%dma_wait3A_162 : memref<2560xi32, #tpu.memory_space<vmem>>)
    %dma_wait3A_164 = arith.constant 0 : i32
    %dma_wait3A_165 = tpu.memref_slice %arg17[%dma_wait3A_164] : memref<2560xi32, #tpu.memory_space<vmem>> -> memref<2560xi32, #tpu.memory_space<vmem>>
    %dma_wait3A_166 = tpu.memref_slice %arg4[%add3A_43] : memref<1600000xi32, #tpu.memory_space<hbm>> -> memref<2560xi32, #tpu.memory_space<hbm>>
    %dma_wait3A_167 = arith.constant 0 : i32
    %dma_wait3A_168 = tpu.memref_slice %arg17[%dma_wait3A_167] : memref<2560xi32, #tpu.memory_space<vmem>> -> memref<2560xi32, #tpu.memory_space<vmem>>
    %dma_wait3A_169 = tpu.memref_slice %arg4[%add3A_43] : memref<1600000xi32, #tpu.memory_space<hbm>> -> memref<2560xi32, #tpu.memory_space<hbm>>
    tpu.wait_dma2 semaphore(%arg24 : memref<!tpu.dma_semaphore, #tpu.memory_space<semaphore_mem>>) src(%dma_wait3A_169 : memref<2560xi32, #tpu.memory_space<hbm>>) dst(%dma_wait3A_168 : memref<2560xi32, #tpu.memory_space<vmem>>)
    %dma_wait3A_170 = arith.constant 0 : i32
    %dma_wait3A_171 = tpu.memref_slice %arg18[%dma_wait3A_170] : memref<2560xf32, #tpu.memory_space<vmem>> -> memref<2560xf32, #tpu.memory_space<vmem>>
    %dma_wait3A_172 = tpu.memref_slice %arg5[%add3A_43] : memref<1600000xf32, #tpu.memory_space<hbm>> -> memref<2560xf32, #tpu.memory_space<hbm>>
    %dma_wait3A_173 = arith.constant 0 : i32
    %dma_wait3A_174 = tpu.memref_slice %arg18[%dma_wait3A_173] : memref<2560xf32, #tpu.memory_space<vmem>> -> memref<2560xf32, #tpu.memory_space<vmem>>
    %dma_wait3A_175 = tpu.memref_slice %arg5[%add3A_43] : memref<1600000xf32, #tpu.memory_space<hbm>> -> memref<2560xf32, #tpu.memory_space<hbm>>
    tpu.wait_dma2 semaphore(%arg24 : memref<!tpu.dma_semaphore, #tpu.memory_space<semaphore_mem>>) src(%dma_wait3A_175 : memref<2560xf32, #tpu.memory_space<hbm>>) dst(%dma_wait3A_174 : memref<2560xf32, #tpu.memory_space<vmem>>)
    %parallel_loop3A_176 = arith.constant 0 : i32
    %parallel_loop3A_177 = arith.constant 2560 : i32
    %parallel_loop3A_178 = arith.constant 16 : i32
    scf.for %parallel_loop3A_1100 = %parallel_loop3A_176 to %parallel_loop3A_177 step %parallel_loop3A_178  : i32 {
      %parallel_loop3A_1101 = arith.index_cast %parallel_loop3A_1100 : i32 to index
      %parallel_loop3A_1102 = tpu.vector_load %arg16[%parallel_loop3A_1101] {strides = array<i32>} : memref<2560xi32, #tpu.memory_space<vmem>>, vector<16xi32>,
      %parallel_loop3A_1103 = tpu.vector_load_idx %arg7[%parallel_loop3A_1102] : memref<100096xf32, #tpu.memory_space<vmem>>[vector<16xi32>], vector<16xf32>,
      %parallel_loop3A_1104 = arith.index_cast %parallel_loop3A_1100 : i32 to index
      %parallel_loop3A_1105 = tpu.vector_load %arg17[%parallel_loop3A_1104] {strides = array<i32>} : memref<2560xi32, #tpu.memory_space<vmem>>, vector<16xi32>,
      %parallel_loop3A_1106 = tpu.vector_load_idx %arg7[%parallel_loop3A_1105] : memref<100096xf32, #tpu.memory_space<vmem>>[vector<16xi32>], vector<16xf32>,
      %parallel_loop3A_1107 = arith.subf %parallel_loop3A_1106, %parallel_loop3A_1103 : vector<16xf32>
      %parallel_loop3A_1108 = arith.index_cast %parallel_loop3A_1100 : i32 to index
      %parallel_loop3A_1109 = tpu.vector_load %arg18[%parallel_loop3A_1108] {strides = array<i32>} : memref<2560xf32, #tpu.memory_space<vmem>>, vector<16xf32>,
      %parallel_loop3A_1110 = arith.divf %parallel_loop3A_1107, %parallel_loop3A_1109 : vector<16xf32>
      %parallel_loop3A_1111 = arith.index_cast %parallel_loop3A_1100 : i32 to index
      %parallel_loop3A_1112 = tpu.vector_load %arg19[%parallel_loop3A_1111] {strides = array<i32>} : memref<2560xf32, #tpu.memory_space<vmem>>, vector<16xf32>,
      tpu.vector_store %arg19[%parallel_loop3A_1111], %parallel_loop3A_1110 {strides = array<i32>} : memref<2560xf32, #tpu.memory_space<vmem>>, vector<16xf32>,
    } {sc.loop_unroll_factor = 5 : i64, sc.parallel_access}
    %add3A_179 = arith.constant 5120 : i32
    %add3A_180 = arith.addi %mul3A_2, %add3A_179 : i32
    %dma_start3A_181 = arith.constant 0 : i32
    %dma_start3A_182 = tpu.memref_slice %arg19[%dma_start3A_181] : memref<2560xf32, #tpu.memory_space<vmem>> -> memref<2560xf32, #tpu.memory_space<vmem>>
    %dma_start3A_183 = tpu.memref_slice %arg6[%add3A_180] : memref<1600000xf32, #tpu.memory_space<hbm>> -> memref<2560xf32, #tpu.memory_space<hbm>>
    %dma_start3A_184 = tpu.memref_slice %arg6[%add3A_180] : memref<1600000xf32, #tpu.memory_space<hbm>> -> memref<2560xf32, #tpu.memory_space<hbm>>
    %dma_start3A_185 = arith.constant 0 : i32
    %dma_start3A_186 = tpu.memref_slice %arg19[%dma_start3A_185] : memref<2560xf32, #tpu.memory_space<vmem>> -> memref<2560xf32, #tpu.memory_space<vmem>>
    tpu.enqueue_dma source(%dma_start3A_186 : memref<2560xf32, #tpu.memory_space<vmem>>) target(%dma_start3A_184 : memref<2560xf32, #tpu.memory_space<hbm>>) target_semaphore(%arg25 : memref<!tpu.dma_semaphore, #tpu.memory_space<semaphore_mem>>)
    %add3A_187 = arith.constant 12800 : i32
    %add3A_188 = arith.addi %mul3A_2, %add3A_187 : i32
    %dma_start3A_189 = arith.constant 0 : i32
    %dma_start3A_190 = tpu.memref_slice %arg16[%dma_start3A_189] : memref<2560xi32, #tpu.memory_space<vmem>> -> memref<2560xi32, #tpu.memory_space<vmem>>
    %dma_start3A_191 = tpu.memref_slice %arg3[%add3A_188] : memref<1600000xi32, #tpu.memory_space<hbm>> -> memref<2560xi32, #tpu.memory_space<hbm>>
    %dma_start3A_192 = arith.constant 0 : i32
    %dma_start3A_193 = tpu.memref_slice %arg16[%dma_start3A_192] : memref<2560xi32, #tpu.memory_space<vmem>> -> memref<2560xi32, #tpu.memory_space<vmem>>
    %dma_start3A_194 = tpu.memref_slice %arg3[%add3A_188] : memref<1600000xi32, #tpu.memory_space<hbm>> -> memref<2560xi32, #tpu.memory_space<hbm>>
    tpu.enqueue_dma source(%dma_start3A_194 : memref<2560xi32, #tpu.memory_space<hbm>>) target(%dma_start3A_193 : memref<2560xi32, #tpu.memory_space<vmem>>) target_semaphore(%arg24 : memref<!tpu.dma_semaphore, #tpu.memory_space<semaphore_mem>>)
    %dma_start3A_195 = arith.constant 0 : i32
    %dma_start3A_196 = tpu.memref_slice %arg17[%dma_start3A_195] : memref<2560xi32, #tpu.memory_space<vmem>> -> memref<2560xi32, #tpu.memory_space<vmem>>
    %dma_start3A_197 = tpu.memref_slice %arg4[%add3A_188] : memref<1600000xi32, #tpu.memory_space<hbm>> -> memref<2560xi32, #tpu.memory_space<hbm>>
    %dma_start3A_198 = arith.constant 0 : i32
    %dma_start3A_199 = tpu.memref_slice %arg17[%dma_start3A_198] : memref<2560xi32, #tpu.memory_space<vmem>> -> memref<2560xi32, #tpu.memory_space<vmem>>
    %dma_start3A_200 = tpu.memref_slice %arg4[%add3A_188] : memref<1600000xi32, #tpu.memory_space<hbm>> -> memref<2560xi32, #tpu.memory_space<hbm>>
    tpu.enqueue_dma source(%dma_start3A_200 : memref<2560xi32, #tpu.memory_space<hbm>>) target(%dma_start3A_199 : memref<2560xi32, #tpu.memory_space<vmem>>) target_semaphore(%arg24 : memref<!tpu.dma_semaphore, #tpu.memory_space<semaphore_mem>>)
    %dma_start3A_201 = arith.constant 0 : i32
    %dma_start3A_202 = tpu.memref_slice %arg18[%dma_start3A_201] : memref<2560xf32, #tpu.memory_space<vmem>> -> memref<2560xf32, #tpu.memory_space<vmem>>
    %dma_start3A_203 = tpu.memref_slice %arg5[%add3A_188] : memref<1600000xf32, #tpu.memory_space<hbm>> -> memref<2560xf32, #tpu.memory_space<hbm>>
    %dma_start3A_204 = arith.constant 0 : i32
    %dma_start3A_205 = tpu.memref_slice %arg18[%dma_start3A_204] : memref<2560xf32, #tpu.memory_space<vmem>> -> memref<2560xf32, #tpu.memory_space<vmem>>
    %dma_start3A_206 = tpu.memref_slice %arg5[%add3A_188] : memref<1600000xf32, #tpu.memory_space<hbm>> -> memref<2560xf32, #tpu.memory_space<hbm>>
    tpu.enqueue_dma source(%dma_start3A_206 : memref<2560xf32, #tpu.memory_space<hbm>>) target(%dma_start3A_205 : memref<2560xf32, #tpu.memory_space<vmem>>) target_semaphore(%arg24 : memref<!tpu.dma_semaphore, #tpu.memory_space<semaphore_mem>>)
    %dma_wait3A_207 = arith.constant 0 : i32
    %dma_wait3A_208 = tpu.memref_slice %arg8[%dma_wait3A_207] : memref<2560xi32, #tpu.memory_space<vmem>> -> memref<2560xi32, #tpu.memory_space<vmem>>
    %dma_wait3A_209 = tpu.memref_slice %arg3[%add3A_90] : memref<1600000xi32, #tpu.memory_space<hbm>> -> memref<2560xi32, #tpu.memory_space<hbm>>
    %dma_wait3A_210 = arith.constant 0 : i32
    %dma_wait3A_211 = tpu.memref_slice %arg8[%dma_wait3A_210] : memref<2560xi32, #tpu.memory_space<vmem>> -> memref<2560xi32, #tpu.memory_space<vmem>>
    %dma_wait3A_212 = tpu.memref_slice %arg3[%add3A_90] : memref<1600000xi32, #tpu.memory_space<hbm>> -> memref<2560xi32, #tpu.memory_space<hbm>>
    tpu.wait_dma2 semaphore(%arg20 : memref<!tpu.dma_semaphore, #tpu.memory_space<semaphore_mem>>) src(%dma_wait3A_212 : memref<2560xi32, #tpu.memory_space<hbm>>) dst(%dma_wait3A_211 : memref<2560xi32, #tpu.memory_space<vmem>>)
    %dma_wait3A_213 = arith.constant 0 : i32
    %dma_wait3A_214 = tpu.memref_slice %arg9[%dma_wait3A_213] : memref<2560xi32, #tpu.memory_space<vmem>> -> memref<2560xi32, #tpu.memory_space<vmem>>
    %dma_wait3A_215 = tpu.memref_slice %arg4[%add3A_90] : memref<1600000xi32, #tpu.memory_space<hbm>> -> memref<2560xi32, #tpu.memory_space<hbm>>
    %dma_wait3A_216 = arith.constant 0 : i32
    %dma_wait3A_217 = tpu.memref_slice %arg9[%dma_wait3A_216] : memref<2560xi32, #tpu.memory_space<vmem>> -> memref<2560xi32, #tpu.memory_space<vmem>>
    %dma_wait3A_218 = tpu.memref_slice %arg4[%add3A_90] : memref<1600000xi32, #tpu.memory_space<hbm>> -> memref<2560xi32, #tpu.memory_space<hbm>>
    tpu.wait_dma2 semaphore(%arg20 : memref<!tpu.dma_semaphore, #tpu.memory_space<semaphore_mem>>) src(%dma_wait3A_218 : memref<2560xi32, #tpu.memory_space<hbm>>) dst(%dma_wait3A_217 : memref<2560xi32, #tpu.memory_space<vmem>>)
    %dma_wait3A_219 = arith.constant 0 : i32
    %dma_wait3A_220 = tpu.memref_slice %arg10[%dma_wait3A_219] : memref<2560xf32, #tpu.memory_space<vmem>> -> memref<2560xf32, #tpu.memory_space<vmem>>
    %dma_wait3A_221 = tpu.memref_slice %arg5[%add3A_90] : memref<1600000xf32, #tpu.memory_space<hbm>> -> memref<2560xf32, #tpu.memory_space<hbm>>
    %dma_wait3A_222 = arith.constant 0 : i32
    %dma_wait3A_223 = tpu.memref_slice %arg10[%dma_wait3A_222] : memref<2560xf32, #tpu.memory_space<vmem>> -> memref<2560xf32, #tpu.memory_space<vmem>>
    %dma_wait3A_224 = tpu.memref_slice %arg5[%add3A_90] : memref<1600000xf32, #tpu.memory_space<hbm>> -> memref<2560xf32, #tpu.memory_space<hbm>>
    tpu.wait_dma2 semaphore(%arg20 : memref<!tpu.dma_semaphore, #tpu.memory_space<semaphore_mem>>) src(%dma_wait3A_224 : memref<2560xf32, #tpu.memory_space<hbm>>) dst(%dma_wait3A_223 : memref<2560xf32, #tpu.memory_space<vmem>>)
    %dma_wait3A_225 = arith.constant 0 : i32
    %dma_wait3A_226 = tpu.memref_slice %arg11[%dma_wait3A_225] : memref<2560xf32, #tpu.memory_space<vmem>> -> memref<2560xf32, #tpu.memory_space<vmem>>
    %dma_wait3A_227 = tpu.memref_slice %arg6[%add3A_82] : memref<1600000xf32, #tpu.memory_space<hbm>> -> memref<2560xf32, #tpu.memory_space<hbm>>
    %dma_wait3A_228 = tpu.memref_slice %arg6[%add3A_82] : memref<1600000xf32, #tpu.memory_space<hbm>> -> memref<2560xf32, #tpu.memory_space<hbm>>
    %dma_wait3A_229 = arith.constant 0 : i32
    %dma_wait3A_230 = tpu.memref_slice %arg11[%dma_wait3A_229] : memref<2560xf32, #tpu.memory_space<vmem>> -> memref<2560xf32, #tpu.memory_space<vmem>>
    tpu.wait_dma2 semaphore(%arg21 : memref<!tpu.dma_semaphore, #tpu.memory_space<semaphore_mem>>) src(%dma_wait3A_230 : memref<2560xf32, #tpu.memory_space<vmem>>) dst(%dma_wait3A_228 : memref<2560xf32, #tpu.memory_space<hbm>>)
    %parallel_loop3A_231 = arith.constant 0 : i32
    %parallel_loop3A_232 = arith.constant 2560 : i32
    %parallel_loop3A_233 = arith.constant 16 : i32
    scf.for %parallel_loop3A_1100 = %parallel_loop3A_231 to %parallel_loop3A_232 step %parallel_loop3A_233  : i32 {
      %parallel_loop3A_1101 = arith.index_cast %parallel_loop3A_1100 : i32 to index
      %parallel_loop3A_1102 = tpu.vector_load %arg8[%parallel_loop3A_1101] {strides = array<i32>} : memref<2560xi32, #tpu.memory_space<vmem>>, vector<16xi32>,
      %parallel_loop3A_1103 = tpu.vector_load_idx %arg7[%parallel_loop3A_1102] : memref<100096xf32, #tpu.memory_space<vmem>>[vector<16xi32>], vector<16xf32>,
      %parallel_loop3A_1104 = arith.index_cast %parallel_loop3A_1100 : i32 to index
      %parallel_loop3A_1105 = tpu.vector_load %arg9[%parallel_loop3A_1104] {strides = array<i32>} : memref<2560xi32, #tpu.memory_space<vmem>>, vector<16xi32>,
      %parallel_loop3A_1106 = tpu.vector_load_idx %arg7[%parallel_loop3A_1105] : memref<100096xf32, #tpu.memory_space<vmem>>[vector<16xi32>], vector<16xf32>,
      %parallel_loop3A_1107 = arith.subf %parallel_loop3A_1106, %parallel_loop3A_1103 : vector<16xf32>
      %parallel_loop3A_1108 = arith.index_cast %parallel_loop3A_1100 : i32 to index
      %parallel_loop3A_1109 = tpu.vector_load %arg10[%parallel_loop3A_1108] {strides = array<i32>} : memref<2560xf32, #tpu.memory_space<vmem>>, vector<16xf32>,
      %parallel_loop3A_1110 = arith.divf %parallel_loop3A_1107, %parallel_loop3A_1109 : vector<16xf32>
      %parallel_loop3A_1111 = arith.index_cast %parallel_loop3A_1100 : i32 to index
      %parallel_loop3A_1112 = tpu.vector_load %arg11[%parallel_loop3A_1111] {strides = array<i32>} : memref<2560xf32, #tpu.memory_space<vmem>>, vector<16xf32>,
      tpu.vector_store %arg11[%parallel_loop3A_1111], %parallel_loop3A_1110 {strides = array<i32>} : memref<2560xf32, #tpu.memory_space<vmem>>, vector<16xf32>,
    } {sc.loop_unroll_factor = 5 : i64, sc.parallel_access}
    %add3A_234 = arith.constant 7680 : i32
    %add3A_235 = arith.addi %mul3A_2, %add3A_234 : i32
    %dma_start3A_236 = arith.constant 0 : i32
    %dma_start3A_237 = tpu.memref_slice %arg11[%dma_start3A_236] : memref<2560xf32, #tpu.memory_space<vmem>> -> memref<2560xf32, #tpu.memory_space<vmem>>
    %dma_start3A_238 = tpu.memref_slice %arg6[%add3A_235] : memref<1600000xf32, #tpu.memory_space<hbm>> -> memref<2560xf32, #tpu.memory_space<hbm>>
    %dma_start3A_239 = tpu.memref_slice %arg6[%add3A_235] : memref<1600000xf32, #tpu.memory_space<hbm>> -> memref<2560xf32, #tpu.memory_space<hbm>>
    %dma_start3A_240 = arith.constant 0 : i32
    %dma_start3A_241 = tpu.memref_slice %arg11[%dma_start3A_240] : memref<2560xf32, #tpu.memory_space<vmem>> -> memref<2560xf32, #tpu.memory_space<vmem>>
    tpu.enqueue_dma source(%dma_start3A_241 : memref<2560xf32, #tpu.memory_space<vmem>>) target(%dma_start3A_239 : memref<2560xf32, #tpu.memory_space<hbm>>) target_semaphore(%arg21 : memref<!tpu.dma_semaphore, #tpu.memory_space<semaphore_mem>>)
    %add3A_242 = arith.constant 15360 : i32
    %add3A_243 = arith.addi %mul3A_2, %add3A_242 : i32
    %dma_start3A_244 = arith.constant 0 : i32
    %dma_start3A_245 = tpu.memref_slice %arg8[%dma_start3A_244] : memref<2560xi32, #tpu.memory_space<vmem>> -> memref<2560xi32, #tpu.memory_space<vmem>>
    %dma_start3A_246 = tpu.memref_slice %arg3[%add3A_243] : memref<1600000xi32, #tpu.memory_space<hbm>> -> memref<2560xi32, #tpu.memory_space<hbm>>
    %dma_start3A_247 = arith.constant 0 : i32
    %dma_start3A_248 = tpu.memref_slice %arg8[%dma_start3A_247] : memref<2560xi32, #tpu.memory_space<vmem>> -> memref<2560xi32, #tpu.memory_space<vmem>>
    %dma_start3A_249 = tpu.memref_slice %arg3[%add3A_243] : memref<1600000xi32, #tpu.memory_space<hbm>> -> memref<2560xi32, #tpu.memory_space<hbm>>
    tpu.enqueue_dma source(%dma_start3A_249 : memref<2560xi32, #tpu.memory_space<hbm>>) target(%dma_start3A_248 : memref<2560xi32, #tpu.memory_space<vmem>>) target_semaphore(%arg20 : memref<!tpu.dma_semaphore, #tpu.memory_space<semaphore_mem>>)
    %dma_start3A_250 = arith.constant 0 : i32
    %dma_start3A_251 = tpu.memref_slice %arg9[%dma_start3A_250] : memref<2560xi32, #tpu.memory_space<vmem>> -> memref<2560xi32, #tpu.memory_space<vmem>>
    %dma_start3A_252 = tpu.memref_slice %arg4[%add3A_243] : memref<1600000xi32, #tpu.memory_space<hbm>> -> memref<2560xi32, #tpu.memory_space<hbm>>
    %dma_start3A_253 = arith.constant 0 : i32
    %dma_start3A_254 = tpu.memref_slice %arg9[%dma_start3A_253] : memref<2560xi32, #tpu.memory_space<vmem>> -> memref<2560xi32, #tpu.memory_space<vmem>>
    %dma_start3A_255 = tpu.memref_slice %arg4[%add3A_243] : memref<1600000xi32, #tpu.memory_space<hbm>> -> memref<2560xi32, #tpu.memory_space<hbm>>
    tpu.enqueue_dma source(%dma_start3A_255 : memref<2560xi32, #tpu.memory_space<hbm>>) target(%dma_start3A_254 : memref<2560xi32, #tpu.memory_space<vmem>>) target_semaphore(%arg20 : memref<!tpu.dma_semaphore, #tpu.memory_space<semaphore_mem>>)
    %dma_start3A_256 = arith.constant 0 : i32
    %dma_start3A_257 = tpu.memref_slice %arg10[%dma_start3A_256] : memref<2560xf32, #tpu.memory_space<vmem>> -> memref<2560xf32, #tpu.memory_space<vmem>>
    %dma_start3A_258 = tpu.memref_slice %arg5[%add3A_243] : memref<1600000xf32, #tpu.memory_space<hbm>> -> memref<2560xf32, #tpu.memory_space<hbm>>
    %dma_start3A_259 = arith.constant 0 : i32
    %dma_start3A_260 = tpu.memref_slice %arg10[%dma_start3A_259] : memref<2560xf32, #tpu.memory_space<vmem>> -> memref<2560xf32, #tpu.memory_space<vmem>>
    %dma_start3A_261 = tpu.memref_slice %arg5[%add3A_243] : memref<1600000xf32, #tpu.memory_space<hbm>> -> memref<2560xf32, #tpu.memory_space<hbm>>
    tpu.enqueue_dma source(%dma_start3A_261 : memref<2560xf32, #tpu.memory_space<hbm>>) target(%dma_start3A_260 : memref<2560xf32, #tpu.memory_space<vmem>>) target_semaphore(%arg20 : memref<!tpu.dma_semaphore, #tpu.memory_space<semaphore_mem>>)
    %dma_wait3A_262 = arith.constant 0 : i32
    %dma_wait3A_263 = tpu.memref_slice %arg12[%dma_wait3A_262] : memref<2560xi32, #tpu.memory_space<vmem>> -> memref<2560xi32, #tpu.memory_space<vmem>>
    %dma_wait3A_264 = tpu.memref_slice %arg3[%add3A_139] : memref<1600000xi32, #tpu.memory_space<hbm>> -> memref<2560xi32, #tpu.memory_space<hbm>>
    %dma_wait3A_265 = arith.constant 0 : i32
    %dma_wait3A_266 = tpu.memref_slice %arg12[%dma_wait3A_265] : memref<2560xi32, #tpu.memory_space<vmem>> -> memref<2560xi32, #tpu.memory_space<vmem>>
    %dma_wait3A_267 = tpu.memref_slice %arg3[%add3A_139] : memref<1600000xi32, #tpu.memory_space<hbm>> -> memref<2560xi32, #tpu.memory_space<hbm>>
    tpu.wait_dma2 semaphore(%arg22 : memref<!tpu.dma_semaphore, #tpu.memory_space<semaphore_mem>>) src(%dma_wait3A_267 : memref<2560xi32, #tpu.memory_space<hbm>>) dst(%dma_wait3A_266 : memref<2560xi32, #tpu.memory_space<vmem>>)
    %dma_wait3A_268 = arith.constant 0 : i32
    %dma_wait3A_269 = tpu.memref_slice %arg13[%dma_wait3A_268] : memref<2560xi32, #tpu.memory_space<vmem>> -> memref<2560xi32, #tpu.memory_space<vmem>>
    %dma_wait3A_270 = tpu.memref_slice %arg4[%add3A_139] : memref<1600000xi32, #tpu.memory_space<hbm>> -> memref<2560xi32, #tpu.memory_space<hbm>>
    %dma_wait3A_271 = arith.constant 0 : i32
    %dma_wait3A_272 = tpu.memref_slice %arg13[%dma_wait3A_271] : memref<2560xi32, #tpu.memory_space<vmem>> -> memref<2560xi32, #tpu.memory_space<vmem>>
    %dma_wait3A_273 = tpu.memref_slice %arg4[%add3A_139] : memref<1600000xi32, #tpu.memory_space<hbm>> -> memref<2560xi32, #tpu.memory_space<hbm>>
    tpu.wait_dma2 semaphore(%arg22 : memref<!tpu.dma_semaphore, #tpu.memory_space<semaphore_mem>>) src(%dma_wait3A_273 : memref<2560xi32, #tpu.memory_space<hbm>>) dst(%dma_wait3A_272 : memref<2560xi32, #tpu.memory_space<vmem>>)
    %dma_wait3A_274 = arith.constant 0 : i32
    %dma_wait3A_275 = tpu.memref_slice %arg14[%dma_wait3A_274] : memref<2560xf32, #tpu.memory_space<vmem>> -> memref<2560xf32, #tpu.memory_space<vmem>>
    %dma_wait3A_276 = tpu.memref_slice %arg5[%add3A_139] : memref<1600000xf32, #tpu.memory_space<hbm>> -> memref<2560xf32, #tpu.memory_space<hbm>>
    %dma_wait3A_277 = arith.constant 0 : i32
    %dma_wait3A_278 = tpu.memref_slice %arg14[%dma_wait3A_277] : memref<2560xf32, #tpu.memory_space<vmem>> -> memref<2560xf32, #tpu.memory_space<vmem>>
    %dma_wait3A_279 = tpu.memref_slice %arg5[%add3A_139] : memref<1600000xf32, #tpu.memory_space<hbm>> -> memref<2560xf32, #tpu.memory_space<hbm>>
    tpu.wait_dma2 semaphore(%arg22 : memref<!tpu.dma_semaphore, #tpu.memory_space<semaphore_mem>>) src(%dma_wait3A_279 : memref<2560xf32, #tpu.memory_space<hbm>>) dst(%dma_wait3A_278 : memref<2560xf32, #tpu.memory_space<vmem>>)
    %dma_wait3A_280 = arith.constant 0 : i32
    %dma_wait3A_281 = tpu.memref_slice %arg15[%dma_wait3A_280] : memref<2560xf32, #tpu.memory_space<vmem>> -> memref<2560xf32, #tpu.memory_space<vmem>>
    %dma_wait3A_282 = tpu.memref_slice %arg6[%add3A_131] : memref<1600000xf32, #tpu.memory_space<hbm>> -> memref<2560xf32, #tpu.memory_space<hbm>>
    %dma_wait3A_283 = tpu.memref_slice %arg6[%add3A_131] : memref<1600000xf32, #tpu.memory_space<hbm>> -> memref<2560xf32, #tpu.memory_space<hbm>>
    %dma_wait3A_284 = arith.constant 0 : i32
    %dma_wait3A_285 = tpu.memref_slice %arg15[%dma_wait3A_284] : memref<2560xf32, #tpu.memory_space<vmem>> -> memref<2560xf32, #tpu.memory_space<vmem>>
    tpu.wait_dma2 semaphore(%arg23 : memref<!tpu.dma_semaphore, #tpu.memory_space<semaphore_mem>>) src(%dma_wait3A_285 : memref<2560xf32, #tpu.memory_space<vmem>>) dst(%dma_wait3A_283 : memref<2560xf32, #tpu.memory_space<hbm>>)
    %parallel_loop3A_286 = arith.constant 0 : i32
    %parallel_loop3A_287 = arith.constant 2560 : i32
    %parallel_loop3A_288 = arith.constant 16 : i32
    scf.for %parallel_loop3A_1100 = %parallel_loop3A_286 to %parallel_loop3A_287 step %parallel_loop3A_288  : i32 {
      %parallel_loop3A_1101 = arith.index_cast %parallel_loop3A_1100 : i32 to index
      %parallel_loop3A_1102 = tpu.vector_load %arg12[%parallel_loop3A_1101] {strides = array<i32>} : memref<2560xi32, #tpu.memory_space<vmem>>, vector<16xi32>,
      %parallel_loop3A_1103 = tpu.vector_load_idx %arg7[%parallel_loop3A_1102] : memref<100096xf32, #tpu.memory_space<vmem>>[vector<16xi32>], vector<16xf32>,
      %parallel_loop3A_1104 = arith.index_cast %parallel_loop3A_1100 : i32 to index
      %parallel_loop3A_1105 = tpu.vector_load %arg13[%parallel_loop3A_1104] {strides = array<i32>} : memref<2560xi32, #tpu.memory_space<vmem>>, vector<16xi32>,
      %parallel_loop3A_1106 = tpu.vector_load_idx %arg7[%parallel_loop3A_1105] : memref<100096xf32, #tpu.memory_space<vmem>>[vector<16xi32>], vector<16xf32>,
      %parallel_loop3A_1107 = arith.subf %parallel_loop3A_1106, %parallel_loop3A_1103 : vector<16xf32>
      %parallel_loop3A_1108 = arith.index_cast %parallel_loop3A_1100 : i32 to index
      %parallel_loop3A_1109 = tpu.vector_load %arg14[%parallel_loop3A_1108] {strides = array<i32>} : memref<2560xf32, #tpu.memory_space<vmem>>, vector<16xf32>,
      %parallel_loop3A_1110 = arith.divf %parallel_loop3A_1107, %parallel_loop3A_1109 : vector<16xf32>
      %parallel_loop3A_1111 = arith.index_cast %parallel_loop3A_1100 : i32 to index
      %parallel_loop3A_1112 = tpu.vector_load %arg15[%parallel_loop3A_1111] {strides = array<i32>} : memref<2560xf32, #tpu.memory_space<vmem>>, vector<16xf32>,
      tpu.vector_store %arg15[%parallel_loop3A_1111], %parallel_loop3A_1110 {strides = array<i32>} : memref<2560xf32, #tpu.memory_space<vmem>>, vector<16xf32>,
    } {sc.loop_unroll_factor = 5 : i64, sc.parallel_access}
    %add3A_289 = arith.constant 10240 : i32
    %add3A_290 = arith.addi %mul3A_2, %add3A_289 : i32
    %dma_start3A_291 = arith.constant 0 : i32
    %dma_start3A_292 = tpu.memref_slice %arg15[%dma_start3A_291] : memref<2560xf32, #tpu.memory_space<vmem>> -> memref<2560xf32, #tpu.memory_space<vmem>>
    %dma_start3A_293 = tpu.memref_slice %arg6[%add3A_290] : memref<1600000xf32, #tpu.memory_space<hbm>> -> memref<2560xf32, #tpu.memory_space<hbm>>
    %dma_start3A_294 = tpu.memref_slice %arg6[%add3A_290] : memref<1600000xf32, #tpu.memory_space<hbm>> -> memref<2560xf32, #tpu.memory_space<hbm>>
    %dma_start3A_295 = arith.constant 0 : i32
    %dma_start3A_296 = tpu.memref_slice %arg15[%dma_start3A_295] : memref<2560xf32, #tpu.memory_space<vmem>> -> memref<2560xf32, #tpu.memory_space<vmem>>
    tpu.enqueue_dma source(%dma_start3A_296 : memref<2560xf32, #tpu.memory_space<vmem>>) target(%dma_start3A_294 : memref<2560xf32, #tpu.memory_space<hbm>>) target_semaphore(%arg23 : memref<!tpu.dma_semaphore, #tpu.memory_space<semaphore_mem>>)
    %add3A_297 = arith.constant 17920 : i32
    %add3A_298 = arith.addi %mul3A_2, %add3A_297 : i32
    %dma_start3A_299 = arith.constant 0 : i32
    %dma_start3A_300 = tpu.memref_slice %arg12[%dma_start3A_299] : memref<2560xi32, #tpu.memory_space<vmem>> -> memref<2560xi32, #tpu.memory_space<vmem>>
    %dma_start3A_301 = tpu.memref_slice %arg3[%add3A_298] : memref<1600000xi32, #tpu.memory_space<hbm>> -> memref<2560xi32, #tpu.memory_space<hbm>>
    %dma_start3A_302 = arith.constant 0 : i32
    %dma_start3A_303 = tpu.memref_slice %arg12[%dma_start3A_302] : memref<2560xi32, #tpu.memory_space<vmem>> -> memref<2560xi32, #tpu.memory_space<vmem>>
    %dma_start3A_304 = tpu.memref_slice %arg3[%add3A_298] : memref<1600000xi32, #tpu.memory_space<hbm>> -> memref<2560xi32, #tpu.memory_space<hbm>>
    tpu.enqueue_dma source(%dma_start3A_304 : memref<2560xi32, #tpu.memory_space<hbm>>) target(%dma_start3A_303 : memref<2560xi32, #tpu.memory_space<vmem>>) target_semaphore(%arg22 : memref<!tpu.dma_semaphore, #tpu.memory_space<semaphore_mem>>)
    %dma_start3A_305 = arith.constant 0 : i32
    %dma_start3A_306 = tpu.memref_slice %arg13[%dma_start3A_305] : memref<2560xi32, #tpu.memory_space<vmem>> -> memref<2560xi32, #tpu.memory_space<vmem>>
    %dma_start3A_307 = tpu.memref_slice %arg4[%add3A_298] : memref<1600000xi32, #tpu.memory_space<hbm>> -> memref<2560xi32, #tpu.memory_space<hbm>>
    %dma_start3A_308 = arith.constant 0 : i32
    %dma_start3A_309 = tpu.memref_slice %arg13[%dma_start3A_308] : memref<2560xi32, #tpu.memory_space<vmem>> -> memref<2560xi32, #tpu.memory_space<vmem>>
    %dma_start3A_310 = tpu.memref_slice %arg4[%add3A_298] : memref<1600000xi32, #tpu.memory_space<hbm>> -> memref<2560xi32, #tpu.memory_space<hbm>>
    tpu.enqueue_dma source(%dma_start3A_310 : memref<2560xi32, #tpu.memory_space<hbm>>) target(%dma_start3A_309 : memref<2560xi32, #tpu.memory_space<vmem>>) target_semaphore(%arg22 : memref<!tpu.dma_semaphore, #tpu.memory_space<semaphore_mem>>)
    %dma_start3A_311 = arith.constant 0 : i32
    %dma_start3A_312 = tpu.memref_slice %arg14[%dma_start3A_311] : memref<2560xf32, #tpu.memory_space<vmem>> -> memref<2560xf32, #tpu.memory_space<vmem>>
    %dma_start3A_313 = tpu.memref_slice %arg5[%add3A_298] : memref<1600000xf32, #tpu.memory_space<hbm>> -> memref<2560xf32, #tpu.memory_space<hbm>>
    %dma_start3A_314 = arith.constant 0 : i32
    %dma_start3A_315 = tpu.memref_slice %arg14[%dma_start3A_314] : memref<2560xf32, #tpu.memory_space<vmem>> -> memref<2560xf32, #tpu.memory_space<vmem>>
    %dma_start3A_316 = tpu.memref_slice %arg5[%add3A_298] : memref<1600000xf32, #tpu.memory_space<hbm>> -> memref<2560xf32, #tpu.memory_space<hbm>>
    tpu.enqueue_dma source(%dma_start3A_316 : memref<2560xf32, #tpu.memory_space<hbm>>) target(%dma_start3A_315 : memref<2560xf32, #tpu.memory_space<vmem>>) target_semaphore(%arg22 : memref<!tpu.dma_semaphore, #tpu.memory_space<semaphore_mem>>)
    %dma_wait3A_317 = arith.constant 0 : i32
    %dma_wait3A_318 = tpu.memref_slice %arg16[%dma_wait3A_317] : memref<2560xi32, #tpu.memory_space<vmem>> -> memref<2560xi32, #tpu.memory_space<vmem>>
    %dma_wait3A_319 = tpu.memref_slice %arg3[%add3A_188] : memref<1600000xi32, #tpu.memory_space<hbm>> -> memref<2560xi32, #tpu.memory_space<hbm>>
    %dma_wait3A_320 = arith.constant 0 : i32
    %dma_wait3A_321 = tpu.memref_slice %arg16[%dma_wait3A_320] : memref<2560xi32, #tpu.memory_space<vmem>> -> memref<2560xi32, #tpu.memory_space<vmem>>
    %dma_wait3A_322 = tpu.memref_slice %arg3[%add3A_188] : memref<1600000xi32, #tpu.memory_space<hbm>> -> memref<2560xi32, #tpu.memory_space<hbm>>
    tpu.wait_dma2 semaphore(%arg24 : memref<!tpu.dma_semaphore, #tpu.memory_space<semaphore_mem>>) src(%dma_wait3A_322 : memref<2560xi32, #tpu.memory_space<hbm>>) dst(%dma_wait3A_321 : memref<2560xi32, #tpu.memory_space<vmem>>)
    %dma_wait3A_323 = arith.constant 0 : i32
    %dma_wait3A_324 = tpu.memref_slice %arg17[%dma_wait3A_323] : memref<2560xi32, #tpu.memory_space<vmem>> -> memref<2560xi32, #tpu.memory_space<vmem>>
    %dma_wait3A_325 = tpu.memref_slice %arg4[%add3A_188] : memref<1600000xi32, #tpu.memory_space<hbm>> -> memref<2560xi32, #tpu.memory_space<hbm>>
    %dma_wait3A_326 = arith.constant 0 : i32
    %dma_wait3A_327 = tpu.memref_slice %arg17[%dma_wait3A_326] : memref<2560xi32, #tpu.memory_space<vmem>> -> memref<2560xi32, #tpu.memory_space<vmem>>
    %dma_wait3A_328 = tpu.memref_slice %arg4[%add3A_188] : memref<1600000xi32, #tpu.memory_space<hbm>> -> memref<2560xi32, #tpu.memory_space<hbm>>
    tpu.wait_dma2 semaphore(%arg24 : memref<!tpu.dma_semaphore, #tpu.memory_space<semaphore_mem>>) src(%dma_wait3A_328 : memref<2560xi32, #tpu.memory_space<hbm>>) dst(%dma_wait3A_327 : memref<2560xi32, #tpu.memory_space<vmem>>)
    %dma_wait3A_329 = arith.constant 0 : i32
    %dma_wait3A_330 = tpu.memref_slice %arg18[%dma_wait3A_329] : memref<2560xf32, #tpu.memory_space<vmem>> -> memref<2560xf32, #tpu.memory_space<vmem>>
    %dma_wait3A_331 = tpu.memref_slice %arg5[%add3A_188] : memref<1600000xf32, #tpu.memory_space<hbm>> -> memref<2560xf32, #tpu.memory_space<hbm>>
    %dma_wait3A_332 = arith.constant 0 : i32
    %dma_wait3A_333 = tpu.memref_slice %arg18[%dma_wait3A_332] : memref<2560xf32, #tpu.memory_space<vmem>> -> memref<2560xf32, #tpu.memory_space<vmem>>
    %dma_wait3A_334 = tpu.memref_slice %arg5[%add3A_188] : memref<1600000xf32, #tpu.memory_space<hbm>> -> memref<2560xf32, #tpu.memory_space<hbm>>
    tpu.wait_dma2 semaphore(%arg24 : memref<!tpu.dma_semaphore, #tpu.memory_space<semaphore_mem>>) src(%dma_wait3A_334 : memref<2560xf32, #tpu.memory_space<hbm>>) dst(%dma_wait3A_333 : memref<2560xf32, #tpu.memory_space<vmem>>)
    %dma_wait3A_335 = arith.constant 0 : i32
    %dma_wait3A_336 = tpu.memref_slice %arg19[%dma_wait3A_335] : memref<2560xf32, #tpu.memory_space<vmem>> -> memref<2560xf32, #tpu.memory_space<vmem>>
    %dma_wait3A_337 = tpu.memref_slice %arg6[%add3A_180] : memref<1600000xf32, #tpu.memory_space<hbm>> -> memref<2560xf32, #tpu.memory_space<hbm>>
    %dma_wait3A_338 = tpu.memref_slice %arg6[%add3A_180] : memref<1600000xf32, #tpu.memory_space<hbm>> -> memref<2560xf32, #tpu.memory_space<hbm>>
    %dma_wait3A_339 = arith.constant 0 : i32
    %dma_wait3A_340 = tpu.memref_slice %arg19[%dma_wait3A_339] : memref<2560xf32, #tpu.memory_space<vmem>> -> memref<2560xf32, #tpu.memory_space<vmem>>
    tpu.wait_dma2 semaphore(%arg25 : memref<!tpu.dma_semaphore, #tpu.memory_space<semaphore_mem>>) src(%dma_wait3A_340 : memref<2560xf32, #tpu.memory_space<vmem>>) dst(%dma_wait3A_338 : memref<2560xf32, #tpu.memory_space<hbm>>)
    %parallel_loop3A_341 = arith.constant 0 : i32
    %parallel_loop3A_342 = arith.constant 2560 : i32
    %parallel_loop3A_343 = arith.constant 16 : i32
    scf.for %parallel_loop3A_1100 = %parallel_loop3A_341 to %parallel_loop3A_342 step %parallel_loop3A_343  : i32 {
      %parallel_loop3A_1101 = arith.index_cast %parallel_loop3A_1100 : i32 to index
      %parallel_loop3A_1102 = tpu.vector_load %arg16[%parallel_loop3A_1101] {strides = array<i32>} : memref<2560xi32, #tpu.memory_space<vmem>>, vector<16xi32>,
      %parallel_loop3A_1103 = tpu.vector_load_idx %arg7[%parallel_loop3A_1102] : memref<100096xf32, #tpu.memory_space<vmem>>[vector<16xi32>], vector<16xf32>,
      %parallel_loop3A_1104 = arith.index_cast %parallel_loop3A_1100 : i32 to index
      %parallel_loop3A_1105 = tpu.vector_load %arg17[%parallel_loop3A_1104] {strides = array<i32>} : memref<2560xi32, #tpu.memory_space<vmem>>, vector<16xi32>,
      %parallel_loop3A_1106 = tpu.vector_load_idx %arg7[%parallel_loop3A_1105] : memref<100096xf32, #tpu.memory_space<vmem>>[vector<16xi32>], vector<16xf32>,
      %parallel_loop3A_1107 = arith.subf %parallel_loop3A_1106, %parallel_loop3A_1103 : vector<16xf32>
      %parallel_loop3A_1108 = arith.index_cast %parallel_loop3A_1100 : i32 to index
      %parallel_loop3A_1109 = tpu.vector_load %arg18[%parallel_loop3A_1108] {strides = array<i32>} : memref<2560xf32, #tpu.memory_space<vmem>>, vector<16xf32>,
      %parallel_loop3A_1110 = arith.divf %parallel_loop3A_1107, %parallel_loop3A_1109 : vector<16xf32>
      %parallel_loop3A_1111 = arith.index_cast %parallel_loop3A_1100 : i32 to index
      %parallel_loop3A_1112 = tpu.vector_load %arg19[%parallel_loop3A_1111] {strides = array<i32>} : memref<2560xf32, #tpu.memory_space<vmem>>, vector<16xf32>,
      tpu.vector_store %arg19[%parallel_loop3A_1111], %parallel_loop3A_1110 {strides = array<i32>} : memref<2560xf32, #tpu.memory_space<vmem>>, vector<16xf32>,
    } {sc.loop_unroll_factor = 5 : i64, sc.parallel_access}
    %add3A_344 = arith.constant 12800 : i32
    %add3A_345 = arith.addi %mul3A_2, %add3A_344 : i32
    %dma_start3A_346 = arith.constant 0 : i32
    %dma_start3A_347 = tpu.memref_slice %arg19[%dma_start3A_346] : memref<2560xf32, #tpu.memory_space<vmem>> -> memref<2560xf32, #tpu.memory_space<vmem>>
    %dma_start3A_348 = tpu.memref_slice %arg6[%add3A_345] : memref<1600000xf32, #tpu.memory_space<hbm>> -> memref<2560xf32, #tpu.memory_space<hbm>>
    %dma_start3A_349 = tpu.memref_slice %arg6[%add3A_345] : memref<1600000xf32, #tpu.memory_space<hbm>> -> memref<2560xf32, #tpu.memory_space<hbm>>
    %dma_start3A_350 = arith.constant 0 : i32
    %dma_start3A_351 = tpu.memref_slice %arg19[%dma_start3A_350] : memref<2560xf32, #tpu.memory_space<vmem>> -> memref<2560xf32, #tpu.memory_space<vmem>>
    tpu.enqueue_dma source(%dma_start3A_351 : memref<2560xf32, #tpu.memory_space<vmem>>) target(%dma_start3A_349 : memref<2560xf32, #tpu.memory_space<hbm>>) target_semaphore(%arg25 : memref<!tpu.dma_semaphore, #tpu.memory_space<semaphore_mem>>)
    %add3A_352 = arith.constant 20480 : i32
    %add3A_353 = arith.addi %mul3A_2, %add3A_352 : i32
    %dma_start3A_354 = arith.constant 0 : i32
    %dma_start3A_355 = tpu.memref_slice %arg16[%dma_start3A_354] : memref<2560xi32, #tpu.memory_space<vmem>> -> memref<2560xi32, #tpu.memory_space<vmem>>
    %dma_start3A_356 = tpu.memref_slice %arg3[%add3A_353] : memref<1600000xi32, #tpu.memory_space<hbm>> -> memref<2560xi32, #tpu.memory_space<hbm>>
    %dma_start3A_357 = arith.constant 0 : i32
    %dma_start3A_358 = tpu.memref_slice %arg16[%dma_start3A_357] : memref<2560xi32, #tpu.memory_space<vmem>> -> memref<2560xi32, #tpu.memory_space<vmem>>
    %dma_start3A_359 = tpu.memref_slice %arg3[%add3A_353] : memref<1600000xi32, #tpu.memory_space<hbm>> -> memref<2560xi32, #tpu.memory_space<hbm>>
    tpu.enqueue_dma source(%dma_start3A_359 : memref<2560xi32, #tpu.memory_space<hbm>>) target(%dma_start3A_358 : memref<2560xi32, #tpu.memory_space<vmem>>) target_semaphore(%arg24 : memref<!tpu.dma_semaphore, #tpu.memory_space<semaphore_mem>>)
    %dma_start3A_360 = arith.constant 0 : i32
    %dma_start3A_361 = tpu.memref_slice %arg17[%dma_start3A_360] : memref<2560xi32, #tpu.memory_space<vmem>> -> memref<2560xi32, #tpu.memory_space<vmem>>
    %dma_start3A_362 = tpu.memref_slice %arg4[%add3A_353] : memref<1600000xi32, #tpu.memory_space<hbm>> -> memref<2560xi32, #tpu.memory_space<hbm>>
    %dma_start3A_363 = arith.constant 0 : i32
    %dma_start3A_364 = tpu.memref_slice %arg17[%dma_start3A_363] : memref<2560xi32, #tpu.memory_space<vmem>> -> memref<2560xi32, #tpu.memory_space<vmem>>
    %dma_start3A_365 = tpu.memref_slice %arg4[%add3A_353] : memref<1600000xi32, #tpu.memory_space<hbm>> -> memref<2560xi32, #tpu.memory_space<hbm>>
    tpu.enqueue_dma source(%dma_start3A_365 : memref<2560xi32, #tpu.memory_space<hbm>>) target(%dma_start3A_364 : memref<2560xi32, #tpu.memory_space<vmem>>) target_semaphore(%arg24 : memref<!tpu.dma_semaphore, #tpu.memory_space<semaphore_mem>>)
    %dma_start3A_366 = arith.constant 0 : i32
    %dma_start3A_367 = tpu.memref_slice %arg18[%dma_start3A_366] : memref<2560xf32, #tpu.memory_space<vmem>> -> memref<2560xf32, #tpu.memory_space<vmem>>
    %dma_start3A_368 = tpu.memref_slice %arg5[%add3A_353] : memref<1600000xf32, #tpu.memory_space<hbm>> -> memref<2560xf32, #tpu.memory_space<hbm>>
    %dma_start3A_369 = arith.constant 0 : i32
    %dma_start3A_370 = tpu.memref_slice %arg18[%dma_start3A_369] : memref<2560xf32, #tpu.memory_space<vmem>> -> memref<2560xf32, #tpu.memory_space<vmem>>
    %dma_start3A_371 = tpu.memref_slice %arg5[%add3A_353] : memref<1600000xf32, #tpu.memory_space<hbm>> -> memref<2560xf32, #tpu.memory_space<hbm>>
    tpu.enqueue_dma source(%dma_start3A_371 : memref<2560xf32, #tpu.memory_space<hbm>>) target(%dma_start3A_370 : memref<2560xf32, #tpu.memory_space<vmem>>) target_semaphore(%arg24 : memref<!tpu.dma_semaphore, #tpu.memory_space<semaphore_mem>>)
    %dma_wait3A_372 = arith.constant 0 : i32
    %dma_wait3A_373 = tpu.memref_slice %arg8[%dma_wait3A_372] : memref<2560xi32, #tpu.memory_space<vmem>> -> memref<2560xi32, #tpu.memory_space<vmem>>
    %dma_wait3A_374 = tpu.memref_slice %arg3[%add3A_243] : memref<1600000xi32, #tpu.memory_space<hbm>> -> memref<2560xi32, #tpu.memory_space<hbm>>
    %dma_wait3A_375 = arith.constant 0 : i32
    %dma_wait3A_376 = tpu.memref_slice %arg8[%dma_wait3A_375] : memref<2560xi32, #tpu.memory_space<vmem>> -> memref<2560xi32, #tpu.memory_space<vmem>>
    %dma_wait3A_377 = tpu.memref_slice %arg3[%add3A_243] : memref<1600000xi32, #tpu.memory_space<hbm>> -> memref<2560xi32, #tpu.memory_space<hbm>>
    tpu.wait_dma2 semaphore(%arg20 : memref<!tpu.dma_semaphore, #tpu.memory_space<semaphore_mem>>) src(%dma_wait3A_377 : memref<2560xi32, #tpu.memory_space<hbm>>) dst(%dma_wait3A_376 : memref<2560xi32, #tpu.memory_space<vmem>>)
    %dma_wait3A_378 = arith.constant 0 : i32
    %dma_wait3A_379 = tpu.memref_slice %arg9[%dma_wait3A_378] : memref<2560xi32, #tpu.memory_space<vmem>> -> memref<2560xi32, #tpu.memory_space<vmem>>
    %dma_wait3A_380 = tpu.memref_slice %arg4[%add3A_243] : memref<1600000xi32, #tpu.memory_space<hbm>> -> memref<2560xi32, #tpu.memory_space<hbm>>
    %dma_wait3A_381 = arith.constant 0 : i32
    %dma_wait3A_382 = tpu.memref_slice %arg9[%dma_wait3A_381] : memref<2560xi32, #tpu.memory_space<vmem>> -> memref<2560xi32, #tpu.memory_space<vmem>>
    %dma_wait3A_383 = tpu.memref_slice %arg4[%add3A_243] : memref<1600000xi32, #tpu.memory_space<hbm>> -> memref<2560xi32, #tpu.memory_space<hbm>>
    tpu.wait_dma2 semaphore(%arg20 : memref<!tpu.dma_semaphore, #tpu.memory_space<semaphore_mem>>) src(%dma_wait3A_383 : memref<2560xi32, #tpu.memory_space<hbm>>) dst(%dma_wait3A_382 : memref<2560xi32, #tpu.memory_space<vmem>>)
    %dma_wait3A_384 = arith.constant 0 : i32
    %dma_wait3A_385 = tpu.memref_slice %arg10[%dma_wait3A_384] : memref<2560xf32, #tpu.memory_space<vmem>> -> memref<2560xf32, #tpu.memory_space<vmem>>
    %dma_wait3A_386 = tpu.memref_slice %arg5[%add3A_243] : memref<1600000xf32, #tpu.memory_space<hbm>> -> memref<2560xf32, #tpu.memory_space<hbm>>
    %dma_wait3A_387 = arith.constant 0 : i32
    %dma_wait3A_388 = tpu.memref_slice %arg10[%dma_wait3A_387] : memref<2560xf32, #tpu.memory_space<vmem>> -> memref<2560xf32, #tpu.memory_space<vmem>>
    %dma_wait3A_389 = tpu.memref_slice %arg5[%add3A_243] : memref<1600000xf32, #tpu.memory_space<hbm>> -> memref<2560xf32, #tpu.memory_space<hbm>>
    tpu.wait_dma2 semaphore(%arg20 : memref<!tpu.dma_semaphore, #tpu.memory_space<semaphore_mem>>) src(%dma_wait3A_389 : memref<2560xf32, #tpu.memory_space<hbm>>) dst(%dma_wait3A_388 : memref<2560xf32, #tpu.memory_space<vmem>>)
    %dma_wait3A_390 = arith.constant 0 : i32
    %dma_wait3A_391 = tpu.memref_slice %arg11[%dma_wait3A_390] : memref<2560xf32, #tpu.memory_space<vmem>> -> memref<2560xf32, #tpu.memory_space<vmem>>
    %dma_wait3A_392 = tpu.memref_slice %arg6[%add3A_235] : memref<1600000xf32, #tpu.memory_space<hbm>> -> memref<2560xf32, #tpu.memory_space<hbm>>
    %dma_wait3A_393 = tpu.memref_slice %arg6[%add3A_235] : memref<1600000xf32, #tpu.memory_space<hbm>> -> memref<2560xf32, #tpu.memory_space<hbm>>
    %dma_wait3A_394 = arith.constant 0 : i32
    %dma_wait3A_395 = tpu.memref_slice %arg11[%dma_wait3A_394] : memref<2560xf32, #tpu.memory_space<vmem>> -> memref<2560xf32, #tpu.memory_space<vmem>>
    tpu.wait_dma2 semaphore(%arg21 : memref<!tpu.dma_semaphore, #tpu.memory_space<semaphore_mem>>) src(%dma_wait3A_395 : memref<2560xf32, #tpu.memory_space<vmem>>) dst(%dma_wait3A_393 : memref<2560xf32, #tpu.memory_space<hbm>>)
    %parallel_loop3A_396 = arith.constant 0 : i32
    %parallel_loop3A_397 = arith.constant 2560 : i32
    %parallel_loop3A_398 = arith.constant 16 : i32
    scf.for %parallel_loop3A_1100 = %parallel_loop3A_396 to %parallel_loop3A_397 step %parallel_loop3A_398  : i32 {
      %parallel_loop3A_1101 = arith.index_cast %parallel_loop3A_1100 : i32 to index
      %parallel_loop3A_1102 = tpu.vector_load %arg8[%parallel_loop3A_1101] {strides = array<i32>} : memref<2560xi32, #tpu.memory_space<vmem>>, vector<16xi32>,
      %parallel_loop3A_1103 = tpu.vector_load_idx %arg7[%parallel_loop3A_1102] : memref<100096xf32, #tpu.memory_space<vmem>>[vector<16xi32>], vector<16xf32>,
      %parallel_loop3A_1104 = arith.index_cast %parallel_loop3A_1100 : i32 to index
      %parallel_loop3A_1105 = tpu.vector_load %arg9[%parallel_loop3A_1104] {strides = array<i32>} : memref<2560xi32, #tpu.memory_space<vmem>>, vector<16xi32>,
      %parallel_loop3A_1106 = tpu.vector_load_idx %arg7[%parallel_loop3A_1105] : memref<100096xf32, #tpu.memory_space<vmem>>[vector<16xi32>], vector<16xf32>,
      %parallel_loop3A_1107 = arith.subf %parallel_loop3A_1106, %parallel_loop3A_1103 : vector<16xf32>
      %parallel_loop3A_1108 = arith.index_cast %parallel_loop3A_1100 : i32 to index
      %parallel_loop3A_1109 = tpu.vector_load %arg10[%parallel_loop3A_1108] {strides = array<i32>} : memref<2560xf32, #tpu.memory_space<vmem>>, vector<16xf32>,
      %parallel_loop3A_1110 = arith.divf %parallel_loop3A_1107, %parallel_loop3A_1109 : vector<16xf32>
      %parallel_loop3A_1111 = arith.index_cast %parallel_loop3A_1100 : i32 to index
      %parallel_loop3A_1112 = tpu.vector_load %arg11[%parallel_loop3A_1111] {strides = array<i32>} : memref<2560xf32, #tpu.memory_space<vmem>>, vector<16xf32>,
      tpu.vector_store %arg11[%parallel_loop3A_1111], %parallel_loop3A_1110 {strides = array<i32>} : memref<2560xf32, #tpu.memory_space<vmem>>, vector<16xf32>,
    } {sc.loop_unroll_factor = 5 : i64, sc.parallel_access}
    %add3A_399 = arith.constant 15360 : i32
    %add3A_400 = arith.addi %mul3A_2, %add3A_399 : i32
    %dma_start3A_401 = arith.constant 0 : i32
    %dma_start3A_402 = tpu.memref_slice %arg11[%dma_start3A_401] : memref<2560xf32, #tpu.memory_space<vmem>> -> memref<2560xf32, #tpu.memory_space<vmem>>
    %dma_start3A_403 = tpu.memref_slice %arg6[%add3A_400] : memref<1600000xf32, #tpu.memory_space<hbm>> -> memref<2560xf32, #tpu.memory_space<hbm>>
    %dma_start3A_404 = tpu.memref_slice %arg6[%add3A_400] : memref<1600000xf32, #tpu.memory_space<hbm>> -> memref<2560xf32, #tpu.memory_space<hbm>>
    %dma_start3A_405 = arith.constant 0 : i32
    %dma_start3A_406 = tpu.memref_slice %arg11[%dma_start3A_405] : memref<2560xf32, #tpu.memory_space<vmem>> -> memref<2560xf32, #tpu.memory_space<vmem>>
    tpu.enqueue_dma source(%dma_start3A_406 : memref<2560xf32, #tpu.memory_space<vmem>>) target(%dma_start3A_404 : memref<2560xf32, #tpu.memory_space<hbm>>) target_semaphore(%arg21 : memref<!tpu.dma_semaphore, #tpu.memory_space<semaphore_mem>>)
    %add3A_407 = arith.constant 23040 : i32
    %add3A_408 = arith.addi %mul3A_2, %add3A_407 : i32
    %dma_start3A_409 = arith.constant 0 : i32
    %dma_start3A_410 = tpu.memref_slice %arg8[%dma_start3A_409] : memref<2560xi32, #tpu.memory_space<vmem>> -> memref<2560xi32, #tpu.memory_space<vmem>>
    %dma_start3A_411 = tpu.memref_slice %arg3[%add3A_408] : memref<1600000xi32, #tpu.memory_space<hbm>> -> memref<2560xi32, #tpu.memory_space<hbm>>
    %dma_start3A_412 = arith.constant 0 : i32
    %dma_start3A_413 = tpu.memref_slice %arg8[%dma_start3A_412] : memref<2560xi32, #tpu.memory_space<vmem>> -> memref<2560xi32, #tpu.memory_space<vmem>>
    %dma_start3A_414 = tpu.memref_slice %arg3[%add3A_408] : memref<1600000xi32, #tpu.memory_space<hbm>> -> memref<2560xi32, #tpu.memory_space<hbm>>
    tpu.enqueue_dma source(%dma_start3A_414 : memref<2560xi32, #tpu.memory_space<hbm>>) target(%dma_start3A_413 : memref<2560xi32, #tpu.memory_space<vmem>>) target_semaphore(%arg20 : memref<!tpu.dma_semaphore, #tpu.memory_space<semaphore_mem>>)
    %dma_start3A_415 = arith.constant 0 : i32
    %dma_start3A_416 = tpu.memref_slice %arg9[%dma_start3A_415] : memref<2560xi32, #tpu.memory_space<vmem>> -> memref<2560xi32, #tpu.memory_space<vmem>>
    %dma_start3A_417 = tpu.memref_slice %arg4[%add3A_408] : memref<1600000xi32, #tpu.memory_space<hbm>> -> memref<2560xi32, #tpu.memory_space<hbm>>
    %dma_start3A_418 = arith.constant 0 : i32
    %dma_start3A_419 = tpu.memref_slice %arg9[%dma_start3A_418] : memref<2560xi32, #tpu.memory_space<vmem>> -> memref<2560xi32, #tpu.memory_space<vmem>>
    %dma_start3A_420 = tpu.memref_slice %arg4[%add3A_408] : memref<1600000xi32, #tpu.memory_space<hbm>> -> memref<2560xi32, #tpu.memory_space<hbm>>
    tpu.enqueue_dma source(%dma_start3A_420 : memref<2560xi32, #tpu.memory_space<hbm>>) target(%dma_start3A_419 : memref<2560xi32, #tpu.memory_space<vmem>>) target_semaphore(%arg20 : memref<!tpu.dma_semaphore, #tpu.memory_space<semaphore_mem>>)
    %dma_start3A_421 = arith.constant 0 : i32
    %dma_start3A_422 = tpu.memref_slice %arg10[%dma_start3A_421] : memref<2560xf32, #tpu.memory_space<vmem>> -> memref<2560xf32, #tpu.memory_space<vmem>>
    %dma_start3A_423 = tpu.memref_slice %arg5[%add3A_408] : memref<1600000xf32, #tpu.memory_space<hbm>> -> memref<2560xf32, #tpu.memory_space<hbm>>
    %dma_start3A_424 = arith.constant 0 : i32
    %dma_start3A_425 = tpu.memref_slice %arg10[%dma_start3A_424] : memref<2560xf32, #tpu.memory_space<vmem>> -> memref<2560xf32, #tpu.memory_space<vmem>>
    %dma_start3A_426 = tpu.memref_slice %arg5[%add3A_408] : memref<1600000xf32, #tpu.memory_space<hbm>> -> memref<2560xf32, #tpu.memory_space<hbm>>
    tpu.enqueue_dma source(%dma_start3A_426 : memref<2560xf32, #tpu.memory_space<hbm>>) target(%dma_start3A_425 : memref<2560xf32, #tpu.memory_space<vmem>>) target_semaphore(%arg20 : memref<!tpu.dma_semaphore, #tpu.memory_space<semaphore_mem>>)
    %dma_wait3A_427 = arith.constant 0 : i32
    %dma_wait3A_428 = tpu.memref_slice %arg12[%dma_wait3A_427] : memref<2560xi32, #tpu.memory_space<vmem>> -> memref<2560xi32, #tpu.memory_space<vmem>>
    %dma_wait3A_429 = tpu.memref_slice %arg3[%add3A_298] : memref<1600000xi32, #tpu.memory_space<hbm>> -> memref<2560xi32, #tpu.memory_space<hbm>>
    %dma_wait3A_430 = arith.constant 0 : i32
    %dma_wait3A_431 = tpu.memref_slice %arg12[%dma_wait3A_430] : memref<2560xi32, #tpu.memory_space<vmem>> -> memref<2560xi32, #tpu.memory_space<vmem>>
    %dma_wait3A_432 = tpu.memref_slice %arg3[%add3A_298] : memref<1600000xi32, #tpu.memory_space<hbm>> -> memref<2560xi32, #tpu.memory_space<hbm>>
    tpu.wait_dma2 semaphore(%arg22 : memref<!tpu.dma_semaphore, #tpu.memory_space<semaphore_mem>>) src(%dma_wait3A_432 : memref<2560xi32, #tpu.memory_space<hbm>>) dst(%dma_wait3A_431 : memref<2560xi32, #tpu.memory_space<vmem>>)
    %dma_wait3A_433 = arith.constant 0 : i32
    %dma_wait3A_434 = tpu.memref_slice %arg13[%dma_wait3A_433] : memref<2560xi32, #tpu.memory_space<vmem>> -> memref<2560xi32, #tpu.memory_space<vmem>>
    %dma_wait3A_435 = tpu.memref_slice %arg4[%add3A_298] : memref<1600000xi32, #tpu.memory_space<hbm>> -> memref<2560xi32, #tpu.memory_space<hbm>>
    %dma_wait3A_436 = arith.constant 0 : i32
    %dma_wait3A_437 = tpu.memref_slice %arg13[%dma_wait3A_436] : memref<2560xi32, #tpu.memory_space<vmem>> -> memref<2560xi32, #tpu.memory_space<vmem>>
    %dma_wait3A_438 = tpu.memref_slice %arg4[%add3A_298] : memref<1600000xi32, #tpu.memory_space<hbm>> -> memref<2560xi32, #tpu.memory_space<hbm>>
    tpu.wait_dma2 semaphore(%arg22 : memref<!tpu.dma_semaphore, #tpu.memory_space<semaphore_mem>>) src(%dma_wait3A_438 : memref<2560xi32, #tpu.memory_space<hbm>>) dst(%dma_wait3A_437 : memref<2560xi32, #tpu.memory_space<vmem>>)
    %dma_wait3A_439 = arith.constant 0 : i32
    %dma_wait3A_440 = tpu.memref_slice %arg14[%dma_wait3A_439] : memref<2560xf32, #tpu.memory_space<vmem>> -> memref<2560xf32, #tpu.memory_space<vmem>>
    %dma_wait3A_441 = tpu.memref_slice %arg5[%add3A_298] : memref<1600000xf32, #tpu.memory_space<hbm>> -> memref<2560xf32, #tpu.memory_space<hbm>>
    %dma_wait3A_442 = arith.constant 0 : i32
    %dma_wait3A_443 = tpu.memref_slice %arg14[%dma_wait3A_442] : memref<2560xf32, #tpu.memory_space<vmem>> -> memref<2560xf32, #tpu.memory_space<vmem>>
    %dma_wait3A_444 = tpu.memref_slice %arg5[%add3A_298] : memref<1600000xf32, #tpu.memory_space<hbm>> -> memref<2560xf32, #tpu.memory_space<hbm>>
    tpu.wait_dma2 semaphore(%arg22 : memref<!tpu.dma_semaphore, #tpu.memory_space<semaphore_mem>>) src(%dma_wait3A_444 : memref<2560xf32, #tpu.memory_space<hbm>>) dst(%dma_wait3A_443 : memref<2560xf32, #tpu.memory_space<vmem>>)
    %dma_wait3A_445 = arith.constant 0 : i32
    %dma_wait3A_446 = tpu.memref_slice %arg15[%dma_wait3A_445] : memref<2560xf32, #tpu.memory_space<vmem>> -> memref<2560xf32, #tpu.memory_space<vmem>>
    %dma_wait3A_447 = tpu.memref_slice %arg6[%add3A_290] : memref<1600000xf32, #tpu.memory_space<hbm>> -> memref<2560xf32, #tpu.memory_space<hbm>>
    %dma_wait3A_448 = tpu.memref_slice %arg6[%add3A_290] : memref<1600000xf32, #tpu.memory_space<hbm>> -> memref<2560xf32, #tpu.memory_space<hbm>>
    %dma_wait3A_449 = arith.constant 0 : i32
    %dma_wait3A_450 = tpu.memref_slice %arg15[%dma_wait3A_449] : memref<2560xf32, #tpu.memory_space<vmem>> -> memref<2560xf32, #tpu.memory_space<vmem>>
    tpu.wait_dma2 semaphore(%arg23 : memref<!tpu.dma_semaphore, #tpu.memory_space<semaphore_mem>>) src(%dma_wait3A_450 : memref<2560xf32, #tpu.memory_space<vmem>>) dst(%dma_wait3A_448 : memref<2560xf32, #tpu.memory_space<hbm>>)
    %parallel_loop3A_451 = arith.constant 0 : i32
    %parallel_loop3A_452 = arith.constant 2560 : i32
    %parallel_loop3A_453 = arith.constant 16 : i32
    scf.for %parallel_loop3A_1100 = %parallel_loop3A_451 to %parallel_loop3A_452 step %parallel_loop3A_453  : i32 {
      %parallel_loop3A_1101 = arith.index_cast %parallel_loop3A_1100 : i32 to index
      %parallel_loop3A_1102 = tpu.vector_load %arg12[%parallel_loop3A_1101] {strides = array<i32>} : memref<2560xi32, #tpu.memory_space<vmem>>, vector<16xi32>,
      %parallel_loop3A_1103 = tpu.vector_load_idx %arg7[%parallel_loop3A_1102] : memref<100096xf32, #tpu.memory_space<vmem>>[vector<16xi32>], vector<16xf32>,
      %parallel_loop3A_1104 = arith.index_cast %parallel_loop3A_1100 : i32 to index
      %parallel_loop3A_1105 = tpu.vector_load %arg13[%parallel_loop3A_1104] {strides = array<i32>} : memref<2560xi32, #tpu.memory_space<vmem>>, vector<16xi32>,
      %parallel_loop3A_1106 = tpu.vector_load_idx %arg7[%parallel_loop3A_1105] : memref<100096xf32, #tpu.memory_space<vmem>>[vector<16xi32>], vector<16xf32>,
      %parallel_loop3A_1107 = arith.subf %parallel_loop3A_1106, %parallel_loop3A_1103 : vector<16xf32>
      %parallel_loop3A_1108 = arith.index_cast %parallel_loop3A_1100 : i32 to index
      %parallel_loop3A_1109 = tpu.vector_load %arg14[%parallel_loop3A_1108] {strides = array<i32>} : memref<2560xf32, #tpu.memory_space<vmem>>, vector<16xf32>,
      %parallel_loop3A_1110 = arith.divf %parallel_loop3A_1107, %parallel_loop3A_1109 : vector<16xf32>
      %parallel_loop3A_1111 = arith.index_cast %parallel_loop3A_1100 : i32 to index
      %parallel_loop3A_1112 = tpu.vector_load %arg15[%parallel_loop3A_1111] {strides = array<i32>} : memref<2560xf32, #tpu.memory_space<vmem>>, vector<16xf32>,
      tpu.vector_store %arg15[%parallel_loop3A_1111], %parallel_loop3A_1110 {strides = array<i32>} : memref<2560xf32, #tpu.memory_space<vmem>>, vector<16xf32>,
    } {sc.loop_unroll_factor = 5 : i64, sc.parallel_access}
    %add3A_454 = arith.constant 17920 : i32
    %add3A_455 = arith.addi %mul3A_2, %add3A_454 : i32
    %dma_start3A_456 = arith.constant 0 : i32
    %dma_start3A_457 = tpu.memref_slice %arg15[%dma_start3A_456] : memref<2560xf32, #tpu.memory_space<vmem>> -> memref<2560xf32, #tpu.memory_space<vmem>>
    %dma_start3A_458 = tpu.memref_slice %arg6[%add3A_455] : memref<1600000xf32, #tpu.memory_space<hbm>> -> memref<2560xf32, #tpu.memory_space<hbm>>
    %dma_start3A_459 = tpu.memref_slice %arg6[%add3A_455] : memref<1600000xf32, #tpu.memory_space<hbm>> -> memref<2560xf32, #tpu.memory_space<hbm>>
    %dma_start3A_460 = arith.constant 0 : i32
    %dma_start3A_461 = tpu.memref_slice %arg15[%dma_start3A_460] : memref<2560xf32, #tpu.memory_space<vmem>> -> memref<2560xf32, #tpu.memory_space<vmem>>
    tpu.enqueue_dma source(%dma_start3A_461 : memref<2560xf32, #tpu.memory_space<vmem>>) target(%dma_start3A_459 : memref<2560xf32, #tpu.memory_space<hbm>>) target_semaphore(%arg23 : memref<!tpu.dma_semaphore, #tpu.memory_space<semaphore_mem>>)
    %add3A_462 = arith.constant 25600 : i32
    %add3A_463 = arith.addi %mul3A_2, %add3A_462 : i32
    %dma_start3A_464 = arith.constant 0 : i32
    %dma_start3A_465 = tpu.memref_slice %arg12[%dma_start3A_464] : memref<2560xi32, #tpu.memory_space<vmem>> -> memref<2560xi32, #tpu.memory_space<vmem>>
    %dma_start3A_466 = tpu.memref_slice %arg3[%add3A_463] : memref<1600000xi32, #tpu.memory_space<hbm>> -> memref<2560xi32, #tpu.memory_space<hbm>>
    %dma_start3A_467 = arith.constant 0 : i32
    %dma_start3A_468 = tpu.memref_slice %arg12[%dma_start3A_467] : memref<2560xi32, #tpu.memory_space<vmem>> -> memref<2560xi32, #tpu.memory_space<vmem>>
    %dma_start3A_469 = tpu.memref_slice %arg3[%add3A_463] : memref<1600000xi32, #tpu.memory_space<hbm>> -> memref<2560xi32, #tpu.memory_space<hbm>>
    tpu.enqueue_dma source(%dma_start3A_469 : memref<2560xi32, #tpu.memory_space<hbm>>) target(%dma_start3A_468 : memref<2560xi32, #tpu.memory_space<vmem>>) target_semaphore(%arg22 : memref<!tpu.dma_semaphore, #tpu.memory_space<semaphore_mem>>)
    %dma_start3A_470 = arith.constant 0 : i32
    %dma_start3A_471 = tpu.memref_slice %arg13[%dma_start3A_470] : memref<2560xi32, #tpu.memory_space<vmem>> -> memref<2560xi32, #tpu.memory_space<vmem>>
    %dma_start3A_472 = tpu.memref_slice %arg4[%add3A_463] : memref<1600000xi32, #tpu.memory_space<hbm>> -> memref<2560xi32, #tpu.memory_space<hbm>>
    %dma_start3A_473 = arith.constant 0 : i32
    %dma_start3A_474 = tpu.memref_slice %arg13[%dma_start3A_473] : memref<2560xi32, #tpu.memory_space<vmem>> -> memref<2560xi32, #tpu.memory_space<vmem>>
    %dma_start3A_475 = tpu.memref_slice %arg4[%add3A_463] : memref<1600000xi32, #tpu.memory_space<hbm>> -> memref<2560xi32, #tpu.memory_space<hbm>>
    tpu.enqueue_dma source(%dma_start3A_475 : memref<2560xi32, #tpu.memory_space<hbm>>) target(%dma_start3A_474 : memref<2560xi32, #tpu.memory_space<vmem>>) target_semaphore(%arg22 : memref<!tpu.dma_semaphore, #tpu.memory_space<semaphore_mem>>)
    %dma_start3A_476 = arith.constant 0 : i32
    %dma_start3A_477 = tpu.memref_slice %arg14[%dma_start3A_476] : memref<2560xf32, #tpu.memory_space<vmem>> -> memref<2560xf32, #tpu.memory_space<vmem>>
    %dma_start3A_478 = tpu.memref_slice %arg5[%add3A_463] : memref<1600000xf32, #tpu.memory_space<hbm>> -> memref<2560xf32, #tpu.memory_space<hbm>>
    %dma_start3A_479 = arith.constant 0 : i32
    %dma_start3A_480 = tpu.memref_slice %arg14[%dma_start3A_479] : memref<2560xf32, #tpu.memory_space<vmem>> -> memref<2560xf32, #tpu.memory_space<vmem>>
    %dma_start3A_481 = tpu.memref_slice %arg5[%add3A_463] : memref<1600000xf32, #tpu.memory_space<hbm>> -> memref<2560xf32, #tpu.memory_space<hbm>>
    tpu.enqueue_dma source(%dma_start3A_481 : memref<2560xf32, #tpu.memory_space<hbm>>) target(%dma_start3A_480 : memref<2560xf32, #tpu.memory_space<vmem>>) target_semaphore(%arg22 : memref<!tpu.dma_semaphore, #tpu.memory_space<semaphore_mem>>)
    %dma_wait3A_482 = arith.constant 0 : i32
    %dma_wait3A_483 = tpu.memref_slice %arg16[%dma_wait3A_482] : memref<2560xi32, #tpu.memory_space<vmem>> -> memref<2560xi32, #tpu.memory_space<vmem>>
    %dma_wait3A_484 = tpu.memref_slice %arg3[%add3A_353] : memref<1600000xi32, #tpu.memory_space<hbm>> -> memref<2560xi32, #tpu.memory_space<hbm>>
    %dma_wait3A_485 = arith.constant 0 : i32
    %dma_wait3A_486 = tpu.memref_slice %arg16[%dma_wait3A_485] : memref<2560xi32, #tpu.memory_space<vmem>> -> memref<2560xi32, #tpu.memory_space<vmem>>
    %dma_wait3A_487 = tpu.memref_slice %arg3[%add3A_353] : memref<1600000xi32, #tpu.memory_space<hbm>> -> memref<2560xi32, #tpu.memory_space<hbm>>
    tpu.wait_dma2 semaphore(%arg24 : memref<!tpu.dma_semaphore, #tpu.memory_space<semaphore_mem>>) src(%dma_wait3A_487 : memref<2560xi32, #tpu.memory_space<hbm>>) dst(%dma_wait3A_486 : memref<2560xi32, #tpu.memory_space<vmem>>)
    %dma_wait3A_488 = arith.constant 0 : i32
    %dma_wait3A_489 = tpu.memref_slice %arg17[%dma_wait3A_488] : memref<2560xi32, #tpu.memory_space<vmem>> -> memref<2560xi32, #tpu.memory_space<vmem>>
    %dma_wait3A_490 = tpu.memref_slice %arg4[%add3A_353] : memref<1600000xi32, #tpu.memory_space<hbm>> -> memref<2560xi32, #tpu.memory_space<hbm>>
    %dma_wait3A_491 = arith.constant 0 : i32
    %dma_wait3A_492 = tpu.memref_slice %arg17[%dma_wait3A_491] : memref<2560xi32, #tpu.memory_space<vmem>> -> memref<2560xi32, #tpu.memory_space<vmem>>
    %dma_wait3A_493 = tpu.memref_slice %arg4[%add3A_353] : memref<1600000xi32, #tpu.memory_space<hbm>> -> memref<2560xi32, #tpu.memory_space<hbm>>
    tpu.wait_dma2 semaphore(%arg24 : memref<!tpu.dma_semaphore, #tpu.memory_space<semaphore_mem>>) src(%dma_wait3A_493 : memref<2560xi32, #tpu.memory_space<hbm>>) dst(%dma_wait3A_492 : memref<2560xi32, #tpu.memory_space<vmem>>)
    %dma_wait3A_494 = arith.constant 0 : i32
    %dma_wait3A_495 = tpu.memref_slice %arg18[%dma_wait3A_494] : memref<2560xf32, #tpu.memory_space<vmem>> -> memref<2560xf32, #tpu.memory_space<vmem>>
    %dma_wait3A_496 = tpu.memref_slice %arg5[%add3A_353] : memref<1600000xf32, #tpu.memory_space<hbm>> -> memref<2560xf32, #tpu.memory_space<hbm>>
    %dma_wait3A_497 = arith.constant 0 : i32
    %dma_wait3A_498 = tpu.memref_slice %arg18[%dma_wait3A_497] : memref<2560xf32, #tpu.memory_space<vmem>> -> memref<2560xf32, #tpu.memory_space<vmem>>
    %dma_wait3A_499 = tpu.memref_slice %arg5[%add3A_353] : memref<1600000xf32, #tpu.memory_space<hbm>> -> memref<2560xf32, #tpu.memory_space<hbm>>
    tpu.wait_dma2 semaphore(%arg24 : memref<!tpu.dma_semaphore, #tpu.memory_space<semaphore_mem>>) src(%dma_wait3A_499 : memref<2560xf32, #tpu.memory_space<hbm>>) dst(%dma_wait3A_498 : memref<2560xf32, #tpu.memory_space<vmem>>)
    %dma_wait3A_500 = arith.constant 0 : i32
    %dma_wait3A_501 = tpu.memref_slice %arg19[%dma_wait3A_500] : memref<2560xf32, #tpu.memory_space<vmem>> -> memref<2560xf32, #tpu.memory_space<vmem>>
    %dma_wait3A_502 = tpu.memref_slice %arg6[%add3A_345] : memref<1600000xf32, #tpu.memory_space<hbm>> -> memref<2560xf32, #tpu.memory_space<hbm>>
    %dma_wait3A_503 = tpu.memref_slice %arg6[%add3A_345] : memref<1600000xf32, #tpu.memory_space<hbm>> -> memref<2560xf32, #tpu.memory_space<hbm>>
    %dma_wait3A_504 = arith.constant 0 : i32
    %dma_wait3A_505 = tpu.memref_slice %arg19[%dma_wait3A_504] : memref<2560xf32, #tpu.memory_space<vmem>> -> memref<2560xf32, #tpu.memory_space<vmem>>
    tpu.wait_dma2 semaphore(%arg25 : memref<!tpu.dma_semaphore, #tpu.memory_space<semaphore_mem>>) src(%dma_wait3A_505 : memref<2560xf32, #tpu.memory_space<vmem>>) dst(%dma_wait3A_503 : memref<2560xf32, #tpu.memory_space<hbm>>)
    %parallel_loop3A_506 = arith.constant 0 : i32
    %parallel_loop3A_507 = arith.constant 2560 : i32
    %parallel_loop3A_508 = arith.constant 16 : i32
    scf.for %parallel_loop3A_1100 = %parallel_loop3A_506 to %parallel_loop3A_507 step %parallel_loop3A_508  : i32 {
      %parallel_loop3A_1101 = arith.index_cast %parallel_loop3A_1100 : i32 to index
      %parallel_loop3A_1102 = tpu.vector_load %arg16[%parallel_loop3A_1101] {strides = array<i32>} : memref<2560xi32, #tpu.memory_space<vmem>>, vector<16xi32>,
      %parallel_loop3A_1103 = tpu.vector_load_idx %arg7[%parallel_loop3A_1102] : memref<100096xf32, #tpu.memory_space<vmem>>[vector<16xi32>], vector<16xf32>,
      %parallel_loop3A_1104 = arith.index_cast %parallel_loop3A_1100 : i32 to index
      %parallel_loop3A_1105 = tpu.vector_load %arg17[%parallel_loop3A_1104] {strides = array<i32>} : memref<2560xi32, #tpu.memory_space<vmem>>, vector<16xi32>,
      %parallel_loop3A_1106 = tpu.vector_load_idx %arg7[%parallel_loop3A_1105] : memref<100096xf32, #tpu.memory_space<vmem>>[vector<16xi32>], vector<16xf32>,
      %parallel_loop3A_1107 = arith.subf %parallel_loop3A_1106, %parallel_loop3A_1103 : vector<16xf32>
      %parallel_loop3A_1108 = arith.index_cast %parallel_loop3A_1100 : i32 to index
      %parallel_loop3A_1109 = tpu.vector_load %arg18[%parallel_loop3A_1108] {strides = array<i32>} : memref<2560xf32, #tpu.memory_space<vmem>>, vector<16xf32>,
      %parallel_loop3A_1110 = arith.divf %parallel_loop3A_1107, %parallel_loop3A_1109 : vector<16xf32>
      %parallel_loop3A_1111 = arith.index_cast %parallel_loop3A_1100 : i32 to index
      %parallel_loop3A_1112 = tpu.vector_load %arg19[%parallel_loop3A_1111] {strides = array<i32>} : memref<2560xf32, #tpu.memory_space<vmem>>, vector<16xf32>,
      tpu.vector_store %arg19[%parallel_loop3A_1111], %parallel_loop3A_1110 {strides = array<i32>} : memref<2560xf32, #tpu.memory_space<vmem>>, vector<16xf32>,
    } {sc.loop_unroll_factor = 5 : i64, sc.parallel_access}
    %add3A_509 = arith.constant 20480 : i32
    %add3A_510 = arith.addi %mul3A_2, %add3A_509 : i32
    %dma_start3A_511 = arith.constant 0 : i32
    %dma_start3A_512 = tpu.memref_slice %arg19[%dma_start3A_511] : memref<2560xf32, #tpu.memory_space<vmem>> -> memref<2560xf32, #tpu.memory_space<vmem>>
    %dma_start3A_513 = tpu.memref_slice %arg6[%add3A_510] : memref<1600000xf32, #tpu.memory_space<hbm>> -> memref<2560xf32, #tpu.memory_space<hbm>>
    %dma_start3A_514 = tpu.memref_slice %arg6[%add3A_510] : memref<1600000xf32, #tpu.memory_space<hbm>> -> memref<2560xf32, #tpu.memory_space<hbm>>
    %dma_start3A_515 = arith.constant 0 : i32
    %dma_start3A_516 = tpu.memref_slice %arg19[%dma_start3A_515] : memref<2560xf32, #tpu.memory_space<vmem>> -> memref<2560xf32, #tpu.memory_space<vmem>>
    tpu.enqueue_dma source(%dma_start3A_516 : memref<2560xf32, #tpu.memory_space<vmem>>) target(%dma_start3A_514 : memref<2560xf32, #tpu.memory_space<hbm>>) target_semaphore(%arg25 : memref<!tpu.dma_semaphore, #tpu.memory_space<semaphore_mem>>)
    %add3A_517 = arith.constant 28160 : i32
    %add3A_518 = arith.addi %mul3A_2, %add3A_517 : i32
    %dma_start3A_519 = arith.constant 0 : i32
    %dma_start3A_520 = tpu.memref_slice %arg16[%dma_start3A_519] : memref<2560xi32, #tpu.memory_space<vmem>> -> memref<2560xi32, #tpu.memory_space<vmem>>
    %dma_start3A_521 = tpu.memref_slice %arg3[%add3A_518] : memref<1600000xi32, #tpu.memory_space<hbm>> -> memref<2560xi32, #tpu.memory_space<hbm>>
    %dma_start3A_522 = arith.constant 0 : i32
    %dma_start3A_523 = tpu.memref_slice %arg16[%dma_start3A_522] : memref<2560xi32, #tpu.memory_space<vmem>> -> memref<2560xi32, #tpu.memory_space<vmem>>
    %dma_start3A_524 = tpu.memref_slice %arg3[%add3A_518] : memref<1600000xi32, #tpu.memory_space<hbm>> -> memref<2560xi32, #tpu.memory_space<hbm>>
    tpu.enqueue_dma source(%dma_start3A_524 : memref<2560xi32, #tpu.memory_space<hbm>>) target(%dma_start3A_523 : memref<2560xi32, #tpu.memory_space<vmem>>) target_semaphore(%arg24 : memref<!tpu.dma_semaphore, #tpu.memory_space<semaphore_mem>>)
    %dma_start3A_525 = arith.constant 0 : i32
    %dma_start3A_526 = tpu.memref_slice %arg17[%dma_start3A_525] : memref<2560xi32, #tpu.memory_space<vmem>> -> memref<2560xi32, #tpu.memory_space<vmem>>
    %dma_start3A_527 = tpu.memref_slice %arg4[%add3A_518] : memref<1600000xi32, #tpu.memory_space<hbm>> -> memref<2560xi32, #tpu.memory_space<hbm>>
    %dma_start3A_528 = arith.constant 0 : i32
    %dma_start3A_529 = tpu.memref_slice %arg17[%dma_start3A_528] : memref<2560xi32, #tpu.memory_space<vmem>> -> memref<2560xi32, #tpu.memory_space<vmem>>
    %dma_start3A_530 = tpu.memref_slice %arg4[%add3A_518] : memref<1600000xi32, #tpu.memory_space<hbm>> -> memref<2560xi32, #tpu.memory_space<hbm>>
    tpu.enqueue_dma source(%dma_start3A_530 : memref<2560xi32, #tpu.memory_space<hbm>>) target(%dma_start3A_529 : memref<2560xi32, #tpu.memory_space<vmem>>) target_semaphore(%arg24 : memref<!tpu.dma_semaphore, #tpu.memory_space<semaphore_mem>>)
    %dma_start3A_531 = arith.constant 0 : i32
    %dma_start3A_532 = tpu.memref_slice %arg18[%dma_start3A_531] : memref<2560xf32, #tpu.memory_space<vmem>> -> memref<2560xf32, #tpu.memory_space<vmem>>
    %dma_start3A_533 = tpu.memref_slice %arg5[%add3A_518] : memref<1600000xf32, #tpu.memory_space<hbm>> -> memref<2560xf32, #tpu.memory_space<hbm>>
    %dma_start3A_534 = arith.constant 0 : i32
    %dma_start3A_535 = tpu.memref_slice %arg18[%dma_start3A_534] : memref<2560xf32, #tpu.memory_space<vmem>> -> memref<2560xf32, #tpu.memory_space<vmem>>
    %dma_start3A_536 = tpu.memref_slice %arg5[%add3A_518] : memref<1600000xf32, #tpu.memory_space<hbm>> -> memref<2560xf32, #tpu.memory_space<hbm>>
    tpu.enqueue_dma source(%dma_start3A_536 : memref<2560xf32, #tpu.memory_space<hbm>>) target(%dma_start3A_535 : memref<2560xf32, #tpu.memory_space<vmem>>) target_semaphore(%arg24 : memref<!tpu.dma_semaphore, #tpu.memory_space<semaphore_mem>>)
    %dma_wait3A_537 = arith.constant 0 : i32
    %dma_wait3A_538 = tpu.memref_slice %arg8[%dma_wait3A_537] : memref<2560xi32, #tpu.memory_space<vmem>> -> memref<2560xi32, #tpu.memory_space<vmem>>
    %dma_wait3A_539 = tpu.memref_slice %arg3[%add3A_408] : memref<1600000xi32, #tpu.memory_space<hbm>> -> memref<2560xi32, #tpu.memory_space<hbm>>
    %dma_wait3A_540 = arith.constant 0 : i32
    %dma_wait3A_541 = tpu.memref_slice %arg8[%dma_wait3A_540] : memref<2560xi32, #tpu.memory_space<vmem>> -> memref<2560xi32, #tpu.memory_space<vmem>>
    %dma_wait3A_542 = tpu.memref_slice %arg3[%add3A_408] : memref<1600000xi32, #tpu.memory_space<hbm>> -> memref<2560xi32, #tpu.memory_space<hbm>>
    tpu.wait_dma2 semaphore(%arg20 : memref<!tpu.dma_semaphore, #tpu.memory_space<semaphore_mem>>) src(%dma_wait3A_542 : memref<2560xi32, #tpu.memory_space<hbm>>) dst(%dma_wait3A_541 : memref<2560xi32, #tpu.memory_space<vmem>>)
    %dma_wait3A_543 = arith.constant 0 : i32
    %dma_wait3A_544 = tpu.memref_slice %arg9[%dma_wait3A_543] : memref<2560xi32, #tpu.memory_space<vmem>> -> memref<2560xi32, #tpu.memory_space<vmem>>
    %dma_wait3A_545 = tpu.memref_slice %arg4[%add3A_408] : memref<1600000xi32, #tpu.memory_space<hbm>> -> memref<2560xi32, #tpu.memory_space<hbm>>
    %dma_wait3A_546 = arith.constant 0 : i32
    %dma_wait3A_547 = tpu.memref_slice %arg9[%dma_wait3A_546] : memref<2560xi32, #tpu.memory_space<vmem>> -> memref<2560xi32, #tpu.memory_space<vmem>>
    %dma_wait3A_548 = tpu.memref_slice %arg4[%add3A_408] : memref<1600000xi32, #tpu.memory_space<hbm>> -> memref<2560xi32, #tpu.memory_space<hbm>>
    tpu.wait_dma2 semaphore(%arg20 : memref<!tpu.dma_semaphore, #tpu.memory_space<semaphore_mem>>) src(%dma_wait3A_548 : memref<2560xi32, #tpu.memory_space<hbm>>) dst(%dma_wait3A_547 : memref<2560xi32, #tpu.memory_space<vmem>>)
    %dma_wait3A_549 = arith.constant 0 : i32
    %dma_wait3A_550 = tpu.memref_slice %arg10[%dma_wait3A_549] : memref<2560xf32, #tpu.memory_space<vmem>> -> memref<2560xf32, #tpu.memory_space<vmem>>
    %dma_wait3A_551 = tpu.memref_slice %arg5[%add3A_408] : memref<1600000xf32, #tpu.memory_space<hbm>> -> memref<2560xf32, #tpu.memory_space<hbm>>
    %dma_wait3A_552 = arith.constant 0 : i32
    %dma_wait3A_553 = tpu.memref_slice %arg10[%dma_wait3A_552] : memref<2560xf32, #tpu.memory_space<vmem>> -> memref<2560xf32, #tpu.memory_space<vmem>>
    %dma_wait3A_554 = tpu.memref_slice %arg5[%add3A_408] : memref<1600000xf32, #tpu.memory_space<hbm>> -> memref<2560xf32, #tpu.memory_space<hbm>>
    tpu.wait_dma2 semaphore(%arg20 : memref<!tpu.dma_semaphore, #tpu.memory_space<semaphore_mem>>) src(%dma_wait3A_554 : memref<2560xf32, #tpu.memory_space<hbm>>) dst(%dma_wait3A_553 : memref<2560xf32, #tpu.memory_space<vmem>>)
    %dma_wait3A_555 = arith.constant 0 : i32
    %dma_wait3A_556 = tpu.memref_slice %arg11[%dma_wait3A_555] : memref<2560xf32, #tpu.memory_space<vmem>> -> memref<2560xf32, #tpu.memory_space<vmem>>
    %dma_wait3A_557 = tpu.memref_slice %arg6[%add3A_400] : memref<1600000xf32, #tpu.memory_space<hbm>> -> memref<2560xf32, #tpu.memory_space<hbm>>
    %dma_wait3A_558 = tpu.memref_slice %arg6[%add3A_400] : memref<1600000xf32, #tpu.memory_space<hbm>> -> memref<2560xf32, #tpu.memory_space<hbm>>
    %dma_wait3A_559 = arith.constant 0 : i32
    %dma_wait3A_560 = tpu.memref_slice %arg11[%dma_wait3A_559] : memref<2560xf32, #tpu.memory_space<vmem>> -> memref<2560xf32, #tpu.memory_space<vmem>>
    tpu.wait_dma2 semaphore(%arg21 : memref<!tpu.dma_semaphore, #tpu.memory_space<semaphore_mem>>) src(%dma_wait3A_560 : memref<2560xf32, #tpu.memory_space<vmem>>) dst(%dma_wait3A_558 : memref<2560xf32, #tpu.memory_space<hbm>>)
    %parallel_loop3A_561 = arith.constant 0 : i32
    %parallel_loop3A_562 = arith.constant 2560 : i32
    %parallel_loop3A_563 = arith.constant 16 : i32
    scf.for %parallel_loop3A_1100 = %parallel_loop3A_561 to %parallel_loop3A_562 step %parallel_loop3A_563  : i32 {
      %parallel_loop3A_1101 = arith.index_cast %parallel_loop3A_1100 : i32 to index
      %parallel_loop3A_1102 = tpu.vector_load %arg8[%parallel_loop3A_1101] {strides = array<i32>} : memref<2560xi32, #tpu.memory_space<vmem>>, vector<16xi32>,
      %parallel_loop3A_1103 = tpu.vector_load_idx %arg7[%parallel_loop3A_1102] : memref<100096xf32, #tpu.memory_space<vmem>>[vector<16xi32>], vector<16xf32>,
      %parallel_loop3A_1104 = arith.index_cast %parallel_loop3A_1100 : i32 to index
      %parallel_loop3A_1105 = tpu.vector_load %arg9[%parallel_loop3A_1104] {strides = array<i32>} : memref<2560xi32, #tpu.memory_space<vmem>>, vector<16xi32>,
      %parallel_loop3A_1106 = tpu.vector_load_idx %arg7[%parallel_loop3A_1105] : memref<100096xf32, #tpu.memory_space<vmem>>[vector<16xi32>], vector<16xf32>,
      %parallel_loop3A_1107 = arith.subf %parallel_loop3A_1106, %parallel_loop3A_1103 : vector<16xf32>
      %parallel_loop3A_1108 = arith.index_cast %parallel_loop3A_1100 : i32 to index
      %parallel_loop3A_1109 = tpu.vector_load %arg10[%parallel_loop3A_1108] {strides = array<i32>} : memref<2560xf32, #tpu.memory_space<vmem>>, vector<16xf32>,
      %parallel_loop3A_1110 = arith.divf %parallel_loop3A_1107, %parallel_loop3A_1109 : vector<16xf32>
      %parallel_loop3A_1111 = arith.index_cast %parallel_loop3A_1100 : i32 to index
      %parallel_loop3A_1112 = tpu.vector_load %arg11[%parallel_loop3A_1111] {strides = array<i32>} : memref<2560xf32, #tpu.memory_space<vmem>>, vector<16xf32>,
      tpu.vector_store %arg11[%parallel_loop3A_1111], %parallel_loop3A_1110 {strides = array<i32>} : memref<2560xf32, #tpu.memory_space<vmem>>, vector<16xf32>,
    } {sc.loop_unroll_factor = 5 : i64, sc.parallel_access}
    %add3A_564 = arith.constant 23040 : i32
    %add3A_565 = arith.addi %mul3A_2, %add3A_564 : i32
    %dma_start3A_566 = arith.constant 0 : i32
    %dma_start3A_567 = tpu.memref_slice %arg11[%dma_start3A_566] : memref<2560xf32, #tpu.memory_space<vmem>> -> memref<2560xf32, #tpu.memory_space<vmem>>
    %dma_start3A_568 = tpu.memref_slice %arg6[%add3A_565] : memref<1600000xf32, #tpu.memory_space<hbm>> -> memref<2560xf32, #tpu.memory_space<hbm>>
    %dma_start3A_569 = tpu.memref_slice %arg6[%add3A_565] : memref<1600000xf32, #tpu.memory_space<hbm>> -> memref<2560xf32, #tpu.memory_space<hbm>>
    %dma_start3A_570 = arith.constant 0 : i32
    %dma_start3A_571 = tpu.memref_slice %arg11[%dma_start3A_570] : memref<2560xf32, #tpu.memory_space<vmem>> -> memref<2560xf32, #tpu.memory_space<vmem>>
    tpu.enqueue_dma source(%dma_start3A_571 : memref<2560xf32, #tpu.memory_space<vmem>>) target(%dma_start3A_569 : memref<2560xf32, #tpu.memory_space<hbm>>) target_semaphore(%arg21 : memref<!tpu.dma_semaphore, #tpu.memory_space<semaphore_mem>>)
    %add3A_572 = arith.constant 30720 : i32
    %add3A_573 = arith.addi %mul3A_2, %add3A_572 : i32
    %dma_start3A_574 = arith.constant 0 : i32
    %dma_start3A_575 = tpu.memref_slice %arg8[%dma_start3A_574] : memref<2560xi32, #tpu.memory_space<vmem>> -> memref<2560xi32, #tpu.memory_space<vmem>>
    %dma_start3A_576 = tpu.memref_slice %arg3[%add3A_573] : memref<1600000xi32, #tpu.memory_space<hbm>> -> memref<2560xi32, #tpu.memory_space<hbm>>
    %dma_start3A_577 = arith.constant 0 : i32
    %dma_start3A_578 = tpu.memref_slice %arg8[%dma_start3A_577] : memref<2560xi32, #tpu.memory_space<vmem>> -> memref<2560xi32, #tpu.memory_space<vmem>>
    %dma_start3A_579 = tpu.memref_slice %arg3[%add3A_573] : memref<1600000xi32, #tpu.memory_space<hbm>> -> memref<2560xi32, #tpu.memory_space<hbm>>
    tpu.enqueue_dma source(%dma_start3A_579 : memref<2560xi32, #tpu.memory_space<hbm>>) target(%dma_start3A_578 : memref<2560xi32, #tpu.memory_space<vmem>>) target_semaphore(%arg20 : memref<!tpu.dma_semaphore, #tpu.memory_space<semaphore_mem>>)
    %dma_start3A_580 = arith.constant 0 : i32
    %dma_start3A_581 = tpu.memref_slice %arg9[%dma_start3A_580] : memref<2560xi32, #tpu.memory_space<vmem>> -> memref<2560xi32, #tpu.memory_space<vmem>>
    %dma_start3A_582 = tpu.memref_slice %arg4[%add3A_573] : memref<1600000xi32, #tpu.memory_space<hbm>> -> memref<2560xi32, #tpu.memory_space<hbm>>
    %dma_start3A_583 = arith.constant 0 : i32
    %dma_start3A_584 = tpu.memref_slice %arg9[%dma_start3A_583] : memref<2560xi32, #tpu.memory_space<vmem>> -> memref<2560xi32, #tpu.memory_space<vmem>>
    %dma_start3A_585 = tpu.memref_slice %arg4[%add3A_573] : memref<1600000xi32, #tpu.memory_space<hbm>> -> memref<2560xi32, #tpu.memory_space<hbm>>
    tpu.enqueue_dma source(%dma_start3A_585 : memref<2560xi32, #tpu.memory_space<hbm>>) target(%dma_start3A_584 : memref<2560xi32, #tpu.memory_space<vmem>>) target_semaphore(%arg20 : memref<!tpu.dma_semaphore, #tpu.memory_space<semaphore_mem>>)
    %dma_start3A_586 = arith.constant 0 : i32
    %dma_start3A_587 = tpu.memref_slice %arg10[%dma_start3A_586] : memref<2560xf32, #tpu.memory_space<vmem>> -> memref<2560xf32, #tpu.memory_space<vmem>>
    %dma_start3A_588 = tpu.memref_slice %arg5[%add3A_573] : memref<1600000xf32, #tpu.memory_space<hbm>> -> memref<2560xf32, #tpu.memory_space<hbm>>
    %dma_start3A_589 = arith.constant 0 : i32
    %dma_start3A_590 = tpu.memref_slice %arg10[%dma_start3A_589] : memref<2560xf32, #tpu.memory_space<vmem>> -> memref<2560xf32, #tpu.memory_space<vmem>>
    %dma_start3A_591 = tpu.memref_slice %arg5[%add3A_573] : memref<1600000xf32, #tpu.memory_space<hbm>> -> memref<2560xf32, #tpu.memory_space<hbm>>
    tpu.enqueue_dma source(%dma_start3A_591 : memref<2560xf32, #tpu.memory_space<hbm>>) target(%dma_start3A_590 : memref<2560xf32, #tpu.memory_space<vmem>>) target_semaphore(%arg20 : memref<!tpu.dma_semaphore, #tpu.memory_space<semaphore_mem>>)
    %dma_wait3A_592 = arith.constant 0 : i32
    %dma_wait3A_593 = tpu.memref_slice %arg12[%dma_wait3A_592] : memref<2560xi32, #tpu.memory_space<vmem>> -> memref<2560xi32, #tpu.memory_space<vmem>>
    %dma_wait3A_594 = tpu.memref_slice %arg3[%add3A_463] : memref<1600000xi32, #tpu.memory_space<hbm>> -> memref<2560xi32, #tpu.memory_space<hbm>>
    %dma_wait3A_595 = arith.constant 0 : i32
    %dma_wait3A_596 = tpu.memref_slice %arg12[%dma_wait3A_595] : memref<2560xi32, #tpu.memory_space<vmem>> -> memref<2560xi32, #tpu.memory_space<vmem>>
    %dma_wait3A_597 = tpu.memref_slice %arg3[%add3A_463] : memref<1600000xi32, #tpu.memory_space<hbm>> -> memref<2560xi32, #tpu.memory_space<hbm>>
    tpu.wait_dma2 semaphore(%arg22 : memref<!tpu.dma_semaphore, #tpu.memory_space<semaphore_mem>>) src(%dma_wait3A_597 : memref<2560xi32, #tpu.memory_space<hbm>>) dst(%dma_wait3A_596 : memref<2560xi32, #tpu.memory_space<vmem>>)
    %dma_wait3A_598 = arith.constant 0 : i32
    %dma_wait3A_599 = tpu.memref_slice %arg13[%dma_wait3A_598] : memref<2560xi32, #tpu.memory_space<vmem>> -> memref<2560xi32, #tpu.memory_space<vmem>>
    %dma_wait3A_600 = tpu.memref_slice %arg4[%add3A_463] : memref<1600000xi32, #tpu.memory_space<hbm>> -> memref<2560xi32, #tpu.memory_space<hbm>>
    %dma_wait3A_601 = arith.constant 0 : i32
    %dma_wait3A_602 = tpu.memref_slice %arg13[%dma_wait3A_601] : memref<2560xi32, #tpu.memory_space<vmem>> -> memref<2560xi32, #tpu.memory_space<vmem>>
    %dma_wait3A_603 = tpu.memref_slice %arg4[%add3A_463] : memref<1600000xi32, #tpu.memory_space<hbm>> -> memref<2560xi32, #tpu.memory_space<hbm>>
    tpu.wait_dma2 semaphore(%arg22 : memref<!tpu.dma_semaphore, #tpu.memory_space<semaphore_mem>>) src(%dma_wait3A_603 : memref<2560xi32, #tpu.memory_space<hbm>>) dst(%dma_wait3A_602 : memref<2560xi32, #tpu.memory_space<vmem>>)
    %dma_wait3A_604 = arith.constant 0 : i32
    %dma_wait3A_605 = tpu.memref_slice %arg14[%dma_wait3A_604] : memref<2560xf32, #tpu.memory_space<vmem>> -> memref<2560xf32, #tpu.memory_space<vmem>>
    %dma_wait3A_606 = tpu.memref_slice %arg5[%add3A_463] : memref<1600000xf32, #tpu.memory_space<hbm>> -> memref<2560xf32, #tpu.memory_space<hbm>>
    %dma_wait3A_607 = arith.constant 0 : i32
    %dma_wait3A_608 = tpu.memref_slice %arg14[%dma_wait3A_607] : memref<2560xf32, #tpu.memory_space<vmem>> -> memref<2560xf32, #tpu.memory_space<vmem>>
    %dma_wait3A_609 = tpu.memref_slice %arg5[%add3A_463] : memref<1600000xf32, #tpu.memory_space<hbm>> -> memref<2560xf32, #tpu.memory_space<hbm>>
    tpu.wait_dma2 semaphore(%arg22 : memref<!tpu.dma_semaphore, #tpu.memory_space<semaphore_mem>>) src(%dma_wait3A_609 : memref<2560xf32, #tpu.memory_space<hbm>>) dst(%dma_wait3A_608 : memref<2560xf32, #tpu.memory_space<vmem>>)
    %dma_wait3A_610 = arith.constant 0 : i32
    %dma_wait3A_611 = tpu.memref_slice %arg15[%dma_wait3A_610] : memref<2560xf32, #tpu.memory_space<vmem>> -> memref<2560xf32, #tpu.memory_space<vmem>>
    %dma_wait3A_612 = tpu.memref_slice %arg6[%add3A_455] : memref<1600000xf32, #tpu.memory_space<hbm>> -> memref<2560xf32, #tpu.memory_space<hbm>>
    %dma_wait3A_613 = tpu.memref_slice %arg6[%add3A_455] : memref<1600000xf32, #tpu.memory_space<hbm>> -> memref<2560xf32, #tpu.memory_space<hbm>>
    %dma_wait3A_614 = arith.constant 0 : i32
    %dma_wait3A_615 = tpu.memref_slice %arg15[%dma_wait3A_614] : memref<2560xf32, #tpu.memory_space<vmem>> -> memref<2560xf32, #tpu.memory_space<vmem>>
    tpu.wait_dma2 semaphore(%arg23 : memref<!tpu.dma_semaphore, #tpu.memory_space<semaphore_mem>>) src(%dma_wait3A_615 : memref<2560xf32, #tpu.memory_space<vmem>>) dst(%dma_wait3A_613 : memref<2560xf32, #tpu.memory_space<hbm>>)
    %parallel_loop3A_616 = arith.constant 0 : i32
    %parallel_loop3A_617 = arith.constant 2560 : i32
    %parallel_loop3A_618 = arith.constant 16 : i32
    scf.for %parallel_loop3A_1100 = %parallel_loop3A_616 to %parallel_loop3A_617 step %parallel_loop3A_618  : i32 {
      %parallel_loop3A_1101 = arith.index_cast %parallel_loop3A_1100 : i32 to index
      %parallel_loop3A_1102 = tpu.vector_load %arg12[%parallel_loop3A_1101] {strides = array<i32>} : memref<2560xi32, #tpu.memory_space<vmem>>, vector<16xi32>,
      %parallel_loop3A_1103 = tpu.vector_load_idx %arg7[%parallel_loop3A_1102] : memref<100096xf32, #tpu.memory_space<vmem>>[vector<16xi32>], vector<16xf32>,
      %parallel_loop3A_1104 = arith.index_cast %parallel_loop3A_1100 : i32 to index
      %parallel_loop3A_1105 = tpu.vector_load %arg13[%parallel_loop3A_1104] {strides = array<i32>} : memref<2560xi32, #tpu.memory_space<vmem>>, vector<16xi32>,
      %parallel_loop3A_1106 = tpu.vector_load_idx %arg7[%parallel_loop3A_1105] : memref<100096xf32, #tpu.memory_space<vmem>>[vector<16xi32>], vector<16xf32>,
      %parallel_loop3A_1107 = arith.subf %parallel_loop3A_1106, %parallel_loop3A_1103 : vector<16xf32>
      %parallel_loop3A_1108 = arith.index_cast %parallel_loop3A_1100 : i32 to index
      %parallel_loop3A_1109 = tpu.vector_load %arg14[%parallel_loop3A_1108] {strides = array<i32>} : memref<2560xf32, #tpu.memory_space<vmem>>, vector<16xf32>,
      %parallel_loop3A_1110 = arith.divf %parallel_loop3A_1107, %parallel_loop3A_1109 : vector<16xf32>
      %parallel_loop3A_1111 = arith.index_cast %parallel_loop3A_1100 : i32 to index
      %parallel_loop3A_1112 = tpu.vector_load %arg15[%parallel_loop3A_1111] {strides = array<i32>} : memref<2560xf32, #tpu.memory_space<vmem>>, vector<16xf32>,
      tpu.vector_store %arg15[%parallel_loop3A_1111], %parallel_loop3A_1110 {strides = array<i32>} : memref<2560xf32, #tpu.memory_space<vmem>>, vector<16xf32>,
    } {sc.loop_unroll_factor = 5 : i64, sc.parallel_access}
    %add3A_619 = arith.constant 25600 : i32
    %add3A_620 = arith.addi %mul3A_2, %add3A_619 : i32
    %dma_start3A_621 = arith.constant 0 : i32
    %dma_start3A_622 = tpu.memref_slice %arg15[%dma_start3A_621] : memref<2560xf32, #tpu.memory_space<vmem>> -> memref<2560xf32, #tpu.memory_space<vmem>>
    %dma_start3A_623 = tpu.memref_slice %arg6[%add3A_620] : memref<1600000xf32, #tpu.memory_space<hbm>> -> memref<2560xf32, #tpu.memory_space<hbm>>
    %dma_start3A_624 = tpu.memref_slice %arg6[%add3A_620] : memref<1600000xf32, #tpu.memory_space<hbm>> -> memref<2560xf32, #tpu.memory_space<hbm>>
    %dma_start3A_625 = arith.constant 0 : i32
    %dma_start3A_626 = tpu.memref_slice %arg15[%dma_start3A_625] : memref<2560xf32, #tpu.memory_space<vmem>> -> memref<2560xf32, #tpu.memory_space<vmem>>
    tpu.enqueue_dma source(%dma_start3A_626 : memref<2560xf32, #tpu.memory_space<vmem>>) target(%dma_start3A_624 : memref<2560xf32, #tpu.memory_space<hbm>>) target_semaphore(%arg23 : memref<!tpu.dma_semaphore, #tpu.memory_space<semaphore_mem>>)
    %add3A_627 = arith.constant 33280 : i32
    %add3A_628 = arith.addi %mul3A_2, %add3A_627 : i32
    %dma_start3A_629 = arith.constant 0 : i32
    %dma_start3A_630 = tpu.memref_slice %arg12[%dma_start3A_629] : memref<2560xi32, #tpu.memory_space<vmem>> -> memref<2560xi32, #tpu.memory_space<vmem>>
    %dma_start3A_631 = tpu.memref_slice %arg3[%add3A_628] : memref<1600000xi32, #tpu.memory_space<hbm>> -> memref<2560xi32, #tpu.memory_space<hbm>>
    %dma_start3A_632 = arith.constant 0 : i32
    %dma_start3A_633 = tpu.memref_slice %arg12[%dma_start3A_632] : memref<2560xi32, #tpu.memory_space<vmem>> -> memref<2560xi32, #tpu.memory_space<vmem>>
    %dma_start3A_634 = tpu.memref_slice %arg3[%add3A_628] : memref<1600000xi32, #tpu.memory_space<hbm>> -> memref<2560xi32, #tpu.memory_space<hbm>>
    tpu.enqueue_dma source(%dma_start3A_634 : memref<2560xi32, #tpu.memory_space<hbm>>) target(%dma_start3A_633 : memref<2560xi32, #tpu.memory_space<vmem>>) target_semaphore(%arg22 : memref<!tpu.dma_semaphore, #tpu.memory_space<semaphore_mem>>)
    %dma_start3A_635 = arith.constant 0 : i32
    %dma_start3A_636 = tpu.memref_slice %arg13[%dma_start3A_635] : memref<2560xi32, #tpu.memory_space<vmem>> -> memref<2560xi32, #tpu.memory_space<vmem>>
    %dma_start3A_637 = tpu.memref_slice %arg4[%add3A_628] : memref<1600000xi32, #tpu.memory_space<hbm>> -> memref<2560xi32, #tpu.memory_space<hbm>>
    %dma_start3A_638 = arith.constant 0 : i32
    %dma_start3A_639 = tpu.memref_slice %arg13[%dma_start3A_638] : memref<2560xi32, #tpu.memory_space<vmem>> -> memref<2560xi32, #tpu.memory_space<vmem>>
    %dma_start3A_640 = tpu.memref_slice %arg4[%add3A_628] : memref<1600000xi32, #tpu.memory_space<hbm>> -> memref<2560xi32, #tpu.memory_space<hbm>>
    tpu.enqueue_dma source(%dma_start3A_640 : memref<2560xi32, #tpu.memory_space<hbm>>) target(%dma_start3A_639 : memref<2560xi32, #tpu.memory_space<vmem>>) target_semaphore(%arg22 : memref<!tpu.dma_semaphore, #tpu.memory_space<semaphore_mem>>)
    %dma_start3A_641 = arith.constant 0 : i32
    %dma_start3A_642 = tpu.memref_slice %arg14[%dma_start3A_641] : memref<2560xf32, #tpu.memory_space<vmem>> -> memref<2560xf32, #tpu.memory_space<vmem>>
    %dma_start3A_643 = tpu.memref_slice %arg5[%add3A_628] : memref<1600000xf32, #tpu.memory_space<hbm>> -> memref<2560xf32, #tpu.memory_space<hbm>>
    %dma_start3A_644 = arith.constant 0 : i32
    %dma_start3A_645 = tpu.memref_slice %arg14[%dma_start3A_644] : memref<2560xf32, #tpu.memory_space<vmem>> -> memref<2560xf32, #tpu.memory_space<vmem>>
    %dma_start3A_646 = tpu.memref_slice %arg5[%add3A_628] : memref<1600000xf32, #tpu.memory_space<hbm>> -> memref<2560xf32, #tpu.memory_space<hbm>>
    tpu.enqueue_dma source(%dma_start3A_646 : memref<2560xf32, #tpu.memory_space<hbm>>) target(%dma_start3A_645 : memref<2560xf32, #tpu.memory_space<vmem>>) target_semaphore(%arg22 : memref<!tpu.dma_semaphore, #tpu.memory_space<semaphore_mem>>)
    %dma_wait3A_647 = arith.constant 0 : i32
    %dma_wait3A_648 = tpu.memref_slice %arg16[%dma_wait3A_647] : memref<2560xi32, #tpu.memory_space<vmem>> -> memref<2560xi32, #tpu.memory_space<vmem>>
    %dma_wait3A_649 = tpu.memref_slice %arg3[%add3A_518] : memref<1600000xi32, #tpu.memory_space<hbm>> -> memref<2560xi32, #tpu.memory_space<hbm>>
    %dma_wait3A_650 = arith.constant 0 : i32
    %dma_wait3A_651 = tpu.memref_slice %arg16[%dma_wait3A_650] : memref<2560xi32, #tpu.memory_space<vmem>> -> memref<2560xi32, #tpu.memory_space<vmem>>
    %dma_wait3A_652 = tpu.memref_slice %arg3[%add3A_518] : memref<1600000xi32, #tpu.memory_space<hbm>> -> memref<2560xi32, #tpu.memory_space<hbm>>
    tpu.wait_dma2 semaphore(%arg24 : memref<!tpu.dma_semaphore, #tpu.memory_space<semaphore_mem>>) src(%dma_wait3A_652 : memref<2560xi32, #tpu.memory_space<hbm>>) dst(%dma_wait3A_651 : memref<2560xi32, #tpu.memory_space<vmem>>)
    %dma_wait3A_653 = arith.constant 0 : i32
    %dma_wait3A_654 = tpu.memref_slice %arg17[%dma_wait3A_653] : memref<2560xi32, #tpu.memory_space<vmem>> -> memref<2560xi32, #tpu.memory_space<vmem>>
    %dma_wait3A_655 = tpu.memref_slice %arg4[%add3A_518] : memref<1600000xi32, #tpu.memory_space<hbm>> -> memref<2560xi32, #tpu.memory_space<hbm>>
    %dma_wait3A_656 = arith.constant 0 : i32
    %dma_wait3A_657 = tpu.memref_slice %arg17[%dma_wait3A_656] : memref<2560xi32, #tpu.memory_space<vmem>> -> memref<2560xi32, #tpu.memory_space<vmem>>
    %dma_wait3A_658 = tpu.memref_slice %arg4[%add3A_518] : memref<1600000xi32, #tpu.memory_space<hbm>> -> memref<2560xi32, #tpu.memory_space<hbm>>
    tpu.wait_dma2 semaphore(%arg24 : memref<!tpu.dma_semaphore, #tpu.memory_space<semaphore_mem>>) src(%dma_wait3A_658 : memref<2560xi32, #tpu.memory_space<hbm>>) dst(%dma_wait3A_657 : memref<2560xi32, #tpu.memory_space<vmem>>)
    %dma_wait3A_659 = arith.constant 0 : i32
    %dma_wait3A_660 = tpu.memref_slice %arg18[%dma_wait3A_659] : memref<2560xf32, #tpu.memory_space<vmem>> -> memref<2560xf32, #tpu.memory_space<vmem>>
    %dma_wait3A_661 = tpu.memref_slice %arg5[%add3A_518] : memref<1600000xf32, #tpu.memory_space<hbm>> -> memref<2560xf32, #tpu.memory_space<hbm>>
    %dma_wait3A_662 = arith.constant 0 : i32
    %dma_wait3A_663 = tpu.memref_slice %arg18[%dma_wait3A_662] : memref<2560xf32, #tpu.memory_space<vmem>> -> memref<2560xf32, #tpu.memory_space<vmem>>
    %dma_wait3A_664 = tpu.memref_slice %arg5[%add3A_518] : memref<1600000xf32, #tpu.memory_space<hbm>> -> memref<2560xf32, #tpu.memory_space<hbm>>
    tpu.wait_dma2 semaphore(%arg24 : memref<!tpu.dma_semaphore, #tpu.memory_space<semaphore_mem>>) src(%dma_wait3A_664 : memref<2560xf32, #tpu.memory_space<hbm>>) dst(%dma_wait3A_663 : memref<2560xf32, #tpu.memory_space<vmem>>)
    %dma_wait3A_665 = arith.constant 0 : i32
    %dma_wait3A_666 = tpu.memref_slice %arg19[%dma_wait3A_665] : memref<2560xf32, #tpu.memory_space<vmem>> -> memref<2560xf32, #tpu.memory_space<vmem>>
    %dma_wait3A_667 = tpu.memref_slice %arg6[%add3A_510] : memref<1600000xf32, #tpu.memory_space<hbm>> -> memref<2560xf32, #tpu.memory_space<hbm>>
    %dma_wait3A_668 = tpu.memref_slice %arg6[%add3A_510] : memref<1600000xf32, #tpu.memory_space<hbm>> -> memref<2560xf32, #tpu.memory_space<hbm>>
    %dma_wait3A_669 = arith.constant 0 : i32
    %dma_wait3A_670 = tpu.memref_slice %arg19[%dma_wait3A_669] : memref<2560xf32, #tpu.memory_space<vmem>> -> memref<2560xf32, #tpu.memory_space<vmem>>
    tpu.wait_dma2 semaphore(%arg25 : memref<!tpu.dma_semaphore, #tpu.memory_space<semaphore_mem>>) src(%dma_wait3A_670 : memref<2560xf32, #tpu.memory_space<vmem>>) dst(%dma_wait3A_668 : memref<2560xf32, #tpu.memory_space<hbm>>)
    %parallel_loop3A_671 = arith.constant 0 : i32
    %parallel_loop3A_672 = arith.constant 2560 : i32
    %parallel_loop3A_673 = arith.constant 16 : i32
    scf.for %parallel_loop3A_1100 = %parallel_loop3A_671 to %parallel_loop3A_672 step %parallel_loop3A_673  : i32 {
      %parallel_loop3A_1101 = arith.index_cast %parallel_loop3A_1100 : i32 to index
      %parallel_loop3A_1102 = tpu.vector_load %arg16[%parallel_loop3A_1101] {strides = array<i32>} : memref<2560xi32, #tpu.memory_space<vmem>>, vector<16xi32>,
      %parallel_loop3A_1103 = tpu.vector_load_idx %arg7[%parallel_loop3A_1102] : memref<100096xf32, #tpu.memory_space<vmem>>[vector<16xi32>], vector<16xf32>,
      %parallel_loop3A_1104 = arith.index_cast %parallel_loop3A_1100 : i32 to index
      %parallel_loop3A_1105 = tpu.vector_load %arg17[%parallel_loop3A_1104] {strides = array<i32>} : memref<2560xi32, #tpu.memory_space<vmem>>, vector<16xi32>,
      %parallel_loop3A_1106 = tpu.vector_load_idx %arg7[%parallel_loop3A_1105] : memref<100096xf32, #tpu.memory_space<vmem>>[vector<16xi32>], vector<16xf32>,
      %parallel_loop3A_1107 = arith.subf %parallel_loop3A_1106, %parallel_loop3A_1103 : vector<16xf32>
      %parallel_loop3A_1108 = arith.index_cast %parallel_loop3A_1100 : i32 to index
      %parallel_loop3A_1109 = tpu.vector_load %arg18[%parallel_loop3A_1108] {strides = array<i32>} : memref<2560xf32, #tpu.memory_space<vmem>>, vector<16xf32>,
      %parallel_loop3A_1110 = arith.divf %parallel_loop3A_1107, %parallel_loop3A_1109 : vector<16xf32>
      %parallel_loop3A_1111 = arith.index_cast %parallel_loop3A_1100 : i32 to index
      %parallel_loop3A_1112 = tpu.vector_load %arg19[%parallel_loop3A_1111] {strides = array<i32>} : memref<2560xf32, #tpu.memory_space<vmem>>, vector<16xf32>,
      tpu.vector_store %arg19[%parallel_loop3A_1111], %parallel_loop3A_1110 {strides = array<i32>} : memref<2560xf32, #tpu.memory_space<vmem>>, vector<16xf32>,
    } {sc.loop_unroll_factor = 5 : i64, sc.parallel_access}
    %add3A_674 = arith.constant 28160 : i32
    %add3A_675 = arith.addi %mul3A_2, %add3A_674 : i32
    %dma_start3A_676 = arith.constant 0 : i32
    %dma_start3A_677 = tpu.memref_slice %arg19[%dma_start3A_676] : memref<2560xf32, #tpu.memory_space<vmem>> -> memref<2560xf32, #tpu.memory_space<vmem>>
    %dma_start3A_678 = tpu.memref_slice %arg6[%add3A_675] : memref<1600000xf32, #tpu.memory_space<hbm>> -> memref<2560xf32, #tpu.memory_space<hbm>>
    %dma_start3A_679 = tpu.memref_slice %arg6[%add3A_675] : memref<1600000xf32, #tpu.memory_space<hbm>> -> memref<2560xf32, #tpu.memory_space<hbm>>
    %dma_start3A_680 = arith.constant 0 : i32
    %dma_start3A_681 = tpu.memref_slice %arg19[%dma_start3A_680] : memref<2560xf32, #tpu.memory_space<vmem>> -> memref<2560xf32, #tpu.memory_space<vmem>>
    tpu.enqueue_dma source(%dma_start3A_681 : memref<2560xf32, #tpu.memory_space<vmem>>) target(%dma_start3A_679 : memref<2560xf32, #tpu.memory_space<hbm>>) target_semaphore(%arg25 : memref<!tpu.dma_semaphore, #tpu.memory_space<semaphore_mem>>)
    %add3A_682 = arith.constant 35840 : i32
    %add3A_683 = arith.addi %mul3A_2, %add3A_682 : i32
    %dma_start3A_684 = arith.constant 0 : i32
    %dma_start3A_685 = tpu.memref_slice %arg16[%dma_start3A_684] : memref<2560xi32, #tpu.memory_space<vmem>> -> memref<2560xi32, #tpu.memory_space<vmem>>
    %dma_start3A_686 = tpu.memref_slice %arg3[%add3A_683] : memref<1600000xi32, #tpu.memory_space<hbm>> -> memref<2560xi32, #tpu.memory_space<hbm>>
    %dma_start3A_687 = arith.constant 0 : i32
    %dma_start3A_688 = tpu.memref_slice %arg16[%dma_start3A_687] : memref<2560xi32, #tpu.memory_space<vmem>> -> memref<2560xi32, #tpu.memory_space<vmem>>
    %dma_start3A_689 = tpu.memref_slice %arg3[%add3A_683] : memref<1600000xi32, #tpu.memory_space<hbm>> -> memref<2560xi32, #tpu.memory_space<hbm>>
    tpu.enqueue_dma source(%dma_start3A_689 : memref<2560xi32, #tpu.memory_space<hbm>>) target(%dma_start3A_688 : memref<2560xi32, #tpu.memory_space<vmem>>) target_semaphore(%arg24 : memref<!tpu.dma_semaphore, #tpu.memory_space<semaphore_mem>>)
    %dma_start3A_690 = arith.constant 0 : i32
    %dma_start3A_691 = tpu.memref_slice %arg17[%dma_start3A_690] : memref<2560xi32, #tpu.memory_space<vmem>> -> memref<2560xi32, #tpu.memory_space<vmem>>
    %dma_start3A_692 = tpu.memref_slice %arg4[%add3A_683] : memref<1600000xi32, #tpu.memory_space<hbm>> -> memref<2560xi32, #tpu.memory_space<hbm>>
    %dma_start3A_693 = arith.constant 0 : i32
    %dma_start3A_694 = tpu.memref_slice %arg17[%dma_start3A_693] : memref<2560xi32, #tpu.memory_space<vmem>> -> memref<2560xi32, #tpu.memory_space<vmem>>
    %dma_start3A_695 = tpu.memref_slice %arg4[%add3A_683] : memref<1600000xi32, #tpu.memory_space<hbm>> -> memref<2560xi32, #tpu.memory_space<hbm>>
    tpu.enqueue_dma source(%dma_start3A_695 : memref<2560xi32, #tpu.memory_space<hbm>>) target(%dma_start3A_694 : memref<2560xi32, #tpu.memory_space<vmem>>) target_semaphore(%arg24 : memref<!tpu.dma_semaphore, #tpu.memory_space<semaphore_mem>>)
    %dma_start3A_696 = arith.constant 0 : i32
    %dma_start3A_697 = tpu.memref_slice %arg18[%dma_start3A_696] : memref<2560xf32, #tpu.memory_space<vmem>> -> memref<2560xf32, #tpu.memory_space<vmem>>
    %dma_start3A_698 = tpu.memref_slice %arg5[%add3A_683] : memref<1600000xf32, #tpu.memory_space<hbm>> -> memref<2560xf32, #tpu.memory_space<hbm>>
    %dma_start3A_699 = arith.constant 0 : i32
    %dma_start3A_700 = tpu.memref_slice %arg18[%dma_start3A_699] : memref<2560xf32, #tpu.memory_space<vmem>> -> memref<2560xf32, #tpu.memory_space<vmem>>
    %dma_start3A_701 = tpu.memref_slice %arg5[%add3A_683] : memref<1600000xf32, #tpu.memory_space<hbm>> -> memref<2560xf32, #tpu.memory_space<hbm>>
    tpu.enqueue_dma source(%dma_start3A_701 : memref<2560xf32, #tpu.memory_space<hbm>>) target(%dma_start3A_700 : memref<2560xf32, #tpu.memory_space<vmem>>) target_semaphore(%arg24 : memref<!tpu.dma_semaphore, #tpu.memory_space<semaphore_mem>>)
    %dma_wait3A_702 = arith.constant 0 : i32
    %dma_wait3A_703 = tpu.memref_slice %arg8[%dma_wait3A_702] : memref<2560xi32, #tpu.memory_space<vmem>> -> memref<2560xi32, #tpu.memory_space<vmem>>
    %dma_wait3A_704 = tpu.memref_slice %arg3[%add3A_573] : memref<1600000xi32, #tpu.memory_space<hbm>> -> memref<2560xi32, #tpu.memory_space<hbm>>
    %dma_wait3A_705 = arith.constant 0 : i32
    %dma_wait3A_706 = tpu.memref_slice %arg8[%dma_wait3A_705] : memref<2560xi32, #tpu.memory_space<vmem>> -> memref<2560xi32, #tpu.memory_space<vmem>>
    %dma_wait3A_707 = tpu.memref_slice %arg3[%add3A_573] : memref<1600000xi32, #tpu.memory_space<hbm>> -> memref<2560xi32, #tpu.memory_space<hbm>>
    tpu.wait_dma2 semaphore(%arg20 : memref<!tpu.dma_semaphore, #tpu.memory_space<semaphore_mem>>) src(%dma_wait3A_707 : memref<2560xi32, #tpu.memory_space<hbm>>) dst(%dma_wait3A_706 : memref<2560xi32, #tpu.memory_space<vmem>>)
    %dma_wait3A_708 = arith.constant 0 : i32
    %dma_wait3A_709 = tpu.memref_slice %arg9[%dma_wait3A_708] : memref<2560xi32, #tpu.memory_space<vmem>> -> memref<2560xi32, #tpu.memory_space<vmem>>
    %dma_wait3A_710 = tpu.memref_slice %arg4[%add3A_573] : memref<1600000xi32, #tpu.memory_space<hbm>> -> memref<2560xi32, #tpu.memory_space<hbm>>
    %dma_wait3A_711 = arith.constant 0 : i32
    %dma_wait3A_712 = tpu.memref_slice %arg9[%dma_wait3A_711] : memref<2560xi32, #tpu.memory_space<vmem>> -> memref<2560xi32, #tpu.memory_space<vmem>>
    %dma_wait3A_713 = tpu.memref_slice %arg4[%add3A_573] : memref<1600000xi32, #tpu.memory_space<hbm>> -> memref<2560xi32, #tpu.memory_space<hbm>>
    tpu.wait_dma2 semaphore(%arg20 : memref<!tpu.dma_semaphore, #tpu.memory_space<semaphore_mem>>) src(%dma_wait3A_713 : memref<2560xi32, #tpu.memory_space<hbm>>) dst(%dma_wait3A_712 : memref<2560xi32, #tpu.memory_space<vmem>>)
    %dma_wait3A_714 = arith.constant 0 : i32
    %dma_wait3A_715 = tpu.memref_slice %arg10[%dma_wait3A_714] : memref<2560xf32, #tpu.memory_space<vmem>> -> memref<2560xf32, #tpu.memory_space<vmem>>
    %dma_wait3A_716 = tpu.memref_slice %arg5[%add3A_573] : memref<1600000xf32, #tpu.memory_space<hbm>> -> memref<2560xf32, #tpu.memory_space<hbm>>
    %dma_wait3A_717 = arith.constant 0 : i32
    %dma_wait3A_718 = tpu.memref_slice %arg10[%dma_wait3A_717] : memref<2560xf32, #tpu.memory_space<vmem>> -> memref<2560xf32, #tpu.memory_space<vmem>>
    %dma_wait3A_719 = tpu.memref_slice %arg5[%add3A_573] : memref<1600000xf32, #tpu.memory_space<hbm>> -> memref<2560xf32, #tpu.memory_space<hbm>>
    tpu.wait_dma2 semaphore(%arg20 : memref<!tpu.dma_semaphore, #tpu.memory_space<semaphore_mem>>) src(%dma_wait3A_719 : memref<2560xf32, #tpu.memory_space<hbm>>) dst(%dma_wait3A_718 : memref<2560xf32, #tpu.memory_space<vmem>>)
    %dma_wait3A_720 = arith.constant 0 : i32
    %dma_wait3A_721 = tpu.memref_slice %arg11[%dma_wait3A_720] : memref<2560xf32, #tpu.memory_space<vmem>> -> memref<2560xf32, #tpu.memory_space<vmem>>
    %dma_wait3A_722 = tpu.memref_slice %arg6[%add3A_565] : memref<1600000xf32, #tpu.memory_space<hbm>> -> memref<2560xf32, #tpu.memory_space<hbm>>
    %dma_wait3A_723 = tpu.memref_slice %arg6[%add3A_565] : memref<1600000xf32, #tpu.memory_space<hbm>> -> memref<2560xf32, #tpu.memory_space<hbm>>
    %dma_wait3A_724 = arith.constant 0 : i32
    %dma_wait3A_725 = tpu.memref_slice %arg11[%dma_wait3A_724] : memref<2560xf32, #tpu.memory_space<vmem>> -> memref<2560xf32, #tpu.memory_space<vmem>>
    tpu.wait_dma2 semaphore(%arg21 : memref<!tpu.dma_semaphore, #tpu.memory_space<semaphore_mem>>) src(%dma_wait3A_725 : memref<2560xf32, #tpu.memory_space<vmem>>) dst(%dma_wait3A_723 : memref<2560xf32, #tpu.memory_space<hbm>>)
    %parallel_loop3A_726 = arith.constant 0 : i32
    %parallel_loop3A_727 = arith.constant 2560 : i32
    %parallel_loop3A_728 = arith.constant 16 : i32
    scf.for %parallel_loop3A_1100 = %parallel_loop3A_726 to %parallel_loop3A_727 step %parallel_loop3A_728  : i32 {
      %parallel_loop3A_1101 = arith.index_cast %parallel_loop3A_1100 : i32 to index
      %parallel_loop3A_1102 = tpu.vector_load %arg8[%parallel_loop3A_1101] {strides = array<i32>} : memref<2560xi32, #tpu.memory_space<vmem>>, vector<16xi32>,
      %parallel_loop3A_1103 = tpu.vector_load_idx %arg7[%parallel_loop3A_1102] : memref<100096xf32, #tpu.memory_space<vmem>>[vector<16xi32>], vector<16xf32>,
      %parallel_loop3A_1104 = arith.index_cast %parallel_loop3A_1100 : i32 to index
      %parallel_loop3A_1105 = tpu.vector_load %arg9[%parallel_loop3A_1104] {strides = array<i32>} : memref<2560xi32, #tpu.memory_space<vmem>>, vector<16xi32>,
      %parallel_loop3A_1106 = tpu.vector_load_idx %arg7[%parallel_loop3A_1105] : memref<100096xf32, #tpu.memory_space<vmem>>[vector<16xi32>], vector<16xf32>,
      %parallel_loop3A_1107 = arith.subf %parallel_loop3A_1106, %parallel_loop3A_1103 : vector<16xf32>
      %parallel_loop3A_1108 = arith.index_cast %parallel_loop3A_1100 : i32 to index
      %parallel_loop3A_1109 = tpu.vector_load %arg10[%parallel_loop3A_1108] {strides = array<i32>} : memref<2560xf32, #tpu.memory_space<vmem>>, vector<16xf32>,
      %parallel_loop3A_1110 = arith.divf %parallel_loop3A_1107, %parallel_loop3A_1109 : vector<16xf32>
      %parallel_loop3A_1111 = arith.index_cast %parallel_loop3A_1100 : i32 to index
      %parallel_loop3A_1112 = tpu.vector_load %arg11[%parallel_loop3A_1111] {strides = array<i32>} : memref<2560xf32, #tpu.memory_space<vmem>>, vector<16xf32>,
      tpu.vector_store %arg11[%parallel_loop3A_1111], %parallel_loop3A_1110 {strides = array<i32>} : memref<2560xf32, #tpu.memory_space<vmem>>, vector<16xf32>,
    } {sc.loop_unroll_factor = 5 : i64, sc.parallel_access}
    %add3A_729 = arith.constant 30720 : i32
    %add3A_730 = arith.addi %mul3A_2, %add3A_729 : i32
    %dma_start3A_731 = arith.constant 0 : i32
    %dma_start3A_732 = tpu.memref_slice %arg11[%dma_start3A_731] : memref<2560xf32, #tpu.memory_space<vmem>> -> memref<2560xf32, #tpu.memory_space<vmem>>
    %dma_start3A_733 = tpu.memref_slice %arg6[%add3A_730] : memref<1600000xf32, #tpu.memory_space<hbm>> -> memref<2560xf32, #tpu.memory_space<hbm>>
    %dma_start3A_734 = tpu.memref_slice %arg6[%add3A_730] : memref<1600000xf32, #tpu.memory_space<hbm>> -> memref<2560xf32, #tpu.memory_space<hbm>>
    %dma_start3A_735 = arith.constant 0 : i32
    %dma_start3A_736 = tpu.memref_slice %arg11[%dma_start3A_735] : memref<2560xf32, #tpu.memory_space<vmem>> -> memref<2560xf32, #tpu.memory_space<vmem>>
    tpu.enqueue_dma source(%dma_start3A_736 : memref<2560xf32, #tpu.memory_space<vmem>>) target(%dma_start3A_734 : memref<2560xf32, #tpu.memory_space<hbm>>) target_semaphore(%arg21 : memref<!tpu.dma_semaphore, #tpu.memory_space<semaphore_mem>>)
    %add3A_737 = arith.constant 38400 : i32
    %add3A_738 = arith.addi %mul3A_2, %add3A_737 : i32
    %dma_start3A_739 = arith.constant 0 : i32
    %dma_start3A_740 = tpu.memref_slice %arg8[%dma_start3A_739] : memref<2560xi32, #tpu.memory_space<vmem>> -> memref<2560xi32, #tpu.memory_space<vmem>>
    %dma_start3A_741 = tpu.memref_slice %arg3[%add3A_738] : memref<1600000xi32, #tpu.memory_space<hbm>> -> memref<2560xi32, #tpu.memory_space<hbm>>
    %dma_start3A_742 = arith.constant 0 : i32
    %dma_start3A_743 = tpu.memref_slice %arg8[%dma_start3A_742] : memref<2560xi32, #tpu.memory_space<vmem>> -> memref<2560xi32, #tpu.memory_space<vmem>>
    %dma_start3A_744 = tpu.memref_slice %arg3[%add3A_738] : memref<1600000xi32, #tpu.memory_space<hbm>> -> memref<2560xi32, #tpu.memory_space<hbm>>
    tpu.enqueue_dma source(%dma_start3A_744 : memref<2560xi32, #tpu.memory_space<hbm>>) target(%dma_start3A_743 : memref<2560xi32, #tpu.memory_space<vmem>>) target_semaphore(%arg20 : memref<!tpu.dma_semaphore, #tpu.memory_space<semaphore_mem>>)
    %dma_start3A_745 = arith.constant 0 : i32
    %dma_start3A_746 = tpu.memref_slice %arg9[%dma_start3A_745] : memref<2560xi32, #tpu.memory_space<vmem>> -> memref<2560xi32, #tpu.memory_space<vmem>>
    %dma_start3A_747 = tpu.memref_slice %arg4[%add3A_738] : memref<1600000xi32, #tpu.memory_space<hbm>> -> memref<2560xi32, #tpu.memory_space<hbm>>
    %dma_start3A_748 = arith.constant 0 : i32
    %dma_start3A_749 = tpu.memref_slice %arg9[%dma_start3A_748] : memref<2560xi32, #tpu.memory_space<vmem>> -> memref<2560xi32, #tpu.memory_space<vmem>>
    %dma_start3A_750 = tpu.memref_slice %arg4[%add3A_738] : memref<1600000xi32, #tpu.memory_space<hbm>> -> memref<2560xi32, #tpu.memory_space<hbm>>
    tpu.enqueue_dma source(%dma_start3A_750 : memref<2560xi32, #tpu.memory_space<hbm>>) target(%dma_start3A_749 : memref<2560xi32, #tpu.memory_space<vmem>>) target_semaphore(%arg20 : memref<!tpu.dma_semaphore, #tpu.memory_space<semaphore_mem>>)
    %dma_start3A_751 = arith.constant 0 : i32
    %dma_start3A_752 = tpu.memref_slice %arg10[%dma_start3A_751] : memref<2560xf32, #tpu.memory_space<vmem>> -> memref<2560xf32, #tpu.memory_space<vmem>>
    %dma_start3A_753 = tpu.memref_slice %arg5[%add3A_738] : memref<1600000xf32, #tpu.memory_space<hbm>> -> memref<2560xf32, #tpu.memory_space<hbm>>
    %dma_start3A_754 = arith.constant 0 : i32
    %dma_start3A_755 = tpu.memref_slice %arg10[%dma_start3A_754] : memref<2560xf32, #tpu.memory_space<vmem>> -> memref<2560xf32, #tpu.memory_space<vmem>>
    %dma_start3A_756 = tpu.memref_slice %arg5[%add3A_738] : memref<1600000xf32, #tpu.memory_space<hbm>> -> memref<2560xf32, #tpu.memory_space<hbm>>
    tpu.enqueue_dma source(%dma_start3A_756 : memref<2560xf32, #tpu.memory_space<hbm>>) target(%dma_start3A_755 : memref<2560xf32, #tpu.memory_space<vmem>>) target_semaphore(%arg20 : memref<!tpu.dma_semaphore, #tpu.memory_space<semaphore_mem>>)
    %dma_wait3A_757 = arith.constant 0 : i32
    %dma_wait3A_758 = tpu.memref_slice %arg12[%dma_wait3A_757] : memref<2560xi32, #tpu.memory_space<vmem>> -> memref<2560xi32, #tpu.memory_space<vmem>>
    %dma_wait3A_759 = tpu.memref_slice %arg3[%add3A_628] : memref<1600000xi32, #tpu.memory_space<hbm>> -> memref<2560xi32, #tpu.memory_space<hbm>>
    %dma_wait3A_760 = arith.constant 0 : i32
    %dma_wait3A_761 = tpu.memref_slice %arg12[%dma_wait3A_760] : memref<2560xi32, #tpu.memory_space<vmem>> -> memref<2560xi32, #tpu.memory_space<vmem>>
    %dma_wait3A_762 = tpu.memref_slice %arg3[%add3A_628] : memref<1600000xi32, #tpu.memory_space<hbm>> -> memref<2560xi32, #tpu.memory_space<hbm>>
    tpu.wait_dma2 semaphore(%arg22 : memref<!tpu.dma_semaphore, #tpu.memory_space<semaphore_mem>>) src(%dma_wait3A_762 : memref<2560xi32, #tpu.memory_space<hbm>>) dst(%dma_wait3A_761 : memref<2560xi32, #tpu.memory_space<vmem>>)
    %dma_wait3A_763 = arith.constant 0 : i32
    %dma_wait3A_764 = tpu.memref_slice %arg13[%dma_wait3A_763] : memref<2560xi32, #tpu.memory_space<vmem>> -> memref<2560xi32, #tpu.memory_space<vmem>>
    %dma_wait3A_765 = tpu.memref_slice %arg4[%add3A_628] : memref<1600000xi32, #tpu.memory_space<hbm>> -> memref<2560xi32, #tpu.memory_space<hbm>>
    %dma_wait3A_766 = arith.constant 0 : i32
    %dma_wait3A_767 = tpu.memref_slice %arg13[%dma_wait3A_766] : memref<2560xi32, #tpu.memory_space<vmem>> -> memref<2560xi32, #tpu.memory_space<vmem>>
    %dma_wait3A_768 = tpu.memref_slice %arg4[%add3A_628] : memref<1600000xi32, #tpu.memory_space<hbm>> -> memref<2560xi32, #tpu.memory_space<hbm>>
    tpu.wait_dma2 semaphore(%arg22 : memref<!tpu.dma_semaphore, #tpu.memory_space<semaphore_mem>>) src(%dma_wait3A_768 : memref<2560xi32, #tpu.memory_space<hbm>>) dst(%dma_wait3A_767 : memref<2560xi32, #tpu.memory_space<vmem>>)
    %dma_wait3A_769 = arith.constant 0 : i32
    %dma_wait3A_770 = tpu.memref_slice %arg14[%dma_wait3A_769] : memref<2560xf32, #tpu.memory_space<vmem>> -> memref<2560xf32, #tpu.memory_space<vmem>>
    %dma_wait3A_771 = tpu.memref_slice %arg5[%add3A_628] : memref<1600000xf32, #tpu.memory_space<hbm>> -> memref<2560xf32, #tpu.memory_space<hbm>>
    %dma_wait3A_772 = arith.constant 0 : i32
    %dma_wait3A_773 = tpu.memref_slice %arg14[%dma_wait3A_772] : memref<2560xf32, #tpu.memory_space<vmem>> -> memref<2560xf32, #tpu.memory_space<vmem>>
    %dma_wait3A_774 = tpu.memref_slice %arg5[%add3A_628] : memref<1600000xf32, #tpu.memory_space<hbm>> -> memref<2560xf32, #tpu.memory_space<hbm>>
    tpu.wait_dma2 semaphore(%arg22 : memref<!tpu.dma_semaphore, #tpu.memory_space<semaphore_mem>>) src(%dma_wait3A_774 : memref<2560xf32, #tpu.memory_space<hbm>>) dst(%dma_wait3A_773 : memref<2560xf32, #tpu.memory_space<vmem>>)
    %dma_wait3A_775 = arith.constant 0 : i32
    %dma_wait3A_776 = tpu.memref_slice %arg15[%dma_wait3A_775] : memref<2560xf32, #tpu.memory_space<vmem>> -> memref<2560xf32, #tpu.memory_space<vmem>>
    %dma_wait3A_777 = tpu.memref_slice %arg6[%add3A_620] : memref<1600000xf32, #tpu.memory_space<hbm>> -> memref<2560xf32, #tpu.memory_space<hbm>>
    %dma_wait3A_778 = tpu.memref_slice %arg6[%add3A_620] : memref<1600000xf32, #tpu.memory_space<hbm>> -> memref<2560xf32, #tpu.memory_space<hbm>>
    %dma_wait3A_779 = arith.constant 0 : i32
    %dma_wait3A_780 = tpu.memref_slice %arg15[%dma_wait3A_779] : memref<2560xf32, #tpu.memory_space<vmem>> -> memref<2560xf32, #tpu.memory_space<vmem>>
    tpu.wait_dma2 semaphore(%arg23 : memref<!tpu.dma_semaphore, #tpu.memory_space<semaphore_mem>>) src(%dma_wait3A_780 : memref<2560xf32, #tpu.memory_space<vmem>>) dst(%dma_wait3A_778 : memref<2560xf32, #tpu.memory_space<hbm>>)
    %parallel_loop3A_781 = arith.constant 0 : i32
    %parallel_loop3A_782 = arith.constant 2560 : i32
    %parallel_loop3A_783 = arith.constant 16 : i32
    scf.for %parallel_loop3A_1100 = %parallel_loop3A_781 to %parallel_loop3A_782 step %parallel_loop3A_783  : i32 {
      %parallel_loop3A_1101 = arith.index_cast %parallel_loop3A_1100 : i32 to index
      %parallel_loop3A_1102 = tpu.vector_load %arg12[%parallel_loop3A_1101] {strides = array<i32>} : memref<2560xi32, #tpu.memory_space<vmem>>, vector<16xi32>,
      %parallel_loop3A_1103 = tpu.vector_load_idx %arg7[%parallel_loop3A_1102] : memref<100096xf32, #tpu.memory_space<vmem>>[vector<16xi32>], vector<16xf32>,
      %parallel_loop3A_1104 = arith.index_cast %parallel_loop3A_1100 : i32 to index
      %parallel_loop3A_1105 = tpu.vector_load %arg13[%parallel_loop3A_1104] {strides = array<i32>} : memref<2560xi32, #tpu.memory_space<vmem>>, vector<16xi32>,
      %parallel_loop3A_1106 = tpu.vector_load_idx %arg7[%parallel_loop3A_1105] : memref<100096xf32, #tpu.memory_space<vmem>>[vector<16xi32>], vector<16xf32>,
      %parallel_loop3A_1107 = arith.subf %parallel_loop3A_1106, %parallel_loop3A_1103 : vector<16xf32>
      %parallel_loop3A_1108 = arith.index_cast %parallel_loop3A_1100 : i32 to index
      %parallel_loop3A_1109 = tpu.vector_load %arg14[%parallel_loop3A_1108] {strides = array<i32>} : memref<2560xf32, #tpu.memory_space<vmem>>, vector<16xf32>,
      %parallel_loop3A_1110 = arith.divf %parallel_loop3A_1107, %parallel_loop3A_1109 : vector<16xf32>
      %parallel_loop3A_1111 = arith.index_cast %parallel_loop3A_1100 : i32 to index
      %parallel_loop3A_1112 = tpu.vector_load %arg15[%parallel_loop3A_1111] {strides = array<i32>} : memref<2560xf32, #tpu.memory_space<vmem>>, vector<16xf32>,
      tpu.vector_store %arg15[%parallel_loop3A_1111], %parallel_loop3A_1110 {strides = array<i32>} : memref<2560xf32, #tpu.memory_space<vmem>>, vector<16xf32>,
    } {sc.loop_unroll_factor = 5 : i64, sc.parallel_access}
    %add3A_784 = arith.constant 33280 : i32
    %add3A_785 = arith.addi %mul3A_2, %add3A_784 : i32
    %dma_start3A_786 = arith.constant 0 : i32
    %dma_start3A_787 = tpu.memref_slice %arg15[%dma_start3A_786] : memref<2560xf32, #tpu.memory_space<vmem>> -> memref<2560xf32, #tpu.memory_space<vmem>>
    %dma_start3A_788 = tpu.memref_slice %arg6[%add3A_785] : memref<1600000xf32, #tpu.memory_space<hbm>> -> memref<2560xf32, #tpu.memory_space<hbm>>
    %dma_start3A_789 = tpu.memref_slice %arg6[%add3A_785] : memref<1600000xf32, #tpu.memory_space<hbm>> -> memref<2560xf32, #tpu.memory_space<hbm>>
    %dma_start3A_790 = arith.constant 0 : i32
    %dma_start3A_791 = tpu.memref_slice %arg15[%dma_start3A_790] : memref<2560xf32, #tpu.memory_space<vmem>> -> memref<2560xf32, #tpu.memory_space<vmem>>
    tpu.enqueue_dma source(%dma_start3A_791 : memref<2560xf32, #tpu.memory_space<vmem>>) target(%dma_start3A_789 : memref<2560xf32, #tpu.memory_space<hbm>>) target_semaphore(%arg23 : memref<!tpu.dma_semaphore, #tpu.memory_space<semaphore_mem>>)
    %add3A_792 = arith.constant 40960 : i32
    %add3A_793 = arith.addi %mul3A_2, %add3A_792 : i32
    %dma_start3A_794 = arith.constant 0 : i32
    %dma_start3A_795 = tpu.memref_slice %arg12[%dma_start3A_794] : memref<2560xi32, #tpu.memory_space<vmem>> -> memref<2560xi32, #tpu.memory_space<vmem>>
    %dma_start3A_796 = tpu.memref_slice %arg3[%add3A_793] : memref<1600000xi32, #tpu.memory_space<hbm>> -> memref<2560xi32, #tpu.memory_space<hbm>>
    %dma_start3A_797 = arith.constant 0 : i32
    %dma_start3A_798 = tpu.memref_slice %arg12[%dma_start3A_797] : memref<2560xi32, #tpu.memory_space<vmem>> -> memref<2560xi32, #tpu.memory_space<vmem>>
    %dma_start3A_799 = tpu.memref_slice %arg3[%add3A_793] : memref<1600000xi32, #tpu.memory_space<hbm>> -> memref<2560xi32, #tpu.memory_space<hbm>>
    tpu.enqueue_dma source(%dma_start3A_799 : memref<2560xi32, #tpu.memory_space<hbm>>) target(%dma_start3A_798 : memref<2560xi32, #tpu.memory_space<vmem>>) target_semaphore(%arg22 : memref<!tpu.dma_semaphore, #tpu.memory_space<semaphore_mem>>)
    %dma_start3A_800 = arith.constant 0 : i32
    %dma_start3A_801 = tpu.memref_slice %arg13[%dma_start3A_800] : memref<2560xi32, #tpu.memory_space<vmem>> -> memref<2560xi32, #tpu.memory_space<vmem>>
    %dma_start3A_802 = tpu.memref_slice %arg4[%add3A_793] : memref<1600000xi32, #tpu.memory_space<hbm>> -> memref<2560xi32, #tpu.memory_space<hbm>>
    %dma_start3A_803 = arith.constant 0 : i32
    %dma_start3A_804 = tpu.memref_slice %arg13[%dma_start3A_803] : memref<2560xi32, #tpu.memory_space<vmem>> -> memref<2560xi32, #tpu.memory_space<vmem>>
    %dma_start3A_805 = tpu.memref_slice %arg4[%add3A_793] : memref<1600000xi32, #tpu.memory_space<hbm>> -> memref<2560xi32, #tpu.memory_space<hbm>>
    tpu.enqueue_dma source(%dma_start3A_805 : memref<2560xi32, #tpu.memory_space<hbm>>) target(%dma_start3A_804 : memref<2560xi32, #tpu.memory_space<vmem>>) target_semaphore(%arg22 : memref<!tpu.dma_semaphore, #tpu.memory_space<semaphore_mem>>)
    %dma_start3A_806 = arith.constant 0 : i32
    %dma_start3A_807 = tpu.memref_slice %arg14[%dma_start3A_806] : memref<2560xf32, #tpu.memory_space<vmem>> -> memref<2560xf32, #tpu.memory_space<vmem>>
    %dma_start3A_808 = tpu.memref_slice %arg5[%add3A_793] : memref<1600000xf32, #tpu.memory_space<hbm>> -> memref<2560xf32, #tpu.memory_space<hbm>>
    %dma_start3A_809 = arith.constant 0 : i32
    %dma_start3A_810 = tpu.memref_slice %arg14[%dma_start3A_809] : memref<2560xf32, #tpu.memory_space<vmem>> -> memref<2560xf32, #tpu.memory_space<vmem>>
    %dma_start3A_811 = tpu.memref_slice %arg5[%add3A_793] : memref<1600000xf32, #tpu.memory_space<hbm>> -> memref<2560xf32, #tpu.memory_space<hbm>>
    tpu.enqueue_dma source(%dma_start3A_811 : memref<2560xf32, #tpu.memory_space<hbm>>) target(%dma_start3A_810 : memref<2560xf32, #tpu.memory_space<vmem>>) target_semaphore(%arg22 : memref<!tpu.dma_semaphore, #tpu.memory_space<semaphore_mem>>)
    %dma_wait3A_812 = arith.constant 0 : i32
    %dma_wait3A_813 = tpu.memref_slice %arg16[%dma_wait3A_812] : memref<2560xi32, #tpu.memory_space<vmem>> -> memref<2560xi32, #tpu.memory_space<vmem>>
    %dma_wait3A_814 = tpu.memref_slice %arg3[%add3A_683] : memref<1600000xi32, #tpu.memory_space<hbm>> -> memref<2560xi32, #tpu.memory_space<hbm>>
    %dma_wait3A_815 = arith.constant 0 : i32
    %dma_wait3A_816 = tpu.memref_slice %arg16[%dma_wait3A_815] : memref<2560xi32, #tpu.memory_space<vmem>> -> memref<2560xi32, #tpu.memory_space<vmem>>
    %dma_wait3A_817 = tpu.memref_slice %arg3[%add3A_683] : memref<1600000xi32, #tpu.memory_space<hbm>> -> memref<2560xi32, #tpu.memory_space<hbm>>
    tpu.wait_dma2 semaphore(%arg24 : memref<!tpu.dma_semaphore, #tpu.memory_space<semaphore_mem>>) src(%dma_wait3A_817 : memref<2560xi32, #tpu.memory_space<hbm>>) dst(%dma_wait3A_816 : memref<2560xi32, #tpu.memory_space<vmem>>)
    %dma_wait3A_818 = arith.constant 0 : i32
    %dma_wait3A_819 = tpu.memref_slice %arg17[%dma_wait3A_818] : memref<2560xi32, #tpu.memory_space<vmem>> -> memref<2560xi32, #tpu.memory_space<vmem>>
    %dma_wait3A_820 = tpu.memref_slice %arg4[%add3A_683] : memref<1600000xi32, #tpu.memory_space<hbm>> -> memref<2560xi32, #tpu.memory_space<hbm>>
    %dma_wait3A_821 = arith.constant 0 : i32
    %dma_wait3A_822 = tpu.memref_slice %arg17[%dma_wait3A_821] : memref<2560xi32, #tpu.memory_space<vmem>> -> memref<2560xi32, #tpu.memory_space<vmem>>
    %dma_wait3A_823 = tpu.memref_slice %arg4[%add3A_683] : memref<1600000xi32, #tpu.memory_space<hbm>> -> memref<2560xi32, #tpu.memory_space<hbm>>
    tpu.wait_dma2 semaphore(%arg24 : memref<!tpu.dma_semaphore, #tpu.memory_space<semaphore_mem>>) src(%dma_wait3A_823 : memref<2560xi32, #tpu.memory_space<hbm>>) dst(%dma_wait3A_822 : memref<2560xi32, #tpu.memory_space<vmem>>)
    %dma_wait3A_824 = arith.constant 0 : i32
    %dma_wait3A_825 = tpu.memref_slice %arg18[%dma_wait3A_824] : memref<2560xf32, #tpu.memory_space<vmem>> -> memref<2560xf32, #tpu.memory_space<vmem>>
    %dma_wait3A_826 = tpu.memref_slice %arg5[%add3A_683] : memref<1600000xf32, #tpu.memory_space<hbm>> -> memref<2560xf32, #tpu.memory_space<hbm>>
    %dma_wait3A_827 = arith.constant 0 : i32
    %dma_wait3A_828 = tpu.memref_slice %arg18[%dma_wait3A_827] : memref<2560xf32, #tpu.memory_space<vmem>> -> memref<2560xf32, #tpu.memory_space<vmem>>
    %dma_wait3A_829 = tpu.memref_slice %arg5[%add3A_683] : memref<1600000xf32, #tpu.memory_space<hbm>> -> memref<2560xf32, #tpu.memory_space<hbm>>
    tpu.wait_dma2 semaphore(%arg24 : memref<!tpu.dma_semaphore, #tpu.memory_space<semaphore_mem>>) src(%dma_wait3A_829 : memref<2560xf32, #tpu.memory_space<hbm>>) dst(%dma_wait3A_828 : memref<2560xf32, #tpu.memory_space<vmem>>)
    %dma_wait3A_830 = arith.constant 0 : i32
    %dma_wait3A_831 = tpu.memref_slice %arg19[%dma_wait3A_830] : memref<2560xf32, #tpu.memory_space<vmem>> -> memref<2560xf32, #tpu.memory_space<vmem>>
    %dma_wait3A_832 = tpu.memref_slice %arg6[%add3A_675] : memref<1600000xf32, #tpu.memory_space<hbm>> -> memref<2560xf32, #tpu.memory_space<hbm>>
    %dma_wait3A_833 = tpu.memref_slice %arg6[%add3A_675] : memref<1600000xf32, #tpu.memory_space<hbm>> -> memref<2560xf32, #tpu.memory_space<hbm>>
    %dma_wait3A_834 = arith.constant 0 : i32
    %dma_wait3A_835 = tpu.memref_slice %arg19[%dma_wait3A_834] : memref<2560xf32, #tpu.memory_space<vmem>> -> memref<2560xf32, #tpu.memory_space<vmem>>
    tpu.wait_dma2 semaphore(%arg25 : memref<!tpu.dma_semaphore, #tpu.memory_space<semaphore_mem>>) src(%dma_wait3A_835 : memref<2560xf32, #tpu.memory_space<vmem>>) dst(%dma_wait3A_833 : memref<2560xf32, #tpu.memory_space<hbm>>)
    %parallel_loop3A_836 = arith.constant 0 : i32
    %parallel_loop3A_837 = arith.constant 2560 : i32
    %parallel_loop3A_838 = arith.constant 16 : i32
    scf.for %parallel_loop3A_1100 = %parallel_loop3A_836 to %parallel_loop3A_837 step %parallel_loop3A_838  : i32 {
      %parallel_loop3A_1101 = arith.index_cast %parallel_loop3A_1100 : i32 to index
      %parallel_loop3A_1102 = tpu.vector_load %arg16[%parallel_loop3A_1101] {strides = array<i32>} : memref<2560xi32, #tpu.memory_space<vmem>>, vector<16xi32>,
      %parallel_loop3A_1103 = tpu.vector_load_idx %arg7[%parallel_loop3A_1102] : memref<100096xf32, #tpu.memory_space<vmem>>[vector<16xi32>], vector<16xf32>,
      %parallel_loop3A_1104 = arith.index_cast %parallel_loop3A_1100 : i32 to index
      %parallel_loop3A_1105 = tpu.vector_load %arg17[%parallel_loop3A_1104] {strides = array<i32>} : memref<2560xi32, #tpu.memory_space<vmem>>, vector<16xi32>,
      %parallel_loop3A_1106 = tpu.vector_load_idx %arg7[%parallel_loop3A_1105] : memref<100096xf32, #tpu.memory_space<vmem>>[vector<16xi32>], vector<16xf32>,
      %parallel_loop3A_1107 = arith.subf %parallel_loop3A_1106, %parallel_loop3A_1103 : vector<16xf32>
      %parallel_loop3A_1108 = arith.index_cast %parallel_loop3A_1100 : i32 to index
      %parallel_loop3A_1109 = tpu.vector_load %arg18[%parallel_loop3A_1108] {strides = array<i32>} : memref<2560xf32, #tpu.memory_space<vmem>>, vector<16xf32>,
      %parallel_loop3A_1110 = arith.divf %parallel_loop3A_1107, %parallel_loop3A_1109 : vector<16xf32>
      %parallel_loop3A_1111 = arith.index_cast %parallel_loop3A_1100 : i32 to index
      %parallel_loop3A_1112 = tpu.vector_load %arg19[%parallel_loop3A_1111] {strides = array<i32>} : memref<2560xf32, #tpu.memory_space<vmem>>, vector<16xf32>,
      tpu.vector_store %arg19[%parallel_loop3A_1111], %parallel_loop3A_1110 {strides = array<i32>} : memref<2560xf32, #tpu.memory_space<vmem>>, vector<16xf32>,
    } {sc.loop_unroll_factor = 5 : i64, sc.parallel_access}
    %add3A_839 = arith.constant 35840 : i32
    %add3A_840 = arith.addi %mul3A_2, %add3A_839 : i32
    %dma_start3A_841 = arith.constant 0 : i32
    %dma_start3A_842 = tpu.memref_slice %arg19[%dma_start3A_841] : memref<2560xf32, #tpu.memory_space<vmem>> -> memref<2560xf32, #tpu.memory_space<vmem>>
    %dma_start3A_843 = tpu.memref_slice %arg6[%add3A_840] : memref<1600000xf32, #tpu.memory_space<hbm>> -> memref<2560xf32, #tpu.memory_space<hbm>>
    %dma_start3A_844 = tpu.memref_slice %arg6[%add3A_840] : memref<1600000xf32, #tpu.memory_space<hbm>> -> memref<2560xf32, #tpu.memory_space<hbm>>
    %dma_start3A_845 = arith.constant 0 : i32
    %dma_start3A_846 = tpu.memref_slice %arg19[%dma_start3A_845] : memref<2560xf32, #tpu.memory_space<vmem>> -> memref<2560xf32, #tpu.memory_space<vmem>>
    tpu.enqueue_dma source(%dma_start3A_846 : memref<2560xf32, #tpu.memory_space<vmem>>) target(%dma_start3A_844 : memref<2560xf32, #tpu.memory_space<hbm>>) target_semaphore(%arg25 : memref<!tpu.dma_semaphore, #tpu.memory_space<semaphore_mem>>)
    %add3A_847 = arith.constant 43520 : i32
    %add3A_848 = arith.addi %mul3A_2, %add3A_847 : i32
    %dma_start3A_849 = arith.constant 0 : i32
    %dma_start3A_850 = tpu.memref_slice %arg16[%dma_start3A_849] : memref<2560xi32, #tpu.memory_space<vmem>> -> memref<2560xi32, #tpu.memory_space<vmem>>
    %dma_start3A_851 = tpu.memref_slice %arg3[%add3A_848] : memref<1600000xi32, #tpu.memory_space<hbm>> -> memref<2560xi32, #tpu.memory_space<hbm>>
    %dma_start3A_852 = arith.constant 0 : i32
    %dma_start3A_853 = tpu.memref_slice %arg16[%dma_start3A_852] : memref<2560xi32, #tpu.memory_space<vmem>> -> memref<2560xi32, #tpu.memory_space<vmem>>
    %dma_start3A_854 = tpu.memref_slice %arg3[%add3A_848] : memref<1600000xi32, #tpu.memory_space<hbm>> -> memref<2560xi32, #tpu.memory_space<hbm>>
    tpu.enqueue_dma source(%dma_start3A_854 : memref<2560xi32, #tpu.memory_space<hbm>>) target(%dma_start3A_853 : memref<2560xi32, #tpu.memory_space<vmem>>) target_semaphore(%arg24 : memref<!tpu.dma_semaphore, #tpu.memory_space<semaphore_mem>>)
    %dma_start3A_855 = arith.constant 0 : i32
    %dma_start3A_856 = tpu.memref_slice %arg17[%dma_start3A_855] : memref<2560xi32, #tpu.memory_space<vmem>> -> memref<2560xi32, #tpu.memory_space<vmem>>
    %dma_start3A_857 = tpu.memref_slice %arg4[%add3A_848] : memref<1600000xi32, #tpu.memory_space<hbm>> -> memref<2560xi32, #tpu.memory_space<hbm>>
    %dma_start3A_858 = arith.constant 0 : i32
    %dma_start3A_859 = tpu.memref_slice %arg17[%dma_start3A_858] : memref<2560xi32, #tpu.memory_space<vmem>> -> memref<2560xi32, #tpu.memory_space<vmem>>
    %dma_start3A_860 = tpu.memref_slice %arg4[%add3A_848] : memref<1600000xi32, #tpu.memory_space<hbm>> -> memref<2560xi32, #tpu.memory_space<hbm>>
    tpu.enqueue_dma source(%dma_start3A_860 : memref<2560xi32, #tpu.memory_space<hbm>>) target(%dma_start3A_859 : memref<2560xi32, #tpu.memory_space<vmem>>) target_semaphore(%arg24 : memref<!tpu.dma_semaphore, #tpu.memory_space<semaphore_mem>>)
    %dma_start3A_861 = arith.constant 0 : i32
    %dma_start3A_862 = tpu.memref_slice %arg18[%dma_start3A_861] : memref<2560xf32, #tpu.memory_space<vmem>> -> memref<2560xf32, #tpu.memory_space<vmem>>
    %dma_start3A_863 = tpu.memref_slice %arg5[%add3A_848] : memref<1600000xf32, #tpu.memory_space<hbm>> -> memref<2560xf32, #tpu.memory_space<hbm>>
    %dma_start3A_864 = arith.constant 0 : i32
    %dma_start3A_865 = tpu.memref_slice %arg18[%dma_start3A_864] : memref<2560xf32, #tpu.memory_space<vmem>> -> memref<2560xf32, #tpu.memory_space<vmem>>
    %dma_start3A_866 = tpu.memref_slice %arg5[%add3A_848] : memref<1600000xf32, #tpu.memory_space<hbm>> -> memref<2560xf32, #tpu.memory_space<hbm>>
    tpu.enqueue_dma source(%dma_start3A_866 : memref<2560xf32, #tpu.memory_space<hbm>>) target(%dma_start3A_865 : memref<2560xf32, #tpu.memory_space<vmem>>) target_semaphore(%arg24 : memref<!tpu.dma_semaphore, #tpu.memory_space<semaphore_mem>>)
    %dma_wait3A_867 = arith.constant 0 : i32
    %dma_wait3A_868 = tpu.memref_slice %arg8[%dma_wait3A_867] : memref<2560xi32, #tpu.memory_space<vmem>> -> memref<2560xi32, #tpu.memory_space<vmem>>
    %dma_wait3A_869 = tpu.memref_slice %arg3[%add3A_738] : memref<1600000xi32, #tpu.memory_space<hbm>> -> memref<2560xi32, #tpu.memory_space<hbm>>
    %dma_wait3A_870 = arith.constant 0 : i32
    %dma_wait3A_871 = tpu.memref_slice %arg8[%dma_wait3A_870] : memref<2560xi32, #tpu.memory_space<vmem>> -> memref<2560xi32, #tpu.memory_space<vmem>>
    %dma_wait3A_872 = tpu.memref_slice %arg3[%add3A_738] : memref<1600000xi32, #tpu.memory_space<hbm>> -> memref<2560xi32, #tpu.memory_space<hbm>>
    tpu.wait_dma2 semaphore(%arg20 : memref<!tpu.dma_semaphore, #tpu.memory_space<semaphore_mem>>) src(%dma_wait3A_872 : memref<2560xi32, #tpu.memory_space<hbm>>) dst(%dma_wait3A_871 : memref<2560xi32, #tpu.memory_space<vmem>>)
    %dma_wait3A_873 = arith.constant 0 : i32
    %dma_wait3A_874 = tpu.memref_slice %arg9[%dma_wait3A_873] : memref<2560xi32, #tpu.memory_space<vmem>> -> memref<2560xi32, #tpu.memory_space<vmem>>
    %dma_wait3A_875 = tpu.memref_slice %arg4[%add3A_738] : memref<1600000xi32, #tpu.memory_space<hbm>> -> memref<2560xi32, #tpu.memory_space<hbm>>
    %dma_wait3A_876 = arith.constant 0 : i32
    %dma_wait3A_877 = tpu.memref_slice %arg9[%dma_wait3A_876] : memref<2560xi32, #tpu.memory_space<vmem>> -> memref<2560xi32, #tpu.memory_space<vmem>>
    %dma_wait3A_878 = tpu.memref_slice %arg4[%add3A_738] : memref<1600000xi32, #tpu.memory_space<hbm>> -> memref<2560xi32, #tpu.memory_space<hbm>>
    tpu.wait_dma2 semaphore(%arg20 : memref<!tpu.dma_semaphore, #tpu.memory_space<semaphore_mem>>) src(%dma_wait3A_878 : memref<2560xi32, #tpu.memory_space<hbm>>) dst(%dma_wait3A_877 : memref<2560xi32, #tpu.memory_space<vmem>>)
    %dma_wait3A_879 = arith.constant 0 : i32
    %dma_wait3A_880 = tpu.memref_slice %arg10[%dma_wait3A_879] : memref<2560xf32, #tpu.memory_space<vmem>> -> memref<2560xf32, #tpu.memory_space<vmem>>
    %dma_wait3A_881 = tpu.memref_slice %arg5[%add3A_738] : memref<1600000xf32, #tpu.memory_space<hbm>> -> memref<2560xf32, #tpu.memory_space<hbm>>
    %dma_wait3A_882 = arith.constant 0 : i32
    %dma_wait3A_883 = tpu.memref_slice %arg10[%dma_wait3A_882] : memref<2560xf32, #tpu.memory_space<vmem>> -> memref<2560xf32, #tpu.memory_space<vmem>>
    %dma_wait3A_884 = tpu.memref_slice %arg5[%add3A_738] : memref<1600000xf32, #tpu.memory_space<hbm>> -> memref<2560xf32, #tpu.memory_space<hbm>>
    tpu.wait_dma2 semaphore(%arg20 : memref<!tpu.dma_semaphore, #tpu.memory_space<semaphore_mem>>) src(%dma_wait3A_884 : memref<2560xf32, #tpu.memory_space<hbm>>) dst(%dma_wait3A_883 : memref<2560xf32, #tpu.memory_space<vmem>>)
    %dma_wait3A_885 = arith.constant 0 : i32
    %dma_wait3A_886 = tpu.memref_slice %arg11[%dma_wait3A_885] : memref<2560xf32, #tpu.memory_space<vmem>> -> memref<2560xf32, #tpu.memory_space<vmem>>
    %dma_wait3A_887 = tpu.memref_slice %arg6[%add3A_730] : memref<1600000xf32, #tpu.memory_space<hbm>> -> memref<2560xf32, #tpu.memory_space<hbm>>
    %dma_wait3A_888 = tpu.memref_slice %arg6[%add3A_730] : memref<1600000xf32, #tpu.memory_space<hbm>> -> memref<2560xf32, #tpu.memory_space<hbm>>
    %dma_wait3A_889 = arith.constant 0 : i32
    %dma_wait3A_890 = tpu.memref_slice %arg11[%dma_wait3A_889] : memref<2560xf32, #tpu.memory_space<vmem>> -> memref<2560xf32, #tpu.memory_space<vmem>>
    tpu.wait_dma2 semaphore(%arg21 : memref<!tpu.dma_semaphore, #tpu.memory_space<semaphore_mem>>) src(%dma_wait3A_890 : memref<2560xf32, #tpu.memory_space<vmem>>) dst(%dma_wait3A_888 : memref<2560xf32, #tpu.memory_space<hbm>>)
    %parallel_loop3A_891 = arith.constant 0 : i32
    %parallel_loop3A_892 = arith.constant 2560 : i32
    %parallel_loop3A_893 = arith.constant 16 : i32
    scf.for %parallel_loop3A_1100 = %parallel_loop3A_891 to %parallel_loop3A_892 step %parallel_loop3A_893  : i32 {
      %parallel_loop3A_1101 = arith.index_cast %parallel_loop3A_1100 : i32 to index
      %parallel_loop3A_1102 = tpu.vector_load %arg8[%parallel_loop3A_1101] {strides = array<i32>} : memref<2560xi32, #tpu.memory_space<vmem>>, vector<16xi32>,
      %parallel_loop3A_1103 = tpu.vector_load_idx %arg7[%parallel_loop3A_1102] : memref<100096xf32, #tpu.memory_space<vmem>>[vector<16xi32>], vector<16xf32>,
      %parallel_loop3A_1104 = arith.index_cast %parallel_loop3A_1100 : i32 to index
      %parallel_loop3A_1105 = tpu.vector_load %arg9[%parallel_loop3A_1104] {strides = array<i32>} : memref<2560xi32, #tpu.memory_space<vmem>>, vector<16xi32>,
      %parallel_loop3A_1106 = tpu.vector_load_idx %arg7[%parallel_loop3A_1105] : memref<100096xf32, #tpu.memory_space<vmem>>[vector<16xi32>], vector<16xf32>,
      %parallel_loop3A_1107 = arith.subf %parallel_loop3A_1106, %parallel_loop3A_1103 : vector<16xf32>
      %parallel_loop3A_1108 = arith.index_cast %parallel_loop3A_1100 : i32 to index
      %parallel_loop3A_1109 = tpu.vector_load %arg10[%parallel_loop3A_1108] {strides = array<i32>} : memref<2560xf32, #tpu.memory_space<vmem>>, vector<16xf32>,
      %parallel_loop3A_1110 = arith.divf %parallel_loop3A_1107, %parallel_loop3A_1109 : vector<16xf32>
      %parallel_loop3A_1111 = arith.index_cast %parallel_loop3A_1100 : i32 to index
      %parallel_loop3A_1112 = tpu.vector_load %arg11[%parallel_loop3A_1111] {strides = array<i32>} : memref<2560xf32, #tpu.memory_space<vmem>>, vector<16xf32>,
      tpu.vector_store %arg11[%parallel_loop3A_1111], %parallel_loop3A_1110 {strides = array<i32>} : memref<2560xf32, #tpu.memory_space<vmem>>, vector<16xf32>,
    } {sc.loop_unroll_factor = 5 : i64, sc.parallel_access}
    %add3A_894 = arith.constant 38400 : i32
    %add3A_895 = arith.addi %mul3A_2, %add3A_894 : i32
    %dma_start3A_896 = arith.constant 0 : i32
    %dma_start3A_897 = tpu.memref_slice %arg11[%dma_start3A_896] : memref<2560xf32, #tpu.memory_space<vmem>> -> memref<2560xf32, #tpu.memory_space<vmem>>
    %dma_start3A_898 = tpu.memref_slice %arg6[%add3A_895] : memref<1600000xf32, #tpu.memory_space<hbm>> -> memref<2560xf32, #tpu.memory_space<hbm>>
    %dma_start3A_899 = tpu.memref_slice %arg6[%add3A_895] : memref<1600000xf32, #tpu.memory_space<hbm>> -> memref<2560xf32, #tpu.memory_space<hbm>>
    %dma_start3A_900 = arith.constant 0 : i32
    %dma_start3A_901 = tpu.memref_slice %arg11[%dma_start3A_900] : memref<2560xf32, #tpu.memory_space<vmem>> -> memref<2560xf32, #tpu.memory_space<vmem>>
    tpu.enqueue_dma source(%dma_start3A_901 : memref<2560xf32, #tpu.memory_space<vmem>>) target(%dma_start3A_899 : memref<2560xf32, #tpu.memory_space<hbm>>) target_semaphore(%arg21 : memref<!tpu.dma_semaphore, #tpu.memory_space<semaphore_mem>>)
    %add3A_902 = arith.constant 46080 : i32
    %add3A_903 = arith.addi %mul3A_2, %add3A_902 : i32
    %dma_start3A_904 = arith.constant 0 : i32
    %dma_start3A_905 = tpu.memref_slice %arg8[%dma_start3A_904] : memref<2560xi32, #tpu.memory_space<vmem>> -> memref<2560xi32, #tpu.memory_space<vmem>>
    %dma_start3A_906 = tpu.memref_slice %arg3[%add3A_903] : memref<1600000xi32, #tpu.memory_space<hbm>> -> memref<2560xi32, #tpu.memory_space<hbm>>
    %dma_start3A_907 = arith.constant 0 : i32
    %dma_start3A_908 = tpu.memref_slice %arg8[%dma_start3A_907] : memref<2560xi32, #tpu.memory_space<vmem>> -> memref<2560xi32, #tpu.memory_space<vmem>>
    %dma_start3A_909 = tpu.memref_slice %arg3[%add3A_903] : memref<1600000xi32, #tpu.memory_space<hbm>> -> memref<2560xi32, #tpu.memory_space<hbm>>
    tpu.enqueue_dma source(%dma_start3A_909 : memref<2560xi32, #tpu.memory_space<hbm>>) target(%dma_start3A_908 : memref<2560xi32, #tpu.memory_space<vmem>>) target_semaphore(%arg20 : memref<!tpu.dma_semaphore, #tpu.memory_space<semaphore_mem>>)
    %dma_start3A_910 = arith.constant 0 : i32
    %dma_start3A_911 = tpu.memref_slice %arg9[%dma_start3A_910] : memref<2560xi32, #tpu.memory_space<vmem>> -> memref<2560xi32, #tpu.memory_space<vmem>>
    %dma_start3A_912 = tpu.memref_slice %arg4[%add3A_903] : memref<1600000xi32, #tpu.memory_space<hbm>> -> memref<2560xi32, #tpu.memory_space<hbm>>
    %dma_start3A_913 = arith.constant 0 : i32
    %dma_start3A_914 = tpu.memref_slice %arg9[%dma_start3A_913] : memref<2560xi32, #tpu.memory_space<vmem>> -> memref<2560xi32, #tpu.memory_space<vmem>>
    %dma_start3A_915 = tpu.memref_slice %arg4[%add3A_903] : memref<1600000xi32, #tpu.memory_space<hbm>> -> memref<2560xi32, #tpu.memory_space<hbm>>
    tpu.enqueue_dma source(%dma_start3A_915 : memref<2560xi32, #tpu.memory_space<hbm>>) target(%dma_start3A_914 : memref<2560xi32, #tpu.memory_space<vmem>>) target_semaphore(%arg20 : memref<!tpu.dma_semaphore, #tpu.memory_space<semaphore_mem>>)
    %dma_start3A_916 = arith.constant 0 : i32
    %dma_start3A_917 = tpu.memref_slice %arg10[%dma_start3A_916] : memref<2560xf32, #tpu.memory_space<vmem>> -> memref<2560xf32, #tpu.memory_space<vmem>>
    %dma_start3A_918 = tpu.memref_slice %arg5[%add3A_903] : memref<1600000xf32, #tpu.memory_space<hbm>> -> memref<2560xf32, #tpu.memory_space<hbm>>
    %dma_start3A_919 = arith.constant 0 : i32
    %dma_start3A_920 = tpu.memref_slice %arg10[%dma_start3A_919] : memref<2560xf32, #tpu.memory_space<vmem>> -> memref<2560xf32, #tpu.memory_space<vmem>>
    %dma_start3A_921 = tpu.memref_slice %arg5[%add3A_903] : memref<1600000xf32, #tpu.memory_space<hbm>> -> memref<2560xf32, #tpu.memory_space<hbm>>
    tpu.enqueue_dma source(%dma_start3A_921 : memref<2560xf32, #tpu.memory_space<hbm>>) target(%dma_start3A_920 : memref<2560xf32, #tpu.memory_space<vmem>>) target_semaphore(%arg20 : memref<!tpu.dma_semaphore, #tpu.memory_space<semaphore_mem>>)
    %dma_wait3A_922 = arith.constant 0 : i32
    %dma_wait3A_923 = tpu.memref_slice %arg12[%dma_wait3A_922] : memref<2560xi32, #tpu.memory_space<vmem>> -> memref<2560xi32, #tpu.memory_space<vmem>>
    %dma_wait3A_924 = tpu.memref_slice %arg3[%add3A_793] : memref<1600000xi32, #tpu.memory_space<hbm>> -> memref<2560xi32, #tpu.memory_space<hbm>>
    %dma_wait3A_925 = arith.constant 0 : i32
    %dma_wait3A_926 = tpu.memref_slice %arg12[%dma_wait3A_925] : memref<2560xi32, #tpu.memory_space<vmem>> -> memref<2560xi32, #tpu.memory_space<vmem>>
    %dma_wait3A_927 = tpu.memref_slice %arg3[%add3A_793] : memref<1600000xi32, #tpu.memory_space<hbm>> -> memref<2560xi32, #tpu.memory_space<hbm>>
    tpu.wait_dma2 semaphore(%arg22 : memref<!tpu.dma_semaphore, #tpu.memory_space<semaphore_mem>>) src(%dma_wait3A_927 : memref<2560xi32, #tpu.memory_space<hbm>>) dst(%dma_wait3A_926 : memref<2560xi32, #tpu.memory_space<vmem>>)
    %dma_wait3A_928 = arith.constant 0 : i32
    %dma_wait3A_929 = tpu.memref_slice %arg13[%dma_wait3A_928] : memref<2560xi32, #tpu.memory_space<vmem>> -> memref<2560xi32, #tpu.memory_space<vmem>>
    %dma_wait3A_930 = tpu.memref_slice %arg4[%add3A_793] : memref<1600000xi32, #tpu.memory_space<hbm>> -> memref<2560xi32, #tpu.memory_space<hbm>>
    %dma_wait3A_931 = arith.constant 0 : i32
    %dma_wait3A_932 = tpu.memref_slice %arg13[%dma_wait3A_931] : memref<2560xi32, #tpu.memory_space<vmem>> -> memref<2560xi32, #tpu.memory_space<vmem>>
    %dma_wait3A_933 = tpu.memref_slice %arg4[%add3A_793] : memref<1600000xi32, #tpu.memory_space<hbm>> -> memref<2560xi32, #tpu.memory_space<hbm>>
    tpu.wait_dma2 semaphore(%arg22 : memref<!tpu.dma_semaphore, #tpu.memory_space<semaphore_mem>>) src(%dma_wait3A_933 : memref<2560xi32, #tpu.memory_space<hbm>>) dst(%dma_wait3A_932 : memref<2560xi32, #tpu.memory_space<vmem>>)
    %dma_wait3A_934 = arith.constant 0 : i32
    %dma_wait3A_935 = tpu.memref_slice %arg14[%dma_wait3A_934] : memref<2560xf32, #tpu.memory_space<vmem>> -> memref<2560xf32, #tpu.memory_space<vmem>>
    %dma_wait3A_936 = tpu.memref_slice %arg5[%add3A_793] : memref<1600000xf32, #tpu.memory_space<hbm>> -> memref<2560xf32, #tpu.memory_space<hbm>>
    %dma_wait3A_937 = arith.constant 0 : i32
    %dma_wait3A_938 = tpu.memref_slice %arg14[%dma_wait3A_937] : memref<2560xf32, #tpu.memory_space<vmem>> -> memref<2560xf32, #tpu.memory_space<vmem>>
    %dma_wait3A_939 = tpu.memref_slice %arg5[%add3A_793] : memref<1600000xf32, #tpu.memory_space<hbm>> -> memref<2560xf32, #tpu.memory_space<hbm>>
    tpu.wait_dma2 semaphore(%arg22 : memref<!tpu.dma_semaphore, #tpu.memory_space<semaphore_mem>>) src(%dma_wait3A_939 : memref<2560xf32, #tpu.memory_space<hbm>>) dst(%dma_wait3A_938 : memref<2560xf32, #tpu.memory_space<vmem>>)
    %dma_wait3A_940 = arith.constant 0 : i32
    %dma_wait3A_941 = tpu.memref_slice %arg15[%dma_wait3A_940] : memref<2560xf32, #tpu.memory_space<vmem>> -> memref<2560xf32, #tpu.memory_space<vmem>>
    %dma_wait3A_942 = tpu.memref_slice %arg6[%add3A_785] : memref<1600000xf32, #tpu.memory_space<hbm>> -> memref<2560xf32, #tpu.memory_space<hbm>>
    %dma_wait3A_943 = tpu.memref_slice %arg6[%add3A_785] : memref<1600000xf32, #tpu.memory_space<hbm>> -> memref<2560xf32, #tpu.memory_space<hbm>>
    %dma_wait3A_944 = arith.constant 0 : i32
    %dma_wait3A_945 = tpu.memref_slice %arg15[%dma_wait3A_944] : memref<2560xf32, #tpu.memory_space<vmem>> -> memref<2560xf32, #tpu.memory_space<vmem>>
    tpu.wait_dma2 semaphore(%arg23 : memref<!tpu.dma_semaphore, #tpu.memory_space<semaphore_mem>>) src(%dma_wait3A_945 : memref<2560xf32, #tpu.memory_space<vmem>>) dst(%dma_wait3A_943 : memref<2560xf32, #tpu.memory_space<hbm>>)
    %parallel_loop3A_946 = arith.constant 0 : i32
    %parallel_loop3A_947 = arith.constant 2560 : i32
    %parallel_loop3A_948 = arith.constant 16 : i32
    scf.for %parallel_loop3A_1100 = %parallel_loop3A_946 to %parallel_loop3A_947 step %parallel_loop3A_948  : i32 {
      %parallel_loop3A_1101 = arith.index_cast %parallel_loop3A_1100 : i32 to index
      %parallel_loop3A_1102 = tpu.vector_load %arg12[%parallel_loop3A_1101] {strides = array<i32>} : memref<2560xi32, #tpu.memory_space<vmem>>, vector<16xi32>,
      %parallel_loop3A_1103 = tpu.vector_load_idx %arg7[%parallel_loop3A_1102] : memref<100096xf32, #tpu.memory_space<vmem>>[vector<16xi32>], vector<16xf32>,
      %parallel_loop3A_1104 = arith.index_cast %parallel_loop3A_1100 : i32 to index
      %parallel_loop3A_1105 = tpu.vector_load %arg13[%parallel_loop3A_1104] {strides = array<i32>} : memref<2560xi32, #tpu.memory_space<vmem>>, vector<16xi32>,
      %parallel_loop3A_1106 = tpu.vector_load_idx %arg7[%parallel_loop3A_1105] : memref<100096xf32, #tpu.memory_space<vmem>>[vector<16xi32>], vector<16xf32>,
      %parallel_loop3A_1107 = arith.subf %parallel_loop3A_1106, %parallel_loop3A_1103 : vector<16xf32>
      %parallel_loop3A_1108 = arith.index_cast %parallel_loop3A_1100 : i32 to index
      %parallel_loop3A_1109 = tpu.vector_load %arg14[%parallel_loop3A_1108] {strides = array<i32>} : memref<2560xf32, #tpu.memory_space<vmem>>, vector<16xf32>,
      %parallel_loop3A_1110 = arith.divf %parallel_loop3A_1107, %parallel_loop3A_1109 : vector<16xf32>
      %parallel_loop3A_1111 = arith.index_cast %parallel_loop3A_1100 : i32 to index
      %parallel_loop3A_1112 = tpu.vector_load %arg15[%parallel_loop3A_1111] {strides = array<i32>} : memref<2560xf32, #tpu.memory_space<vmem>>, vector<16xf32>,
      tpu.vector_store %arg15[%parallel_loop3A_1111], %parallel_loop3A_1110 {strides = array<i32>} : memref<2560xf32, #tpu.memory_space<vmem>>, vector<16xf32>,
    } {sc.loop_unroll_factor = 5 : i64, sc.parallel_access}
    %add3A_949 = arith.constant 40960 : i32
    %add3A_950 = arith.addi %mul3A_2, %add3A_949 : i32
    %dma_start3A_951 = arith.constant 0 : i32
    %dma_start3A_952 = tpu.memref_slice %arg15[%dma_start3A_951] : memref<2560xf32, #tpu.memory_space<vmem>> -> memref<2560xf32, #tpu.memory_space<vmem>>
    %dma_start3A_953 = tpu.memref_slice %arg6[%add3A_950] : memref<1600000xf32, #tpu.memory_space<hbm>> -> memref<2560xf32, #tpu.memory_space<hbm>>
    %dma_start3A_954 = tpu.memref_slice %arg6[%add3A_950] : memref<1600000xf32, #tpu.memory_space<hbm>> -> memref<2560xf32, #tpu.memory_space<hbm>>
    %dma_start3A_955 = arith.constant 0 : i32
    %dma_start3A_956 = tpu.memref_slice %arg15[%dma_start3A_955] : memref<2560xf32, #tpu.memory_space<vmem>> -> memref<2560xf32, #tpu.memory_space<vmem>>
    tpu.enqueue_dma source(%dma_start3A_956 : memref<2560xf32, #tpu.memory_space<vmem>>) target(%dma_start3A_954 : memref<2560xf32, #tpu.memory_space<hbm>>) target_semaphore(%arg23 : memref<!tpu.dma_semaphore, #tpu.memory_space<semaphore_mem>>)
    %add3A_957 = arith.constant 48640 : i32
    %add3A_958 = arith.addi %mul3A_2, %add3A_957 : i32
    %dma_start3A_959 = arith.constant 0 : i32
    %dma_start3A_960 = tpu.memref_slice %arg12[%dma_start3A_959] : memref<2560xi32, #tpu.memory_space<vmem>> -> memref<1360xi32, #tpu.memory_space<vmem>>
    %dma_start3A_961 = tpu.memref_slice %arg3[%add3A_958] : memref<1600000xi32, #tpu.memory_space<hbm>> -> memref<1360xi32, #tpu.memory_space<hbm>>
    %dma_start3A_962 = arith.constant 0 : i32
    %dma_start3A_963 = tpu.memref_slice %arg12[%dma_start3A_962] : memref<2560xi32, #tpu.memory_space<vmem>> -> memref<1360xi32, #tpu.memory_space<vmem>>
    %dma_start3A_964 = tpu.memref_slice %arg3[%add3A_958] : memref<1600000xi32, #tpu.memory_space<hbm>> -> memref<1360xi32, #tpu.memory_space<hbm>>
    tpu.enqueue_dma source(%dma_start3A_964 : memref<1360xi32, #tpu.memory_space<hbm>>) target(%dma_start3A_963 : memref<1360xi32, #tpu.memory_space<vmem>>) target_semaphore(%arg22 : memref<!tpu.dma_semaphore, #tpu.memory_space<semaphore_mem>>)
    %dma_start3A_965 = arith.constant 0 : i32
    %dma_start3A_966 = tpu.memref_slice %arg13[%dma_start3A_965] : memref<2560xi32, #tpu.memory_space<vmem>> -> memref<1360xi32, #tpu.memory_space<vmem>>
    %dma_start3A_967 = tpu.memref_slice %arg4[%add3A_958] : memref<1600000xi32, #tpu.memory_space<hbm>> -> memref<1360xi32, #tpu.memory_space<hbm>>
    %dma_start3A_968 = arith.constant 0 : i32
    %dma_start3A_969 = tpu.memref_slice %arg13[%dma_start3A_968] : memref<2560xi32, #tpu.memory_space<vmem>> -> memref<1360xi32, #tpu.memory_space<vmem>>
    %dma_start3A_970 = tpu.memref_slice %arg4[%add3A_958] : memref<1600000xi32, #tpu.memory_space<hbm>> -> memref<1360xi32, #tpu.memory_space<hbm>>
    tpu.enqueue_dma source(%dma_start3A_970 : memref<1360xi32, #tpu.memory_space<hbm>>) target(%dma_start3A_969 : memref<1360xi32, #tpu.memory_space<vmem>>) target_semaphore(%arg22 : memref<!tpu.dma_semaphore, #tpu.memory_space<semaphore_mem>>)
    %dma_start3A_971 = arith.constant 0 : i32
    %dma_start3A_972 = tpu.memref_slice %arg14[%dma_start3A_971] : memref<2560xf32, #tpu.memory_space<vmem>> -> memref<1360xf32, #tpu.memory_space<vmem>>
    %dma_start3A_973 = tpu.memref_slice %arg5[%add3A_958] : memref<1600000xf32, #tpu.memory_space<hbm>> -> memref<1360xf32, #tpu.memory_space<hbm>>
    %dma_start3A_974 = arith.constant 0 : i32
    %dma_start3A_975 = tpu.memref_slice %arg14[%dma_start3A_974] : memref<2560xf32, #tpu.memory_space<vmem>> -> memref<1360xf32, #tpu.memory_space<vmem>>
    %dma_start3A_976 = tpu.memref_slice %arg5[%add3A_958] : memref<1600000xf32, #tpu.memory_space<hbm>> -> memref<1360xf32, #tpu.memory_space<hbm>>
    tpu.enqueue_dma source(%dma_start3A_976 : memref<1360xf32, #tpu.memory_space<hbm>>) target(%dma_start3A_975 : memref<1360xf32, #tpu.memory_space<vmem>>) target_semaphore(%arg22 : memref<!tpu.dma_semaphore, #tpu.memory_space<semaphore_mem>>)
    %dma_wait3A_977 = arith.constant 0 : i32
    %dma_wait3A_978 = tpu.memref_slice %arg16[%dma_wait3A_977] : memref<2560xi32, #tpu.memory_space<vmem>> -> memref<2560xi32, #tpu.memory_space<vmem>>
    %dma_wait3A_979 = tpu.memref_slice %arg3[%add3A_848] : memref<1600000xi32, #tpu.memory_space<hbm>> -> memref<2560xi32, #tpu.memory_space<hbm>>
    %dma_wait3A_980 = arith.constant 0 : i32
    %dma_wait3A_981 = tpu.memref_slice %arg16[%dma_wait3A_980] : memref<2560xi32, #tpu.memory_space<vmem>> -> memref<2560xi32, #tpu.memory_space<vmem>>
    %dma_wait3A_982 = tpu.memref_slice %arg3[%add3A_848] : memref<1600000xi32, #tpu.memory_space<hbm>> -> memref<2560xi32, #tpu.memory_space<hbm>>
    tpu.wait_dma2 semaphore(%arg24 : memref<!tpu.dma_semaphore, #tpu.memory_space<semaphore_mem>>) src(%dma_wait3A_982 : memref<2560xi32, #tpu.memory_space<hbm>>) dst(%dma_wait3A_981 : memref<2560xi32, #tpu.memory_space<vmem>>)
    %dma_wait3A_983 = arith.constant 0 : i32
    %dma_wait3A_984 = tpu.memref_slice %arg17[%dma_wait3A_983] : memref<2560xi32, #tpu.memory_space<vmem>> -> memref<2560xi32, #tpu.memory_space<vmem>>
    %dma_wait3A_985 = tpu.memref_slice %arg4[%add3A_848] : memref<1600000xi32, #tpu.memory_space<hbm>> -> memref<2560xi32, #tpu.memory_space<hbm>>
    %dma_wait3A_986 = arith.constant 0 : i32
    %dma_wait3A_987 = tpu.memref_slice %arg17[%dma_wait3A_986] : memref<2560xi32, #tpu.memory_space<vmem>> -> memref<2560xi32, #tpu.memory_space<vmem>>
    %dma_wait3A_988 = tpu.memref_slice %arg4[%add3A_848] : memref<1600000xi32, #tpu.memory_space<hbm>> -> memref<2560xi32, #tpu.memory_space<hbm>>
    tpu.wait_dma2 semaphore(%arg24 : memref<!tpu.dma_semaphore, #tpu.memory_space<semaphore_mem>>) src(%dma_wait3A_988 : memref<2560xi32, #tpu.memory_space<hbm>>) dst(%dma_wait3A_987 : memref<2560xi32, #tpu.memory_space<vmem>>)
    %dma_wait3A_989 = arith.constant 0 : i32
    %dma_wait3A_990 = tpu.memref_slice %arg18[%dma_wait3A_989] : memref<2560xf32, #tpu.memory_space<vmem>> -> memref<2560xf32, #tpu.memory_space<vmem>>
    %dma_wait3A_991 = tpu.memref_slice %arg5[%add3A_848] : memref<1600000xf32, #tpu.memory_space<hbm>> -> memref<2560xf32, #tpu.memory_space<hbm>>
    %dma_wait3A_992 = arith.constant 0 : i32
    %dma_wait3A_993 = tpu.memref_slice %arg18[%dma_wait3A_992] : memref<2560xf32, #tpu.memory_space<vmem>> -> memref<2560xf32, #tpu.memory_space<vmem>>
    %dma_wait3A_994 = tpu.memref_slice %arg5[%add3A_848] : memref<1600000xf32, #tpu.memory_space<hbm>> -> memref<2560xf32, #tpu.memory_space<hbm>>
    tpu.wait_dma2 semaphore(%arg24 : memref<!tpu.dma_semaphore, #tpu.memory_space<semaphore_mem>>) src(%dma_wait3A_994 : memref<2560xf32, #tpu.memory_space<hbm>>) dst(%dma_wait3A_993 : memref<2560xf32, #tpu.memory_space<vmem>>)
    %dma_wait3A_995 = arith.constant 0 : i32
    %dma_wait3A_996 = tpu.memref_slice %arg19[%dma_wait3A_995] : memref<2560xf32, #tpu.memory_space<vmem>> -> memref<2560xf32, #tpu.memory_space<vmem>>
    %dma_wait3A_997 = tpu.memref_slice %arg6[%add3A_840] : memref<1600000xf32, #tpu.memory_space<hbm>> -> memref<2560xf32, #tpu.memory_space<hbm>>
    %dma_wait3A_998 = tpu.memref_slice %arg6[%add3A_840] : memref<1600000xf32, #tpu.memory_space<hbm>> -> memref<2560xf32, #tpu.memory_space<hbm>>
    %dma_wait3A_999 = arith.constant 0 : i32
    %dma_wait3A_1000 = tpu.memref_slice %arg19[%dma_wait3A_999] : memref<2560xf32, #tpu.memory_space<vmem>> -> memref<2560xf32, #tpu.memory_space<vmem>>
    tpu.wait_dma2 semaphore(%arg25 : memref<!tpu.dma_semaphore, #tpu.memory_space<semaphore_mem>>) src(%dma_wait3A_1000 : memref<2560xf32, #tpu.memory_space<vmem>>) dst(%dma_wait3A_998 : memref<2560xf32, #tpu.memory_space<hbm>>)
    %parallel_loop3A_1001 = arith.constant 0 : i32
    %parallel_loop3A_1002 = arith.constant 2560 : i32
    %parallel_loop3A_1003 = arith.constant 16 : i32
    scf.for %parallel_loop3A_1100 = %parallel_loop3A_1001 to %parallel_loop3A_1002 step %parallel_loop3A_1003  : i32 {
      %parallel_loop3A_1101 = arith.index_cast %parallel_loop3A_1100 : i32 to index
      %parallel_loop3A_1102 = tpu.vector_load %arg16[%parallel_loop3A_1101] {strides = array<i32>} : memref<2560xi32, #tpu.memory_space<vmem>>, vector<16xi32>,
      %parallel_loop3A_1103 = tpu.vector_load_idx %arg7[%parallel_loop3A_1102] : memref<100096xf32, #tpu.memory_space<vmem>>[vector<16xi32>], vector<16xf32>,
      %parallel_loop3A_1104 = arith.index_cast %parallel_loop3A_1100 : i32 to index
      %parallel_loop3A_1105 = tpu.vector_load %arg17[%parallel_loop3A_1104] {strides = array<i32>} : memref<2560xi32, #tpu.memory_space<vmem>>, vector<16xi32>,
      %parallel_loop3A_1106 = tpu.vector_load_idx %arg7[%parallel_loop3A_1105] : memref<100096xf32, #tpu.memory_space<vmem>>[vector<16xi32>], vector<16xf32>,
      %parallel_loop3A_1107 = arith.subf %parallel_loop3A_1106, %parallel_loop3A_1103 : vector<16xf32>
      %parallel_loop3A_1108 = arith.index_cast %parallel_loop3A_1100 : i32 to index
      %parallel_loop3A_1109 = tpu.vector_load %arg18[%parallel_loop3A_1108] {strides = array<i32>} : memref<2560xf32, #tpu.memory_space<vmem>>, vector<16xf32>,
      %parallel_loop3A_1110 = arith.divf %parallel_loop3A_1107, %parallel_loop3A_1109 : vector<16xf32>
      %parallel_loop3A_1111 = arith.index_cast %parallel_loop3A_1100 : i32 to index
      %parallel_loop3A_1112 = tpu.vector_load %arg19[%parallel_loop3A_1111] {strides = array<i32>} : memref<2560xf32, #tpu.memory_space<vmem>>, vector<16xf32>,
      tpu.vector_store %arg19[%parallel_loop3A_1111], %parallel_loop3A_1110 {strides = array<i32>} : memref<2560xf32, #tpu.memory_space<vmem>>, vector<16xf32>,
    } {sc.loop_unroll_factor = 5 : i64, sc.parallel_access}
    %add3A_1004 = arith.constant 43520 : i32
    %add3A_1005 = arith.addi %mul3A_2, %add3A_1004 : i32
    %dma_start3A_1006 = arith.constant 0 : i32
    %dma_start3A_1007 = tpu.memref_slice %arg19[%dma_start3A_1006] : memref<2560xf32, #tpu.memory_space<vmem>> -> memref<2560xf32, #tpu.memory_space<vmem>>
    %dma_start3A_1008 = tpu.memref_slice %arg6[%add3A_1005] : memref<1600000xf32, #tpu.memory_space<hbm>> -> memref<2560xf32, #tpu.memory_space<hbm>>
    %dma_start3A_1009 = tpu.memref_slice %arg6[%add3A_1005] : memref<1600000xf32, #tpu.memory_space<hbm>> -> memref<2560xf32, #tpu.memory_space<hbm>>
    %dma_start3A_1010 = arith.constant 0 : i32
    %dma_start3A_1011 = tpu.memref_slice %arg19[%dma_start3A_1010] : memref<2560xf32, #tpu.memory_space<vmem>> -> memref<2560xf32, #tpu.memory_space<vmem>>
    tpu.enqueue_dma source(%dma_start3A_1011 : memref<2560xf32, #tpu.memory_space<vmem>>) target(%dma_start3A_1009 : memref<2560xf32, #tpu.memory_space<hbm>>) target_semaphore(%arg25 : memref<!tpu.dma_semaphore, #tpu.memory_space<semaphore_mem>>)
    %dma_wait3A_1012 = arith.constant 0 : i32
    %dma_wait3A_1013 = tpu.memref_slice %arg8[%dma_wait3A_1012] : memref<2560xi32, #tpu.memory_space<vmem>> -> memref<2560xi32, #tpu.memory_space<vmem>>
    %dma_wait3A_1014 = tpu.memref_slice %arg3[%add3A_903] : memref<1600000xi32, #tpu.memory_space<hbm>> -> memref<2560xi32, #tpu.memory_space<hbm>>
    %dma_wait3A_1015 = arith.constant 0 : i32
    %dma_wait3A_1016 = tpu.memref_slice %arg8[%dma_wait3A_1015] : memref<2560xi32, #tpu.memory_space<vmem>> -> memref<2560xi32, #tpu.memory_space<vmem>>
    %dma_wait3A_1017 = tpu.memref_slice %arg3[%add3A_903] : memref<1600000xi32, #tpu.memory_space<hbm>> -> memref<2560xi32, #tpu.memory_space<hbm>>
    tpu.wait_dma2 semaphore(%arg20 : memref<!tpu.dma_semaphore, #tpu.memory_space<semaphore_mem>>) src(%dma_wait3A_1017 : memref<2560xi32, #tpu.memory_space<hbm>>) dst(%dma_wait3A_1016 : memref<2560xi32, #tpu.memory_space<vmem>>)
    %dma_wait3A_1018 = arith.constant 0 : i32
    %dma_wait3A_1019 = tpu.memref_slice %arg9[%dma_wait3A_1018] : memref<2560xi32, #tpu.memory_space<vmem>> -> memref<2560xi32, #tpu.memory_space<vmem>>
    %dma_wait3A_1020 = tpu.memref_slice %arg4[%add3A_903] : memref<1600000xi32, #tpu.memory_space<hbm>> -> memref<2560xi32, #tpu.memory_space<hbm>>
    %dma_wait3A_1021 = arith.constant 0 : i32
    %dma_wait3A_1022 = tpu.memref_slice %arg9[%dma_wait3A_1021] : memref<2560xi32, #tpu.memory_space<vmem>> -> memref<2560xi32, #tpu.memory_space<vmem>>
    %dma_wait3A_1023 = tpu.memref_slice %arg4[%add3A_903] : memref<1600000xi32, #tpu.memory_space<hbm>> -> memref<2560xi32, #tpu.memory_space<hbm>>
    tpu.wait_dma2 semaphore(%arg20 : memref<!tpu.dma_semaphore, #tpu.memory_space<semaphore_mem>>) src(%dma_wait3A_1023 : memref<2560xi32, #tpu.memory_space<hbm>>) dst(%dma_wait3A_1022 : memref<2560xi32, #tpu.memory_space<vmem>>)
    %dma_wait3A_1024 = arith.constant 0 : i32
    %dma_wait3A_1025 = tpu.memref_slice %arg10[%dma_wait3A_1024] : memref<2560xf32, #tpu.memory_space<vmem>> -> memref<2560xf32, #tpu.memory_space<vmem>>
    %dma_wait3A_1026 = tpu.memref_slice %arg5[%add3A_903] : memref<1600000xf32, #tpu.memory_space<hbm>> -> memref<2560xf32, #tpu.memory_space<hbm>>
    %dma_wait3A_1027 = arith.constant 0 : i32
    %dma_wait3A_1028 = tpu.memref_slice %arg10[%dma_wait3A_1027] : memref<2560xf32, #tpu.memory_space<vmem>> -> memref<2560xf32, #tpu.memory_space<vmem>>
    %dma_wait3A_1029 = tpu.memref_slice %arg5[%add3A_903] : memref<1600000xf32, #tpu.memory_space<hbm>> -> memref<2560xf32, #tpu.memory_space<hbm>>
    tpu.wait_dma2 semaphore(%arg20 : memref<!tpu.dma_semaphore, #tpu.memory_space<semaphore_mem>>) src(%dma_wait3A_1029 : memref<2560xf32, #tpu.memory_space<hbm>>) dst(%dma_wait3A_1028 : memref<2560xf32, #tpu.memory_space<vmem>>)
    %dma_wait3A_1030 = arith.constant 0 : i32
    %dma_wait3A_1031 = tpu.memref_slice %arg11[%dma_wait3A_1030] : memref<2560xf32, #tpu.memory_space<vmem>> -> memref<2560xf32, #tpu.memory_space<vmem>>
    %dma_wait3A_1032 = tpu.memref_slice %arg6[%add3A_895] : memref<1600000xf32, #tpu.memory_space<hbm>> -> memref<2560xf32, #tpu.memory_space<hbm>>
    %dma_wait3A_1033 = tpu.memref_slice %arg6[%add3A_895] : memref<1600000xf32, #tpu.memory_space<hbm>> -> memref<2560xf32, #tpu.memory_space<hbm>>
    %dma_wait3A_1034 = arith.constant 0 : i32
    %dma_wait3A_1035 = tpu.memref_slice %arg11[%dma_wait3A_1034] : memref<2560xf32, #tpu.memory_space<vmem>> -> memref<2560xf32, #tpu.memory_space<vmem>>
    tpu.wait_dma2 semaphore(%arg21 : memref<!tpu.dma_semaphore, #tpu.memory_space<semaphore_mem>>) src(%dma_wait3A_1035 : memref<2560xf32, #tpu.memory_space<vmem>>) dst(%dma_wait3A_1033 : memref<2560xf32, #tpu.memory_space<hbm>>)
    %parallel_loop3A_1036 = arith.constant 0 : i32
    %parallel_loop3A_1037 = arith.constant 2560 : i32
    %parallel_loop3A_1038 = arith.constant 16 : i32
    scf.for %parallel_loop3A_1100 = %parallel_loop3A_1036 to %parallel_loop3A_1037 step %parallel_loop3A_1038  : i32 {
      %parallel_loop3A_1101 = arith.index_cast %parallel_loop3A_1100 : i32 to index
      %parallel_loop3A_1102 = tpu.vector_load %arg8[%parallel_loop3A_1101] {strides = array<i32>} : memref<2560xi32, #tpu.memory_space<vmem>>, vector<16xi32>,
      %parallel_loop3A_1103 = tpu.vector_load_idx %arg7[%parallel_loop3A_1102] : memref<100096xf32, #tpu.memory_space<vmem>>[vector<16xi32>], vector<16xf32>,
      %parallel_loop3A_1104 = arith.index_cast %parallel_loop3A_1100 : i32 to index
      %parallel_loop3A_1105 = tpu.vector_load %arg9[%parallel_loop3A_1104] {strides = array<i32>} : memref<2560xi32, #tpu.memory_space<vmem>>, vector<16xi32>,
      %parallel_loop3A_1106 = tpu.vector_load_idx %arg7[%parallel_loop3A_1105] : memref<100096xf32, #tpu.memory_space<vmem>>[vector<16xi32>], vector<16xf32>,
      %parallel_loop3A_1107 = arith.subf %parallel_loop3A_1106, %parallel_loop3A_1103 : vector<16xf32>
      %parallel_loop3A_1108 = arith.index_cast %parallel_loop3A_1100 : i32 to index
      %parallel_loop3A_1109 = tpu.vector_load %arg10[%parallel_loop3A_1108] {strides = array<i32>} : memref<2560xf32, #tpu.memory_space<vmem>>, vector<16xf32>,
      %parallel_loop3A_1110 = arith.divf %parallel_loop3A_1107, %parallel_loop3A_1109 : vector<16xf32>
      %parallel_loop3A_1111 = arith.index_cast %parallel_loop3A_1100 : i32 to index
      %parallel_loop3A_1112 = tpu.vector_load %arg11[%parallel_loop3A_1111] {strides = array<i32>} : memref<2560xf32, #tpu.memory_space<vmem>>, vector<16xf32>,
      tpu.vector_store %arg11[%parallel_loop3A_1111], %parallel_loop3A_1110 {strides = array<i32>} : memref<2560xf32, #tpu.memory_space<vmem>>, vector<16xf32>,
    } {sc.loop_unroll_factor = 5 : i64, sc.parallel_access}
    %add3A_1039 = arith.constant 46080 : i32
    %add3A_1040 = arith.addi %mul3A_2, %add3A_1039 : i32
    %dma_start3A_1041 = arith.constant 0 : i32
    %dma_start3A_1042 = tpu.memref_slice %arg11[%dma_start3A_1041] : memref<2560xf32, #tpu.memory_space<vmem>> -> memref<2560xf32, #tpu.memory_space<vmem>>
    %dma_start3A_1043 = tpu.memref_slice %arg6[%add3A_1040] : memref<1600000xf32, #tpu.memory_space<hbm>> -> memref<2560xf32, #tpu.memory_space<hbm>>
    %dma_start3A_1044 = tpu.memref_slice %arg6[%add3A_1040] : memref<1600000xf32, #tpu.memory_space<hbm>> -> memref<2560xf32, #tpu.memory_space<hbm>>
    %dma_start3A_1045 = arith.constant 0 : i32
    %dma_start3A_1046 = tpu.memref_slice %arg11[%dma_start3A_1045] : memref<2560xf32, #tpu.memory_space<vmem>> -> memref<2560xf32, #tpu.memory_space<vmem>>
    tpu.enqueue_dma source(%dma_start3A_1046 : memref<2560xf32, #tpu.memory_space<vmem>>) target(%dma_start3A_1044 : memref<2560xf32, #tpu.memory_space<hbm>>) target_semaphore(%arg21 : memref<!tpu.dma_semaphore, #tpu.memory_space<semaphore_mem>>)
    %dma_wait3A_1047 = arith.constant 0 : i32
    %dma_wait3A_1048 = tpu.memref_slice %arg12[%dma_wait3A_1047] : memref<2560xi32, #tpu.memory_space<vmem>> -> memref<1360xi32, #tpu.memory_space<vmem>>
    %dma_wait3A_1049 = tpu.memref_slice %arg3[%add3A_958] : memref<1600000xi32, #tpu.memory_space<hbm>> -> memref<1360xi32, #tpu.memory_space<hbm>>
    %dma_wait3A_1050 = arith.constant 0 : i32
    %dma_wait3A_1051 = tpu.memref_slice %arg12[%dma_wait3A_1050] : memref<2560xi32, #tpu.memory_space<vmem>> -> memref<1360xi32, #tpu.memory_space<vmem>>
    %dma_wait3A_1052 = tpu.memref_slice %arg3[%add3A_958] : memref<1600000xi32, #tpu.memory_space<hbm>> -> memref<1360xi32, #tpu.memory_space<hbm>>
    tpu.wait_dma2 semaphore(%arg22 : memref<!tpu.dma_semaphore, #tpu.memory_space<semaphore_mem>>) src(%dma_wait3A_1052 : memref<1360xi32, #tpu.memory_space<hbm>>) dst(%dma_wait3A_1051 : memref<1360xi32, #tpu.memory_space<vmem>>)
    %dma_wait3A_1053 = arith.constant 0 : i32
    %dma_wait3A_1054 = tpu.memref_slice %arg13[%dma_wait3A_1053] : memref<2560xi32, #tpu.memory_space<vmem>> -> memref<1360xi32, #tpu.memory_space<vmem>>
    %dma_wait3A_1055 = tpu.memref_slice %arg4[%add3A_958] : memref<1600000xi32, #tpu.memory_space<hbm>> -> memref<1360xi32, #tpu.memory_space<hbm>>
    %dma_wait3A_1056 = arith.constant 0 : i32
    %dma_wait3A_1057 = tpu.memref_slice %arg13[%dma_wait3A_1056] : memref<2560xi32, #tpu.memory_space<vmem>> -> memref<1360xi32, #tpu.memory_space<vmem>>
    %dma_wait3A_1058 = tpu.memref_slice %arg4[%add3A_958] : memref<1600000xi32, #tpu.memory_space<hbm>> -> memref<1360xi32, #tpu.memory_space<hbm>>
    tpu.wait_dma2 semaphore(%arg22 : memref<!tpu.dma_semaphore, #tpu.memory_space<semaphore_mem>>) src(%dma_wait3A_1058 : memref<1360xi32, #tpu.memory_space<hbm>>) dst(%dma_wait3A_1057 : memref<1360xi32, #tpu.memory_space<vmem>>)
    %dma_wait3A_1059 = arith.constant 0 : i32
    %dma_wait3A_1060 = tpu.memref_slice %arg14[%dma_wait3A_1059] : memref<2560xf32, #tpu.memory_space<vmem>> -> memref<1360xf32, #tpu.memory_space<vmem>>
    %dma_wait3A_1061 = tpu.memref_slice %arg5[%add3A_958] : memref<1600000xf32, #tpu.memory_space<hbm>> -> memref<1360xf32, #tpu.memory_space<hbm>>
    %dma_wait3A_1062 = arith.constant 0 : i32
    %dma_wait3A_1063 = tpu.memref_slice %arg14[%dma_wait3A_1062] : memref<2560xf32, #tpu.memory_space<vmem>> -> memref<1360xf32, #tpu.memory_space<vmem>>
    %dma_wait3A_1064 = tpu.memref_slice %arg5[%add3A_958] : memref<1600000xf32, #tpu.memory_space<hbm>> -> memref<1360xf32, #tpu.memory_space<hbm>>
    tpu.wait_dma2 semaphore(%arg22 : memref<!tpu.dma_semaphore, #tpu.memory_space<semaphore_mem>>) src(%dma_wait3A_1064 : memref<1360xf32, #tpu.memory_space<hbm>>) dst(%dma_wait3A_1063 : memref<1360xf32, #tpu.memory_space<vmem>>)
    %dma_wait3A_1065 = arith.constant 0 : i32
    %dma_wait3A_1066 = tpu.memref_slice %arg15[%dma_wait3A_1065] : memref<2560xf32, #tpu.memory_space<vmem>> -> memref<2560xf32, #tpu.memory_space<vmem>>
    %dma_wait3A_1067 = tpu.memref_slice %arg6[%add3A_950] : memref<1600000xf32, #tpu.memory_space<hbm>> -> memref<2560xf32, #tpu.memory_space<hbm>>
    %dma_wait3A_1068 = tpu.memref_slice %arg6[%add3A_950] : memref<1600000xf32, #tpu.memory_space<hbm>> -> memref<2560xf32, #tpu.memory_space<hbm>>
    %dma_wait3A_1069 = arith.constant 0 : i32
    %dma_wait3A_1070 = tpu.memref_slice %arg15[%dma_wait3A_1069] : memref<2560xf32, #tpu.memory_space<vmem>> -> memref<2560xf32, #tpu.memory_space<vmem>>
    tpu.wait_dma2 semaphore(%arg23 : memref<!tpu.dma_semaphore, #tpu.memory_space<semaphore_mem>>) src(%dma_wait3A_1070 : memref<2560xf32, #tpu.memory_space<vmem>>) dst(%dma_wait3A_1068 : memref<2560xf32, #tpu.memory_space<hbm>>)
    %parallel_loop3A_1071 = arith.constant 0 : i32
    %parallel_loop3A_1072 = arith.constant 1360 : i32
    %parallel_loop3A_1073 = arith.constant 16 : i32
    scf.for %parallel_loop3A_1100 = %parallel_loop3A_1071 to %parallel_loop3A_1072 step %parallel_loop3A_1073  : i32 {
      %parallel_loop3A_1101 = arith.index_cast %parallel_loop3A_1100 : i32 to index
      %parallel_loop3A_1102 = tpu.vector_load %arg12[%parallel_loop3A_1101] {strides = array<i32>} : memref<2560xi32, #tpu.memory_space<vmem>>, vector<16xi32>,
      %parallel_loop3A_1103 = tpu.vector_load_idx %arg7[%parallel_loop3A_1102] : memref<100096xf32, #tpu.memory_space<vmem>>[vector<16xi32>], vector<16xf32>,
      %parallel_loop3A_1104 = arith.index_cast %parallel_loop3A_1100 : i32 to index
      %parallel_loop3A_1105 = tpu.vector_load %arg13[%parallel_loop3A_1104] {strides = array<i32>} : memref<2560xi32, #tpu.memory_space<vmem>>, vector<16xi32>,
      %parallel_loop3A_1106 = tpu.vector_load_idx %arg7[%parallel_loop3A_1105] : memref<100096xf32, #tpu.memory_space<vmem>>[vector<16xi32>], vector<16xf32>,
      %parallel_loop3A_1107 = arith.subf %parallel_loop3A_1106, %parallel_loop3A_1103 : vector<16xf32>
      %parallel_loop3A_1108 = arith.index_cast %parallel_loop3A_1100 : i32 to index
      %parallel_loop3A_1109 = tpu.vector_load %arg14[%parallel_loop3A_1108] {strides = array<i32>} : memref<2560xf32, #tpu.memory_space<vmem>>, vector<16xf32>,
      %parallel_loop3A_1110 = arith.divf %parallel_loop3A_1107, %parallel_loop3A_1109 : vector<16xf32>
      %parallel_loop3A_1111 = arith.index_cast %parallel_loop3A_1100 : i32 to index
      %parallel_loop3A_1112 = tpu.vector_load %arg15[%parallel_loop3A_1111] {strides = array<i32>} : memref<2560xf32, #tpu.memory_space<vmem>>, vector<16xf32>,
      tpu.vector_store %arg15[%parallel_loop3A_1111], %parallel_loop3A_1110 {strides = array<i32>} : memref<2560xf32, #tpu.memory_space<vmem>>, vector<16xf32>,
    } {sc.loop_unroll_factor = 5 : i64, sc.parallel_access}
    %add3A_1074 = arith.constant 48640 : i32
    %add3A_1075 = arith.addi %mul3A_2, %add3A_1074 : i32
    %dma_start3A_1076 = arith.constant 0 : i32
    %dma_start3A_1077 = tpu.memref_slice %arg15[%dma_start3A_1076] : memref<2560xf32, #tpu.memory_space<vmem>> -> memref<1360xf32, #tpu.memory_space<vmem>>
    %dma_start3A_1078 = tpu.memref_slice %arg6[%add3A_1075] : memref<1600000xf32, #tpu.memory_space<hbm>> -> memref<1360xf32, #tpu.memory_space<hbm>>
    %dma_start3A_1079 = tpu.memref_slice %arg6[%add3A_1075] : memref<1600000xf32, #tpu.memory_space<hbm>> -> memref<1360xf32, #tpu.memory_space<hbm>>
    %dma_start3A_1080 = arith.constant 0 : i32
    %dma_start3A_1081 = tpu.memref_slice %arg15[%dma_start3A_1080] : memref<2560xf32, #tpu.memory_space<vmem>> -> memref<1360xf32, #tpu.memory_space<vmem>>
    tpu.enqueue_dma source(%dma_start3A_1081 : memref<1360xf32, #tpu.memory_space<vmem>>) target(%dma_start3A_1079 : memref<1360xf32, #tpu.memory_space<hbm>>) target_semaphore(%arg23 : memref<!tpu.dma_semaphore, #tpu.memory_space<semaphore_mem>>)
    %dma_wait3A_1082 = arith.constant 0 : i32
    %dma_wait3A_1083 = tpu.memref_slice %arg19[%dma_wait3A_1082] : memref<2560xf32, #tpu.memory_space<vmem>> -> memref<2560xf32, #tpu.memory_space<vmem>>
    %dma_wait3A_1084 = tpu.memref_slice %arg6[%add3A_1005] : memref<1600000xf32, #tpu.memory_space<hbm>> -> memref<2560xf32, #tpu.memory_space<hbm>>
    %dma_wait3A_1085 = tpu.memref_slice %arg6[%add3A_1005] : memref<1600000xf32, #tpu.memory_space<hbm>> -> memref<2560xf32, #tpu.memory_space<hbm>>
    %dma_wait3A_1086 = arith.constant 0 : i32
    %dma_wait3A_1087 = tpu.memref_slice %arg19[%dma_wait3A_1086] : memref<2560xf32, #tpu.memory_space<vmem>> -> memref<2560xf32, #tpu.memory_space<vmem>>
    tpu.wait_dma2 semaphore(%arg25 : memref<!tpu.dma_semaphore, #tpu.memory_space<semaphore_mem>>) src(%dma_wait3A_1087 : memref<2560xf32, #tpu.memory_space<vmem>>) dst(%dma_wait3A_1085 : memref<2560xf32, #tpu.memory_space<hbm>>)
    %dma_wait3A_1088 = arith.constant 0 : i32
    %dma_wait3A_1089 = tpu.memref_slice %arg11[%dma_wait3A_1088] : memref<2560xf32, #tpu.memory_space<vmem>> -> memref<2560xf32, #tpu.memory_space<vmem>>
    %dma_wait3A_1090 = tpu.memref_slice %arg6[%add3A_1040] : memref<1600000xf32, #tpu.memory_space<hbm>> -> memref<2560xf32, #tpu.memory_space<hbm>>
    %dma_wait3A_1091 = tpu.memref_slice %arg6[%add3A_1040] : memref<1600000xf32, #tpu.memory_space<hbm>> -> memref<2560xf32, #tpu.memory_space<hbm>>
    %dma_wait3A_1092 = arith.constant 0 : i32
    %dma_wait3A_1093 = tpu.memref_slice %arg11[%dma_wait3A_1092] : memref<2560xf32, #tpu.memory_space<vmem>> -> memref<2560xf32, #tpu.memory_space<vmem>>
    tpu.wait_dma2 semaphore(%arg21 : memref<!tpu.dma_semaphore, #tpu.memory_space<semaphore_mem>>) src(%dma_wait3A_1093 : memref<2560xf32, #tpu.memory_space<vmem>>) dst(%dma_wait3A_1091 : memref<2560xf32, #tpu.memory_space<hbm>>)
    %dma_wait3A_1094 = arith.constant 0 : i32
    %dma_wait3A_1095 = tpu.memref_slice %arg15[%dma_wait3A_1094] : memref<2560xf32, #tpu.memory_space<vmem>> -> memref<1360xf32, #tpu.memory_space<vmem>>
    %dma_wait3A_1096 = tpu.memref_slice %arg6[%add3A_1075] : memref<1600000xf32, #tpu.memory_space<hbm>> -> memref<1360xf32, #tpu.memory_space<hbm>>
    %dma_wait3A_1097 = tpu.memref_slice %arg6[%add3A_1075] : memref<1600000xf32, #tpu.memory_space<hbm>> -> memref<1360xf32, #tpu.memory_space<hbm>>
    %dma_wait3A_1098 = arith.constant 0 : i32
    %dma_wait3A_1099 = tpu.memref_slice %arg15[%dma_wait3A_1098] : memref<2560xf32, #tpu.memory_space<vmem>> -> memref<1360xf32, #tpu.memory_space<vmem>>
    tpu.wait_dma2 semaphore(%arg23 : memref<!tpu.dma_semaphore, #tpu.memory_space<semaphore_mem>>) src(%dma_wait3A_1099 : memref<1360xf32, #tpu.memory_space<vmem>>) dst(%dma_wait3A_1097 : memref<1360xf32, #tpu.memory_space<hbm>>)
    return
  }
}

module attributes {stable_mosaic.version = 14 : i64} {
  func.func @_phi_body(%arg0: memref<782x128xf32, #tpu.memory_space<vmem>>, %arg1: memref<782x128xf32, #tpu.memory_space<vmem>>, %arg2: memref<782x128xf32, #tpu.memory_space<vmem>>) attributes {dimension_semantics = [], scalar_prefetch = 0 : i64, scratch_operands = 0 : i64, tpu.core_type = #tpu.core_type<tc>} {
    %get3A = arith.constant 0 : index
    %get3A_0 = arith.constant 0 : index
    %get3A_1 = vector.load %arg0[%get3A, %get3A_0] : memref<782x128xf32, #tpu.memory_space<vmem>>, vector<782x128xf32>
    %mul3A = arith.constant 8995.76953 : f32
    %mul3A_2 = vector.broadcast %mul3A : f32 to vector<782x128xf32>
    %mul3A_3 = arith.mulf %mul3A_2, %get3A_1 : vector<782x128xf32>
    %get3A_4 = arith.constant 0 : index
    %get3A_5 = arith.constant 0 : index
    %get3A_6 = vector.load %arg1[%get3A_4, %get3A_5] : memref<782x128xf32, #tpu.memory_space<vmem>>, vector<782x128xf32>
    %mul3A_7 = arith.constant 9.810000e+03 : f32
    %mul3A_8 = vector.broadcast %mul3A_7 : f32 to vector<782x128xf32>
    %mul3A_9 = arith.mulf %mul3A_8, %get3A_6 : vector<782x128xf32>
    %add3A = arith.addf %mul3A_3, %mul3A_9 : vector<782x128xf32>
    %swap3A = arith.constant 0 : index
    %swap3A_10 = arith.constant 0 : index
    %swap3A_11 = vector.load %arg2[%swap3A, %swap3A_10] : memref<782x128xf32, #tpu.memory_space<vmem>>, vector<782x128xf32>
    tpu.vector_store %arg2[%swap3A, %swap3A_10], %add3A {strides = array<i32>} : memref<782x128xf32, #tpu.memory_space<vmem>>, vector<782x128xf32>,
    return
  }
}

</mosaic_0001>

<sc_bundles>
// kernel: kernel.4.cloned.1.call-start
scs
__scs_entry_jumppad:
0x0: {  	(pc) =	sbr.rel $0x88, $3  }
0x1: {  	(tag) =	ssettag $0x0;
	lr =	simm.s32 $0x1  }
0x2: {  	[smem:$0x3F9C] =	sst lr;
	_ =	strace $0xD0000000  }
0x3: {  	_ = 	snop  }
0x4: {  	_ = 	snop  }
0x5: {  	_ = 	snop  }
0x6: {  	_ = 	snop  }
0x7: {  	_ = 	snop  }
__scs_overlays_trampoline_lowered:
0x8: {  	[smem:$0x3FAB] =	sst s0  }
0x9: {  	[smem:$0x3FAC] =	sst s1  }
0xa: {  	[smem:$0x3FAD] =	sst s2  }
0xb: {  	[smem:$0x3FAE] =	sst s3  }
0xc: {  	[smem:$0x3FAF] =	sst s4  }
0xd: {  	[smem:$0x3FB0] =	sst s5  }
0xe: {  	[smem:$0x3FB1] =	sst s6  }
0xf: {  	[smem:$0x3FB2] =	sst s7  }
0x10: {  	[smem:$0x3FB3] =	sst s8  }
0x11: {  	[smem:$0x3FB4] =	sst s9;
	s0 =	simm.s32 @!p0 $0x0  }
0x12: {  	s1 =	sld [smem:$0x3F9A];
	s0 =	simm.s32 @p0 $0x1  }
0x13: {  	[smem:$0x3FB5] =	sst s0;
	s0 =	simm.s32 @!p1 $0x0  }
0x14: {  	s2 =	sld [smem:$0x3F99];
	s0 =	simm.s32 @p1 $0x1  }
0x15: {  	[smem:$0x3FB6] =	sst s0;
	s0 =	simm.s32 @!p2 $0x0  }
0x16: {  	s3 =	sld [smem:$0x3FDB];
	s0 =	simm.s32 @p2 $0x1  }
0x17: {  	s4 =	simm.s32 $0x1BF5;
	[smem:$0x3FB8] =	sst s0  }
0x18: {  	s0 =	sld [smem:$0x3F9B];
	_ =	swait.ge [sflag:s4], $0x0  }
0x19: {  	s7 =	sld [smem:$0x3F9C]  }
0x1a: {  	s8 =	sadd.s32 $0xFFFFE003, lr  }
0x1b: {  	s9 =	sadd.s32 $0xFFFFFEF7, lr;
	s5 =	simm.s32 $0xFFFFFFFF;
	p2 =	slt.u32 s8, $0xFFFFF086  }
0x1c: {  	p1 =	slt.u32 s9, $0xF7A;
	s5 =	simm.s32 @!p2 $0x0  }
0x1d: {  	s5 =	simm.s32 @p1 $0x1;
	p0 =	seq.s32 s7, s2  }
0x1e: {  	s7 =	smul.u32 @!p0 $0xF7A, s2;
	p2 =	seq.s32 @!p0 s5, $0x0  }
0x1f: {  	s9 =	smul.u32 $0xF7A, s1;
	s8 =	simm.s32 @!p0 $0x1BF5;
	p2 =	por !p2, p0  }
0x20: {  	[sflag:s8] =	ssyncset.s32 @!p0 $0xFFFFF086;
	s6 =	sadd.s32 @!p0 s3, s7;
	s7 =	simm.s32 @!p0 $0x108  }
0x21: {  	s3 =	sadd.s32 s3, s9;
	s6 =	sadd.s32 @!p0 $0x88, s6;
	s7 =	simm.s32 @p2 $0x1082  }
0x22: {  	[simem:s7], [sflag:s8] =	dma.local @!p0 [hbm:s6], $0xF7A  }
0x23: {  	s9 =	sor.u32 $0xD0000000, s2;
	s6 =	simm.s32 $0x108;
	_ =	swait.ge @!p0 [sflag:s8], $0x0  }
0x24: {  	s3 =	sadd.s32 $0x88, s3;
	s6 =	simm.s32 @!p1 $0x1082;
	[sflag:s4] =	ssyncset.s32 $0xFFFFF086  }
0x25: {  	[simem:s6], [sflag:s4] =	dma.local [hbm:s3], $0xF7A  }
0x26: {  	[smem:$0x3F9C] =	sst s1;
	(tag) =	ssettag s2;
	_ =	strace s9  }
0x27: {  	s1 =	sld [smem:$0x3FAC]  }
0x28: {  	s2 =	sld [smem:$0x3FAD]  }
0x29: {  	s4 =	sld [smem:$0x3FAF]  }
0x2a: {  	p0 =	seq.s32 s5, $0x0;
	s5 =	sld [smem:$0x3FB0]  }
0x2b: {  	s6 =	sld [smem:$0x3FB1]  }
0x2c: {  	s7 =	sld [smem:$0x3FB2]  }
0x2d: {  	s3 =	simm.s32 $0x108;
	s8 =	sld [smem:$0x3FB3]  }
0x2e: {  	s3 =	simm.s32 @!p0 $0x1082;
	s9 =	sld [smem:$0x3FB4]  }
0x2f: {  	lr =	sadd.s32 s0, s3;
	s0 =	sld [smem:$0x3FAB]  }
0x30: {  	s3 =	sld [smem:$0x3FAE]  }
0x31: {  	[smem:$0x3FB7] =	sst s10  }
0x32: {  	s10 =	sld [smem:$0x3FB5];
	_ =	sdelay $0x3  }
0x33: {  	p0 =	seq.s32 s10, $0x1;
	s10 =	sld [smem:$0x3FB7];
	_ =	sdelay $0x3  }
0x34: {  	[smem:$0x3FB7] =	sst s10  }
0x35: {  	s10 =	sld [smem:$0x3FB6];
	_ =	sdelay $0x3  }
0x36: {  	p1 =	seq.s32 s10, $0x1;
	s10 =	sld [smem:$0x3FB7];
	_ =	sdelay $0x3  }
0x37: {  	[smem:$0x3FB7] =	sst s10  }
0x38: {  	s10 =	sld [smem:$0x3FB8]  }
0x39: {  	_ = 	snop;
	(pc) =	sbr.ind lr, $3  }
0x3a: {  	_ = 	snop  }
0x3b: {  	_ = 	snop  }
0x3c: {  	p2 =	seq.s32 s10, $0x1;
	s10 =	sld [smem:$0x3FB7]  }
0x3d: {  	_ =	shalt  }
0x3e: {  	_ =	shalt  }
0x3f: {  	_ =	shalt  }
0x40: {  	_ =	shalt  }
0x41: {  	_ =	shalt  }
0x42: {  	_ =	shalt  }
0x43: {  	_ =	shalt  }
0x44: {  	_ =	shalt  }
0x45: {  	_ =	shalt  }
0x46: {  	_ =	shalt  }
0x47: {  	_ =	shalt  }
0x48: {  	_ =	shalt  }
0x49: {  	_ =	shalt  }
0x4a: {  	_ =	shalt  }
0x4b: {  	_ =	shalt  }
0x4c: {  	_ =	shalt  }
0x4d: {  	_ =	shalt  }
0x4e: {  	_ =	shalt  }
0x4f: {  	_ =	shalt  }
0x50: {  	_ =	shalt  }
0x51: {  	_ =	shalt  }
0x52: {  	_ =	shalt  }
0x53: {  	_ =	shalt  }
0x54: {  	_ =	shalt  }
0x55: {  	_ =	shalt  }
0x56: {  	_ =	shalt  }
0x57: {  	_ =	shalt  }
0x58: {  	_ =	shalt  }
0x59: {  	_ =	shalt  }
0x5a: {  	_ =	shalt  }
0x5b: {  	_ =	shalt  }
0x5c: {  	_ =	shalt  }
0x5d: {  	_ =	shalt  }
0x5e: {  	_ =	shalt  }
0x5f: {  	_ =	shalt  }
0x60: {  	_ =	shalt  }
0x61: {  	_ =	shalt  }
0x62: {  	_ =	shalt  }
0x63: {  	_ =	shalt  }
0x64: {  	_ =	shalt  }
0x65: {  	_ =	shalt  }
0x66: {  	_ =	shalt  }
0x67: {  	_ =	shalt  }
0x68: {  	_ =	shalt  }
0x69: {  	_ =	shalt  }
0x6a: {  	_ =	shalt  }
0x6b: {  	_ =	shalt  }
0x6c: {  	_ =	shalt  }
0x6d: {  	_ =	shalt  }
0x6e: {  	_ =	shalt  }
0x6f: {  	_ =	shalt  }
0x70: {  	_ =	shalt  }
0x71: {  	_ =	shalt  }
0x72: {  	_ =	shalt  }
0x73: {  	_ =	shalt  }
0x74: {  	_ =	shalt  }
0x75: {  	_ =	shalt  }
0x76: {  	_ =	shalt  }
0x77: {  	_ =	shalt  }
0x78: {  	_ =	shalt  }
0x79: {  	_ =	shalt  }
0x7a: {  	_ =	shalt  }
0x7b: {  	_ =	shalt  }
0x7c: {  	_ =	shalt  }
0x7d: {  	_ =	shalt  }
0x7e: {  	_ =	shalt  }
0x7f: {  	_ =	shalt  }
0x80: {  	_ =	shalt  }
0x81: {  	_ =	shalt  }
0x82: {  	_ =	shalt  }
0x83: {  	_ =	shalt  }
0x84: {  	_ =	shalt  }
0x85: {  	_ =	shalt  }
0x86: {  	_ =	shalt  }
0x87: {  	_ =	shalt  }
.Lfunc_end0:
.L_simem_size_0:
called_computation_lowered:
.L_overlay_start_0:
0x88: {  	s2 =	sld [smem:$0x3FD9]  }
0x89: {  	s3 =	sld [smem:$0x3FFE];
	_ =	sdelay $0x1  }
0x8a: {  	s1 =	srdreg.scid  }
0x8b: {  	s0 =	sand.u32 $0x1, s1  }
0x8c: {  	s17 =	sshll.u32 s0, $0xA;
	s2 =	sadd.s32 s3, s2  }
0x8d: {  	s2 =	sadd.s32 s2, s17  }
0x8e: {  	[smem:$0x3FC3] =	sst s2  }
0x8f: {  	_ = 	snop  }
0x90: {  	s2 =	sld [smem:$0x3FC7]  }
0x91: {  	s18 =	sld [smem:$0x3FC6]  }
0x92: {  	s4 =	sld [smem:$0x3FC5]  }
0x93: {  	s5 =	sld [smem:$0x3FD0];
	(tm) =	ssettm $0x1  }
0x94: {  	s6 =	sld [smem:$0x3FFB];
	_ =	sdelay $0x3  }
0x95: {  	_ =	strace s6  }
0x96: {  	s6 =	sld [smem:$0x3FFC];
	_ =	sdelay $0x3  }
0x97: {  	_ =	strace s6  }
0x98: {  	s6 =	sld [smem:$0x3FFD];
	_ =	sdelay $0x3  }
0x99: {  	_ =	strace s6  }
0x9a: {  	_ =	strace $0x8FFFFFFF  }
0x9b: {  	s19 =	sld [smem:$0x3FDB];
	_ =	sdelay $0x1  }
0x9c: {  	s7 =	simm.s32 $_scs_section_size  }
0x9d: {  	s8 =	simm.s32 $_size__tile_overlayer_lowered;
	s9 =	simm.s32 $_tile_overlayer_lowered  }
0x9e: {  	s22 =	simm.s32 $0x1BFF;
	s21 =	sshll.u32 s9, $0x1;
	s6 =	sadd.s32 s7, s19  }
0x9f: {  	s10 =	simm.s32 $0x0;
	s20 =	sshll.u32 s8, $0x1;
	s8 =	sadd.s32 s21, s6  }
0xa0: {  	[timem:s10], [sflag:s22] =	dma.local [hbm:s8], s20  }
0xa1: {  	_ =	swait.ge [sflag:s22], s20  }
0xa2: {  	s7 =	ssub.s32 $0x0, s20;
	[sflag:s22] =	ssyncset.done $0x0  }
0xa3: {  	[sflag:s22] =	ssyncadd.s32 s7;
	_ =	sdelay $0x1  }
0xa4: {  	s23 =	simm.s32 $0x1B8B  }
0xa5: {  	_ =	swait.ge [sflag:s23], $0x1  }
0xa6: {  	[sflag:s23] =	ssyncset.done $0x0  }
0xa7: {  	s25 =	simm.s32 $0x1B8E;
	s24 =	sld [smem:$0x3FFE];
	[sflag:s23] =	ssyncadd.s32 $0xFFFFFFFF  }
0xa8: {  	s26 =	simm.s32 $execute0_lowered;
	[smem:$0x3FD2] =	sst s25  }
0xa9: {  	s8 =	sshll.u32 s26, $0x1;
	_ =	strace $0x80000046;
	[dreg:$0x1] =	wrdreg $0xFFFFFFFF  }
0xaa: {  	s28 =	simm.s32 $_size_execute0_lowered;
	s6 =	sadd.s32 s6, s8;
	[dreg:$0x0] =	wrdreg $0x0  }
0xab: {  	s8 =	sshll.u32 s28, $0x1;
	[dreg:$0x2] =	wrdreg s6  }
0xac: {  	[dreg:$0x3] =	wrdreg s8  }
0xad: {  	[dreg:$0x4] =	wrdreg $0xC0  }
0xae: {  	_ =	task [dreg:s10], $0x5FFFF  }
0xaf: {  	[dreg:$0x1] =	wrdreg $0xFFFFFFFF  }
0xb0: {  	[dreg:$0x0] =	wrdreg $0x60  }
0xb1: {  	[dreg:$0x2] =	wrdreg s24  }
0xb2: {  	[dreg:$0x3] =	wrdreg s18  }
0xb3: {  	[dreg:$0x4] =	wrdreg s4  }
0xb4: {  	[dreg:$0x5] =	wrdreg s2  }
0xb5: {  	[dreg:$0x6] =	wrdreg s5  }
0xb6: {  	[dreg:$0x7] =	wrdreg $0x9  }
0xb7: {  	_ =	task.clear_ibuf [dreg:s10], $0x8FFFF;
	_ =	strace $0x90000046  }
0xb8: {  	s29 =	simm.s32 $0x9;
	_ =	strace $0x80000048  }
0xb9: {  	_ =	swait.ge [sflag:s29], $0x1  }
0xba: {  	[sflag:s29] =	ssyncadd.s32 $0xFFFFFFFF  }
0xbb: {  	_ =	strace $0x90000048  }
0xbc: {  	_ =	sfence  }
0xbd: {  	s30 =	sld [smem:$0x0];
	_ =	sdelay $0x2  }
0xbe: {  	s31 =	sshll.u32 s1, $0xD;
	s1 =	sshrl.u32 s1, $0x2  }
0xbf: {  	s3 =	sand.u32 $0x4000, s31;
	s1 =	sadd.s32 s1, s30  }
0xc0: {  	s0 =	sor.u32 s3, s0;
	s1 =	sshll.u32 s1, $0x11  }
0xc1: {  	s0 =	sor.u32 s1, s0  }
0xc2: {  	s0 =	sadd.s32 $0x8F2B, s0  }
0xc3: {  	[sflag:s0] =	ssyncadd.remote.s32 $0x1  }
0xc4: {  	_ =	sfence.sel $0xFFFF  }
0xc5: {  	[dreg:$0x0] =	wrdreg $0xFFFFFFFF;
	(pc) =	sbr.abs _section_cstart, $3  }
0xc6: {  	[dreg:$0x1] =	wrdreg $0xFFFFFFFF  }
0xc7: {  	_ =	task.clear_ibuf [dreg:s10], $0x2FFFF;
	_ =	strace $0x9FFFFFFF  }
0xc8: {  	(tm) =	ssettm $0x7FFFFFFF  }
0xc9: {  	_ =	shalt  }
tec
execute0_lowered:
.L_overlay_start_1:
0x0: {  	(tag) =	ssettag $0x1  }
0x1: {  	s0 =	srdreg.scid;
	s2 =	stileid.u32  }
0x2: {  	s1 =	sand.u32 $0x1, s0;
	s15 =	sshll.u32 s2, $0x1  }
0x3: {  	s0 =	sor.u32 s1, s15  }
0x4: {  	s4 =	rddreg [dreg:$0x1];
	s3 =	smul.u32 $0xC350, s0  }
0x5: {  	s5 =	rddreg [dreg:$0x2]  }
0x6: {  	s2 =	rddreg [dreg:$0x3];
	s7 =	ssub.s32 $0x2, s1;
	s6 =	sshrl.u32 s3, $0x3  }
0x7: {  	s1 =	simm.s32 $0x0;
	s0 =	rddreg [dreg:$0x4];
	s16 =	sadd.s32 $0x140, s6  }
0x8: {  	[smem:$0x7FF] =	sst s1;
	s17 =	sadd.s32 s4, s16  }
0x9: {  	s18 =	sadd.s32 s5, s16;
	[dreg:$0x6] =	wrdreg s17  }
0xa: {  	s19 =	sadd.s32 $0x280, s6;
	s9 =	sadd.s32 s2, s16;
	[dreg:$0x7] =	wrdreg s18  }
0xb: {  	s20 =	sadd.s32 s4, s19;
	[dreg:$0x8] =	wrdreg s9  }
0xc: {  	s10 =	sadd.s32 s5, s19;
	[dreg:$0x9] =	wrdreg s20  }
0xd: {  	s21 =	sadd.s32 $0x3C0, s6;
	s22 =	sadd.s32 s2, s19;
	[dreg:$0xa] =	wrdreg s10  }
0xe: {  	s23 =	sadd.s32 s4, s21;
	[dreg:$0xb] =	wrdreg s22  }
0xf: {  	s8 =	sshrl.u32 s7, $0x1;
	s24 =	sadd.s32 s5, s21;
	[dreg:$0xc] =	wrdreg s23  }
0x10: {  	s3 =	ssub.s32 s7, s8;
	s25 =	sadd.s32 s2, s21;
	[dreg:$0xd] =	wrdreg s24  }
0x11: {  	s26 =	sadd.s32 $0x500, s6;
	s7 =	sadd.s32 s0, s16;
	[dreg:$0xe] =	wrdreg s25  }
0x12: {  	s11 =	sadd.s32 s4, s26;
	[dreg:$0xf] =	wrdreg s7  }
0x13: {  	s12 =	sadd.s32 s5, s26;
	[dreg:$0x10] =	wrdreg s11  }
0x14: {  	s13 =	sadd.s32 s2, s26;
	[dreg:$0x11] =	wrdreg s12  }
0x15: {  	s15 =	sadd.s32 $0x640, s6;
	s14 =	sadd.s32 s0, s19;
	[dreg:$0x12] =	wrdreg s13  }
0x16: {  	s16 =	sadd.s32 s4, s15;
	[dreg:$0x13] =	wrdreg s14  }
0x17: {  	s19 =	sadd.s32 s5, s15;
	[dreg:$0x14] =	wrdreg s16  }
0x18: {  	s17 =	sadd.s32 s0, s21;
	[dreg:$0x17] =	wrdreg s19  }
0x19: {  	s18 =	sadd.s32 s0, s26;
	[dreg:$0x15] =	wrdreg s17  }
0x1a: {  	s20 =	sadd.s32 s2, s15;
	[dreg:$0x16] =	wrdreg s18  }
0x1b: {  	s21 =	sadd.s32 $0x780, s6;
	s7 =	sadd.s32 s0, s15;
	[dreg:$0x18] =	wrdreg s20  }
0x1c: {  	[dreg:$0x19] =	wrdreg s7;
	s22 =	sadd.s32 s4, s21  }
0x1d: {  	s23 =	sadd.s32 s5, s21;
	[dreg:$0x1a] =	wrdreg s22  }
0x1e: {  	s24 =	sadd.s32 s2, s21;
	[dreg:$0x1b] =	wrdreg s23  }
0x1f: {  	s26 =	sadd.s32 $0x8C0, s6;
	s25 =	sadd.s32 s0, s21;
	[dreg:$0x1c] =	wrdreg s24  }
0x20: {  	s10 =	sadd.s32 s4, s26;
	[dreg:$0x1d] =	wrdreg s25  }
0x21: {  	s11 =	sadd.s32 s5, s26;
	[dreg:$0x1e] =	wrdreg s10  }
0x22: {  	s13 =	sadd.s32 s2, s26;
	[dreg:$0x1f] =	wrdreg s11  }
0x23: {  	s12 =	sadd.s32 $0xA00, s6;
	s7 =	sadd.s32 s0, s26;
	[smem:$0x7CB] =	sst s13  }
0x24: {  	s14 =	sadd.s32 s4, s12;
	[smem:$0x7CC] =	sst s7  }
0x25: {  	s15 =	sadd.s32 s5, s12;
	[smem:$0x7CD] =	sst s14  }
0x26: {  	s16 =	sadd.s32 s2, s12;
	[smem:$0x7CE] =	sst s15  }
0x27: {  	s17 =	sadd.s32 $0xB40, s6;
	s8 =	sadd.s32 s0, s12;
	[smem:$0x7CF] =	sst s16  }
0x28: {  	[smem:$0x7D0] =	sst s8;
	s18 =	sadd.s32 s4, s17  }
0x29: {  	s19 =	sadd.s32 s5, s17;
	[smem:$0x7D1] =	sst s18  }
0x2a: {  	s20 =	sadd.s32 s2, s17;
	[smem:$0x7D2] =	sst s19  }
0x2b: {  	s21 =	sadd.s32 $0xC80, s6;
	s7 =	sadd.s32 s0, s17;
	[smem:$0x7D3] =	sst s20  }
0x2c: {  	s22 =	sadd.s32 s4, s21;
	[smem:$0x7D4] =	sst s7  }
0x2d: {  	s23 =	sadd.s32 s5, s21;
	[smem:$0x7D5] =	sst s22  }
0x2e: {  	s25 =	sadd.s32 s2, s21;
	[smem:$0x7D6] =	sst s23  }
0x2f: {  	s24 =	sadd.s32 $0xDC0, s6;
	[smem:$0x7D7] =	sst s25;
	s7 =	sadd.s32 s0, s21  }
0x30: {  	s26 =	sadd.s32 s4, s24;
	[smem:$0x7D8] =	sst s7  }
0x31: {  	s9 =	sadd.s32 s5, s24;
	[smem:$0x7D9] =	sst s26  }
0x32: {  	s10 =	sadd.s32 s2, s24;
	[smem:$0x7DA] =	sst s9  }
0x33: {  	s11 =	sadd.s32 $0xF00, s6;
	s8 =	sadd.s32 s0, s24;
	[smem:$0x7DB] =	sst s10  }
0x34: {  	s12 =	sadd.s32 s4, s11;
	[smem:$0x7DC] =	sst s8  }
0x35: {  	s13 =	sadd.s32 s5, s11;
	[smem:$0x7DD] =	sst s12  }
0x36: {  	s15 =	sadd.s32 $0x1040, s6;
	s14 =	sadd.s32 s2, s11;
	[smem:$0x7DE] =	sst s13  }
0x37: {  	s16 =	sadd.s32 s4, s15;
	[smem:$0x7DF] =	sst s14  }
0x38: {  	s17 =	sadd.s32 s5, s15;
	[smem:$0x7E1] =	sst s16  }
0x39: {  	s19 =	sadd.s32 s2, s15;
	[smem:$0x7E2] =	sst s17  }
0x3a: {  	s18 =	sadd.s32 $0x1180, s6;
	s7 =	sadd.s32 s0, s11;
	[smem:$0x7E3] =	sst s19  }
0x3b: {  	s20 =	sadd.s32 s4, s18;
	[smem:$0x7E0] =	sst s7  }
0x3c: {  	s21 =	sadd.s32 s5, s18;
	[smem:$0x7E5] =	sst s20  }
0x3d: {  	s22 =	sadd.s32 s2, s18;
	[smem:$0x7E6] =	sst s21  }
0x3e: {  	s23 =	sadd.s32 $0x12C0, s6;
	s8 =	sadd.s32 s0, s18;
	[smem:$0x7E7] =	sst s22  }
0x3f: {  	s24 =	sadd.s32 s4, s23;
	[smem:$0x7E8] =	sst s8  }
0x40: {  	s25 =	sadd.s32 s5, s23;
	[smem:$0x7E9] =	sst s24  }
0x41: {  	s26 =	sadd.s32 s2, s23;
	[smem:$0x7EA] =	sst s25  }
0x42: {  	s13 =	sadd.s32 s4, s6;
	[smem:$0x7EB] =	sst s26  }
0x43: {  	s14 =	sadd.s32 s5, s6;
	[smem:$0x7F1] =	sst s13  }
0x44: {  	s16 =	sadd.s32 s0, s6;
	[smem:$0x7F2] =	sst s14  }
0x45: {  	[smem:$0x7F4] =	sst s16  }
0x46: {  	s9 =	sadd.s32 $0x1400, s6;
	s7 =	sadd.s32 s0, s15;
	s26 =	rddreg [dreg:$0x0]  }
0x47: {  	s28 =	simm.s32 $0x1AF00;
	s10 =	sadd.s32 s4, s9;
	[smem:$0x7E4] =	sst s7  }
0x48: {  	s29 =	simm.s32 $0x1B900;
	s11 =	sadd.s32 s5, s9;
	[smem:$0x7ED] =	sst s10  }
0x49: {  	s30 =	simm.s32 $0x1C300;
	s12 =	sadd.s32 s2, s9;
	[smem:$0x7EE] =	sst s11  }
0x4a: {  	s17 =	sadd.s32 $0x1540, s6;
	s15 =	sadd.s32 s2, s6;
	[smem:$0x7EF] =	sst s12  }
0x4b: {  	s18 =	sadd.s32 $0x1680, s6;
	s19 =	sadd.s32 s4, s17;
	[smem:$0x7F3] =	sst s15  }
0x4c: {  	s31 =	simm.s32 $0x1D700;
	s20 =	sadd.s32 s4, s18;
	[smem:$0x7F5] =	sst s19  }
0x4d: {  	s6 =	sadd.s32 $0x17C0, s6;
	s21 =	sadd.s32 s5, s17;
	[smem:$0x7F6] =	sst s20  }
0x4e: {  	s22 =	sadd.s32 s5, s18;
	s24 =	sadd.s32 s2, s17;
	[smem:$0x7F8] =	sst s21  }
0x4f: {  	s25 =	sadd.s32 s2, s18;
	s8 =	simm.s32 $0x5;
	[smem:$0x7F9] =	sst s22  }
0x50: {  	s13 =	simm.s32 $0x0;
	s7 =	sadd.s32 s0, s23;
	[smem:$0x7FB] =	sst s24  }
0x51: {  	s4 =	sadd.s32 s4, s6;
	s23 =	sadd.s32 s5, s6;
	[smem:$0x7FC] =	sst s25  }
0x52: {  	s2 =	sadd.s32 s2, s6;
	s19 =	sadd.s32 s0, s17;
	s20 =	sadd.s32 s0, s18  }
0x53: {  	s21 =	sadd.s32 s0, s6;
	s22 =	sadd.s32 $0x800, s26;
	s24 =	simm.s32 $0x18700  }
0x54: {  	s25 =	simm.s32 $0x19100;
	s26 =	simm.s32 $0x19B00;
	[smem:$0x7EC] =	sst s7  }
0x55: {  	s5 =	simm.s32 $0x1A500;
	s6 =	simm.s32 $0x3;
	[smem:$0x7F7] =	sst s4  }
0x56: {  	s10 =	simm.s32 $0x2;
	s11 =	simm.s32 $0x4;
	[smem:$0x7FA] =	sst s23  }
0x57: {  	s12 =	simm.s32 $0x6;
	s7 =	sadd.s32 s0, s9;
	[smem:$0x7FD] =	sst s2  }
0x58: {  	s23 =	smax.u32 s3, $0x1;
	s0 =	simm.s32 $0x1E100;
	s2 =	simm.s32 $0x1EB00  }
0x59: {  	s3 =	simm.s32 $0x7;
	s4 =	simm.s32 $0x1;
	[smem:$0x7F0] =	sst s7  }
0x5a: {  	s9 =	simm.s32 $0x1F500;
	s7 =	simm.s32 $0x1CD00;
	_ =	strace $0x80000047  }
.LBB2_1:
0x5b: {  	s14 =	sld [smem:$0x7F1];
	_ =	sdelay $0x1  }
0x5c: {  	s15 =	sld [smem:$0x7F2]  }
0x5d: {  	[tilespmem:s24], [sflag:$0x1] =	stream.linear.gather [hbm4b:s14+s1], $0xA00, $0x38;
	[tilespmem:$0x1FF00] =	vst v63  }
0x5e: {  	s16 =	sld [smem:$0x7F3]  }
0x5f: {  	[tilespmem:s25], [sflag:$0x1] =	stream.linear.gather [hbm4b:s15+s1], $0xA00, $0x38;
	[tilespmem:$0x1FF00] =	vst v63  }
0x60: {  	_ = 	snop  }
0x61: {  	[tilespmem:s26], [sflag:$0x1] =	stream.linear.gather [hbm4b:s16+s1], $0xA00, $0x38;
	[tilespmem:$0x1FF00] =	vst v63  }
0x62: {  	s17 =	rddreg [dreg:$0x6]  }
0x63: {  	[tilespmem:s28], [sflag:$0x3] =	stream.linear.gather [hbm4b:s17+s1], $0xA00, $0x38;
	[tilespmem:$0x1FF00] =	vst v63  }
0x64: {  	s18 =	rddreg [dreg:$0x7]  }
0x65: {  	[tilespmem:s29], [sflag:$0x3] =	stream.linear.gather [hbm4b:s18+s1], $0xA00, $0x38;
	[tilespmem:$0x1FF00] =	vst v63  }
0x66: {  	s15 =	rddreg [dreg:$0x8]  }
0x67: {  	[tilespmem:s30], [sflag:$0x3] =	stream.linear.gather [hbm4b:s15+s1], $0xA00, $0x38;
	[tilespmem:$0x1FF00] =	vst v63  }
0x68: {  	s16 =	rddreg [dreg:$0x9]  }
0x69: {  	[tilespmem:s31], [sflag:$0x5] =	stream.linear.gather [hbm4b:s16+s1], $0xA00, $0x38;
	[tilespmem:$0x1FF00] =	vst v63  }
0x6a: {  	s17 =	rddreg [dreg:$0xa]  }
0x6b: {  	[tilespmem:s0], [sflag:$0x5] =	stream.linear.gather [hbm4b:s17+s1], $0xA00, $0x38;
	[tilespmem:$0x1FF00] =	vst v63  }
0x6c: {  	s18 =	rddreg [dreg:$0xb]  }
0x6d: {  	[tilespmem:s2], [sflag:$0x5] =	stream.linear.gather [hbm4b:s18+s1], $0xA00, $0x38;
	[tilespmem:$0x1FF00] =	vst v63  }
0x6e: {  	_ = 	snop  }
0x6f: {  	[tilespmem:s1], [sflag:$0x7] =	stream.linear.gather [hbm4b:s22+s1], $0x18700, $0x38;
	[tilespmem:$0x1FF00] =	vst v63  }
0x70: {  	_ =	swait.ge [sflag:s3], $0x18700  }
0x71: {  	[sflag:s3] =	ssyncset.done $0x0  }
0x72: {  	[sflag:s3] =	ssyncadd.s32 $0xFFFE7900  }
0x73: {  	_ =	swait.ge [sflag:s4], $0xA00  }
0x74: {  	[sflag:s4] =	ssyncset.done $0x0  }
0x75: {  	[sflag:s4] =	ssyncadd.s32 $0xFFFFF600  }
0x76: {  	_ =	swait.ge [sflag:s4], $0xA00  }
0x77: {  	[sflag:s4] =	ssyncset.done $0x0  }
0x78: {  	[sflag:s4] =	ssyncadd.s32 $0xFFFFF600  }
0x79: {  	_ =	swait.ge [sflag:s4], $0xA00  }
0x7a: {  	[sflag:s4] =	ssyncset.done $0x0  }
0x7b: {  	s16 =	simm.s32 $0x18720;
	[sflag:s4] =	ssyncadd.s32 $0xFFFFF600  }
0x7c: {  	s14 =	simm.s32 $0x19120;
	v0 =	vld [tilespmem:s16+$0x20]  }
0x7d: {  	s15 =	simm.s32 $0x19B20;
	v1 =	vld [tilespmem:s14+$0x20]  }
0x7e: {  	v2 =	vld [tilespmem:s15+$0x20]  }
0x7f: {  	v3 =	vld [tilespmem:s15+$0xFFFFFFE0]  }
0x80: {  	v4 =	vld [tilespmem:s15+$0xFFFFFFF0]  }
0x81: {  	v5 =	vld [tilespmem:s15+$0x0]  }
0x82: {  	v6 =	vld [tilespmem:s15+$0x10]  }
0x83: {  	v7 =	vld [tilespmem:s14+$0xFFFFFFE0]  }
0x84: {  	v8 =	vld [tilespmem:s16+$0xFFFFFFF0]  }
0x85: {  	(erf) = vrcp.f32 v2;
	v2 =	vld [tilespmem:s14+$0xFFFFFFF0]  }
0x86: {  	(erf) = vrcp.f32 v3;
	v3 =	vld [tilespmem:s16+$0x0]  }
0x87: {  	(erf) = vrcp.f32 v4;
	v4 =	vld [tilespmem:s14+$0x0]  }
0x88: {  	v0 =	vld.idx.msk [tilespmem:v0+s1+$0x0], $0xffff  }
0x89: {  	v9 =	vld.idx.msk [tilespmem:v1+s1+$0x0], $0xffff  }
0x8a: {  	v10 =	vld [tilespmem:s16+$0x10];
	(erf) = vrcp.f32 v5  }
0x8b: {  	v11 =	vld [tilespmem:s14+$0x10];
	(erf) = vrcp.f32 v6  }
0x8c: {  	v12 =	vld [tilespmem:s16+$0xFFFFFFE0]  }
0x8d: {  	v5 =	vld.idx.msk [tilespmem:v8+s1+$0x0], $0xffff  }
0x8e: {  	v8 =	vld.idx.msk [tilespmem:v2+s1+$0x0], $0xffff;
	v2 =	vsub.f32 v9, v0  }
0x8f: {  	v1 =	vld.idx.msk [tilespmem:v7+s1+$0x0], $0xffff;
	v7 =	vpop (erf)  }
0x90: {  	v6 =	vld.idx.msk [tilespmem:v3+s1+$0x0], $0xffff;
	v2 =	vmul.f32 v7, v2  }
0x91: {  	v0 =	vpop (erf);
	v9 =	vld.idx.msk [tilespmem:v4+s1+$0x0], $0xffff  }
0x92: {  	v7 =	vld.idx.msk [tilespmem:v10+s1+$0x0], $0xffff;
	v4 =	vpop (erf)  }
0x93: {  	s16 =	simm.s32 $0x1A520;
	v10 =	vld.idx.msk [tilespmem:v11+s1+$0x0], $0xffff;
	v3 =	vpop (erf)  }
0x94: {  	s17 =	simm.s32 $0x0;
	s18 =	simm.s32 $0x18770;
	v11 =	vld.idx.msk [tilespmem:v12+s1+$0x0], $0xffff;
	[tilespmem:s16+$0x20] =	vst v2;
	v2 =	vpop (erf)  }
.LBB2_2:
0x95: {  	v12 =	vld [tilespmem:s18+$0x20];
	v5 =	vsub.f32 v8, v5;
	s14 =	sadd.s32 $0x50, s14  }
0x96: {  	s17 =	sadd.s32 $0x50, s17;
	s15 =	sadd.s32 $0x50, s15;
	v8 =	vld [tilespmem:s14+$0x20]  }
0x97: {  	p0 =	slt.u32 s17, $0x9B0;
	v13 =	vld [tilespmem:s15+$0x20];
	v4 =	vmul.f32 v4, v5;
	v5 =	vsub.f32 v9, v6  }
0x98: {  	v6 =	vld [tilespmem:s15+$0xFFFFFFE0]  }
0x99: {  	v9 =	vld [tilespmem:s15+$0xFFFFFFF0];
	[tilespmem:s16+$0xFFFFFFF0] =	vst v4;
	v3 =	vmul.f32 v3, v5;
	v4 =	vsub.f32 v10, v7  }
0x9a: {  	v1 =	vsub.f32 v1, v11;
	v5 =	vld [tilespmem:s15+$0x0]  }
0x9b: {  	v7 =	vld [tilespmem:s15+$0x10];
	[tilespmem:s16+$0x0] =	vst v3;
	v2 =	vmul.f32 v2, v4  }
0x9c: {  	v0 =	vmul.f32 v0, v1;
	v3 =	vld [tilespmem:s14+$0xFFFFFFE0];
	(erf) = vrcp.f32 v13  }
0x9d: {  	v1 =	vld.idx.msk [tilespmem:v12+s1+$0x0], $0xffff;
	(erf) = vrcp.f32 v6;
	[tilespmem:s16+$0x10] =	vst v2  }
0x9e: {  	v2 =	vld.idx.msk [tilespmem:v8+s1+$0x0], $0xffff;
	(erf) = vrcp.f32 v9;
	[tilespmem:s16+$0xFFFFFFE0] =	vst v0  }
0x9f: {  	v4 =	vld [tilespmem:s18+$0xFFFFFFF0];
	(erf) = vrcp.f32 v5  }
0xa0: {  	v6 =	vld [tilespmem:s14+$0xFFFFFFF0];
	(erf) = vrcp.f32 v7  }
0xa1: {  	v7 =	vld [tilespmem:s18+$0x0]  }
0xa2: {  	v9 =	vld [tilespmem:s14+$0x0]  }
0xa3: {  	v10 =	vld [tilespmem:s18+$0x10]  }
0xa4: {  	v5 =	vsub.f32 v2, v1;
	v11 =	vld [tilespmem:s14+$0x10]  }
0xa5: {  	v12 =	vld [tilespmem:s18+$0xFFFFFFE0];
	v2 =	vpop (erf)  }
0xa6: {  	v1 =	vld.idx.msk [tilespmem:v3+s1+$0x0], $0xffff;
	v13 =	vmul.f32 v2, v5;
	v0 =	vpop (erf)  }
0xa7: {  	s16 =	sadd.s32 $0x50, s16;
	v5 =	vld.idx.msk [tilespmem:v4+s1+$0x0], $0xffff;
	v4 =	vpop (erf)  }
0xa8: {  	v8 =	vld.idx.msk [tilespmem:v6+s1+$0x0], $0xffff;
	[tilespmem:s16+$0x20] =	vst v13;
	v3 =	vpop (erf)  }
.Ltmp0:
0xa9: {  	v6 =	vld.idx.msk [tilespmem:v7+s1+$0x0], $0xffff;
	v2 =	vpop (erf);
	(pc) =	sbr.rel @p0 .LBB2_2-.Ltmp0, $4  }
0xaa: {  	v9 =	vld.idx.msk [tilespmem:v9+s1+$0x0], $0xffff  }
0xab: {  	v7 =	vld.idx.msk [tilespmem:v10+s1+$0x0], $0xffff  }
0xac: {  	v10 =	vld.idx.msk [tilespmem:v11+s1+$0x0], $0xffff  }
0xad: {  	s18 =	sadd.s32 $0x50, s18;
	v11 =	vld.idx.msk [tilespmem:v12+s1+$0x0], $0xffff  }
0xae: {  	_ = 	snop  }
0xaf: {  	v5 =	vsub.f32 v8, v5  }
0xb0: {  	v6 =	vsub.f32 v9, v6  }
0xb1: {  	v4 =	vmul.f32 v4, v5;
	v5 =	vsub.f32 v10, v7  }
0xb2: {  	v3 =	vmul.f32 v3, v6;
	v1 =	vsub.f32 v1, v11  }
0xb3: {  	[tilespmem:s16+$0xFFFFFFF0] =	vst v4;
	v2 =	vmul.f32 v2, v5  }
0xb4: {  	[tilespmem:s16+$0x0] =	vst v3;
	v0 =	vmul.f32 v0, v1  }
0xb5: {  	[tilespmem:s16+$0x10] =	vst v2  }
0xb6: {  	[tilespmem:s16+$0xFFFFFFE0] =	vst v0  }
0xb7: {  	s14 =	sld [smem:$0x7F4];
	_ =	sdelay $0x2  }
0xb8: {  	[hbm4b:s14+s1] =	stream.linear.scatter [tilespmem:s5], [sflag:$0x2], $0xA00, $0x38;
	[tilespmem:$0x1FF00] =	vst v63  }
0xb9: {  	s15 =	rddreg [dreg:$0xc]  }
0xba: {  	[tilespmem:s24], [sflag:$0x1] =	stream.linear.gather [hbm4b:s15+s1], $0xA00, $0x38;
	[tilespmem:$0x1FF00] =	vst v63  }
0xbb: {  	s16 =	rddreg [dreg:$0xd]  }
0xbc: {  	[tilespmem:s25], [sflag:$0x1] =	stream.linear.gather [hbm4b:s16+s1], $0xA00, $0x38;
	[tilespmem:$0x1FF00] =	vst v63  }
0xbd: {  	s17 =	rddreg [dreg:$0xe]  }
0xbe: {  	[tilespmem:s26], [sflag:$0x1] =	stream.linear.gather [hbm4b:s17+s1], $0xA00, $0x38;
	[tilespmem:$0x1FF00] =	vst v63  }
0xbf: {  	_ =	swait.ge [sflag:s6], $0xA00  }
0xc0: {  	[sflag:s6] =	ssyncset.done $0x0  }
0xc1: {  	[sflag:s6] =	ssyncadd.s32 $0xFFFFF600  }
0xc2: {  	_ =	swait.ge [sflag:s6], $0xA00  }
0xc3: {  	[sflag:s6] =	ssyncset.done $0x0  }
0xc4: {  	[sflag:s6] =	ssyncadd.s32 $0xFFFFF600  }
0xc5: {  	_ =	swait.ge [sflag:s6], $0xA00  }
0xc6: {  	[sflag:s6] =	ssyncset.done $0x0  }
0xc7: {  	s18 =	simm.s32 $0x1AF20;
	[sflag:s6] =	ssyncadd.s32 $0xFFFFF600  }
0xc8: {  	s14 =	simm.s32 $0x1B920;
	v0 =	vld [tilespmem:s18+$0x20]  }
0xc9: {  	s15 =	simm.s32 $0x1C320;
	v1 =	vld [tilespmem:s14+$0x20]  }
0xca: {  	v2 =	vld [tilespmem:s15+$0x20]  }
0xcb: {  	v3 =	vld [tilespmem:s15+$0xFFFFFFE0]  }
0xcc: {  	v4 =	vld [tilespmem:s15+$0xFFFFFFF0]  }
0xcd: {  	v5 =	vld [tilespmem:s15+$0x0]  }
0xce: {  	v6 =	vld [tilespmem:s15+$0x10]  }
0xcf: {  	v7 =	vld [tilespmem:s14+$0xFFFFFFE0]  }
0xd0: {  	v8 =	vld [tilespmem:s18+$0xFFFFFFF0]  }
0xd1: {  	(erf) = vrcp.f32 v2;
	v2 =	vld [tilespmem:s14+$0xFFFFFFF0]  }
0xd2: {  	(erf) = vrcp.f32 v3;
	v3 =	vld [tilespmem:s18+$0x0]  }
0xd3: {  	(erf) = vrcp.f32 v4;
	v4 =	vld [tilespmem:s14+$0x0]  }
0xd4: {  	v0 =	vld.idx.msk [tilespmem:v0+s1+$0x0], $0xffff  }
0xd5: {  	v9 =	vld.idx.msk [tilespmem:v1+s1+$0x0], $0xffff  }
0xd6: {  	v10 =	vld [tilespmem:s18+$0x10];
	(erf) = vrcp.f32 v5  }
0xd7: {  	v11 =	vld [tilespmem:s14+$0x10];
	(erf) = vrcp.f32 v6  }
0xd8: {  	v12 =	vld [tilespmem:s18+$0xFFFFFFE0]  }
0xd9: {  	v5 =	vld.idx.msk [tilespmem:v8+s1+$0x0], $0xffff  }
0xda: {  	v8 =	vld.idx.msk [tilespmem:v2+s1+$0x0], $0xffff;
	v2 =	vsub.f32 v9, v0  }
0xdb: {  	v1 =	vld.idx.msk [tilespmem:v7+s1+$0x0], $0xffff;
	v7 =	vpop (erf)  }
0xdc: {  	v6 =	vld.idx.msk [tilespmem:v3+s1+$0x0], $0xffff;
	v2 =	vmul.f32 v7, v2  }
0xdd: {  	v0 =	vpop (erf);
	v9 =	vld.idx.msk [tilespmem:v4+s1+$0x0], $0xffff  }
0xde: {  	v7 =	vld.idx.msk [tilespmem:v10+s1+$0x0], $0xffff;
	v4 =	vpop (erf)  }
0xdf: {  	s16 =	simm.s32 $0x1CD20;
	v10 =	vld.idx.msk [tilespmem:v11+s1+$0x0], $0xffff;
	v3 =	vpop (erf)  }
0xe0: {  	s17 =	simm.s32 $0x0;
	s18 =	simm.s32 $0x1AF70;
	v11 =	vld.idx.msk [tilespmem:v12+s1+$0x0], $0xffff;
	[tilespmem:s16+$0x20] =	vst v2;
	v2 =	vpop (erf)  }
.LBB2_4:
0xe1: {  	v12 =	vld [tilespmem:s18+$0x20];
	v5 =	vsub.f32 v8, v5;
	s14 =	sadd.s32 $0x50, s14  }
0xe2: {  	s17 =	sadd.s32 $0x50, s17;
	s15 =	sadd.s32 $0x50, s15;
	v8 =	vld [tilespmem:s14+$0x20]  }
0xe3: {  	p0 =	slt.u32 s17, $0x9B0;
	v13 =	vld [tilespmem:s15+$0x20];
	v4 =	vmul.f32 v4, v5;
	v5 =	vsub.f32 v9, v6  }
0xe4: {  	v6 =	vld [tilespmem:s15+$0xFFFFFFE0]  }
0xe5: {  	v9 =	vld [tilespmem:s15+$0xFFFFFFF0];
	[tilespmem:s16+$0xFFFFFFF0] =	vst v4;
	v3 =	vmul.f32 v3, v5;
	v4 =	vsub.f32 v10, v7  }
0xe6: {  	v1 =	vsub.f32 v1, v11;
	v5 =	vld [tilespmem:s15+$0x0]  }
0xe7: {  	v7 =	vld [tilespmem:s15+$0x10];
	[tilespmem:s16+$0x0] =	vst v3;
	v2 =	vmul.f32 v2, v4  }
0xe8: {  	v0 =	vmul.f32 v0, v1;
	v3 =	vld [tilespmem:s14+$0xFFFFFFE0];
	(erf) = vrcp.f32 v13  }
0xe9: {  	v1 =	vld.idx.msk [tilespmem:v12+s1+$0x0], $0xffff;
	(erf) = vrcp.f32 v6;
	[tilespmem:s16+$0x10] =	vst v2  }
0xea: {  	v2 =	vld.idx.msk [tilespmem:v8+s1+$0x0], $0xffff;
	(erf) = vrcp.f32 v9;
	[tilespmem:s16+$0xFFFFFFE0] =	vst v0  }
0xeb: {  	v4 =	vld [tilespmem:s18+$0xFFFFFFF0];
	(erf) = vrcp.f32 v5  }
0xec: {  	v6 =	vld [tilespmem:s14+$0xFFFFFFF0];
	(erf) = vrcp.f32 v7  }
0xed: {  	v7 =	vld [tilespmem:s18+$0x0]  }
0xee: {  	v9 =	vld [tilespmem:s14+$0x0]  }
0xef: {  	v10 =	vld [tilespmem:s18+$0x10]  }
0xf0: {  	v5 =	vsub.f32 v2, v1;
	v11 =	vld [tilespmem:s14+$0x10]  }
0xf1: {  	v12 =	vld [tilespmem:s18+$0xFFFFFFE0];
	v2 =	vpop (erf)  }
0xf2: {  	v1 =	vld.idx.msk [tilespmem:v3+s1+$0x0], $0xffff;
	v13 =	vmul.f32 v2, v5;
	v0 =	vpop (erf)  }
0xf3: {  	s16 =	sadd.s32 $0x50, s16;
	v5 =	vld.idx.msk [tilespmem:v4+s1+$0x0], $0xffff;
	v4 =	vpop (erf)  }
0xf4: {  	v8 =	vld.idx.msk [tilespmem:v6+s1+$0x0], $0xffff;
	[tilespmem:s16+$0x20] =	vst v13;
	v3 =	vpop (erf)  }
.Ltmp1:
0xf5: {  	v6 =	vld.idx.msk [tilespmem:v7+s1+$0x0], $0xffff;
	v2 =	vpop (erf);
	(pc) =	sbr.rel @p0 .LBB2_4-.Ltmp1, $4  }
0xf6: {  	v9 =	vld.idx.msk [tilespmem:v9+s1+$0x0], $0xffff  }
0xf7: {  	v7 =	vld.idx.msk [tilespmem:v10+s1+$0x0], $0xffff  }
0xf8: {  	v10 =	vld.idx.msk [tilespmem:v11+s1+$0x0], $0xffff  }
0xf9: {  	s18 =	sadd.s32 $0x50, s18;
	v11 =	vld.idx.msk [tilespmem:v12+s1+$0x0], $0xffff  }
0xfa: {  	_ = 	snop  }
0xfb: {  	v5 =	vsub.f32 v8, v5  }
0xfc: {  	v6 =	vsub.f32 v9, v6  }
0xfd: {  	v4 =	vmul.f32 v4, v5;
	v5 =	vsub.f32 v10, v7  }
0xfe: {  	v3 =	vmul.f32 v3, v6;
	v1 =	vsub.f32 v1, v11  }
0xff: {  	[tilespmem:s16+$0xFFFFFFF0] =	vst v4;
	v2 =	vmul.f32 v2, v5  }
0x100: {  	[tilespmem:s16+$0x0] =	vst v3;
	v0 =	vmul.f32 v0, v1  }
0x101: {  	[tilespmem:s16+$0x10] =	vst v2  }
0x102: {  	[tilespmem:s16+$0xFFFFFFE0] =	vst v0  }
0x103: {  	s14 =	rddreg [dreg:$0xf]  }
0x104: {  	[hbm4b:s14+s1] =	stream.linear.scatter [tilespmem:s7], [sflag:$0x4], $0xA00, $0x38;
	[tilespmem:$0x1FF00] =	vst v63  }
0x105: {  	s15 =	rddreg [dreg:$0x10]  }
0x106: {  	[tilespmem:s28], [sflag:$0x3] =	stream.linear.gather [hbm4b:s15+s1], $0xA00, $0x38;
	[tilespmem:$0x1FF00] =	vst v63  }
0x107: {  	s16 =	rddreg [dreg:$0x11]  }
0x108: {  	[tilespmem:s29], [sflag:$0x3] =	stream.linear.gather [hbm4b:s16+s1], $0xA00, $0x38;
	[tilespmem:$0x1FF00] =	vst v63  }
0x109: {  	s17 =	rddreg [dreg:$0x12]  }
0x10a: {  	[tilespmem:s30], [sflag:$0x3] =	stream.linear.gather [hbm4b:s17+s1], $0xA00, $0x38;
	[tilespmem:$0x1FF00] =	vst v63  }
0x10b: {  	_ =	swait.ge [sflag:s8], $0xA00  }
0x10c: {  	[sflag:s8] =	ssyncset.done $0x0  }
0x10d: {  	[sflag:s8] =	ssyncadd.s32 $0xFFFFF600  }
0x10e: {  	_ =	swait.ge [sflag:s8], $0xA00  }
0x10f: {  	[sflag:s8] =	ssyncset.done $0x0  }
0x110: {  	[sflag:s8] =	ssyncadd.s32 $0xFFFFF600  }
0x111: {  	_ =	swait.ge [sflag:s8], $0xA00  }
0x112: {  	[sflag:s8] =	ssyncset.done $0x0  }
0x113: {  	s18 =	simm.s32 $0x1D720;
	[sflag:s8] =	ssyncadd.s32 $0xFFFFF600  }
0x114: {  	s14 =	simm.s32 $0x1E120;
	v0 =	vld [tilespmem:s18+$0x20]  }
0x115: {  	s15 =	simm.s32 $0x1EB20;
	v1 =	vld [tilespmem:s14+$0x20]  }
0x116: {  	v2 =	vld [tilespmem:s15+$0x20]  }
0x117: {  	v3 =	vld [tilespmem:s15+$0xFFFFFFE0]  }
0x118: {  	v4 =	vld [tilespmem:s15+$0xFFFFFFF0]  }
0x119: {  	v5 =	vld [tilespmem:s15+$0x0]  }
0x11a: {  	v6 =	vld [tilespmem:s15+$0x10]  }
0x11b: {  	v7 =	vld [tilespmem:s14+$0xFFFFFFE0]  }
0x11c: {  	v8 =	vld [tilespmem:s18+$0xFFFFFFF0]  }
0x11d: {  	(erf) = vrcp.f32 v2;
	v2 =	vld [tilespmem:s14+$0xFFFFFFF0]  }
0x11e: {  	(erf) = vrcp.f32 v3;
	v3 =	vld [tilespmem:s18+$0x0]  }
0x11f: {  	(erf) = vrcp.f32 v4;
	v4 =	vld [tilespmem:s14+$0x0]  }
0x120: {  	v0 =	vld.idx.msk [tilespmem:v0+s1+$0x0], $0xffff  }
0x121: {  	v9 =	vld.idx.msk [tilespmem:v1+s1+$0x0], $0xffff  }
0x122: {  	v10 =	vld [tilespmem:s18+$0x10];
	(erf) = vrcp.f32 v5  }
0x123: {  	v11 =	vld [tilespmem:s14+$0x10];
	(erf) = vrcp.f32 v6  }
0x124: {  	v12 =	vld [tilespmem:s18+$0xFFFFFFE0]  }
0x125: {  	v5 =	vld.idx.msk [tilespmem:v8+s1+$0x0], $0xffff  }
0x126: {  	v8 =	vld.idx.msk [tilespmem:v2+s1+$0x0], $0xffff;
	v2 =	vsub.f32 v9, v0  }
0x127: {  	v1 =	vld.idx.msk [tilespmem:v7+s1+$0x0], $0xffff;
	v7 =	vpop (erf)  }
0x128: {  	v6 =	vld.idx.msk [tilespmem:v3+s1+$0x0], $0xffff;
	v2 =	vmul.f32 v7, v2  }
0x129: {  	v0 =	vpop (erf);
	v9 =	vld.idx.msk [tilespmem:v4+s1+$0x0], $0xffff  }
0x12a: {  	v7 =	vld.idx.msk [tilespmem:v10+s1+$0x0], $0xffff;
	v4 =	vpop (erf)  }
0x12b: {  	s16 =	simm.s32 $0x1F520;
	v10 =	vld.idx.msk [tilespmem:v11+s1+$0x0], $0xffff;
	v3 =	vpop (erf)  }
0x12c: {  	s17 =	simm.s32 $0x0;
	s18 =	simm.s32 $0x1D770;
	v11 =	vld.idx.msk [tilespmem:v12+s1+$0x0], $0xffff;
	[tilespmem:s16+$0x20] =	vst v2;
	v2 =	vpop (erf)  }
.LBB2_6:
0x12d: {  	v12 =	vld [tilespmem:s18+$0x20];
	v5 =	vsub.f32 v8, v5;
	s14 =	sadd.s32 $0x50, s14  }
0x12e: {  	s17 =	sadd.s32 $0x50, s17;
	s15 =	sadd.s32 $0x50, s15;
	v8 =	vld [tilespmem:s14+$0x20]  }
0x12f: {  	p0 =	slt.u32 s17, $0x9B0;
	v13 =	vld [tilespmem:s15+$0x20];
	v4 =	vmul.f32 v4, v5;
	v5 =	vsub.f32 v9, v6  }
0x130: {  	v6 =	vld [tilespmem:s15+$0xFFFFFFE0]  }
0x131: {  	v9 =	vld [tilespmem:s15+$0xFFFFFFF0];
	[tilespmem:s16+$0xFFFFFFF0] =	vst v4;
	v3 =	vmul.f32 v3, v5;
	v4 =	vsub.f32 v10, v7  }
0x132: {  	v1 =	vsub.f32 v1, v11;
	v5 =	vld [tilespmem:s15+$0x0]  }
0x133: {  	v7 =	vld [tilespmem:s15+$0x10];
	[tilespmem:s16+$0x0] =	vst v3;
	v2 =	vmul.f32 v2, v4  }
0x134: {  	v0 =	vmul.f32 v0, v1;
	v3 =	vld [tilespmem:s14+$0xFFFFFFE0];
	(erf) = vrcp.f32 v13  }
0x135: {  	v1 =	vld.idx.msk [tilespmem:v12+s1+$0x0], $0xffff;
	(erf) = vrcp.f32 v6;
	[tilespmem:s16+$0x10] =	vst v2  }
0x136: {  	v2 =	vld.idx.msk [tilespmem:v8+s1+$0x0], $0xffff;
	(erf) = vrcp.f32 v9;
	[tilespmem:s16+$0xFFFFFFE0] =	vst v0  }
0x137: {  	v4 =	vld [tilespmem:s18+$0xFFFFFFF0];
	(erf) = vrcp.f32 v5  }
0x138: {  	v6 =	vld [tilespmem:s14+$0xFFFFFFF0];
	(erf) = vrcp.f32 v7  }
0x139: {  	v7 =	vld [tilespmem:s18+$0x0]  }
0x13a: {  	v9 =	vld [tilespmem:s14+$0x0]  }
0x13b: {  	v10 =	vld [tilespmem:s18+$0x10]  }
0x13c: {  	v5 =	vsub.f32 v2, v1;
	v11 =	vld [tilespmem:s14+$0x10]  }
0x13d: {  	v12 =	vld [tilespmem:s18+$0xFFFFFFE0];
	v2 =	vpop (erf)  }
0x13e: {  	v1 =	vld.idx.msk [tilespmem:v3+s1+$0x0], $0xffff;
	v13 =	vmul.f32 v2, v5;
	v0 =	vpop (erf)  }
0x13f: {  	s16 =	sadd.s32 $0x50, s16;
	v5 =	vld.idx.msk [tilespmem:v4+s1+$0x0], $0xffff;
	v4 =	vpop (erf)  }
0x140: {  	v8 =	vld.idx.msk [tilespmem:v6+s1+$0x0], $0xffff;
	[tilespmem:s16+$0x20] =	vst v13;
	v3 =	vpop (erf)  }
.Ltmp2:
0x141: {  	v6 =	vld.idx.msk [tilespmem:v7+s1+$0x0], $0xffff;
	v2 =	vpop (erf);
	(pc) =	sbr.rel @p0 .LBB2_6-.Ltmp2, $4  }
0x142: {  	v9 =	vld.idx.msk [tilespmem:v9+s1+$0x0], $0xffff  }
0x143: {  	v7 =	vld.idx.msk [tilespmem:v10+s1+$0x0], $0xffff  }
0x144: {  	v10 =	vld.idx.msk [tilespmem:v11+s1+$0x0], $0xffff  }
0x145: {  	s18 =	sadd.s32 $0x50, s18;
	v11 =	vld.idx.msk [tilespmem:v12+s1+$0x0], $0xffff  }
0x146: {  	_ = 	snop  }
0x147: {  	v5 =	vsub.f32 v8, v5  }
0x148: {  	v6 =	vsub.f32 v9, v6  }
0x149: {  	v4 =	vmul.f32 v4, v5;
	v5 =	vsub.f32 v10, v7  }
0x14a: {  	v3 =	vmul.f32 v3, v6;
	v1 =	vsub.f32 v1, v11  }
0x14b: {  	[tilespmem:s16+$0xFFFFFFF0] =	vst v4;
	v2 =	vmul.f32 v2, v5  }
0x14c: {  	[tilespmem:s16+$0x0] =	vst v3;
	v0 =	vmul.f32 v0, v1  }
0x14d: {  	[tilespmem:s16+$0x10] =	vst v2  }
0x14e: {  	[tilespmem:s16+$0xFFFFFFE0] =	vst v0  }
0x14f: {  	s14 =	rddreg [dreg:$0x13]  }
0x150: {  	[hbm4b:s14+s1] =	stream.linear.scatter [tilespmem:s9], [sflag:$0x6], $0xA00, $0x38;
	[tilespmem:$0x1FF00] =	vst v63  }
0x151: {  	s15 =	rddreg [dreg:$0x14]  }
0x152: {  	[tilespmem:s31], [sflag:$0x5] =	stream.linear.gather [hbm4b:s15+s1], $0xA00, $0x38;
	[tilespmem:$0x1FF00] =	vst v63  }
0x153: {  	s16 =	rddreg [dreg:$0x17]  }
0x154: {  	[tilespmem:s0], [sflag:$0x5] =	stream.linear.gather [hbm4b:s16+s1], $0xA00, $0x38;
	[tilespmem:$0x1FF00] =	vst v63  }
0x155: {  	s17 =	rddreg [dreg:$0x18]  }
0x156: {  	[tilespmem:s2], [sflag:$0x5] =	stream.linear.gather [hbm4b:s17+s1], $0xA00, $0x38;
	[tilespmem:$0x1FF00] =	vst v63  }
0x157: {  	_ =	swait.ge [sflag:s4], $0xA00  }
0x158: {  	[sflag:s4] =	ssyncset.done $0x0  }
0x159: {  	[sflag:s4] =	ssyncadd.s32 $0xFFFFF600  }
0x15a: {  	_ =	swait.ge [sflag:s4], $0xA00  }
0x15b: {  	[sflag:s4] =	ssyncset.done $0x0  }
0x15c: {  	[sflag:s4] =	ssyncadd.s32 $0xFFFFF600  }
0x15d: {  	_ =	swait.ge [sflag:s4], $0xA00  }
0x15e: {  	[sflag:s4] =	ssyncset.done $0x0  }
0x15f: {  	[sflag:s4] =	ssyncadd.s32 $0xFFFFF600  }
0x160: {  	_ =	swait.ge [sflag:s10], $0xA00  }
0x161: {  	[sflag:s10] =	ssyncset.done $0x0  }
0x162: {  	s18 =	simm.s32 $0x18720;
	[sflag:s10] =	ssyncadd.s32 $0xFFFFF600  }
0x163: {  	s14 =	simm.s32 $0x19120;
	v0 =	vld [tilespmem:s18+$0x20]  }
0x164: {  	s15 =	simm.s32 $0x19B20;
	v1 =	vld [tilespmem:s14+$0x20]  }
0x165: {  	v2 =	vld [tilespmem:s15+$0x20]  }
0x166: {  	v3 =	vld [tilespmem:s15+$0xFFFFFFE0]  }
0x167: {  	v4 =	vld [tilespmem:s15+$0xFFFFFFF0]  }
0x168: {  	v5 =	vld [tilespmem:s15+$0x0]  }
0x169: {  	v6 =	vld [tilespmem:s15+$0x10]  }
0x16a: {  	v7 =	vld [tilespmem:s14+$0xFFFFFFE0]  }
0x16b: {  	v8 =	vld [tilespmem:s18+$0xFFFFFFF0]  }
0x16c: {  	(erf) = vrcp.f32 v2;
	v2 =	vld [tilespmem:s14+$0xFFFFFFF0]  }
0x16d: {  	(erf) = vrcp.f32 v3;
	v3 =	vld [tilespmem:s18+$0x0]  }
0x16e: {  	(erf) = vrcp.f32 v4;
	v4 =	vld [tilespmem:s14+$0x0]  }
0x16f: {  	v0 =	vld.idx.msk [tilespmem:v0+s1+$0x0], $0xffff  }
0x170: {  	v9 =	vld.idx.msk [tilespmem:v1+s1+$0x0], $0xffff  }
0x171: {  	v10 =	vld [tilespmem:s18+$0x10];
	(erf) = vrcp.f32 v5  }
0x172: {  	v11 =	vld [tilespmem:s14+$0x10];
	(erf) = vrcp.f32 v6  }
0x173: {  	v12 =	vld [tilespmem:s18+$0xFFFFFFE0]  }
0x174: {  	v5 =	vld.idx.msk [tilespmem:v8+s1+$0x0], $0xffff  }
0x175: {  	v8 =	vld.idx.msk [tilespmem:v2+s1+$0x0], $0xffff;
	v2 =	vsub.f32 v9, v0  }
0x176: {  	v1 =	vld.idx.msk [tilespmem:v7+s1+$0x0], $0xffff;
	v7 =	vpop (erf)  }
0x177: {  	v6 =	vld.idx.msk [tilespmem:v3+s1+$0x0], $0xffff;
	v2 =	vmul.f32 v7, v2  }
0x178: {  	v0 =	vpop (erf);
	v9 =	vld.idx.msk [tilespmem:v4+s1+$0x0], $0xffff  }
0x179: {  	v7 =	vld.idx.msk [tilespmem:v10+s1+$0x0], $0xffff;
	v4 =	vpop (erf)  }
0x17a: {  	s16 =	simm.s32 $0x1A520;
	v10 =	vld.idx.msk [tilespmem:v11+s1+$0x0], $0xffff;
	v3 =	vpop (erf)  }
0x17b: {  	s17 =	simm.s32 $0x0;
	s18 =	simm.s32 $0x18770;
	v11 =	vld.idx.msk [tilespmem:v12+s1+$0x0], $0xffff;
	[tilespmem:s16+$0x20] =	vst v2;
	v2 =	vpop (erf)  }
.LBB2_8:
0x17c: {  	v12 =	vld [tilespmem:s18+$0x20];
	v5 =	vsub.f32 v8, v5;
	s14 =	sadd.s32 $0x50, s14  }
0x17d: {  	s17 =	sadd.s32 $0x50, s17;
	s15 =	sadd.s32 $0x50, s15;
	v8 =	vld [tilespmem:s14+$0x20]  }
0x17e: {  	p0 =	slt.u32 s17, $0x9B0;
	v13 =	vld [tilespmem:s15+$0x20];
	v4 =	vmul.f32 v4, v5;
	v5 =	vsub.f32 v9, v6  }
0x17f: {  	v6 =	vld [tilespmem:s15+$0xFFFFFFE0]  }
0x180: {  	v9 =	vld [tilespmem:s15+$0xFFFFFFF0];
	[tilespmem:s16+$0xFFFFFFF0] =	vst v4;
	v3 =	vmul.f32 v3, v5;
	v4 =	vsub.f32 v10, v7  }
0x181: {  	v1 =	vsub.f32 v1, v11;
	v5 =	vld [tilespmem:s15+$0x0]  }
0x182: {  	v7 =	vld [tilespmem:s15+$0x10];
	[tilespmem:s16+$0x0] =	vst v3;
	v2 =	vmul.f32 v2, v4  }
0x183: {  	v0 =	vmul.f32 v0, v1;
	v3 =	vld [tilespmem:s14+$0xFFFFFFE0];
	(erf) = vrcp.f32 v13  }
0x184: {  	v1 =	vld.idx.msk [tilespmem:v12+s1+$0x0], $0xffff;
	(erf) = vrcp.f32 v6;
	[tilespmem:s16+$0x10] =	vst v2  }
0x185: {  	v2 =	vld.idx.msk [tilespmem:v8+s1+$0x0], $0xffff;
	(erf) = vrcp.f32 v9;
	[tilespmem:s16+$0xFFFFFFE0] =	vst v0  }
0x186: {  	v4 =	vld [tilespmem:s18+$0xFFFFFFF0];
	(erf) = vrcp.f32 v5  }
0x187: {  	v6 =	vld [tilespmem:s14+$0xFFFFFFF0];
	(erf) = vrcp.f32 v7  }
0x188: {  	v7 =	vld [tilespmem:s18+$0x0]  }
0x189: {  	v9 =	vld [tilespmem:s14+$0x0]  }
0x18a: {  	v10 =	vld [tilespmem:s18+$0x10]  }
0x18b: {  	v5 =	vsub.f32 v2, v1;
	v11 =	vld [tilespmem:s14+$0x10]  }
0x18c: {  	v12 =	vld [tilespmem:s18+$0xFFFFFFE0];
	v2 =	vpop (erf)  }
0x18d: {  	v1 =	vld.idx.msk [tilespmem:v3+s1+$0x0], $0xffff;
	v13 =	vmul.f32 v2, v5;
	v0 =	vpop (erf)  }
0x18e: {  	s16 =	sadd.s32 $0x50, s16;
	v5 =	vld.idx.msk [tilespmem:v4+s1+$0x0], $0xffff;
	v4 =	vpop (erf)  }
0x18f: {  	v8 =	vld.idx.msk [tilespmem:v6+s1+$0x0], $0xffff;
	[tilespmem:s16+$0x20] =	vst v13;
	v3 =	vpop (erf)  }
.Ltmp3:
0x190: {  	v6 =	vld.idx.msk [tilespmem:v7+s1+$0x0], $0xffff;
	v2 =	vpop (erf);
	(pc) =	sbr.rel @p0 .LBB2_8-.Ltmp3, $4  }
0x191: {  	v9 =	vld.idx.msk [tilespmem:v9+s1+$0x0], $0xffff  }
0x192: {  	v7 =	vld.idx.msk [tilespmem:v10+s1+$0x0], $0xffff  }
0x193: {  	v10 =	vld.idx.msk [tilespmem:v11+s1+$0x0], $0xffff  }
0x194: {  	s18 =	sadd.s32 $0x50, s18;
	v11 =	vld.idx.msk [tilespmem:v12+s1+$0x0], $0xffff  }
0x195: {  	_ = 	snop  }
0x196: {  	v5 =	vsub.f32 v8, v5  }
0x197: {  	v6 =	vsub.f32 v9, v6  }
0x198: {  	v4 =	vmul.f32 v4, v5;
	v5 =	vsub.f32 v10, v7  }
0x199: {  	v3 =	vmul.f32 v3, v6;
	v1 =	vsub.f32 v1, v11  }
0x19a: {  	[tilespmem:s16+$0xFFFFFFF0] =	vst v4;
	v2 =	vmul.f32 v2, v5  }
0x19b: {  	[tilespmem:s16+$0x0] =	vst v3;
	v0 =	vmul.f32 v0, v1  }
0x19c: {  	[tilespmem:s16+$0x10] =	vst v2  }
0x19d: {  	[tilespmem:s16+$0xFFFFFFE0] =	vst v0  }
0x19e: {  	s14 =	rddreg [dreg:$0x15]  }
0x19f: {  	[hbm4b:s14+s1] =	stream.linear.scatter [tilespmem:s5], [sflag:$0x2], $0xA00, $0x38;
	[tilespmem:$0x1FF00] =	vst v63  }
0x1a0: {  	s15 =	rddreg [dreg:$0x1a]  }
0x1a1: {  	[tilespmem:s24], [sflag:$0x1] =	stream.linear.gather [hbm4b:s15+s1], $0xA00, $0x38;
	[tilespmem:$0x1FF00] =	vst v63  }
0x1a2: {  	s16 =	rddreg [dreg:$0x1b]  }
0x1a3: {  	[tilespmem:s25], [sflag:$0x1] =	stream.linear.gather [hbm4b:s16+s1], $0xA00, $0x38;
	[tilespmem:$0x1FF00] =	vst v63  }
0x1a4: {  	s17 =	rddreg [dreg:$0x1c]  }
0x1a5: {  	[tilespmem:s26], [sflag:$0x1] =	stream.linear.gather [hbm4b:s17+s1], $0xA00, $0x38;
	[tilespmem:$0x1FF00] =	vst v63  }
0x1a6: {  	_ =	swait.ge [sflag:s6], $0xA00  }
0x1a7: {  	[sflag:s6] =	ssyncset.done $0x0  }
0x1a8: {  	[sflag:s6] =	ssyncadd.s32 $0xFFFFF600  }
0x1a9: {  	_ =	swait.ge [sflag:s6], $0xA00  }
0x1aa: {  	[sflag:s6] =	ssyncset.done $0x0  }
0x1ab: {  	[sflag:s6] =	ssyncadd.s32 $0xFFFFF600  }
0x1ac: {  	_ =	swait.ge [sflag:s6], $0xA00  }
0x1ad: {  	[sflag:s6] =	ssyncset.done $0x0  }
0x1ae: {  	[sflag:s6] =	ssyncadd.s32 $0xFFFFF600  }
0x1af: {  	_ =	swait.ge [sflag:s11], $0xA00  }
0x1b0: {  	[sflag:s11] =	ssyncset.done $0x0  }
0x1b1: {  	s18 =	simm.s32 $0x1AF20;
	[sflag:s11] =	ssyncadd.s32 $0xFFFFF600  }
0x1b2: {  	s14 =	simm.s32 $0x1B920;
	v0 =	vld [tilespmem:s18+$0x20]  }
0x1b3: {  	s15 =	simm.s32 $0x1C320;
	v1 =	vld [tilespmem:s14+$0x20]  }
0x1b4: {  	v2 =	vld [tilespmem:s15+$0x20]  }
0x1b5: {  	v3 =	vld [tilespmem:s15+$0xFFFFFFE0]  }
0x1b6: {  	v4 =	vld [tilespmem:s15+$0xFFFFFFF0]  }
0x1b7: {  	v5 =	vld [tilespmem:s15+$0x0]  }
0x1b8: {  	v6 =	vld [tilespmem:s15+$0x10]  }
0x1b9: {  	v7 =	vld [tilespmem:s14+$0xFFFFFFE0]  }
0x1ba: {  	v8 =	vld [tilespmem:s18+$0xFFFFFFF0]  }
0x1bb: {  	(erf) = vrcp.f32 v2;
	v2 =	vld [tilespmem:s14+$0xFFFFFFF0]  }
0x1bc: {  	(erf) = vrcp.f32 v3;
	v3 =	vld [tilespmem:s18+$0x0]  }
0x1bd: {  	(erf) = vrcp.f32 v4;
	v4 =	vld [tilespmem:s14+$0x0]  }
0x1be: {  	v0 =	vld.idx.msk [tilespmem:v0+s1+$0x0], $0xffff  }
0x1bf: {  	v9 =	vld.idx.msk [tilespmem:v1+s1+$0x0], $0xffff  }
0x1c0: {  	v10 =	vld [tilespmem:s18+$0x10];
	(erf) = vrcp.f32 v5  }
0x1c1: {  	v11 =	vld [tilespmem:s14+$0x10];
	(erf) = vrcp.f32 v6  }
0x1c2: {  	v12 =	vld [tilespmem:s18+$0xFFFFFFE0]  }
0x1c3: {  	v5 =	vld.idx.msk [tilespmem:v8+s1+$0x0], $0xffff  }
0x1c4: {  	v8 =	vld.idx.msk [tilespmem:v2+s1+$0x0], $0xffff;
	v2 =	vsub.f32 v9, v0  }
0x1c5: {  	v1 =	vld.idx.msk [tilespmem:v7+s1+$0x0], $0xffff;
	v7 =	vpop (erf)  }
0x1c6: {  	v6 =	vld.idx.msk [tilespmem:v3+s1+$0x0], $0xffff;
	v2 =	vmul.f32 v7, v2  }
0x1c7: {  	v0 =	vpop (erf);
	v9 =	vld.idx.msk [tilespmem:v4+s1+$0x0], $0xffff  }
0x1c8: {  	v7 =	vld.idx.msk [tilespmem:v10+s1+$0x0], $0xffff;
	v4 =	vpop (erf)  }
0x1c9: {  	s16 =	simm.s32 $0x1CD20;
	v10 =	vld.idx.msk [tilespmem:v11+s1+$0x0], $0xffff;
	v3 =	vpop (erf)  }
0x1ca: {  	s17 =	simm.s32 $0x0;
	s18 =	simm.s32 $0x1AF70;
	v11 =	vld.idx.msk [tilespmem:v12+s1+$0x0], $0xffff;
	[tilespmem:s16+$0x20] =	vst v2;
	v2 =	vpop (erf)  }
.LBB2_10:
0x1cb: {  	v12 =	vld [tilespmem:s18+$0x20];
	v5 =	vsub.f32 v8, v5;
	s14 =	sadd.s32 $0x50, s14  }
0x1cc: {  	s17 =	sadd.s32 $0x50, s17;
	s15 =	sadd.s32 $0x50, s15;
	v8 =	vld [tilespmem:s14+$0x20]  }
0x1cd: {  	p0 =	slt.u32 s17, $0x9B0;
	v13 =	vld [tilespmem:s15+$0x20];
	v4 =	vmul.f32 v4, v5;
	v5 =	vsub.f32 v9, v6  }
0x1ce: {  	v6 =	vld [tilespmem:s15+$0xFFFFFFE0]  }
0x1cf: {  	v9 =	vld [tilespmem:s15+$0xFFFFFFF0];
	[tilespmem:s16+$0xFFFFFFF0] =	vst v4;
	v3 =	vmul.f32 v3, v5;
	v4 =	vsub.f32 v10, v7  }
0x1d0: {  	v1 =	vsub.f32 v1, v11;
	v5 =	vld [tilespmem:s15+$0x0]  }
0x1d1: {  	v7 =	vld [tilespmem:s15+$0x10];
	[tilespmem:s16+$0x0] =	vst v3;
	v2 =	vmul.f32 v2, v4  }
0x1d2: {  	v0 =	vmul.f32 v0, v1;
	v3 =	vld [tilespmem:s14+$0xFFFFFFE0];
	(erf) = vrcp.f32 v13  }
0x1d3: {  	v1 =	vld.idx.msk [tilespmem:v12+s1+$0x0], $0xffff;
	(erf) = vrcp.f32 v6;
	[tilespmem:s16+$0x10] =	vst v2  }
0x1d4: {  	v2 =	vld.idx.msk [tilespmem:v8+s1+$0x0], $0xffff;
	(erf) = vrcp.f32 v9;
	[tilespmem:s16+$0xFFFFFFE0] =	vst v0  }
0x1d5: {  	v4 =	vld [tilespmem:s18+$0xFFFFFFF0];
	(erf) = vrcp.f32 v5  }
0x1d6: {  	v6 =	vld [tilespmem:s14+$0xFFFFFFF0];
	(erf) = vrcp.f32 v7  }
0x1d7: {  	v7 =	vld [tilespmem:s18+$0x0]  }
0x1d8: {  	v9 =	vld [tilespmem:s14+$0x0]  }
0x1d9: {  	v10 =	vld [tilespmem:s18+$0x10]  }
0x1da: {  	v5 =	vsub.f32 v2, v1;
	v11 =	vld [tilespmem:s14+$0x10]  }
0x1db: {  	v12 =	vld [tilespmem:s18+$0xFFFFFFE0];
	v2 =	vpop (erf)  }
0x1dc: {  	v1 =	vld.idx.msk [tilespmem:v3+s1+$0x0], $0xffff;
	v13 =	vmul.f32 v2, v5;
	v0 =	vpop (erf)  }
0x1dd: {  	s16 =	sadd.s32 $0x50, s16;
	v5 =	vld.idx.msk [tilespmem:v4+s1+$0x0], $0xffff;
	v4 =	vpop (erf)  }
0x1de: {  	v8 =	vld.idx.msk [tilespmem:v6+s1+$0x0], $0xffff;
	[tilespmem:s16+$0x20] =	vst v13;
	v3 =	vpop (erf)  }
.Ltmp4:
0x1df: {  	v6 =	vld.idx.msk [tilespmem:v7+s1+$0x0], $0xffff;
	v2 =	vpop (erf);
	(pc) =	sbr.rel @p0 .LBB2_10-.Ltmp4, $4  }
0x1e0: {  	v9 =	vld.idx.msk [tilespmem:v9+s1+$0x0], $0xffff  }
0x1e1: {  	v7 =	vld.idx.msk [tilespmem:v10+s1+$0x0], $0xffff  }
0x1e2: {  	v10 =	vld.idx.msk [tilespmem:v11+s1+$0x0], $0xffff  }
0x1e3: {  	s18 =	sadd.s32 $0x50, s18;
	v11 =	vld.idx.msk [tilespmem:v12+s1+$0x0], $0xffff  }
0x1e4: {  	_ = 	snop  }
0x1e5: {  	v5 =	vsub.f32 v8, v5  }
0x1e6: {  	v6 =	vsub.f32 v9, v6  }
0x1e7: {  	v4 =	vmul.f32 v4, v5;
	v5 =	vsub.f32 v10, v7  }
0x1e8: {  	v3 =	vmul.f32 v3, v6;
	v1 =	vsub.f32 v1, v11  }
0x1e9: {  	[tilespmem:s16+$0xFFFFFFF0] =	vst v4;
	v2 =	vmul.f32 v2, v5  }
0x1ea: {  	[tilespmem:s16+$0x0] =	vst v3;
	v0 =	vmul.f32 v0, v1  }
0x1eb: {  	[tilespmem:s16+$0x10] =	vst v2  }
0x1ec: {  	[tilespmem:s16+$0xFFFFFFE0] =	vst v0  }
0x1ed: {  	s14 =	rddreg [dreg:$0x16]  }
0x1ee: {  	s15 =	rddreg [dreg:$0x1e]  }
0x1ef: {  	[hbm4b:s14+s1] =	stream.linear.scatter [tilespmem:s7], [sflag:$0x4], $0xA00, $0x38;
	[tilespmem:$0x1FF00] =	vst v63  }
0x1f0: {  	s16 =	rddreg [dreg:$0x1f]  }
0x1f1: {  	[tilespmem:s28], [sflag:$0x3] =	stream.linear.gather [hbm4b:s15+s1], $0xA00, $0x38;
	[tilespmem:$0x1FF00] =	vst v63  }
0x1f2: {  	s17 =	sld [smem:$0x7CB]  }
0x1f3: {  	[tilespmem:s29], [sflag:$0x3] =	stream.linear.gather [hbm4b:s16+s1], $0xA00, $0x38;
	[tilespmem:$0x1FF00] =	vst v63  }
0x1f4: {  	_ = 	snop  }
0x1f5: {  	[tilespmem:s30], [sflag:$0x3] =	stream.linear.gather [hbm4b:s17+s1], $0xA00, $0x38;
	[tilespmem:$0x1FF00] =	vst v63  }
0x1f6: {  	_ =	swait.ge [sflag:s8], $0xA00  }
0x1f7: {  	[sflag:s8] =	ssyncset.done $0x0  }
0x1f8: {  	[sflag:s8] =	ssyncadd.s32 $0xFFFFF600  }
0x1f9: {  	_ =	swait.ge [sflag:s8], $0xA00  }
0x1fa: {  	[sflag:s8] =	ssyncset.done $0x0  }
0x1fb: {  	[sflag:s8] =	ssyncadd.s32 $0xFFFFF600  }
0x1fc: {  	_ =	swait.ge [sflag:s8], $0xA00  }
0x1fd: {  	[sflag:s8] =	ssyncset.done $0x0  }
0x1fe: {  	[sflag:s8] =	ssyncadd.s32 $0xFFFFF600  }
0x1ff: {  	_ =	swait.ge [sflag:s12], $0xA00  }
0x200: {  	[sflag:s12] =	ssyncset.done $0x0  }
0x201: {  	s18 =	simm.s32 $0x1D720;
	[sflag:s12] =	ssyncadd.s32 $0xFFFFF600  }
0x202: {  	s14 =	simm.s32 $0x1E120;
	v0 =	vld [tilespmem:s18+$0x20]  }
0x203: {  	s15 =	simm.s32 $0x1EB20;
	v1 =	vld [tilespmem:s14+$0x20]  }
0x204: {  	v2 =	vld [tilespmem:s15+$0x20]  }
0x205: {  	v3 =	vld [tilespmem:s15+$0xFFFFFFE0]  }
0x206: {  	v4 =	vld [tilespmem:s15+$0xFFFFFFF0]  }
0x207: {  	v5 =	vld [tilespmem:s15+$0x0]  }
0x208: {  	v6 =	vld [tilespmem:s15+$0x10]  }
0x209: {  	v7 =	vld [tilespmem:s14+$0xFFFFFFE0]  }
0x20a: {  	v8 =	vld [tilespmem:s18+$0xFFFFFFF0]  }
0x20b: {  	(erf) = vrcp.f32 v2;
	v2 =	vld [tilespmem:s14+$0xFFFFFFF0]  }
0x20c: {  	(erf) = vrcp.f32 v3;
	v3 =	vld [tilespmem:s18+$0x0]  }
0x20d: {  	(erf) = vrcp.f32 v4;
	v4 =	vld [tilespmem:s14+$0x0]  }
0x20e: {  	v0 =	vld.idx.msk [tilespmem:v0+s1+$0x0], $0xffff  }
0x20f: {  	v9 =	vld.idx.msk [tilespmem:v1+s1+$0x0], $0xffff  }
0x210: {  	v10 =	vld [tilespmem:s18+$0x10];
	(erf) = vrcp.f32 v5  }
0x211: {  	v11 =	vld [tilespmem:s14+$0x10];
	(erf) = vrcp.f32 v6  }
0x212: {  	v12 =	vld [tilespmem:s18+$0xFFFFFFE0]  }
0x213: {  	v5 =	vld.idx.msk [tilespmem:v8+s1+$0x0], $0xffff  }
0x214: {  	v8 =	vld.idx.msk [tilespmem:v2+s1+$0x0], $0xffff;
	v2 =	vsub.f32 v9, v0  }
0x215: {  	v1 =	vld.idx.msk [tilespmem:v7+s1+$0x0], $0xffff;
	v7 =	vpop (erf)  }
0x216: {  	v6 =	vld.idx.msk [tilespmem:v3+s1+$0x0], $0xffff;
	v2 =	vmul.f32 v7, v2  }
0x217: {  	v0 =	vpop (erf);
	v9 =	vld.idx.msk [tilespmem:v4+s1+$0x0], $0xffff  }
0x218: {  	v7 =	vld.idx.msk [tilespmem:v10+s1+$0x0], $0xffff;
	v4 =	vpop (erf)  }
0x219: {  	s16 =	simm.s32 $0x1F520;
	v10 =	vld.idx.msk [tilespmem:v11+s1+$0x0], $0xffff;
	v3 =	vpop (erf)  }
0x21a: {  	s17 =	simm.s32 $0x0;
	s18 =	simm.s32 $0x1D770;
	v11 =	vld.idx.msk [tilespmem:v12+s1+$0x0], $0xffff;
	[tilespmem:s16+$0x20] =	vst v2;
	v2 =	vpop (erf)  }
.LBB2_12:
0x21b: {  	v12 =	vld [tilespmem:s18+$0x20];
	v5 =	vsub.f32 v8, v5;
	s14 =	sadd.s32 $0x50, s14  }
0x21c: {  	s17 =	sadd.s32 $0x50, s17;
	s15 =	sadd.s32 $0x50, s15;
	v8 =	vld [tilespmem:s14+$0x20]  }
0x21d: {  	p0 =	slt.u32 s17, $0x9B0;
	v13 =	vld [tilespmem:s15+$0x20];
	v4 =	vmul.f32 v4, v5;
	v5 =	vsub.f32 v9, v6  }
0x21e: {  	v6 =	vld [tilespmem:s15+$0xFFFFFFE0]  }
0x21f: {  	v9 =	vld [tilespmem:s15+$0xFFFFFFF0];
	[tilespmem:s16+$0xFFFFFFF0] =	vst v4;
	v3 =	vmul.f32 v3, v5;
	v4 =	vsub.f32 v10, v7  }
0x220: {  	v1 =	vsub.f32 v1, v11;
	v5 =	vld [tilespmem:s15+$0x0]  }
0x221: {  	v7 =	vld [tilespmem:s15+$0x10];
	[tilespmem:s16+$0x0] =	vst v3;
	v2 =	vmul.f32 v2, v4  }
0x222: {  	v0 =	vmul.f32 v0, v1;
	v3 =	vld [tilespmem:s14+$0xFFFFFFE0];
	(erf) = vrcp.f32 v13  }
0x223: {  	v1 =	vld.idx.msk [tilespmem:v12+s1+$0x0], $0xffff;
	(erf) = vrcp.f32 v6;
	[tilespmem:s16+$0x10] =	vst v2  }
0x224: {  	v2 =	vld.idx.msk [tilespmem:v8+s1+$0x0], $0xffff;
	(erf) = vrcp.f32 v9;
	[tilespmem:s16+$0xFFFFFFE0] =	vst v0  }
0x225: {  	v4 =	vld [tilespmem:s18+$0xFFFFFFF0];
	(erf) = vrcp.f32 v5  }
0x226: {  	v6 =	vld [tilespmem:s14+$0xFFFFFFF0];
	(erf) = vrcp.f32 v7  }
0x227: {  	v7 =	vld [tilespmem:s18+$0x0]  }
0x228: {  	v9 =	vld [tilespmem:s14+$0x0]  }
0x229: {  	v10 =	vld [tilespmem:s18+$0x10]  }
0x22a: {  	v5 =	vsub.f32 v2, v1;
	v11 =	vld [tilespmem:s14+$0x10]  }
0x22b: {  	v12 =	vld [tilespmem:s18+$0xFFFFFFE0];
	v2 =	vpop (erf)  }
0x22c: {  	v1 =	vld.idx.msk [tilespmem:v3+s1+$0x0], $0xffff;
	v13 =	vmul.f32 v2, v5;
	v0 =	vpop (erf)  }
0x22d: {  	s16 =	sadd.s32 $0x50, s16;
	v5 =	vld.idx.msk [tilespmem:v4+s1+$0x0], $0xffff;
	v4 =	vpop (erf)  }
0x22e: {  	v8 =	vld.idx.msk [tilespmem:v6+s1+$0x0], $0xffff;
	[tilespmem:s16+$0x20] =	vst v13;
	v3 =	vpop (erf)  }
.Ltmp5:
0x22f: {  	v6 =	vld.idx.msk [tilespmem:v7+s1+$0x0], $0xffff;
	v2 =	vpop (erf);
	(pc) =	sbr.rel @p0 .LBB2_12-.Ltmp5, $4  }
0x230: {  	v9 =	vld.idx.msk [tilespmem:v9+s1+$0x0], $0xffff  }
0x231: {  	v7 =	vld.idx.msk [tilespmem:v10+s1+$0x0], $0xffff  }
0x232: {  	v10 =	vld.idx.msk [tilespmem:v11+s1+$0x0], $0xffff  }
0x233: {  	s18 =	sadd.s32 $0x50, s18;
	v11 =	vld.idx.msk [tilespmem:v12+s1+$0x0], $0xffff  }
0x234: {  	_ = 	snop  }
0x235: {  	v5 =	vsub.f32 v8, v5  }
0x236: {  	v6 =	vsub.f32 v9, v6  }
0x237: {  	v4 =	vmul.f32 v4, v5;
	v5 =	vsub.f32 v10, v7  }
0x238: {  	v3 =	vmul.f32 v3, v6;
	v1 =	vsub.f32 v1, v11  }
0x239: {  	[tilespmem:s16+$0xFFFFFFF0] =	vst v4;
	v2 =	vmul.f32 v2, v5  }
0x23a: {  	[tilespmem:s16+$0x0] =	vst v3;
	v0 =	vmul.f32 v0, v1  }
0x23b: {  	[tilespmem:s16+$0x10] =	vst v2  }
0x23c: {  	[tilespmem:s16+$0xFFFFFFE0] =	vst v0  }
0x23d: {  	s14 =	rddreg [dreg:$0x19]  }
0x23e: {  	s15 =	sld [smem:$0x7CD]  }
0x23f: {  	[hbm4b:s14+s1] =	stream.linear.scatter [tilespmem:s9], [sflag:$0x6], $0xA00, $0x38;
	[tilespmem:$0x1FF00] =	vst v63  }
0x240: {  	s16 =	sld [smem:$0x7CE]  }
0x241: {  	[tilespmem:s31], [sflag:$0x5] =	stream.linear.gather [hbm4b:s15+s1], $0xA00, $0x38;
	[tilespmem:$0x1FF00] =	vst v63  }
0x242: {  	s17 =	sld [smem:$0x7CF]  }
0x243: {  	[tilespmem:s0], [sflag:$0x5] =	stream.linear.gather [hbm4b:s16+s1], $0xA00, $0x38;
	[tilespmem:$0x1FF00] =	vst v63  }
0x244: {  	_ = 	snop  }
0x245: {  	[tilespmem:s2], [sflag:$0x5] =	stream.linear.gather [hbm4b:s17+s1], $0xA00, $0x38;
	[tilespmem:$0x1FF00] =	vst v63  }
0x246: {  	_ =	swait.ge [sflag:s4], $0xA00  }
0x247: {  	[sflag:s4] =	ssyncset.done $0x0  }
0x248: {  	[sflag:s4] =	ssyncadd.s32 $0xFFFFF600  }
0x249: {  	_ =	swait.ge [sflag:s4], $0xA00  }
0x24a: {  	[sflag:s4] =	ssyncset.done $0x0  }
0x24b: {  	[sflag:s4] =	ssyncadd.s32 $0xFFFFF600  }
0x24c: {  	_ =	swait.ge [sflag:s4], $0xA00  }
0x24d: {  	[sflag:s4] =	ssyncset.done $0x0  }
0x24e: {  	[sflag:s4] =	ssyncadd.s32 $0xFFFFF600  }
0x24f: {  	_ =	swait.ge [sflag:s10], $0xA00  }
0x250: {  	[sflag:s10] =	ssyncset.done $0x0  }
0x251: {  	s18 =	simm.s32 $0x18720;
	[sflag:s10] =	ssyncadd.s32 $0xFFFFF600  }
0x252: {  	s14 =	simm.s32 $0x19120;
	v0 =	vld [tilespmem:s18+$0x20]  }
0x253: {  	s15 =	simm.s32 $0x19B20;
	v1 =	vld [tilespmem:s14+$0x20]  }
0x254: {  	v2 =	vld [tilespmem:s15+$0x20]  }
0x255: {  	v3 =	vld [tilespmem:s15+$0xFFFFFFE0]  }
0x256: {  	v4 =	vld [tilespmem:s15+$0xFFFFFFF0]  }
0x257: {  	v5 =	vld [tilespmem:s15+$0x0]  }
0x258: {  	v6 =	vld [tilespmem:s15+$0x10]  }
0x259: {  	v7 =	vld [tilespmem:s14+$0xFFFFFFE0]  }
0x25a: {  	v8 =	vld [tilespmem:s18+$0xFFFFFFF0]  }
0x25b: {  	(erf) = vrcp.f32 v2;
	v2 =	vld [tilespmem:s14+$0xFFFFFFF0]  }
0x25c: {  	(erf) = vrcp.f32 v3;
	v3 =	vld [tilespmem:s18+$0x0]  }
0x25d: {  	(erf) = vrcp.f32 v4;
	v4 =	vld [tilespmem:s14+$0x0]  }
0x25e: {  	v0 =	vld.idx.msk [tilespmem:v0+s1+$0x0], $0xffff  }
0x25f: {  	v9 =	vld.idx.msk [tilespmem:v1+s1+$0x0], $0xffff  }
0x260: {  	v10 =	vld [tilespmem:s18+$0x10];
	(erf) = vrcp.f32 v5  }
0x261: {  	v11 =	vld [tilespmem:s14+$0x10];
	(erf) = vrcp.f32 v6  }
0x262: {  	v12 =	vld [tilespmem:s18+$0xFFFFFFE0]  }
0x263: {  	v5 =	vld.idx.msk [tilespmem:v8+s1+$0x0], $0xffff  }
0x264: {  	v8 =	vld.idx.msk [tilespmem:v2+s1+$0x0], $0xffff;
	v2 =	vsub.f32 v9, v0  }
0x265: {  	v1 =	vld.idx.msk [tilespmem:v7+s1+$0x0], $0xffff;
	v7 =	vpop (erf)  }
0x266: {  	v6 =	vld.idx.msk [tilespmem:v3+s1+$0x0], $0xffff;
	v2 =	vmul.f32 v7, v2  }
0x267: {  	v0 =	vpop (erf);
	v9 =	vld.idx.msk [tilespmem:v4+s1+$0x0], $0xffff  }
0x268: {  	v7 =	vld.idx.msk [tilespmem:v10+s1+$0x0], $0xffff;
	v4 =	vpop (erf)  }
0x269: {  	s16 =	simm.s32 $0x1A520;
	v10 =	vld.idx.msk [tilespmem:v11+s1+$0x0], $0xffff;
	v3 =	vpop (erf)  }
0x26a: {  	s17 =	simm.s32 $0x0;
	s18 =	simm.s32 $0x18770;
	v11 =	vld.idx.msk [tilespmem:v12+s1+$0x0], $0xffff;
	[tilespmem:s16+$0x20] =	vst v2;
	v2 =	vpop (erf)  }
.LBB2_14:
0x26b: {  	v12 =	vld [tilespmem:s18+$0x20];
	v5 =	vsub.f32 v8, v5;
	s14 =	sadd.s32 $0x50, s14  }
0x26c: {  	s17 =	sadd.s32 $0x50, s17;
	s15 =	sadd.s32 $0x50, s15;
	v8 =	vld [tilespmem:s14+$0x20]  }
0x26d: {  	p0 =	slt.u32 s17, $0x9B0;
	v13 =	vld [tilespmem:s15+$0x20];
	v4 =	vmul.f32 v4, v5;
	v5 =	vsub.f32 v9, v6  }
0x26e: {  	v6 =	vld [tilespmem:s15+$0xFFFFFFE0]  }
0x26f: {  	v9 =	vld [tilespmem:s15+$0xFFFFFFF0];
	[tilespmem:s16+$0xFFFFFFF0] =	vst v4;
	v3 =	vmul.f32 v3, v5;
	v4 =	vsub.f32 v10, v7  }
0x270: {  	v1 =	vsub.f32 v1, v11;
	v5 =	vld [tilespmem:s15+$0x0]  }
0x271: {  	v7 =	vld [tilespmem:s15+$0x10];
	[tilespmem:s16+$0x0] =	vst v3;
	v2 =	vmul.f32 v2, v4  }
0x272: {  	v0 =	vmul.f32 v0, v1;
	v3 =	vld [tilespmem:s14+$0xFFFFFFE0];
	(erf) = vrcp.f32 v13  }
0x273: {  	v1 =	vld.idx.msk [tilespmem:v12+s1+$0x0], $0xffff;
	(erf) = vrcp.f32 v6;
	[tilespmem:s16+$0x10] =	vst v2  }
0x274: {  	v2 =	vld.idx.msk [tilespmem:v8+s1+$0x0], $0xffff;
	(erf) = vrcp.f32 v9;
	[tilespmem:s16+$0xFFFFFFE0] =	vst v0  }
0x275: {  	v4 =	vld [tilespmem:s18+$0xFFFFFFF0];
	(erf) = vrcp.f32 v5  }
0x276: {  	v6 =	vld [tilespmem:s14+$0xFFFFFFF0];
	(erf) = vrcp.f32 v7  }
0x277: {  	v7 =	vld [tilespmem:s18+$0x0]  }
0x278: {  	v9 =	vld [tilespmem:s14+$0x0]  }
0x279: {  	v10 =	vld [tilespmem:s18+$0x10]  }
0x27a: {  	v5 =	vsub.f32 v2, v1;
	v11 =	vld [tilespmem:s14+$0x10]  }
0x27b: {  	v12 =	vld [tilespmem:s18+$0xFFFFFFE0];
	v2 =	vpop (erf)  }
0x27c: {  	v1 =	vld.idx.msk [tilespmem:v3+s1+$0x0], $0xffff;
	v13 =	vmul.f32 v2, v5;
	v0 =	vpop (erf)  }
0x27d: {  	s16 =	sadd.s32 $0x50, s16;
	v5 =	vld.idx.msk [tilespmem:v4+s1+$0x0], $0xffff;
	v4 =	vpop (erf)  }
0x27e: {  	v8 =	vld.idx.msk [tilespmem:v6+s1+$0x0], $0xffff;
	[tilespmem:s16+$0x20] =	vst v13;
	v3 =	vpop (erf)  }
.Ltmp6:
0x27f: {  	v6 =	vld.idx.msk [tilespmem:v7+s1+$0x0], $0xffff;
	v2 =	vpop (erf);
	(pc) =	sbr.rel @p0 .LBB2_14-.Ltmp6, $4  }
0x280: {  	v9 =	vld.idx.msk [tilespmem:v9+s1+$0x0], $0xffff  }
0x281: {  	v7 =	vld.idx.msk [tilespmem:v10+s1+$0x0], $0xffff  }
0x282: {  	v10 =	vld.idx.msk [tilespmem:v11+s1+$0x0], $0xffff  }
0x283: {  	s18 =	sadd.s32 $0x50, s18;
	v11 =	vld.idx.msk [tilespmem:v12+s1+$0x0], $0xffff  }
0x284: {  	_ = 	snop  }
0x285: {  	v5 =	vsub.f32 v8, v5  }
0x286: {  	v6 =	vsub.f32 v9, v6  }
0x287: {  	v4 =	vmul.f32 v4, v5;
	v5 =	vsub.f32 v10, v7  }
0x288: {  	v3 =	vmul.f32 v3, v6;
	v1 =	vsub.f32 v1, v11  }
0x289: {  	[tilespmem:s16+$0xFFFFFFF0] =	vst v4;
	v2 =	vmul.f32 v2, v5  }
0x28a: {  	[tilespmem:s16+$0x0] =	vst v3;
	v0 =	vmul.f32 v0, v1  }
0x28b: {  	[tilespmem:s16+$0x10] =	vst v2  }
0x28c: {  	[tilespmem:s16+$0xFFFFFFE0] =	vst v0  }
0x28d: {  	s14 =	rddreg [dreg:$0x1d]  }
0x28e: {  	s15 =	sld [smem:$0x7D1]  }
0x28f: {  	[hbm4b:s14+s1] =	stream.linear.scatter [tilespmem:s5], [sflag:$0x2], $0xA00, $0x38;
	[tilespmem:$0x1FF00] =	vst v63  }
0x290: {  	s16 =	sld [smem:$0x7D2]  }
0x291: {  	[tilespmem:s24], [sflag:$0x1] =	stream.linear.gather [hbm4b:s15+s1], $0xA00, $0x38;
	[tilespmem:$0x1FF00] =	vst v63  }
0x292: {  	s17 =	sld [smem:$0x7D3]  }
0x293: {  	[tilespmem:s25], [sflag:$0x1] =	stream.linear.gather [hbm4b:s16+s1], $0xA00, $0x38;
	[tilespmem:$0x1FF00] =	vst v63  }
0x294: {  	_ = 	snop  }
0x295: {  	[tilespmem:s26], [sflag:$0x1] =	stream.linear.gather [hbm4b:s17+s1], $0xA00, $0x38;
	[tilespmem:$0x1FF00] =	vst v63  }
0x296: {  	_ =	swait.ge [sflag:s6], $0xA00  }
0x297: {  	[sflag:s6] =	ssyncset.done $0x0  }
0x298: {  	[sflag:s6] =	ssyncadd.s32 $0xFFFFF600  }
0x299: {  	_ =	swait.ge [sflag:s6], $0xA00  }
0x29a: {  	[sflag:s6] =	ssyncset.done $0x0  }
0x29b: {  	[sflag:s6] =	ssyncadd.s32 $0xFFFFF600  }
0x29c: {  	_ =	swait.ge [sflag:s6], $0xA00  }
0x29d: {  	[sflag:s6] =	ssyncset.done $0x0  }
0x29e: {  	[sflag:s6] =	ssyncadd.s32 $0xFFFFF600  }
0x29f: {  	_ =	swait.ge [sflag:s11], $0xA00  }
0x2a0: {  	[sflag:s11] =	ssyncset.done $0x0  }
0x2a1: {  	s18 =	simm.s32 $0x1AF20;
	[sflag:s11] =	ssyncadd.s32 $0xFFFFF600  }
0x2a2: {  	s14 =	simm.s32 $0x1B920;
	v0 =	vld [tilespmem:s18+$0x20]  }
0x2a3: {  	s15 =	simm.s32 $0x1C320;
	v1 =	vld [tilespmem:s14+$0x20]  }
0x2a4: {  	v2 =	vld [tilespmem:s15+$0x20]  }
0x2a5: {  	v3 =	vld [tilespmem:s15+$0xFFFFFFE0]  }
0x2a6: {  	v4 =	vld [tilespmem:s15+$0xFFFFFFF0]  }
0x2a7: {  	v5 =	vld [tilespmem:s15+$0x0]  }
0x2a8: {  	v6 =	vld [tilespmem:s15+$0x10]  }
0x2a9: {  	v7 =	vld [tilespmem:s14+$0xFFFFFFE0]  }
0x2aa: {  	v8 =	vld [tilespmem:s18+$0xFFFFFFF0]  }
0x2ab: {  	(erf) = vrcp.f32 v2;
	v2 =	vld [tilespmem:s14+$0xFFFFFFF0]  }
0x2ac: {  	(erf) = vrcp.f32 v3;
	v3 =	vld [tilespmem:s18+$0x0]  }
0x2ad: {  	(erf) = vrcp.f32 v4;
	v4 =	vld [tilespmem:s14+$0x0]  }
0x2ae: {  	v0 =	vld.idx.msk [tilespmem:v0+s1+$0x0], $0xffff  }
0x2af: {  	v9 =	vld.idx.msk [tilespmem:v1+s1+$0x0], $0xffff  }
0x2b0: {  	v10 =	vld [tilespmem:s18+$0x10];
	(erf) = vrcp.f32 v5  }
0x2b1: {  	v11 =	vld [tilespmem:s14+$0x10];
	(erf) = vrcp.f32 v6  }
0x2b2: {  	v12 =	vld [tilespmem:s18+$0xFFFFFFE0]  }
0x2b3: {  	v5 =	vld.idx.msk [tilespmem:v8+s1+$0x0], $0xffff  }
0x2b4: {  	v8 =	vld.idx.msk [tilespmem:v2+s1+$0x0], $0xffff;
	v2 =	vsub.f32 v9, v0  }
0x2b5: {  	v1 =	vld.idx.msk [tilespmem:v7+s1+$0x0], $0xffff;
	v7 =	vpop (erf)  }
0x2b6: {  	v6 =	vld.idx.msk [tilespmem:v3+s1+$0x0], $0xffff;
	v2 =	vmul.f32 v7, v2  }
0x2b7: {  	v0 =	vpop (erf);
	v9 =	vld.idx.msk [tilespmem:v4+s1+$0x0], $0xffff  }
0x2b8: {  	v7 =	vld.idx.msk [tilespmem:v10+s1+$0x0], $0xffff;
	v4 =	vpop (erf)  }
0x2b9: {  	s16 =	simm.s32 $0x1CD20;
	v10 =	vld.idx.msk [tilespmem:v11+s1+$0x0], $0xffff;
	v3 =	vpop (erf)  }
0x2ba: {  	s17 =	simm.s32 $0x0;
	s18 =	simm.s32 $0x1AF70;
	v11 =	vld.idx.msk [tilespmem:v12+s1+$0x0], $0xffff;
	[tilespmem:s16+$0x20] =	vst v2;
	v2 =	vpop (erf)  }
.LBB2_16:
0x2bb: {  	v12 =	vld [tilespmem:s18+$0x20];
	v5 =	vsub.f32 v8, v5;
	s14 =	sadd.s32 $0x50, s14  }
0x2bc: {  	s17 =	sadd.s32 $0x50, s17;
	s15 =	sadd.s32 $0x50, s15;
	v8 =	vld [tilespmem:s14+$0x20]  }
0x2bd: {  	p0 =	slt.u32 s17, $0x9B0;
	v13 =	vld [tilespmem:s15+$0x20];
	v4 =	vmul.f32 v4, v5;
	v5 =	vsub.f32 v9, v6  }
0x2be: {  	v6 =	vld [tilespmem:s15+$0xFFFFFFE0]  }
0x2bf: {  	v9 =	vld [tilespmem:s15+$0xFFFFFFF0];
	[tilespmem:s16+$0xFFFFFFF0] =	vst v4;
	v3 =	vmul.f32 v3, v5;
	v4 =	vsub.f32 v10, v7  }
0x2c0: {  	v1 =	vsub.f32 v1, v11;
	v5 =	vld [tilespmem:s15+$0x0]  }
0x2c1: {  	v7 =	vld [tilespmem:s15+$0x10];
	[tilespmem:s16+$0x0] =	vst v3;
	v2 =	vmul.f32 v2, v4  }
0x2c2: {  	v0 =	vmul.f32 v0, v1;
	v3 =	vld [tilespmem:s14+$0xFFFFFFE0];
	(erf) = vrcp.f32 v13  }
0x2c3: {  	v1 =	vld.idx.msk [tilespmem:v12+s1+$0x0], $0xffff;
	(erf) = vrcp.f32 v6;
	[tilespmem:s16+$0x10] =	vst v2  }
0x2c4: {  	v2 =	vld.idx.msk [tilespmem:v8+s1+$0x0], $0xffff;
	(erf) = vrcp.f32 v9;
	[tilespmem:s16+$0xFFFFFFE0] =	vst v0  }
0x2c5: {  	v4 =	vld [tilespmem:s18+$0xFFFFFFF0];
	(erf) = vrcp.f32 v5  }
0x2c6: {  	v6 =	vld [tilespmem:s14+$0xFFFFFFF0];
	(erf) = vrcp.f32 v7  }
0x2c7: {  	v7 =	vld [tilespmem:s18+$0x0]  }
0x2c8: {  	v9 =	vld [tilespmem:s14+$0x0]  }
0x2c9: {  	v10 =	vld [tilespmem:s18+$0x10]  }
0x2ca: {  	v5 =	vsub.f32 v2, v1;
	v11 =	vld [tilespmem:s14+$0x10]  }
0x2cb: {  	v12 =	vld [tilespmem:s18+$0xFFFFFFE0];
	v2 =	vpop (erf)  }
0x2cc: {  	v1 =	vld.idx.msk [tilespmem:v3+s1+$0x0], $0xffff;
	v13 =	vmul.f32 v2, v5;
	v0 =	vpop (erf)  }
0x2cd: {  	s16 =	sadd.s32 $0x50, s16;
	v5 =	vld.idx.msk [tilespmem:v4+s1+$0x0], $0xffff;
	v4 =	vpop (erf)  }
0x2ce: {  	v8 =	vld.idx.msk [tilespmem:v6+s1+$0x0], $0xffff;
	[tilespmem:s16+$0x20] =	vst v13;
	v3 =	vpop (erf)  }
.Ltmp7:
0x2cf: {  	v6 =	vld.idx.msk [tilespmem:v7+s1+$0x0], $0xffff;
	v2 =	vpop (erf);
	(pc) =	sbr.rel @p0 .LBB2_16-.Ltmp7, $4  }
0x2d0: {  	v9 =	vld.idx.msk [tilespmem:v9+s1+$0x0], $0xffff  }
0x2d1: {  	v7 =	vld.idx.msk [tilespmem:v10+s1+$0x0], $0xffff  }
0x2d2: {  	v10 =	vld.idx.msk [tilespmem:v11+s1+$0x0], $0xffff  }
0x2d3: {  	s18 =	sadd.s32 $0x50, s18;
	v11 =	vld.idx.msk [tilespmem:v12+s1+$0x0], $0xffff  }
0x2d4: {  	_ = 	snop  }
0x2d5: {  	v5 =	vsub.f32 v8, v5  }
0x2d6: {  	v6 =	vsub.f32 v9, v6  }
0x2d7: {  	v4 =	vmul.f32 v4, v5;
	v5 =	vsub.f32 v10, v7  }
0x2d8: {  	v3 =	vmul.f32 v3, v6;
	v1 =	vsub.f32 v1, v11  }
0x2d9: {  	[tilespmem:s16+$0xFFFFFFF0] =	vst v4;
	v2 =	vmul.f32 v2, v5  }
0x2da: {  	[tilespmem:s16+$0x0] =	vst v3;
	v0 =	vmul.f32 v0, v1  }
0x2db: {  	[tilespmem:s16+$0x10] =	vst v2  }
0x2dc: {  	[tilespmem:s16+$0xFFFFFFE0] =	vst v0  }
0x2dd: {  	s14 =	sld [smem:$0x7CC];
	_ =	sdelay $0x1  }
0x2de: {  	s15 =	sld [smem:$0x7D5]  }
0x2df: {  	[hbm4b:s14+s1] =	stream.linear.scatter [tilespmem:s7], [sflag:$0x4], $0xA00, $0x38;
	[tilespmem:$0x1FF00] =	vst v63  }
0x2e0: {  	s16 =	sld [smem:$0x7D6]  }
0x2e1: {  	[tilespmem:s28], [sflag:$0x3] =	stream.linear.gather [hbm4b:s15+s1], $0xA00, $0x38;
	[tilespmem:$0x1FF00] =	vst v63  }
0x2e2: {  	s17 =	sld [smem:$0x7D7]  }
0x2e3: {  	[tilespmem:s29], [sflag:$0x3] =	stream.linear.gather [hbm4b:s16+s1], $0xA00, $0x38;
	[tilespmem:$0x1FF00] =	vst v63  }
0x2e4: {  	_ = 	snop  }
0x2e5: {  	[tilespmem:s30], [sflag:$0x3] =	stream.linear.gather [hbm4b:s17+s1], $0xA00, $0x38;
	[tilespmem:$0x1FF00] =	vst v63  }
0x2e6: {  	_ =	swait.ge [sflag:s8], $0xA00  }
0x2e7: {  	[sflag:s8] =	ssyncset.done $0x0  }
0x2e8: {  	[sflag:s8] =	ssyncadd.s32 $0xFFFFF600  }
0x2e9: {  	_ =	swait.ge [sflag:s8], $0xA00  }
0x2ea: {  	[sflag:s8] =	ssyncset.done $0x0  }
0x2eb: {  	[sflag:s8] =	ssyncadd.s32 $0xFFFFF600  }
0x2ec: {  	_ =	swait.ge [sflag:s8], $0xA00  }
0x2ed: {  	[sflag:s8] =	ssyncset.done $0x0  }
0x2ee: {  	[sflag:s8] =	ssyncadd.s32 $0xFFFFF600  }
0x2ef: {  	_ =	swait.ge [sflag:s12], $0xA00  }
0x2f0: {  	[sflag:s12] =	ssyncset.done $0x0  }
0x2f1: {  	s18 =	simm.s32 $0x1D720;
	[sflag:s12] =	ssyncadd.s32 $0xFFFFF600  }
0x2f2: {  	s14 =	simm.s32 $0x1E120;
	v0 =	vld [tilespmem:s18+$0x20]  }
0x2f3: {  	s15 =	simm.s32 $0x1EB20;
	v1 =	vld [tilespmem:s14+$0x20]  }
0x2f4: {  	v2 =	vld [tilespmem:s15+$0x20]  }
0x2f5: {  	v3 =	vld [tilespmem:s15+$0xFFFFFFE0]  }
0x2f6: {  	v4 =	vld [tilespmem:s15+$0xFFFFFFF0]  }
0x2f7: {  	v5 =	vld [tilespmem:s15+$0x0]  }
0x2f8: {  	v6 =	vld [tilespmem:s15+$0x10]  }
0x2f9: {  	v7 =	vld [tilespmem:s14+$0xFFFFFFE0]  }
0x2fa: {  	v8 =	vld [tilespmem:s18+$0xFFFFFFF0]  }
0x2fb: {  	(erf) = vrcp.f32 v2;
	v2 =	vld [tilespmem:s14+$0xFFFFFFF0]  }
0x2fc: {  	(erf) = vrcp.f32 v3;
	v3 =	vld [tilespmem:s18+$0x0]  }
0x2fd: {  	(erf) = vrcp.f32 v4;
	v4 =	vld [tilespmem:s14+$0x0]  }
0x2fe: {  	v0 =	vld.idx.msk [tilespmem:v0+s1+$0x0], $0xffff  }
0x2ff: {  	v9 =	vld.idx.msk [tilespmem:v1+s1+$0x0], $0xffff  }
0x300: {  	v10 =	vld [tilespmem:s18+$0x10];
	(erf) = vrcp.f32 v5  }
0x301: {  	v11 =	vld [tilespmem:s14+$0x10];
	(erf) = vrcp.f32 v6  }
0x302: {  	v12 =	vld [tilespmem:s18+$0xFFFFFFE0]  }
0x303: {  	v5 =	vld.idx.msk [tilespmem:v8+s1+$0x0], $0xffff  }
0x304: {  	v8 =	vld.idx.msk [tilespmem:v2+s1+$0x0], $0xffff;
	v2 =	vsub.f32 v9, v0  }
0x305: {  	v1 =	vld.idx.msk [tilespmem:v7+s1+$0x0], $0xffff;
	v7 =	vpop (erf)  }
0x306: {  	v6 =	vld.idx.msk [tilespmem:v3+s1+$0x0], $0xffff;
	v2 =	vmul.f32 v7, v2  }
0x307: {  	v0 =	vpop (erf);
	v9 =	vld.idx.msk [tilespmem:v4+s1+$0x0], $0xffff  }
0x308: {  	v7 =	vld.idx.msk [tilespmem:v10+s1+$0x0], $0xffff;
	v4 =	vpop (erf)  }
0x309: {  	s16 =	simm.s32 $0x1F520;
	v10 =	vld.idx.msk [tilespmem:v11+s1+$0x0], $0xffff;
	v3 =	vpop (erf)  }
0x30a: {  	s17 =	simm.s32 $0x0;
	s18 =	simm.s32 $0x1D770;
	v11 =	vld.idx.msk [tilespmem:v12+s1+$0x0], $0xffff;
	[tilespmem:s16+$0x20] =	vst v2;
	v2 =	vpop (erf)  }
.LBB2_18:
0x30b: {  	v12 =	vld [tilespmem:s18+$0x20];
	v5 =	vsub.f32 v8, v5;
	s14 =	sadd.s32 $0x50, s14  }
0x30c: {  	s17 =	sadd.s32 $0x50, s17;
	s15 =	sadd.s32 $0x50, s15;
	v8 =	vld [tilespmem:s14+$0x20]  }
0x30d: {  	p0 =	slt.u32 s17, $0x9B0;
	v13 =	vld [tilespmem:s15+$0x20];
	v4 =	vmul.f32 v4, v5;
	v5 =	vsub.f32 v9, v6  }
0x30e: {  	v6 =	vld [tilespmem:s15+$0xFFFFFFE0]  }
0x30f: {  	v9 =	vld [tilespmem:s15+$0xFFFFFFF0];
	[tilespmem:s16+$0xFFFFFFF0] =	vst v4;
	v3 =	vmul.f32 v3, v5;
	v4 =	vsub.f32 v10, v7  }
0x310: {  	v1 =	vsub.f32 v1, v11;
	v5 =	vld [tilespmem:s15+$0x0]  }
0x311: {  	v7 =	vld [tilespmem:s15+$0x10];
	[tilespmem:s16+$0x0] =	vst v3;
	v2 =	vmul.f32 v2, v4  }
0x312: {  	v0 =	vmul.f32 v0, v1;
	v3 =	vld [tilespmem:s14+$0xFFFFFFE0];
	(erf) = vrcp.f32 v13  }
0x313: {  	v1 =	vld.idx.msk [tilespmem:v12+s1+$0x0], $0xffff;
	(erf) = vrcp.f32 v6;
	[tilespmem:s16+$0x10] =	vst v2  }
0x314: {  	v2 =	vld.idx.msk [tilespmem:v8+s1+$0x0], $0xffff;
	(erf) = vrcp.f32 v9;
	[tilespmem:s16+$0xFFFFFFE0] =	vst v0  }
0x315: {  	v4 =	vld [tilespmem:s18+$0xFFFFFFF0];
	(erf) = vrcp.f32 v5  }
0x316: {  	v6 =	vld [tilespmem:s14+$0xFFFFFFF0];
	(erf) = vrcp.f32 v7  }
0x317: {  	v7 =	vld [tilespmem:s18+$0x0]  }
0x318: {  	v9 =	vld [tilespmem:s14+$0x0]  }
0x319: {  	v10 =	vld [tilespmem:s18+$0x10]  }
0x31a: {  	v5 =	vsub.f32 v2, v1;
	v11 =	vld [tilespmem:s14+$0x10]  }
0x31b: {  	v12 =	vld [tilespmem:s18+$0xFFFFFFE0];
	v2 =	vpop (erf)  }
0x31c: {  	v1 =	vld.idx.msk [tilespmem:v3+s1+$0x0], $0xffff;
	v13 =	vmul.f32 v2, v5;
	v0 =	vpop (erf)  }
0x31d: {  	s16 =	sadd.s32 $0x50, s16;
	v5 =	vld.idx.msk [tilespmem:v4+s1+$0x0], $0xffff;
	v4 =	vpop (erf)  }
0x31e: {  	v8 =	vld.idx.msk [tilespmem:v6+s1+$0x0], $0xffff;
	[tilespmem:s16+$0x20] =	vst v13;
	v3 =	vpop (erf)  }
.Ltmp8:
0x31f: {  	v6 =	vld.idx.msk [tilespmem:v7+s1+$0x0], $0xffff;
	v2 =	vpop (erf);
	(pc) =	sbr.rel @p0 .LBB2_18-.Ltmp8, $4  }
0x320: {  	v9 =	vld.idx.msk [tilespmem:v9+s1+$0x0], $0xffff  }
0x321: {  	v7 =	vld.idx.msk [tilespmem:v10+s1+$0x0], $0xffff  }
0x322: {  	v10 =	vld.idx.msk [tilespmem:v11+s1+$0x0], $0xffff  }
0x323: {  	s18 =	sadd.s32 $0x50, s18;
	v11 =	vld.idx.msk [tilespmem:v12+s1+$0x0], $0xffff  }
0x324: {  	_ = 	snop  }
0x325: {  	v5 =	vsub.f32 v8, v5  }
0x326: {  	v6 =	vsub.f32 v9, v6  }
0x327: {  	v4 =	vmul.f32 v4, v5;
	v5 =	vsub.f32 v10, v7  }
0x328: {  	v3 =	vmul.f32 v3, v6;
	v1 =	vsub.f32 v1, v11  }
0x329: {  	[tilespmem:s16+$0xFFFFFFF0] =	vst v4;
	v2 =	vmul.f32 v2, v5  }
0x32a: {  	[tilespmem:s16+$0x0] =	vst v3;
	v0 =	vmul.f32 v0, v1  }
0x32b: {  	[tilespmem:s16+$0x10] =	vst v2  }
0x32c: {  	[tilespmem:s16+$0xFFFFFFE0] =	vst v0  }
0x32d: {  	s14 =	sld [smem:$0x7D0];
	_ =	sdelay $0x1  }
0x32e: {  	s15 =	sld [smem:$0x7D9]  }
0x32f: {  	[hbm4b:s14+s1] =	stream.linear.scatter [tilespmem:s9], [sflag:$0x6], $0xA00, $0x38;
	[tilespmem:$0x1FF00] =	vst v63  }
0x330: {  	s16 =	sld [smem:$0x7DA]  }
0x331: {  	[tilespmem:s31], [sflag:$0x5] =	stream.linear.gather [hbm4b:s15+s1], $0xA00, $0x38;
	[tilespmem:$0x1FF00] =	vst v63  }
0x332: {  	s17 =	sld [smem:$0x7DB]  }
0x333: {  	[tilespmem:s0], [sflag:$0x5] =	stream.linear.gather [hbm4b:s16+s1], $0xA00, $0x38;
	[tilespmem:$0x1FF00] =	vst v63  }
0x334: {  	_ = 	snop  }
0x335: {  	[tilespmem:s2], [sflag:$0x5] =	stream.linear.gather [hbm4b:s17+s1], $0xA00, $0x38;
	[tilespmem:$0x1FF00] =	vst v63  }
0x336: {  	_ =	swait.ge [sflag:s4], $0xA00  }
0x337: {  	[sflag:s4] =	ssyncset.done $0x0  }
0x338: {  	[sflag:s4] =	ssyncadd.s32 $0xFFFFF600  }
0x339: {  	_ =	swait.ge [sflag:s4], $0xA00  }
0x33a: {  	[sflag:s4] =	ssyncset.done $0x0  }
0x33b: {  	[sflag:s4] =	ssyncadd.s32 $0xFFFFF600  }
0x33c: {  	_ =	swait.ge [sflag:s4], $0xA00  }
0x33d: {  	[sflag:s4] =	ssyncset.done $0x0  }
0x33e: {  	[sflag:s4] =	ssyncadd.s32 $0xFFFFF600  }
0x33f: {  	_ =	swait.ge [sflag:s10], $0xA00  }
0x340: {  	[sflag:s10] =	ssyncset.done $0x0  }
0x341: {  	s18 =	simm.s32 $0x18720;
	[sflag:s10] =	ssyncadd.s32 $0xFFFFF600  }
0x342: {  	s14 =	simm.s32 $0x19120;
	v0 =	vld [tilespmem:s18+$0x20]  }
0x343: {  	s15 =	simm.s32 $0x19B20;
	v1 =	vld [tilespmem:s14+$0x20]  }
0x344: {  	v2 =	vld [tilespmem:s15+$0x20]  }
0x345: {  	v3 =	vld [tilespmem:s15+$0xFFFFFFE0]  }
0x346: {  	v4 =	vld [tilespmem:s15+$0xFFFFFFF0]  }
0x347: {  	v5 =	vld [tilespmem:s15+$0x0]  }
0x348: {  	v6 =	vld [tilespmem:s15+$0x10]  }
0x349: {  	v7 =	vld [tilespmem:s14+$0xFFFFFFE0]  }
0x34a: {  	v8 =	vld [tilespmem:s18+$0xFFFFFFF0]  }
0x34b: {  	(erf) = vrcp.f32 v2;
	v2 =	vld [tilespmem:s14+$0xFFFFFFF0]  }
0x34c: {  	(erf) = vrcp.f32 v3;
	v3 =	vld [tilespmem:s18+$0x0]  }
0x34d: {  	(erf) = vrcp.f32 v4;
	v4 =	vld [tilespmem:s14+$0x0]  }
0x34e: {  	v0 =	vld.idx.msk [tilespmem:v0+s1+$0x0], $0xffff  }
0x34f: {  	v9 =	vld.idx.msk [tilespmem:v1+s1+$0x0], $0xffff  }
0x350: {  	v10 =	vld [tilespmem:s18+$0x10];
	(erf) = vrcp.f32 v5  }
0x351: {  	v11 =	vld [tilespmem:s14+$0x10];
	(erf) = vrcp.f32 v6  }
0x352: {  	v12 =	vld [tilespmem:s18+$0xFFFFFFE0]  }
0x353: {  	v5 =	vld.idx.msk [tilespmem:v8+s1+$0x0], $0xffff  }
0x354: {  	v8 =	vld.idx.msk [tilespmem:v2+s1+$0x0], $0xffff;
	v2 =	vsub.f32 v9, v0  }
0x355: {  	v1 =	vld.idx.msk [tilespmem:v7+s1+$0x0], $0xffff;
	v7 =	vpop (erf)  }
0x356: {  	v6 =	vld.idx.msk [tilespmem:v3+s1+$0x0], $0xffff;
	v2 =	vmul.f32 v7, v2  }
0x357: {  	v0 =	vpop (erf);
	v9 =	vld.idx.msk [tilespmem:v4+s1+$0x0], $0xffff  }
0x358: {  	v7 =	vld.idx.msk [tilespmem:v10+s1+$0x0], $0xffff;
	v4 =	vpop (erf)  }
0x359: {  	s16 =	simm.s32 $0x1A520;
	v10 =	vld.idx.msk [tilespmem:v11+s1+$0x0], $0xffff;
	v3 =	vpop (erf)  }
0x35a: {  	s17 =	simm.s32 $0x0;
	s18 =	simm.s32 $0x18770;
	v11 =	vld.idx.msk [tilespmem:v12+s1+$0x0], $0xffff;
	[tilespmem:s16+$0x20] =	vst v2;
	v2 =	vpop (erf)  }
.LBB2_20:
0x35b: {  	v12 =	vld [tilespmem:s18+$0x20];
	v5 =	vsub.f32 v8, v5;
	s14 =	sadd.s32 $0x50, s14  }
0x35c: {  	s17 =	sadd.s32 $0x50, s17;
	s15 =	sadd.s32 $0x50, s15;
	v8 =	vld [tilespmem:s14+$0x20]  }
0x35d: {  	p0 =	slt.u32 s17, $0x9B0;
	v13 =	vld [tilespmem:s15+$0x20];
	v4 =	vmul.f32 v4, v5;
	v5 =	vsub.f32 v9, v6  }
0x35e: {  	v6 =	vld [tilespmem:s15+$0xFFFFFFE0]  }
0x35f: {  	v9 =	vld [tilespmem:s15+$0xFFFFFFF0];
	[tilespmem:s16+$0xFFFFFFF0] =	vst v4;
	v3 =	vmul.f32 v3, v5;
	v4 =	vsub.f32 v10, v7  }
0x360: {  	v1 =	vsub.f32 v1, v11;
	v5 =	vld [tilespmem:s15+$0x0]  }
0x361: {  	v7 =	vld [tilespmem:s15+$0x10];
	[tilespmem:s16+$0x0] =	vst v3;
	v2 =	vmul.f32 v2, v4  }
0x362: {  	v0 =	vmul.f32 v0, v1;
	v3 =	vld [tilespmem:s14+$0xFFFFFFE0];
	(erf) = vrcp.f32 v13  }
0x363: {  	v1 =	vld.idx.msk [tilespmem:v12+s1+$0x0], $0xffff;
	(erf) = vrcp.f32 v6;
	[tilespmem:s16+$0x10] =	vst v2  }
0x364: {  	v2 =	vld.idx.msk [tilespmem:v8+s1+$0x0], $0xffff;
	(erf) = vrcp.f32 v9;
	[tilespmem:s16+$0xFFFFFFE0] =	vst v0  }
0x365: {  	v4 =	vld [tilespmem:s18+$0xFFFFFFF0];
	(erf) = vrcp.f32 v5  }
0x366: {  	v6 =	vld [tilespmem:s14+$0xFFFFFFF0];
	(erf) = vrcp.f32 v7  }
0x367: {  	v7 =	vld [tilespmem:s18+$0x0]  }
0x368: {  	v9 =	vld [tilespmem:s14+$0x0]  }
0x369: {  	v10 =	vld [tilespmem:s18+$0x10]  }
0x36a: {  	v5 =	vsub.f32 v2, v1;
	v11 =	vld [tilespmem:s14+$0x10]  }
0x36b: {  	v12 =	vld [tilespmem:s18+$0xFFFFFFE0];
	v2 =	vpop (erf)  }
0x36c: {  	v1 =	vld.idx.msk [tilespmem:v3+s1+$0x0], $0xffff;
	v13 =	vmul.f32 v2, v5;
	v0 =	vpop (erf)  }
0x36d: {  	s16 =	sadd.s32 $0x50, s16;
	v5 =	vld.idx.msk [tilespmem:v4+s1+$0x0], $0xffff;
	v4 =	vpop (erf)  }
0x36e: {  	v8 =	vld.idx.msk [tilespmem:v6+s1+$0x0], $0xffff;
	[tilespmem:s16+$0x20] =	vst v13;
	v3 =	vpop (erf)  }
.Ltmp9:
0x36f: {  	v6 =	vld.idx.msk [tilespmem:v7+s1+$0x0], $0xffff;
	v2 =	vpop (erf);
	(pc) =	sbr.rel @p0 .LBB2_20-.Ltmp9, $4  }
0x370: {  	v9 =	vld.idx.msk [tilespmem:v9+s1+$0x0], $0xffff  }
0x371: {  	v7 =	vld.idx.msk [tilespmem:v10+s1+$0x0], $0xffff  }
0x372: {  	v10 =	vld.idx.msk [tilespmem:v11+s1+$0x0], $0xffff  }
0x373: {  	s18 =	sadd.s32 $0x50, s18;
	v11 =	vld.idx.msk [tilespmem:v12+s1+$0x0], $0xffff  }
0x374: {  	_ = 	snop  }
0x375: {  	v5 =	vsub.f32 v8, v5  }
0x376: {  	v6 =	vsub.f32 v9, v6  }
0x377: {  	v4 =	vmul.f32 v4, v5;
	v5 =	vsub.f32 v10, v7  }
0x378: {  	v3 =	vmul.f32 v3, v6;
	v1 =	vsub.f32 v1, v11  }
0x379: {  	[tilespmem:s16+$0xFFFFFFF0] =	vst v4;
	v2 =	vmul.f32 v2, v5  }
0x37a: {  	[tilespmem:s16+$0x0] =	vst v3;
	v0 =	vmul.f32 v0, v1  }
0x37b: {  	[tilespmem:s16+$0x10] =	vst v2  }
0x37c: {  	[tilespmem:s16+$0xFFFFFFE0] =	vst v0  }
0x37d: {  	s14 =	sld [smem:$0x7D4];
	_ =	sdelay $0x1  }
0x37e: {  	s15 =	sld [smem:$0x7DD]  }
0x37f: {  	[hbm4b:s14+s1] =	stream.linear.scatter [tilespmem:s5], [sflag:$0x2], $0xA00, $0x38;
	[tilespmem:$0x1FF00] =	vst v63  }
0x380: {  	s16 =	sld [smem:$0x7DE]  }
0x381: {  	[tilespmem:s24], [sflag:$0x1] =	stream.linear.gather [hbm4b:s15+s1], $0xA00, $0x38;
	[tilespmem:$0x1FF00] =	vst v63  }
0x382: {  	s17 =	sld [smem:$0x7DF]  }
0x383: {  	[tilespmem:s25], [sflag:$0x1] =	stream.linear.gather [hbm4b:s16+s1], $0xA00, $0x38;
	[tilespmem:$0x1FF00] =	vst v63  }
0x384: {  	_ = 	snop  }
0x385: {  	[tilespmem:s26], [sflag:$0x1] =	stream.linear.gather [hbm4b:s17+s1], $0xA00, $0x38;
	[tilespmem:$0x1FF00] =	vst v63  }
0x386: {  	_ =	swait.ge [sflag:s6], $0xA00  }
0x387: {  	[sflag:s6] =	ssyncset.done $0x0  }
0x388: {  	[sflag:s6] =	ssyncadd.s32 $0xFFFFF600  }
0x389: {  	_ =	swait.ge [sflag:s6], $0xA00  }
0x38a: {  	[sflag:s6] =	ssyncset.done $0x0  }
0x38b: {  	[sflag:s6] =	ssyncadd.s32 $0xFFFFF600  }
0x38c: {  	_ =	swait.ge [sflag:s6], $0xA00  }
0x38d: {  	[sflag:s6] =	ssyncset.done $0x0  }
0x38e: {  	[sflag:s6] =	ssyncadd.s32 $0xFFFFF600  }
0x38f: {  	_ =	swait.ge [sflag:s11], $0xA00  }
0x390: {  	[sflag:s11] =	ssyncset.done $0x0  }
0x391: {  	s18 =	simm.s32 $0x1AF20;
	[sflag:s11] =	ssyncadd.s32 $0xFFFFF600  }
0x392: {  	s14 =	simm.s32 $0x1B920;
	v0 =	vld [tilespmem:s18+$0x20]  }
0x393: {  	s15 =	simm.s32 $0x1C320;
	v1 =	vld [tilespmem:s14+$0x20]  }
0x394: {  	v2 =	vld [tilespmem:s15+$0x20]  }
0x395: {  	v3 =	vld [tilespmem:s15+$0xFFFFFFE0]  }
0x396: {  	v4 =	vld [tilespmem:s15+$0xFFFFFFF0]  }
0x397: {  	v5 =	vld [tilespmem:s15+$0x0]  }
0x398: {  	v6 =	vld [tilespmem:s15+$0x10]  }
0x399: {  	v7 =	vld [tilespmem:s14+$0xFFFFFFE0]  }
0x39a: {  	v8 =	vld [tilespmem:s18+$0xFFFFFFF0]  }
0x39b: {  	(erf) = vrcp.f32 v2;
	v2 =	vld [tilespmem:s14+$0xFFFFFFF0]  }
0x39c: {  	(erf) = vrcp.f32 v3;
	v3 =	vld [tilespmem:s18+$0x0]  }
0x39d: {  	(erf) = vrcp.f32 v4;
	v4 =	vld [tilespmem:s14+$0x0]  }
0x39e: {  	v0 =	vld.idx.msk [tilespmem:v0+s1+$0x0], $0xffff  }
0x39f: {  	v9 =	vld.idx.msk [tilespmem:v1+s1+$0x0], $0xffff  }
0x3a0: {  	v10 =	vld [tilespmem:s18+$0x10];
	(erf) = vrcp.f32 v5  }
0x3a1: {  	v11 =	vld [tilespmem:s14+$0x10];
	(erf) = vrcp.f32 v6  }
0x3a2: {  	v12 =	vld [tilespmem:s18+$0xFFFFFFE0]  }
0x3a3: {  	v5 =	vld.idx.msk [tilespmem:v8+s1+$0x0], $0xffff  }
0x3a4: {  	v8 =	vld.idx.msk [tilespmem:v2+s1+$0x0], $0xffff;
	v2 =	vsub.f32 v9, v0  }
0x3a5: {  	v1 =	vld.idx.msk [tilespmem:v7+s1+$0x0], $0xffff;
	v7 =	vpop (erf)  }
0x3a6: {  	v6 =	vld.idx.msk [tilespmem:v3+s1+$0x0], $0xffff;
	v2 =	vmul.f32 v7, v2  }
0x3a7: {  	v0 =	vpop (erf);
	v9 =	vld.idx.msk [tilespmem:v4+s1+$0x0], $0xffff  }
0x3a8: {  	v7 =	vld.idx.msk [tilespmem:v10+s1+$0x0], $0xffff;
	v4 =	vpop (erf)  }
0x3a9: {  	s16 =	simm.s32 $0x1CD20;
	v10 =	vld.idx.msk [tilespmem:v11+s1+$0x0], $0xffff;
	v3 =	vpop (erf)  }
0x3aa: {  	s17 =	simm.s32 $0x0;
	s18 =	simm.s32 $0x1AF70;
	v11 =	vld.idx.msk [tilespmem:v12+s1+$0x0], $0xffff;
	[tilespmem:s16+$0x20] =	vst v2;
	v2 =	vpop (erf)  }
.LBB2_22:
0x3ab: {  	v12 =	vld [tilespmem:s18+$0x20];
	v5 =	vsub.f32 v8, v5;
	s14 =	sadd.s32 $0x50, s14  }
0x3ac: {  	s17 =	sadd.s32 $0x50, s17;
	s15 =	sadd.s32 $0x50, s15;
	v8 =	vld [tilespmem:s14+$0x20]  }
0x3ad: {  	p0 =	slt.u32 s17, $0x9B0;
	v13 =	vld [tilespmem:s15+$0x20];
	v4 =	vmul.f32 v4, v5;
	v5 =	vsub.f32 v9, v6  }
0x3ae: {  	v6 =	vld [tilespmem:s15+$0xFFFFFFE0]  }
0x3af: {  	v9 =	vld [tilespmem:s15+$0xFFFFFFF0];
	[tilespmem:s16+$0xFFFFFFF0] =	vst v4;
	v3 =	vmul.f32 v3, v5;
	v4 =	vsub.f32 v10, v7  }
0x3b0: {  	v1 =	vsub.f32 v1, v11;
	v5 =	vld [tilespmem:s15+$0x0]  }
0x3b1: {  	v7 =	vld [tilespmem:s15+$0x10];
	[tilespmem:s16+$0x0] =	vst v3;
	v2 =	vmul.f32 v2, v4  }
0x3b2: {  	v0 =	vmul.f32 v0, v1;
	v3 =	vld [tilespmem:s14+$0xFFFFFFE0];
	(erf) = vrcp.f32 v13  }
0x3b3: {  	v1 =	vld.idx.msk [tilespmem:v12+s1+$0x0], $0xffff;
	(erf) = vrcp.f32 v6;
	[tilespmem:s16+$0x10] =	vst v2  }
0x3b4: {  	v2 =	vld.idx.msk [tilespmem:v8+s1+$0x0], $0xffff;
	(erf) = vrcp.f32 v9;
	[tilespmem:s16+$0xFFFFFFE0] =	vst v0  }
0x3b5: {  	v4 =	vld [tilespmem:s18+$0xFFFFFFF0];
	(erf) = vrcp.f32 v5  }
0x3b6: {  	v6 =	vld [tilespmem:s14+$0xFFFFFFF0];
	(erf) = vrcp.f32 v7  }
0x3b7: {  	v7 =	vld [tilespmem:s18+$0x0]  }
0x3b8: {  	v9 =	vld [tilespmem:s14+$0x0]  }
0x3b9: {  	v10 =	vld [tilespmem:s18+$0x10]  }
0x3ba: {  	v5 =	vsub.f32 v2, v1;
	v11 =	vld [tilespmem:s14+$0x10]  }
0x3bb: {  	v12 =	vld [tilespmem:s18+$0xFFFFFFE0];
	v2 =	vpop (erf)  }
0x3bc: {  	v1 =	vld.idx.msk [tilespmem:v3+s1+$0x0], $0xffff;
	v13 =	vmul.f32 v2, v5;
	v0 =	vpop (erf)  }
0x3bd: {  	s16 =	sadd.s32 $0x50, s16;
	v5 =	vld.idx.msk [tilespmem:v4+s1+$0x0], $0xffff;
	v4 =	vpop (erf)  }
0x3be: {  	v8 =	vld.idx.msk [tilespmem:v6+s1+$0x0], $0xffff;
	[tilespmem:s16+$0x20] =	vst v13;
	v3 =	vpop (erf)  }
.Ltmp10:
0x3bf: {  	v6 =	vld.idx.msk [tilespmem:v7+s1+$0x0], $0xffff;
	v2 =	vpop (erf);
	(pc) =	sbr.rel @p0 .LBB2_22-.Ltmp10, $4  }
0x3c0: {  	v9 =	vld.idx.msk [tilespmem:v9+s1+$0x0], $0xffff  }
0x3c1: {  	v7 =	vld.idx.msk [tilespmem:v10+s1+$0x0], $0xffff  }
0x3c2: {  	v10 =	vld.idx.msk [tilespmem:v11+s1+$0x0], $0xffff  }
0x3c3: {  	s18 =	sadd.s32 $0x50, s18;
	v11 =	vld.idx.msk [tilespmem:v12+s1+$0x0], $0xffff  }
0x3c4: {  	_ = 	snop  }
0x3c5: {  	v5 =	vsub.f32 v8, v5  }
0x3c6: {  	v6 =	vsub.f32 v9, v6  }
0x3c7: {  	v4 =	vmul.f32 v4, v5;
	v5 =	vsub.f32 v10, v7  }
0x3c8: {  	v3 =	vmul.f32 v3, v6;
	v1 =	vsub.f32 v1, v11  }
0x3c9: {  	[tilespmem:s16+$0xFFFFFFF0] =	vst v4;
	v2 =	vmul.f32 v2, v5  }
0x3ca: {  	[tilespmem:s16+$0x0] =	vst v3;
	v0 =	vmul.f32 v0, v1  }
0x3cb: {  	[tilespmem:s16+$0x10] =	vst v2  }
0x3cc: {  	[tilespmem:s16+$0xFFFFFFE0] =	vst v0  }
0x3cd: {  	s14 =	sld [smem:$0x7D8];
	_ =	sdelay $0x1  }
0x3ce: {  	s15 =	sld [smem:$0x7E1]  }
0x3cf: {  	[hbm4b:s14+s1] =	stream.linear.scatter [tilespmem:s7], [sflag:$0x4], $0xA00, $0x38;
	[tilespmem:$0x1FF00] =	vst v63  }
0x3d0: {  	s16 =	sld [smem:$0x7E2]  }
0x3d1: {  	[tilespmem:s28], [sflag:$0x3] =	stream.linear.gather [hbm4b:s15+s1], $0xA00, $0x38;
	[tilespmem:$0x1FF00] =	vst v63  }
0x3d2: {  	s17 =	sld [smem:$0x7E3]  }
0x3d3: {  	[tilespmem:s29], [sflag:$0x3] =	stream.linear.gather [hbm4b:s16+s1], $0xA00, $0x38;
	[tilespmem:$0x1FF00] =	vst v63  }
0x3d4: {  	_ = 	snop  }
0x3d5: {  	[tilespmem:s30], [sflag:$0x3] =	stream.linear.gather [hbm4b:s17+s1], $0xA00, $0x38;
	[tilespmem:$0x1FF00] =	vst v63  }
0x3d6: {  	_ =	swait.ge [sflag:s8], $0xA00  }
0x3d7: {  	[sflag:s8] =	ssyncset.done $0x0  }
0x3d8: {  	[sflag:s8] =	ssyncadd.s32 $0xFFFFF600  }
0x3d9: {  	_ =	swait.ge [sflag:s8], $0xA00  }
0x3da: {  	[sflag:s8] =	ssyncset.done $0x0  }
0x3db: {  	[sflag:s8] =	ssyncadd.s32 $0xFFFFF600  }
0x3dc: {  	_ =	swait.ge [sflag:s8], $0xA00  }
0x3dd: {  	[sflag:s8] =	ssyncset.done $0x0  }
0x3de: {  	[sflag:s8] =	ssyncadd.s32 $0xFFFFF600  }
0x3df: {  	_ =	swait.ge [sflag:s12], $0xA00  }
0x3e0: {  	[sflag:s12] =	ssyncset.done $0x0  }
0x3e1: {  	s18 =	simm.s32 $0x1D720;
	[sflag:s12] =	ssyncadd.s32 $0xFFFFF600  }
0x3e2: {  	s14 =	simm.s32 $0x1E120;
	v0 =	vld [tilespmem:s18+$0x20]  }
0x3e3: {  	s15 =	simm.s32 $0x1EB20;
	v1 =	vld [tilespmem:s14+$0x20]  }
0x3e4: {  	v2 =	vld [tilespmem:s15+$0x20]  }
0x3e5: {  	v3 =	vld [tilespmem:s15+$0xFFFFFFE0]  }
0x3e6: {  	v4 =	vld [tilespmem:s15+$0xFFFFFFF0]  }
0x3e7: {  	v5 =	vld [tilespmem:s15+$0x0]  }
0x3e8: {  	v6 =	vld [tilespmem:s15+$0x10]  }
0x3e9: {  	v7 =	vld [tilespmem:s14+$0xFFFFFFE0]  }
0x3ea: {  	v8 =	vld [tilespmem:s18+$0xFFFFFFF0]  }
0x3eb: {  	(erf) = vrcp.f32 v2;
	v2 =	vld [tilespmem:s14+$0xFFFFFFF0]  }
0x3ec: {  	(erf) = vrcp.f32 v3;
	v3 =	vld [tilespmem:s18+$0x0]  }
0x3ed: {  	(erf) = vrcp.f32 v4;
	v4 =	vld [tilespmem:s14+$0x0]  }
0x3ee: {  	v0 =	vld.idx.msk [tilespmem:v0+s1+$0x0], $0xffff  }
0x3ef: {  	v9 =	vld.idx.msk [tilespmem:v1+s1+$0x0], $0xffff  }
0x3f0: {  	v10 =	vld [tilespmem:s18+$0x10];
	(erf) = vrcp.f32 v5  }
0x3f1: {  	v11 =	vld [tilespmem:s14+$0x10];
	(erf) = vrcp.f32 v6  }
0x3f2: {  	v12 =	vld [tilespmem:s18+$0xFFFFFFE0]  }
0x3f3: {  	v5 =	vld.idx.msk [tilespmem:v8+s1+$0x0], $0xffff  }
0x3f4: {  	v8 =	vld.idx.msk [tilespmem:v2+s1+$0x0], $0xffff;
	v2 =	vsub.f32 v9, v0  }
0x3f5: {  	v1 =	vld.idx.msk [tilespmem:v7+s1+$0x0], $0xffff;
	v7 =	vpop (erf)  }
0x3f6: {  	v6 =	vld.idx.msk [tilespmem:v3+s1+$0x0], $0xffff;
	v2 =	vmul.f32 v7, v2  }
0x3f7: {  	v0 =	vpop (erf);
	v9 =	vld.idx.msk [tilespmem:v4+s1+$0x0], $0xffff  }
0x3f8: {  	v7 =	vld.idx.msk [tilespmem:v10+s1+$0x0], $0xffff;
	v4 =	vpop (erf)  }
0x3f9: {  	s16 =	simm.s32 $0x1F520;
	v10 =	vld.idx.msk [tilespmem:v11+s1+$0x0], $0xffff;
	v3 =	vpop (erf)  }
0x3fa: {  	s17 =	simm.s32 $0x0;
	s18 =	simm.s32 $0x1D770;
	v11 =	vld.idx.msk [tilespmem:v12+s1+$0x0], $0xffff;
	[tilespmem:s16+$0x20] =	vst v2;
	v2 =	vpop (erf)  }
.LBB2_24:
0x3fb: {  	v12 =	vld [tilespmem:s18+$0x20];
	v5 =	vsub.f32 v8, v5;
	s14 =	sadd.s32 $0x50, s14  }
0x3fc: {  	s17 =	sadd.s32 $0x50, s17;
	s15 =	sadd.s32 $0x50, s15;
	v8 =	vld [tilespmem:s14+$0x20]  }
0x3fd: {  	p0 =	slt.u32 s17, $0x9B0;
	v13 =	vld [tilespmem:s15+$0x20];
	v4 =	vmul.f32 v4, v5;
	v5 =	vsub.f32 v9, v6  }
0x3fe: {  	v6 =	vld [tilespmem:s15+$0xFFFFFFE0]  }
0x3ff: {  	v9 =	vld [tilespmem:s15+$0xFFFFFFF0];
	[tilespmem:s16+$0xFFFFFFF0] =	vst v4;
	v3 =	vmul.f32 v3, v5;
	v4 =	vsub.f32 v10, v7  }
0x400: {  	v1 =	vsub.f32 v1, v11;
	v5 =	vld [tilespmem:s15+$0x0]  }
0x401: {  	v7 =	vld [tilespmem:s15+$0x10];
	[tilespmem:s16+$0x0] =	vst v3;
	v2 =	vmul.f32 v2, v4  }
0x402: {  	v0 =	vmul.f32 v0, v1;
	v3 =	vld [tilespmem:s14+$0xFFFFFFE0];
	(erf) = vrcp.f32 v13  }
0x403: {  	v1 =	vld.idx.msk [tilespmem:v12+s1+$0x0], $0xffff;
	(erf) = vrcp.f32 v6;
	[tilespmem:s16+$0x10] =	vst v2  }
0x404: {  	v2 =	vld.idx.msk [tilespmem:v8+s1+$0x0], $0xffff;
	(erf) = vrcp.f32 v9;
	[tilespmem:s16+$0xFFFFFFE0] =	vst v0  }
0x405: {  	v4 =	vld [tilespmem:s18+$0xFFFFFFF0];
	(erf) = vrcp.f32 v5  }
0x406: {  	v6 =	vld [tilespmem:s14+$0xFFFFFFF0];
	(erf) = vrcp.f32 v7  }
0x407: {  	v7 =	vld [tilespmem:s18+$0x0]  }
0x408: {  	v9 =	vld [tilespmem:s14+$0x0]  }
0x409: {  	v10 =	vld [tilespmem:s18+$0x10]  }
0x40a: {  	v5 =	vsub.f32 v2, v1;
	v11 =	vld [tilespmem:s14+$0x10]  }
0x40b: {  	v12 =	vld [tilespmem:s18+$0xFFFFFFE0];
	v2 =	vpop (erf)  }
0x40c: {  	v1 =	vld.idx.msk [tilespmem:v3+s1+$0x0], $0xffff;
	v13 =	vmul.f32 v2, v5;
	v0 =	vpop (erf)  }
0x40d: {  	s16 =	sadd.s32 $0x50, s16;
	v5 =	vld.idx.msk [tilespmem:v4+s1+$0x0], $0xffff;
	v4 =	vpop (erf)  }
0x40e: {  	v8 =	vld.idx.msk [tilespmem:v6+s1+$0x0], $0xffff;
	[tilespmem:s16+$0x20] =	vst v13;
	v3 =	vpop (erf)  }
.Ltmp11:
0x40f: {  	v6 =	vld.idx.msk [tilespmem:v7+s1+$0x0], $0xffff;
	v2 =	vpop (erf);
	(pc) =	sbr.rel @p0 .LBB2_24-.Ltmp11, $4  }
0x410: {  	v9 =	vld.idx.msk [tilespmem:v9+s1+$0x0], $0xffff  }
0x411: {  	v7 =	vld.idx.msk [tilespmem:v10+s1+$0x0], $0xffff  }
0x412: {  	v10 =	vld.idx.msk [tilespmem:v11+s1+$0x0], $0xffff  }
0x413: {  	s18 =	sadd.s32 $0x50, s18;
	v11 =	vld.idx.msk [tilespmem:v12+s1+$0x0], $0xffff  }
0x414: {  	_ = 	snop  }
0x415: {  	v5 =	vsub.f32 v8, v5  }
0x416: {  	v6 =	vsub.f32 v9, v6  }
0x417: {  	v4 =	vmul.f32 v4, v5;
	v5 =	vsub.f32 v10, v7  }
0x418: {  	v3 =	vmul.f32 v3, v6;
	v1 =	vsub.f32 v1, v11  }
0x419: {  	[tilespmem:s16+$0xFFFFFFF0] =	vst v4;
	v2 =	vmul.f32 v2, v5  }
0x41a: {  	[tilespmem:s16+$0x0] =	vst v3;
	v0 =	vmul.f32 v0, v1  }
0x41b: {  	[tilespmem:s16+$0x10] =	vst v2  }
0x41c: {  	[tilespmem:s16+$0xFFFFFFE0] =	vst v0  }
0x41d: {  	s14 =	sld [smem:$0x7DC];
	_ =	sdelay $0x1  }
0x41e: {  	s15 =	sld [smem:$0x7E5]  }
0x41f: {  	[hbm4b:s14+s1] =	stream.linear.scatter [tilespmem:s9], [sflag:$0x6], $0xA00, $0x38;
	[tilespmem:$0x1FF00] =	vst v63  }
0x420: {  	s16 =	sld [smem:$0x7E6]  }
0x421: {  	[tilespmem:s31], [sflag:$0x5] =	stream.linear.gather [hbm4b:s15+s1], $0xA00, $0x38;
	[tilespmem:$0x1FF00] =	vst v63  }
0x422: {  	s17 =	sld [smem:$0x7E7]  }
0x423: {  	[tilespmem:s0], [sflag:$0x5] =	stream.linear.gather [hbm4b:s16+s1], $0xA00, $0x38;
	[tilespmem:$0x1FF00] =	vst v63  }
0x424: {  	_ = 	snop  }
0x425: {  	[tilespmem:s2], [sflag:$0x5] =	stream.linear.gather [hbm4b:s17+s1], $0xA00, $0x38;
	[tilespmem:$0x1FF00] =	vst v63  }
0x426: {  	_ =	swait.ge [sflag:s4], $0xA00  }
0x427: {  	[sflag:s4] =	ssyncset.done $0x0  }
0x428: {  	[sflag:s4] =	ssyncadd.s32 $0xFFFFF600  }
0x429: {  	_ =	swait.ge [sflag:s4], $0xA00  }
0x42a: {  	[sflag:s4] =	ssyncset.done $0x0  }
0x42b: {  	[sflag:s4] =	ssyncadd.s32 $0xFFFFF600  }
0x42c: {  	_ =	swait.ge [sflag:s4], $0xA00  }
0x42d: {  	[sflag:s4] =	ssyncset.done $0x0  }
0x42e: {  	[sflag:s4] =	ssyncadd.s32 $0xFFFFF600  }
0x42f: {  	_ =	swait.ge [sflag:s10], $0xA00  }
0x430: {  	[sflag:s10] =	ssyncset.done $0x0  }
0x431: {  	s18 =	simm.s32 $0x18720;
	[sflag:s10] =	ssyncadd.s32 $0xFFFFF600  }
0x432: {  	s14 =	simm.s32 $0x19120;
	v0 =	vld [tilespmem:s18+$0x20]  }
0x433: {  	s15 =	simm.s32 $0x19B20;
	v1 =	vld [tilespmem:s14+$0x20]  }
0x434: {  	v2 =	vld [tilespmem:s15+$0x20]  }
0x435: {  	v3 =	vld [tilespmem:s15+$0xFFFFFFE0]  }
0x436: {  	v4 =	vld [tilespmem:s15+$0xFFFFFFF0]  }
0x437: {  	v5 =	vld [tilespmem:s15+$0x0]  }
0x438: {  	v6 =	vld [tilespmem:s15+$0x10]  }
0x439: {  	v7 =	vld [tilespmem:s14+$0xFFFFFFE0]  }
0x43a: {  	v8 =	vld [tilespmem:s18+$0xFFFFFFF0]  }
0x43b: {  	(erf) = vrcp.f32 v2;
	v2 =	vld [tilespmem:s14+$0xFFFFFFF0]  }
0x43c: {  	(erf) = vrcp.f32 v3;
	v3 =	vld [tilespmem:s18+$0x0]  }
0x43d: {  	(erf) = vrcp.f32 v4;
	v4 =	vld [tilespmem:s14+$0x0]  }
0x43e: {  	v0 =	vld.idx.msk [tilespmem:v0+s1+$0x0], $0xffff  }
0x43f: {  	v9 =	vld.idx.msk [tilespmem:v1+s1+$0x0], $0xffff  }
0x440: {  	v10 =	vld [tilespmem:s18+$0x10];
	(erf) = vrcp.f32 v5  }
0x441: {  	v11 =	vld [tilespmem:s14+$0x10];
	(erf) = vrcp.f32 v6  }
0x442: {  	v12 =	vld [tilespmem:s18+$0xFFFFFFE0]  }
0x443: {  	v5 =	vld.idx.msk [tilespmem:v8+s1+$0x0], $0xffff  }
0x444: {  	v8 =	vld.idx.msk [tilespmem:v2+s1+$0x0], $0xffff;
	v2 =	vsub.f32 v9, v0  }
0x445: {  	v1 =	vld.idx.msk [tilespmem:v7+s1+$0x0], $0xffff;
	v7 =	vpop (erf)  }
0x446: {  	v6 =	vld.idx.msk [tilespmem:v3+s1+$0x0], $0xffff;
	v2 =	vmul.f32 v7, v2  }
0x447: {  	v0 =	vpop (erf);
	v9 =	vld.idx.msk [tilespmem:v4+s1+$0x0], $0xffff  }
0x448: {  	v7 =	vld.idx.msk [tilespmem:v10+s1+$0x0], $0xffff;
	v4 =	vpop (erf)  }
0x449: {  	s16 =	simm.s32 $0x1A520;
	v10 =	vld.idx.msk [tilespmem:v11+s1+$0x0], $0xffff;
	v3 =	vpop (erf)  }
0x44a: {  	s17 =	simm.s32 $0x0;
	s18 =	simm.s32 $0x18770;
	v11 =	vld.idx.msk [tilespmem:v12+s1+$0x0], $0xffff;
	[tilespmem:s16+$0x20] =	vst v2;
	v2 =	vpop (erf)  }
.LBB2_26:
0x44b: {  	v12 =	vld [tilespmem:s18+$0x20];
	v5 =	vsub.f32 v8, v5;
	s14 =	sadd.s32 $0x50, s14  }
0x44c: {  	s17 =	sadd.s32 $0x50, s17;
	s15 =	sadd.s32 $0x50, s15;
	v8 =	vld [tilespmem:s14+$0x20]  }
0x44d: {  	p0 =	slt.u32 s17, $0x9B0;
	v13 =	vld [tilespmem:s15+$0x20];
	v4 =	vmul.f32 v4, v5;
	v5 =	vsub.f32 v9, v6  }
0x44e: {  	v6 =	vld [tilespmem:s15+$0xFFFFFFE0]  }
0x44f: {  	v9 =	vld [tilespmem:s15+$0xFFFFFFF0];
	[tilespmem:s16+$0xFFFFFFF0] =	vst v4;
	v3 =	vmul.f32 v3, v5;
	v4 =	vsub.f32 v10, v7  }
0x450: {  	v1 =	vsub.f32 v1, v11;
	v5 =	vld [tilespmem:s15+$0x0]  }
0x451: {  	v7 =	vld [tilespmem:s15+$0x10];
	[tilespmem:s16+$0x0] =	vst v3;
	v2 =	vmul.f32 v2, v4  }
0x452: {  	v0 =	vmul.f32 v0, v1;
	v3 =	vld [tilespmem:s14+$0xFFFFFFE0];
	(erf) = vrcp.f32 v13  }
0x453: {  	v1 =	vld.idx.msk [tilespmem:v12+s1+$0x0], $0xffff;
	(erf) = vrcp.f32 v6;
	[tilespmem:s16+$0x10] =	vst v2  }
0x454: {  	v2 =	vld.idx.msk [tilespmem:v8+s1+$0x0], $0xffff;
	(erf) = vrcp.f32 v9;
	[tilespmem:s16+$0xFFFFFFE0] =	vst v0  }
0x455: {  	v4 =	vld [tilespmem:s18+$0xFFFFFFF0];
	(erf) = vrcp.f32 v5  }
0x456: {  	v6 =	vld [tilespmem:s14+$0xFFFFFFF0];
	(erf) = vrcp.f32 v7  }
0x457: {  	v7 =	vld [tilespmem:s18+$0x0]  }
0x458: {  	v9 =	vld [tilespmem:s14+$0x0]  }
0x459: {  	v10 =	vld [tilespmem:s18+$0x10]  }
0x45a: {  	v5 =	vsub.f32 v2, v1;
	v11 =	vld [tilespmem:s14+$0x10]  }
0x45b: {  	v12 =	vld [tilespmem:s18+$0xFFFFFFE0];
	v2 =	vpop (erf)  }
0x45c: {  	v1 =	vld.idx.msk [tilespmem:v3+s1+$0x0], $0xffff;
	v13 =	vmul.f32 v2, v5;
	v0 =	vpop (erf)  }
0x45d: {  	s16 =	sadd.s32 $0x50, s16;
	v5 =	vld.idx.msk [tilespmem:v4+s1+$0x0], $0xffff;
	v4 =	vpop (erf)  }
0x45e: {  	v8 =	vld.idx.msk [tilespmem:v6+s1+$0x0], $0xffff;
	[tilespmem:s16+$0x20] =	vst v13;
	v3 =	vpop (erf)  }
.Ltmp12:
0x45f: {  	v6 =	vld.idx.msk [tilespmem:v7+s1+$0x0], $0xffff;
	v2 =	vpop (erf);
	(pc) =	sbr.rel @p0 .LBB2_26-.Ltmp12, $4  }
0x460: {  	v9 =	vld.idx.msk [tilespmem:v9+s1+$0x0], $0xffff  }
0x461: {  	v7 =	vld.idx.msk [tilespmem:v10+s1+$0x0], $0xffff  }
0x462: {  	v10 =	vld.idx.msk [tilespmem:v11+s1+$0x0], $0xffff  }
0x463: {  	s18 =	sadd.s32 $0x50, s18;
	v11 =	vld.idx.msk [tilespmem:v12+s1+$0x0], $0xffff  }
0x464: {  	_ = 	snop  }
0x465: {  	v5 =	vsub.f32 v8, v5  }
0x466: {  	v6 =	vsub.f32 v9, v6  }
0x467: {  	v4 =	vmul.f32 v4, v5;
	v5 =	vsub.f32 v10, v7  }
0x468: {  	v3 =	vmul.f32 v3, v6;
	v1 =	vsub.f32 v1, v11  }
0x469: {  	[tilespmem:s16+$0xFFFFFFF0] =	vst v4;
	v2 =	vmul.f32 v2, v5  }
0x46a: {  	[tilespmem:s16+$0x0] =	vst v3;
	v0 =	vmul.f32 v0, v1  }
0x46b: {  	[tilespmem:s16+$0x10] =	vst v2  }
0x46c: {  	[tilespmem:s16+$0xFFFFFFE0] =	vst v0  }
0x46d: {  	s14 =	sld [smem:$0x7E0];
	_ =	sdelay $0x1  }
0x46e: {  	s15 =	sld [smem:$0x7E9]  }
0x46f: {  	[hbm4b:s14+s1] =	stream.linear.scatter [tilespmem:s5], [sflag:$0x2], $0xA00, $0x38;
	[tilespmem:$0x1FF00] =	vst v63  }
0x470: {  	s16 =	sld [smem:$0x7EA]  }
0x471: {  	[tilespmem:s24], [sflag:$0x1] =	stream.linear.gather [hbm4b:s15+s1], $0xA00, $0x38;
	[tilespmem:$0x1FF00] =	vst v63  }
0x472: {  	s17 =	sld [smem:$0x7EB]  }
0x473: {  	[tilespmem:s25], [sflag:$0x1] =	stream.linear.gather [hbm4b:s16+s1], $0xA00, $0x38;
	[tilespmem:$0x1FF00] =	vst v63  }
0x474: {  	_ = 	snop  }
0x475: {  	[tilespmem:s26], [sflag:$0x1] =	stream.linear.gather [hbm4b:s17+s1], $0xA00, $0x38;
	[tilespmem:$0x1FF00] =	vst v63  }
0x476: {  	_ =	swait.ge [sflag:s6], $0xA00  }
0x477: {  	[sflag:s6] =	ssyncset.done $0x0  }
0x478: {  	[sflag:s6] =	ssyncadd.s32 $0xFFFFF600  }
0x479: {  	_ =	swait.ge [sflag:s6], $0xA00  }
0x47a: {  	[sflag:s6] =	ssyncset.done $0x0  }
0x47b: {  	[sflag:s6] =	ssyncadd.s32 $0xFFFFF600  }
0x47c: {  	_ =	swait.ge [sflag:s6], $0xA00  }
0x47d: {  	[sflag:s6] =	ssyncset.done $0x0  }
0x47e: {  	[sflag:s6] =	ssyncadd.s32 $0xFFFFF600  }
0x47f: {  	_ =	swait.ge [sflag:s11], $0xA00  }
0x480: {  	[sflag:s11] =	ssyncset.done $0x0  }
0x481: {  	s18 =	simm.s32 $0x1AF20;
	[sflag:s11] =	ssyncadd.s32 $0xFFFFF600  }
0x482: {  	s14 =	simm.s32 $0x1B920;
	v0 =	vld [tilespmem:s18+$0x20]  }
0x483: {  	s15 =	simm.s32 $0x1C320;
	v1 =	vld [tilespmem:s14+$0x20]  }
0x484: {  	v2 =	vld [tilespmem:s15+$0x20]  }
0x485: {  	v3 =	vld [tilespmem:s15+$0xFFFFFFE0]  }
0x486: {  	v4 =	vld [tilespmem:s15+$0xFFFFFFF0]  }
0x487: {  	v5 =	vld [tilespmem:s15+$0x0]  }
0x488: {  	v6 =	vld [tilespmem:s15+$0x10]  }
0x489: {  	v7 =	vld [tilespmem:s14+$0xFFFFFFE0]  }
0x48a: {  	v8 =	vld [tilespmem:s18+$0xFFFFFFF0]  }
0x48b: {  	(erf) = vrcp.f32 v2;
	v2 =	vld [tilespmem:s14+$0xFFFFFFF0]  }
0x48c: {  	(erf) = vrcp.f32 v3;
	v3 =	vld [tilespmem:s18+$0x0]  }
0x48d: {  	(erf) = vrcp.f32 v4;
	v4 =	vld [tilespmem:s14+$0x0]  }
0x48e: {  	v0 =	vld.idx.msk [tilespmem:v0+s1+$0x0], $0xffff  }
0x48f: {  	v9 =	vld.idx.msk [tilespmem:v1+s1+$0x0], $0xffff  }
0x490: {  	v10 =	vld [tilespmem:s18+$0x10];
	(erf) = vrcp.f32 v5  }
0x491: {  	v11 =	vld [tilespmem:s14+$0x10];
	(erf) = vrcp.f32 v6  }
0x492: {  	v12 =	vld [tilespmem:s18+$0xFFFFFFE0]  }
0x493: {  	v5 =	vld.idx.msk [tilespmem:v8+s1+$0x0], $0xffff  }
0x494: {  	v8 =	vld.idx.msk [tilespmem:v2+s1+$0x0], $0xffff;
	v2 =	vsub.f32 v9, v0  }
0x495: {  	v1 =	vld.idx.msk [tilespmem:v7+s1+$0x0], $0xffff;
	v7 =	vpop (erf)  }
0x496: {  	v6 =	vld.idx.msk [tilespmem:v3+s1+$0x0], $0xffff;
	v2 =	vmul.f32 v7, v2  }
0x497: {  	v0 =	vpop (erf);
	v9 =	vld.idx.msk [tilespmem:v4+s1+$0x0], $0xffff  }
0x498: {  	v7 =	vld.idx.msk [tilespmem:v10+s1+$0x0], $0xffff;
	v4 =	vpop (erf)  }
0x499: {  	s16 =	simm.s32 $0x1CD20;
	v10 =	vld.idx.msk [tilespmem:v11+s1+$0x0], $0xffff;
	v3 =	vpop (erf)  }
0x49a: {  	s17 =	simm.s32 $0x0;
	s18 =	simm.s32 $0x1AF70;
	v11 =	vld.idx.msk [tilespmem:v12+s1+$0x0], $0xffff;
	[tilespmem:s16+$0x20] =	vst v2;
	v2 =	vpop (erf)  }
.LBB2_28:
0x49b: {  	v12 =	vld [tilespmem:s18+$0x20];
	v5 =	vsub.f32 v8, v5;
	s14 =	sadd.s32 $0x50, s14  }
0x49c: {  	s17 =	sadd.s32 $0x50, s17;
	s15 =	sadd.s32 $0x50, s15;
	v8 =	vld [tilespmem:s14+$0x20]  }
0x49d: {  	p0 =	slt.u32 s17, $0x9B0;
	v13 =	vld [tilespmem:s15+$0x20];
	v4 =	vmul.f32 v4, v5;
	v5 =	vsub.f32 v9, v6  }
0x49e: {  	v6 =	vld [tilespmem:s15+$0xFFFFFFE0]  }
0x49f: {  	v9 =	vld [tilespmem:s15+$0xFFFFFFF0];
	[tilespmem:s16+$0xFFFFFFF0] =	vst v4;
	v3 =	vmul.f32 v3, v5;
	v4 =	vsub.f32 v10, v7  }
0x4a0: {  	v1 =	vsub.f32 v1, v11;
	v5 =	vld [tilespmem:s15+$0x0]  }
0x4a1: {  	v7 =	vld [tilespmem:s15+$0x10];
	[tilespmem:s16+$0x0] =	vst v3;
	v2 =	vmul.f32 v2, v4  }
0x4a2: {  	v0 =	vmul.f32 v0, v1;
	v3 =	vld [tilespmem:s14+$0xFFFFFFE0];
	(erf) = vrcp.f32 v13  }
0x4a3: {  	v1 =	vld.idx.msk [tilespmem:v12+s1+$0x0], $0xffff;
	(erf) = vrcp.f32 v6;
	[tilespmem:s16+$0x10] =	vst v2  }
0x4a4: {  	v2 =	vld.idx.msk [tilespmem:v8+s1+$0x0], $0xffff;
	(erf) = vrcp.f32 v9;
	[tilespmem:s16+$0xFFFFFFE0] =	vst v0  }
0x4a5: {  	v4 =	vld [tilespmem:s18+$0xFFFFFFF0];
	(erf) = vrcp.f32 v5  }
0x4a6: {  	v6 =	vld [tilespmem:s14+$0xFFFFFFF0];
	(erf) = vrcp.f32 v7  }
0x4a7: {  	v7 =	vld [tilespmem:s18+$0x0]  }
0x4a8: {  	v9 =	vld [tilespmem:s14+$0x0]  }
0x4a9: {  	v10 =	vld [tilespmem:s18+$0x10]  }
0x4aa: {  	v5 =	vsub.f32 v2, v1;
	v11 =	vld [tilespmem:s14+$0x10]  }
0x4ab: {  	v12 =	vld [tilespmem:s18+$0xFFFFFFE0];
	v2 =	vpop (erf)  }
0x4ac: {  	v1 =	vld.idx.msk [tilespmem:v3+s1+$0x0], $0xffff;
	v13 =	vmul.f32 v2, v5;
	v0 =	vpop (erf)  }
0x4ad: {  	s16 =	sadd.s32 $0x50, s16;
	v5 =	vld.idx.msk [tilespmem:v4+s1+$0x0], $0xffff;
	v4 =	vpop (erf)  }
0x4ae: {  	v8 =	vld.idx.msk [tilespmem:v6+s1+$0x0], $0xffff;
	[tilespmem:s16+$0x20] =	vst v13;
	v3 =	vpop (erf)  }
.Ltmp13:
0x4af: {  	v6 =	vld.idx.msk [tilespmem:v7+s1+$0x0], $0xffff;
	v2 =	vpop (erf);
	(pc) =	sbr.rel @p0 .LBB2_28-.Ltmp13, $4  }
0x4b0: {  	v9 =	vld.idx.msk [tilespmem:v9+s1+$0x0], $0xffff  }
0x4b1: {  	v7 =	vld.idx.msk [tilespmem:v10+s1+$0x0], $0xffff  }
0x4b2: {  	v10 =	vld.idx.msk [tilespmem:v11+s1+$0x0], $0xffff  }
0x4b3: {  	s18 =	sadd.s32 $0x50, s18;
	v11 =	vld.idx.msk [tilespmem:v12+s1+$0x0], $0xffff  }
0x4b4: {  	_ = 	snop  }
0x4b5: {  	v5 =	vsub.f32 v8, v5  }
0x4b6: {  	v6 =	vsub.f32 v9, v6  }
0x4b7: {  	v4 =	vmul.f32 v4, v5;
	v5 =	vsub.f32 v10, v7  }
0x4b8: {  	v3 =	vmul.f32 v3, v6;
	v1 =	vsub.f32 v1, v11  }
0x4b9: {  	[tilespmem:s16+$0xFFFFFFF0] =	vst v4;
	v2 =	vmul.f32 v2, v5  }
0x4ba: {  	[tilespmem:s16+$0x0] =	vst v3;
	v0 =	vmul.f32 v0, v1  }
0x4bb: {  	[tilespmem:s16+$0x10] =	vst v2  }
0x4bc: {  	[tilespmem:s16+$0xFFFFFFE0] =	vst v0  }
0x4bd: {  	s14 =	sld [smem:$0x7E4];
	_ =	sdelay $0x1  }
0x4be: {  	s15 =	sld [smem:$0x7ED]  }
0x4bf: {  	[hbm4b:s14+s1] =	stream.linear.scatter [tilespmem:s7], [sflag:$0x4], $0xA00, $0x38;
	[tilespmem:$0x1FF00] =	vst v63  }
0x4c0: {  	s16 =	sld [smem:$0x7EE]  }
0x4c1: {  	[tilespmem:s28], [sflag:$0x3] =	stream.linear.gather [hbm4b:s15+s1], $0xA00, $0x38;
	[tilespmem:$0x1FF00] =	vst v63  }
0x4c2: {  	s17 =	sld [smem:$0x7EF]  }
0x4c3: {  	[tilespmem:s29], [sflag:$0x3] =	stream.linear.gather [hbm4b:s16+s1], $0xA00, $0x38;
	[tilespmem:$0x1FF00] =	vst v63  }
0x4c4: {  	_ = 	snop  }
0x4c5: {  	[tilespmem:s30], [sflag:$0x3] =	stream.linear.gather [hbm4b:s17+s1], $0xA00, $0x38;
	[tilespmem:$0x1FF00] =	vst v63  }
0x4c6: {  	_ =	swait.ge [sflag:s8], $0xA00  }
0x4c7: {  	[sflag:s8] =	ssyncset.done $0x0  }
0x4c8: {  	[sflag:s8] =	ssyncadd.s32 $0xFFFFF600  }
0x4c9: {  	_ =	swait.ge [sflag:s8], $0xA00  }
0x4ca: {  	[sflag:s8] =	ssyncset.done $0x0  }
0x4cb: {  	[sflag:s8] =	ssyncadd.s32 $0xFFFFF600  }
0x4cc: {  	_ =	swait.ge [sflag:s8], $0xA00  }
0x4cd: {  	[sflag:s8] =	ssyncset.done $0x0  }
0x4ce: {  	[sflag:s8] =	ssyncadd.s32 $0xFFFFF600  }
0x4cf: {  	_ =	swait.ge [sflag:s12], $0xA00  }
0x4d0: {  	[sflag:s12] =	ssyncset.done $0x0  }
0x4d1: {  	s18 =	simm.s32 $0x1D720;
	[sflag:s12] =	ssyncadd.s32 $0xFFFFF600  }
0x4d2: {  	s14 =	simm.s32 $0x1E120;
	v0 =	vld [tilespmem:s18+$0x20]  }
0x4d3: {  	s15 =	simm.s32 $0x1EB20;
	v1 =	vld [tilespmem:s14+$0x20]  }
0x4d4: {  	v2 =	vld [tilespmem:s15+$0x20]  }
0x4d5: {  	v3 =	vld [tilespmem:s15+$0xFFFFFFE0]  }
0x4d6: {  	v4 =	vld [tilespmem:s15+$0xFFFFFFF0]  }
0x4d7: {  	v5 =	vld [tilespmem:s15+$0x0]  }
0x4d8: {  	v6 =	vld [tilespmem:s15+$0x10]  }
0x4d9: {  	v7 =	vld [tilespmem:s14+$0xFFFFFFE0]  }
0x4da: {  	v8 =	vld [tilespmem:s18+$0xFFFFFFF0]  }
0x4db: {  	(erf) = vrcp.f32 v2;
	v2 =	vld [tilespmem:s14+$0xFFFFFFF0]  }
0x4dc: {  	(erf) = vrcp.f32 v3;
	v3 =	vld [tilespmem:s18+$0x0]  }
0x4dd: {  	(erf) = vrcp.f32 v4;
	v4 =	vld [tilespmem:s14+$0x0]  }
0x4de: {  	v0 =	vld.idx.msk [tilespmem:v0+s1+$0x0], $0xffff  }
0x4df: {  	v9 =	vld.idx.msk [tilespmem:v1+s1+$0x0], $0xffff  }
0x4e0: {  	v10 =	vld [tilespmem:s18+$0x10];
	(erf) = vrcp.f32 v5  }
0x4e1: {  	v11 =	vld [tilespmem:s14+$0x10];
	(erf) = vrcp.f32 v6  }
0x4e2: {  	v12 =	vld [tilespmem:s18+$0xFFFFFFE0]  }
0x4e3: {  	v5 =	vld.idx.msk [tilespmem:v8+s1+$0x0], $0xffff  }
0x4e4: {  	v8 =	vld.idx.msk [tilespmem:v2+s1+$0x0], $0xffff;
	v2 =	vsub.f32 v9, v0  }
0x4e5: {  	v1 =	vld.idx.msk [tilespmem:v7+s1+$0x0], $0xffff;
	v7 =	vpop (erf)  }
0x4e6: {  	v6 =	vld.idx.msk [tilespmem:v3+s1+$0x0], $0xffff;
	v2 =	vmul.f32 v7, v2  }
0x4e7: {  	v0 =	vpop (erf);
	v9 =	vld.idx.msk [tilespmem:v4+s1+$0x0], $0xffff  }
0x4e8: {  	v7 =	vld.idx.msk [tilespmem:v10+s1+$0x0], $0xffff;
	v4 =	vpop (erf)  }
0x4e9: {  	s16 =	simm.s32 $0x1F520;
	v10 =	vld.idx.msk [tilespmem:v11+s1+$0x0], $0xffff;
	v3 =	vpop (erf)  }
0x4ea: {  	s17 =	simm.s32 $0x0;
	s18 =	simm.s32 $0x1D770;
	v11 =	vld.idx.msk [tilespmem:v12+s1+$0x0], $0xffff;
	[tilespmem:s16+$0x20] =	vst v2;
	v2 =	vpop (erf)  }
.LBB2_30:
0x4eb: {  	v12 =	vld [tilespmem:s18+$0x20];
	v5 =	vsub.f32 v8, v5;
	s14 =	sadd.s32 $0x50, s14  }
0x4ec: {  	s17 =	sadd.s32 $0x50, s17;
	s15 =	sadd.s32 $0x50, s15;
	v8 =	vld [tilespmem:s14+$0x20]  }
0x4ed: {  	p0 =	slt.u32 s17, $0x9B0;
	v13 =	vld [tilespmem:s15+$0x20];
	v4 =	vmul.f32 v4, v5;
	v5 =	vsub.f32 v9, v6  }
0x4ee: {  	v6 =	vld [tilespmem:s15+$0xFFFFFFE0]  }
0x4ef: {  	v9 =	vld [tilespmem:s15+$0xFFFFFFF0];
	[tilespmem:s16+$0xFFFFFFF0] =	vst v4;
	v3 =	vmul.f32 v3, v5;
	v4 =	vsub.f32 v10, v7  }
0x4f0: {  	v1 =	vsub.f32 v1, v11;
	v5 =	vld [tilespmem:s15+$0x0]  }
0x4f1: {  	v7 =	vld [tilespmem:s15+$0x10];
	[tilespmem:s16+$0x0] =	vst v3;
	v2 =	vmul.f32 v2, v4  }
0x4f2: {  	v0 =	vmul.f32 v0, v1;
	v3 =	vld [tilespmem:s14+$0xFFFFFFE0];
	(erf) = vrcp.f32 v13  }
0x4f3: {  	v1 =	vld.idx.msk [tilespmem:v12+s1+$0x0], $0xffff;
	(erf) = vrcp.f32 v6;
	[tilespmem:s16+$0x10] =	vst v2  }
0x4f4: {  	v2 =	vld.idx.msk [tilespmem:v8+s1+$0x0], $0xffff;
	(erf) = vrcp.f32 v9;
	[tilespmem:s16+$0xFFFFFFE0] =	vst v0  }
0x4f5: {  	v4 =	vld [tilespmem:s18+$0xFFFFFFF0];
	(erf) = vrcp.f32 v5  }
0x4f6: {  	v6 =	vld [tilespmem:s14+$0xFFFFFFF0];
	(erf) = vrcp.f32 v7  }
0x4f7: {  	v7 =	vld [tilespmem:s18+$0x0]  }
0x4f8: {  	v9 =	vld [tilespmem:s14+$0x0]  }
0x4f9: {  	v10 =	vld [tilespmem:s18+$0x10]  }
0x4fa: {  	v5 =	vsub.f32 v2, v1;
	v11 =	vld [tilespmem:s14+$0x10]  }
0x4fb: {  	v12 =	vld [tilespmem:s18+$0xFFFFFFE0];
	v2 =	vpop (erf)  }
0x4fc: {  	v1 =	vld.idx.msk [tilespmem:v3+s1+$0x0], $0xffff;
	v13 =	vmul.f32 v2, v5;
	v0 =	vpop (erf)  }
0x4fd: {  	s16 =	sadd.s32 $0x50, s16;
	v5 =	vld.idx.msk [tilespmem:v4+s1+$0x0], $0xffff;
	v4 =	vpop (erf)  }
0x4fe: {  	v8 =	vld.idx.msk [tilespmem:v6+s1+$0x0], $0xffff;
	[tilespmem:s16+$0x20] =	vst v13;
	v3 =	vpop (erf)  }
.Ltmp14:
0x4ff: {  	v6 =	vld.idx.msk [tilespmem:v7+s1+$0x0], $0xffff;
	v2 =	vpop (erf);
	(pc) =	sbr.rel @p0 .LBB2_30-.Ltmp14, $4  }
0x500: {  	v9 =	vld.idx.msk [tilespmem:v9+s1+$0x0], $0xffff  }
0x501: {  	v7 =	vld.idx.msk [tilespmem:v10+s1+$0x0], $0xffff  }
0x502: {  	v10 =	vld.idx.msk [tilespmem:v11+s1+$0x0], $0xffff  }
0x503: {  	s18 =	sadd.s32 $0x50, s18;
	v11 =	vld.idx.msk [tilespmem:v12+s1+$0x0], $0xffff  }
0x504: {  	_ = 	snop  }
0x505: {  	v5 =	vsub.f32 v8, v5  }
0x506: {  	v6 =	vsub.f32 v9, v6  }
0x507: {  	v4 =	vmul.f32 v4, v5;
	v5 =	vsub.f32 v10, v7  }
0x508: {  	v3 =	vmul.f32 v3, v6;
	v1 =	vsub.f32 v1, v11  }
0x509: {  	[tilespmem:s16+$0xFFFFFFF0] =	vst v4;
	v2 =	vmul.f32 v2, v5  }
0x50a: {  	[tilespmem:s16+$0x0] =	vst v3;
	v0 =	vmul.f32 v0, v1  }
0x50b: {  	[tilespmem:s16+$0x10] =	vst v2  }
0x50c: {  	[tilespmem:s16+$0xFFFFFFE0] =	vst v0  }
0x50d: {  	s14 =	sld [smem:$0x7E8];
	_ =	sdelay $0x1  }
0x50e: {  	s15 =	sld [smem:$0x7F5]  }
0x50f: {  	[hbm4b:s14+s1] =	stream.linear.scatter [tilespmem:s9], [sflag:$0x6], $0xA00, $0x38;
	[tilespmem:$0x1FF00] =	vst v63  }
0x510: {  	s16 =	sld [smem:$0x7F8]  }
0x511: {  	[tilespmem:s31], [sflag:$0x5] =	stream.linear.gather [hbm4b:s15+s1], $0xA00, $0x38;
	[tilespmem:$0x1FF00] =	vst v63  }
0x512: {  	s17 =	sld [smem:$0x7FB]  }
0x513: {  	[tilespmem:s0], [sflag:$0x5] =	stream.linear.gather [hbm4b:s16+s1], $0xA00, $0x38;
	[tilespmem:$0x1FF00] =	vst v63  }
0x514: {  	_ = 	snop  }
0x515: {  	[tilespmem:s2], [sflag:$0x5] =	stream.linear.gather [hbm4b:s17+s1], $0xA00, $0x38;
	[tilespmem:$0x1FF00] =	vst v63  }
0x516: {  	_ =	swait.ge [sflag:s4], $0xA00  }
0x517: {  	[sflag:s4] =	ssyncset.done $0x0  }
0x518: {  	[sflag:s4] =	ssyncadd.s32 $0xFFFFF600  }
0x519: {  	_ =	swait.ge [sflag:s4], $0xA00  }
0x51a: {  	[sflag:s4] =	ssyncset.done $0x0  }
0x51b: {  	[sflag:s4] =	ssyncadd.s32 $0xFFFFF600  }
0x51c: {  	_ =	swait.ge [sflag:s4], $0xA00  }
0x51d: {  	[sflag:s4] =	ssyncset.done $0x0  }
0x51e: {  	[sflag:s4] =	ssyncadd.s32 $0xFFFFF600  }
0x51f: {  	_ =	swait.ge [sflag:s10], $0xA00  }
0x520: {  	[sflag:s10] =	ssyncset.done $0x0  }
0x521: {  	s18 =	simm.s32 $0x18720;
	[sflag:s10] =	ssyncadd.s32 $0xFFFFF600  }
0x522: {  	s14 =	simm.s32 $0x19120;
	v0 =	vld [tilespmem:s18+$0x20]  }
0x523: {  	s15 =	simm.s32 $0x19B20;
	v1 =	vld [tilespmem:s14+$0x20]  }
0x524: {  	v2 =	vld [tilespmem:s15+$0x20]  }
0x525: {  	v3 =	vld [tilespmem:s15+$0xFFFFFFE0]  }
0x526: {  	v4 =	vld [tilespmem:s15+$0xFFFFFFF0]  }
0x527: {  	v5 =	vld [tilespmem:s15+$0x0]  }
0x528: {  	v6 =	vld [tilespmem:s15+$0x10]  }
0x529: {  	v7 =	vld [tilespmem:s14+$0xFFFFFFE0]  }
0x52a: {  	v8 =	vld [tilespmem:s18+$0xFFFFFFF0]  }
0x52b: {  	(erf) = vrcp.f32 v2;
	v2 =	vld [tilespmem:s14+$0xFFFFFFF0]  }
0x52c: {  	(erf) = vrcp.f32 v3;
	v3 =	vld [tilespmem:s18+$0x0]  }
0x52d: {  	(erf) = vrcp.f32 v4;
	v4 =	vld [tilespmem:s14+$0x0]  }
0x52e: {  	v0 =	vld.idx.msk [tilespmem:v0+s1+$0x0], $0xffff  }
0x52f: {  	v9 =	vld.idx.msk [tilespmem:v1+s1+$0x0], $0xffff  }
0x530: {  	v10 =	vld [tilespmem:s18+$0x10];
	(erf) = vrcp.f32 v5  }
0x531: {  	v11 =	vld [tilespmem:s14+$0x10];
	(erf) = vrcp.f32 v6  }
0x532: {  	v12 =	vld [tilespmem:s18+$0xFFFFFFE0]  }
0x533: {  	v5 =	vld.idx.msk [tilespmem:v8+s1+$0x0], $0xffff  }
0x534: {  	v8 =	vld.idx.msk [tilespmem:v2+s1+$0x0], $0xffff;
	v2 =	vsub.f32 v9, v0  }
0x535: {  	v1 =	vld.idx.msk [tilespmem:v7+s1+$0x0], $0xffff;
	v7 =	vpop (erf)  }
0x536: {  	v6 =	vld.idx.msk [tilespmem:v3+s1+$0x0], $0xffff;
	v2 =	vmul.f32 v7, v2  }
0x537: {  	v0 =	vpop (erf);
	v9 =	vld.idx.msk [tilespmem:v4+s1+$0x0], $0xffff  }
0x538: {  	v7 =	vld.idx.msk [tilespmem:v10+s1+$0x0], $0xffff;
	v4 =	vpop (erf)  }
0x539: {  	s16 =	simm.s32 $0x1A520;
	v10 =	vld.idx.msk [tilespmem:v11+s1+$0x0], $0xffff;
	v3 =	vpop (erf)  }
0x53a: {  	s17 =	simm.s32 $0x0;
	s18 =	simm.s32 $0x18770;
	v11 =	vld.idx.msk [tilespmem:v12+s1+$0x0], $0xffff;
	[tilespmem:s16+$0x20] =	vst v2;
	v2 =	vpop (erf)  }
.LBB2_32:
0x53b: {  	v12 =	vld [tilespmem:s18+$0x20];
	v5 =	vsub.f32 v8, v5;
	s14 =	sadd.s32 $0x50, s14  }
0x53c: {  	s17 =	sadd.s32 $0x50, s17;
	s15 =	sadd.s32 $0x50, s15;
	v8 =	vld [tilespmem:s14+$0x20]  }
0x53d: {  	p0 =	slt.u32 s17, $0x9B0;
	v13 =	vld [tilespmem:s15+$0x20];
	v4 =	vmul.f32 v4, v5;
	v5 =	vsub.f32 v9, v6  }
0x53e: {  	v6 =	vld [tilespmem:s15+$0xFFFFFFE0]  }
0x53f: {  	v9 =	vld [tilespmem:s15+$0xFFFFFFF0];
	[tilespmem:s16+$0xFFFFFFF0] =	vst v4;
	v3 =	vmul.f32 v3, v5;
	v4 =	vsub.f32 v10, v7  }
0x540: {  	v1 =	vsub.f32 v1, v11;
	v5 =	vld [tilespmem:s15+$0x0]  }
0x541: {  	v7 =	vld [tilespmem:s15+$0x10];
	[tilespmem:s16+$0x0] =	vst v3;
	v2 =	vmul.f32 v2, v4  }
0x542: {  	v0 =	vmul.f32 v0, v1;
	v3 =	vld [tilespmem:s14+$0xFFFFFFE0];
	(erf) = vrcp.f32 v13  }
0x543: {  	v1 =	vld.idx.msk [tilespmem:v12+s1+$0x0], $0xffff;
	(erf) = vrcp.f32 v6;
	[tilespmem:s16+$0x10] =	vst v2  }
0x544: {  	v2 =	vld.idx.msk [tilespmem:v8+s1+$0x0], $0xffff;
	(erf) = vrcp.f32 v9;
	[tilespmem:s16+$0xFFFFFFE0] =	vst v0  }
0x545: {  	v4 =	vld [tilespmem:s18+$0xFFFFFFF0];
	(erf) = vrcp.f32 v5  }
0x546: {  	v6 =	vld [tilespmem:s14+$0xFFFFFFF0];
	(erf) = vrcp.f32 v7  }
0x547: {  	v7 =	vld [tilespmem:s18+$0x0]  }
0x548: {  	v9 =	vld [tilespmem:s14+$0x0]  }
0x549: {  	v10 =	vld [tilespmem:s18+$0x10]  }
0x54a: {  	v5 =	vsub.f32 v2, v1;
	v11 =	vld [tilespmem:s14+$0x10]  }
0x54b: {  	v12 =	vld [tilespmem:s18+$0xFFFFFFE0];
	v2 =	vpop (erf)  }
0x54c: {  	v1 =	vld.idx.msk [tilespmem:v3+s1+$0x0], $0xffff;
	v13 =	vmul.f32 v2, v5;
	v0 =	vpop (erf)  }
0x54d: {  	s16 =	sadd.s32 $0x50, s16;
	v5 =	vld.idx.msk [tilespmem:v4+s1+$0x0], $0xffff;
	v4 =	vpop (erf)  }
0x54e: {  	v8 =	vld.idx.msk [tilespmem:v6+s1+$0x0], $0xffff;
	[tilespmem:s16+$0x20] =	vst v13;
	v3 =	vpop (erf)  }
.Ltmp15:
0x54f: {  	v6 =	vld.idx.msk [tilespmem:v7+s1+$0x0], $0xffff;
	v2 =	vpop (erf);
	(pc) =	sbr.rel @p0 .LBB2_32-.Ltmp15, $4  }
0x550: {  	v9 =	vld.idx.msk [tilespmem:v9+s1+$0x0], $0xffff  }
0x551: {  	v7 =	vld.idx.msk [tilespmem:v10+s1+$0x0], $0xffff  }
0x552: {  	v10 =	vld.idx.msk [tilespmem:v11+s1+$0x0], $0xffff  }
0x553: {  	s18 =	sadd.s32 $0x50, s18;
	v11 =	vld.idx.msk [tilespmem:v12+s1+$0x0], $0xffff  }
0x554: {  	_ = 	snop  }
0x555: {  	v5 =	vsub.f32 v8, v5  }
0x556: {  	v6 =	vsub.f32 v9, v6  }
0x557: {  	v4 =	vmul.f32 v4, v5;
	v5 =	vsub.f32 v10, v7  }
0x558: {  	v3 =	vmul.f32 v3, v6;
	v1 =	vsub.f32 v1, v11  }
0x559: {  	[tilespmem:s16+$0xFFFFFFF0] =	vst v4;
	v2 =	vmul.f32 v2, v5  }
0x55a: {  	[tilespmem:s16+$0x0] =	vst v3;
	v0 =	vmul.f32 v0, v1  }
0x55b: {  	[tilespmem:s16+$0x10] =	vst v2  }
0x55c: {  	[tilespmem:s16+$0xFFFFFFE0] =	vst v0  }
0x55d: {  	s14 =	sld [smem:$0x7EC];
	_ =	sdelay $0x1  }
0x55e: {  	s15 =	sld [smem:$0x7F6]  }
0x55f: {  	[hbm4b:s14+s1] =	stream.linear.scatter [tilespmem:s5], [sflag:$0x2], $0xA00, $0x38;
	[tilespmem:$0x1FF00] =	vst v63  }
0x560: {  	s16 =	sld [smem:$0x7F9]  }
0x561: {  	[tilespmem:s24], [sflag:$0x1] =	stream.linear.gather [hbm4b:s15+s1], $0xA00, $0x38;
	[tilespmem:$0x1FF00] =	vst v63  }
0x562: {  	s17 =	sld [smem:$0x7FC]  }
0x563: {  	[tilespmem:s25], [sflag:$0x1] =	stream.linear.gather [hbm4b:s16+s1], $0xA00, $0x38;
	[tilespmem:$0x1FF00] =	vst v63  }
0x564: {  	_ = 	snop  }
0x565: {  	[tilespmem:s26], [sflag:$0x1] =	stream.linear.gather [hbm4b:s17+s1], $0xA00, $0x38;
	[tilespmem:$0x1FF00] =	vst v63  }
0x566: {  	_ =	swait.ge [sflag:s6], $0xA00  }
0x567: {  	[sflag:s6] =	ssyncset.done $0x0  }
0x568: {  	[sflag:s6] =	ssyncadd.s32 $0xFFFFF600  }
0x569: {  	_ =	swait.ge [sflag:s6], $0xA00  }
0x56a: {  	[sflag:s6] =	ssyncset.done $0x0  }
0x56b: {  	[sflag:s6] =	ssyncadd.s32 $0xFFFFF600  }
0x56c: {  	_ =	swait.ge [sflag:s6], $0xA00  }
0x56d: {  	[sflag:s6] =	ssyncset.done $0x0  }
0x56e: {  	[sflag:s6] =	ssyncadd.s32 $0xFFFFF600  }
0x56f: {  	_ =	swait.ge [sflag:s11], $0xA00  }
0x570: {  	[sflag:s11] =	ssyncset.done $0x0  }
0x571: {  	s18 =	simm.s32 $0x1AF20;
	[sflag:s11] =	ssyncadd.s32 $0xFFFFF600  }
0x572: {  	s14 =	simm.s32 $0x1B920;
	v0 =	vld [tilespmem:s18+$0x20]  }
0x573: {  	s15 =	simm.s32 $0x1C320;
	v1 =	vld [tilespmem:s14+$0x20]  }
0x574: {  	v2 =	vld [tilespmem:s15+$0x20]  }
0x575: {  	v3 =	vld [tilespmem:s15+$0xFFFFFFE0]  }
0x576: {  	v4 =	vld [tilespmem:s15+$0xFFFFFFF0]  }
0x577: {  	v5 =	vld [tilespmem:s15+$0x0]  }
0x578: {  	v6 =	vld [tilespmem:s15+$0x10]  }
0x579: {  	v7 =	vld [tilespmem:s14+$0xFFFFFFE0]  }
0x57a: {  	v8 =	vld [tilespmem:s18+$0xFFFFFFF0]  }
0x57b: {  	(erf) = vrcp.f32 v2;
	v2 =	vld [tilespmem:s14+$0xFFFFFFF0]  }
0x57c: {  	(erf) = vrcp.f32 v3;
	v3 =	vld [tilespmem:s18+$0x0]  }
0x57d: {  	(erf) = vrcp.f32 v4;
	v4 =	vld [tilespmem:s14+$0x0]  }
0x57e: {  	v0 =	vld.idx.msk [tilespmem:v0+s1+$0x0], $0xffff  }
0x57f: {  	v9 =	vld.idx.msk [tilespmem:v1+s1+$0x0], $0xffff  }
0x580: {  	v10 =	vld [tilespmem:s18+$0x10];
	(erf) = vrcp.f32 v5  }
0x581: {  	v11 =	vld [tilespmem:s14+$0x10];
	(erf) = vrcp.f32 v6  }
0x582: {  	v12 =	vld [tilespmem:s18+$0xFFFFFFE0]  }
0x583: {  	v5 =	vld.idx.msk [tilespmem:v8+s1+$0x0], $0xffff  }
0x584: {  	v8 =	vld.idx.msk [tilespmem:v2+s1+$0x0], $0xffff;
	v2 =	vsub.f32 v9, v0  }
0x585: {  	v1 =	vld.idx.msk [tilespmem:v7+s1+$0x0], $0xffff;
	v7 =	vpop (erf)  }
0x586: {  	v6 =	vld.idx.msk [tilespmem:v3+s1+$0x0], $0xffff;
	v2 =	vmul.f32 v7, v2  }
0x587: {  	v0 =	vpop (erf);
	v9 =	vld.idx.msk [tilespmem:v4+s1+$0x0], $0xffff  }
0x588: {  	v7 =	vld.idx.msk [tilespmem:v10+s1+$0x0], $0xffff;
	v4 =	vpop (erf)  }
0x589: {  	s16 =	simm.s32 $0x1CD20;
	v10 =	vld.idx.msk [tilespmem:v11+s1+$0x0], $0xffff;
	v3 =	vpop (erf)  }
0x58a: {  	s17 =	simm.s32 $0x0;
	s18 =	simm.s32 $0x1AF70;
	v11 =	vld.idx.msk [tilespmem:v12+s1+$0x0], $0xffff;
	[tilespmem:s16+$0x20] =	vst v2;
	v2 =	vpop (erf)  }
.LBB2_34:
0x58b: {  	v12 =	vld [tilespmem:s18+$0x20];
	v5 =	vsub.f32 v8, v5;
	s14 =	sadd.s32 $0x50, s14  }
0x58c: {  	s17 =	sadd.s32 $0x50, s17;
	s15 =	sadd.s32 $0x50, s15;
	v8 =	vld [tilespmem:s14+$0x20]  }
0x58d: {  	p0 =	slt.u32 s17, $0x9B0;
	v13 =	vld [tilespmem:s15+$0x20];
	v4 =	vmul.f32 v4, v5;
	v5 =	vsub.f32 v9, v6  }
0x58e: {  	v6 =	vld [tilespmem:s15+$0xFFFFFFE0]  }
0x58f: {  	v9 =	vld [tilespmem:s15+$0xFFFFFFF0];
	[tilespmem:s16+$0xFFFFFFF0] =	vst v4;
	v3 =	vmul.f32 v3, v5;
	v4 =	vsub.f32 v10, v7  }
0x590: {  	v1 =	vsub.f32 v1, v11;
	v5 =	vld [tilespmem:s15+$0x0]  }
0x591: {  	v7 =	vld [tilespmem:s15+$0x10];
	[tilespmem:s16+$0x0] =	vst v3;
	v2 =	vmul.f32 v2, v4  }
0x592: {  	v0 =	vmul.f32 v0, v1;
	v3 =	vld [tilespmem:s14+$0xFFFFFFE0];
	(erf) = vrcp.f32 v13  }
0x593: {  	v1 =	vld.idx.msk [tilespmem:v12+s1+$0x0], $0xffff;
	(erf) = vrcp.f32 v6;
	[tilespmem:s16+$0x10] =	vst v2  }
0x594: {  	v2 =	vld.idx.msk [tilespmem:v8+s1+$0x0], $0xffff;
	(erf) = vrcp.f32 v9;
	[tilespmem:s16+$0xFFFFFFE0] =	vst v0  }
0x595: {  	v4 =	vld [tilespmem:s18+$0xFFFFFFF0];
	(erf) = vrcp.f32 v5  }
0x596: {  	v6 =	vld [tilespmem:s14+$0xFFFFFFF0];
	(erf) = vrcp.f32 v7  }
0x597: {  	v7 =	vld [tilespmem:s18+$0x0]  }
0x598: {  	v9 =	vld [tilespmem:s14+$0x0]  }
0x599: {  	v10 =	vld [tilespmem:s18+$0x10]  }
0x59a: {  	v5 =	vsub.f32 v2, v1;
	v11 =	vld [tilespmem:s14+$0x10]  }
0x59b: {  	v12 =	vld [tilespmem:s18+$0xFFFFFFE0];
	v2 =	vpop (erf)  }
0x59c: {  	v1 =	vld.idx.msk [tilespmem:v3+s1+$0x0], $0xffff;
	v13 =	vmul.f32 v2, v5;
	v0 =	vpop (erf)  }
0x59d: {  	s16 =	sadd.s32 $0x50, s16;
	v5 =	vld.idx.msk [tilespmem:v4+s1+$0x0], $0xffff;
	v4 =	vpop (erf)  }
0x59e: {  	v8 =	vld.idx.msk [tilespmem:v6+s1+$0x0], $0xffff;
	[tilespmem:s16+$0x20] =	vst v13;
	v3 =	vpop (erf)  }
.Ltmp16:
0x59f: {  	v6 =	vld.idx.msk [tilespmem:v7+s1+$0x0], $0xffff;
	v2 =	vpop (erf);
	(pc) =	sbr.rel @p0 .LBB2_34-.Ltmp16, $4  }
0x5a0: {  	v9 =	vld.idx.msk [tilespmem:v9+s1+$0x0], $0xffff  }
0x5a1: {  	v7 =	vld.idx.msk [tilespmem:v10+s1+$0x0], $0xffff  }
0x5a2: {  	v10 =	vld.idx.msk [tilespmem:v11+s1+$0x0], $0xffff  }
0x5a3: {  	s18 =	sadd.s32 $0x50, s18;
	v11 =	vld.idx.msk [tilespmem:v12+s1+$0x0], $0xffff  }
0x5a4: {  	_ = 	snop  }
0x5a5: {  	v5 =	vsub.f32 v8, v5  }
0x5a6: {  	v6 =	vsub.f32 v9, v6  }
0x5a7: {  	v4 =	vmul.f32 v4, v5;
	v5 =	vsub.f32 v10, v7  }
0x5a8: {  	v3 =	vmul.f32 v3, v6;
	v1 =	vsub.f32 v1, v11  }
0x5a9: {  	[tilespmem:s16+$0xFFFFFFF0] =	vst v4;
	v2 =	vmul.f32 v2, v5  }
0x5aa: {  	[tilespmem:s16+$0x0] =	vst v3;
	v0 =	vmul.f32 v0, v1  }
0x5ab: {  	[tilespmem:s16+$0x10] =	vst v2  }
0x5ac: {  	[tilespmem:s16+$0xFFFFFFE0] =	vst v0  }
0x5ad: {  	s14 =	sld [smem:$0x7F0];
	_ =	sdelay $0x1  }
0x5ae: {  	s15 =	sld [smem:$0x7F7]  }
0x5af: {  	[hbm4b:s14+s1] =	stream.linear.scatter [tilespmem:s7], [sflag:$0x4], $0xA00, $0x38;
	[tilespmem:$0x1FF00] =	vst v63  }
0x5b0: {  	s16 =	sld [smem:$0x7FA]  }
0x5b1: {  	[tilespmem:s28], [sflag:$0x3] =	stream.linear.gather [hbm4b:s15+s1], $0x550, $0x38;
	[tilespmem:$0x1FF00] =	vst v63  }
0x5b2: {  	s17 =	sld [smem:$0x7FD]  }
0x5b3: {  	[tilespmem:s29], [sflag:$0x3] =	stream.linear.gather [hbm4b:s16+s1], $0x550, $0x38;
	[tilespmem:$0x1FF00] =	vst v63  }
0x5b4: {  	_ = 	snop  }
0x5b5: {  	[tilespmem:s30], [sflag:$0x3] =	stream.linear.gather [hbm4b:s17+s1], $0x550, $0x38;
	[tilespmem:$0x1FF00] =	vst v63  }
0x5b6: {  	_ =	swait.ge [sflag:s8], $0xA00  }
0x5b7: {  	[sflag:s8] =	ssyncset.done $0x0  }
0x5b8: {  	[sflag:s8] =	ssyncadd.s32 $0xFFFFF600  }
0x5b9: {  	_ =	swait.ge [sflag:s8], $0xA00  }
0x5ba: {  	[sflag:s8] =	ssyncset.done $0x0  }
0x5bb: {  	[sflag:s8] =	ssyncadd.s32 $0xFFFFF600  }
0x5bc: {  	_ =	swait.ge [sflag:s8], $0xA00  }
0x5bd: {  	[sflag:s8] =	ssyncset.done $0x0  }
0x5be: {  	[sflag:s8] =	ssyncadd.s32 $0xFFFFF600  }
0x5bf: {  	_ =	swait.ge [sflag:s12], $0xA00  }
0x5c0: {  	[sflag:s12] =	ssyncset.done $0x0  }
0x5c1: {  	s18 =	simm.s32 $0x1D720;
	[sflag:s12] =	ssyncadd.s32 $0xFFFFF600  }
0x5c2: {  	s14 =	simm.s32 $0x1E120;
	v0 =	vld [tilespmem:s18+$0x20]  }
0x5c3: {  	s15 =	simm.s32 $0x1EB20;
	v1 =	vld [tilespmem:s14+$0x20]  }
0x5c4: {  	v2 =	vld [tilespmem:s15+$0x20]  }
0x5c5: {  	v3 =	vld [tilespmem:s15+$0xFFFFFFE0]  }
0x5c6: {  	v4 =	vld [tilespmem:s15+$0xFFFFFFF0]  }
0x5c7: {  	v5 =	vld [tilespmem:s15+$0x0]  }
0x5c8: {  	v6 =	vld [tilespmem:s15+$0x10]  }
0x5c9: {  	v7 =	vld [tilespmem:s14+$0xFFFFFFE0]  }
0x5ca: {  	v8 =	vld [tilespmem:s18+$0xFFFFFFF0]  }
0x5cb: {  	(erf) = vrcp.f32 v2;
	v2 =	vld [tilespmem:s14+$0xFFFFFFF0]  }
0x5cc: {  	(erf) = vrcp.f32 v3;
	v3 =	vld [tilespmem:s18+$0x0]  }
0x5cd: {  	(erf) = vrcp.f32 v4;
	v4 =	vld [tilespmem:s14+$0x0]  }
0x5ce: {  	v0 =	vld.idx.msk [tilespmem:v0+s1+$0x0], $0xffff  }
0x5cf: {  	v9 =	vld.idx.msk [tilespmem:v1+s1+$0x0], $0xffff  }
0x5d0: {  	v10 =	vld [tilespmem:s18+$0x10];
	(erf) = vrcp.f32 v5  }
0x5d1: {  	v11 =	vld [tilespmem:s14+$0x10];
	(erf) = vrcp.f32 v6  }
0x5d2: {  	v12 =	vld [tilespmem:s18+$0xFFFFFFE0]  }
0x5d3: {  	v5 =	vld.idx.msk [tilespmem:v8+s1+$0x0], $0xffff  }
0x5d4: {  	v8 =	vld.idx.msk [tilespmem:v2+s1+$0x0], $0xffff;
	v2 =	vsub.f32 v9, v0  }
0x5d5: {  	v1 =	vld.idx.msk [tilespmem:v7+s1+$0x0], $0xffff;
	v7 =	vpop (erf)  }
0x5d6: {  	v6 =	vld.idx.msk [tilespmem:v3+s1+$0x0], $0xffff;
	v2 =	vmul.f32 v7, v2  }
0x5d7: {  	v0 =	vpop (erf);
	v9 =	vld.idx.msk [tilespmem:v4+s1+$0x0], $0xffff  }
0x5d8: {  	v7 =	vld.idx.msk [tilespmem:v10+s1+$0x0], $0xffff;
	v4 =	vpop (erf)  }
0x5d9: {  	s16 =	simm.s32 $0x1F520;
	v10 =	vld.idx.msk [tilespmem:v11+s1+$0x0], $0xffff;
	v3 =	vpop (erf)  }
0x5da: {  	s17 =	simm.s32 $0x0;
	s18 =	simm.s32 $0x1D770;
	v11 =	vld.idx.msk [tilespmem:v12+s1+$0x0], $0xffff;
	[tilespmem:s16+$0x20] =	vst v2;
	v2 =	vpop (erf)  }
.LBB2_36:
0x5db: {  	v12 =	vld [tilespmem:s18+$0x20];
	v5 =	vsub.f32 v8, v5;
	s14 =	sadd.s32 $0x50, s14  }
0x5dc: {  	s17 =	sadd.s32 $0x50, s17;
	s15 =	sadd.s32 $0x50, s15;
	v8 =	vld [tilespmem:s14+$0x20]  }
0x5dd: {  	p0 =	slt.u32 s17, $0x9B0;
	v13 =	vld [tilespmem:s15+$0x20];
	v4 =	vmul.f32 v4, v5;
	v5 =	vsub.f32 v9, v6  }
0x5de: {  	v6 =	vld [tilespmem:s15+$0xFFFFFFE0]  }
0x5df: {  	v9 =	vld [tilespmem:s15+$0xFFFFFFF0];
	[tilespmem:s16+$0xFFFFFFF0] =	vst v4;
	v3 =	vmul.f32 v3, v5;
	v4 =	vsub.f32 v10, v7  }
0x5e0: {  	v1 =	vsub.f32 v1, v11;
	v5 =	vld [tilespmem:s15+$0x0]  }
0x5e1: {  	v7 =	vld [tilespmem:s15+$0x10];
	[tilespmem:s16+$0x0] =	vst v3;
	v2 =	vmul.f32 v2, v4  }
0x5e2: {  	v0 =	vmul.f32 v0, v1;
	v3 =	vld [tilespmem:s14+$0xFFFFFFE0];
	(erf) = vrcp.f32 v13  }
0x5e3: {  	v1 =	vld.idx.msk [tilespmem:v12+s1+$0x0], $0xffff;
	(erf) = vrcp.f32 v6;
	[tilespmem:s16+$0x10] =	vst v2  }
0x5e4: {  	v2 =	vld.idx.msk [tilespmem:v8+s1+$0x0], $0xffff;
	(erf) = vrcp.f32 v9;
	[tilespmem:s16+$0xFFFFFFE0] =	vst v0  }
0x5e5: {  	v4 =	vld [tilespmem:s18+$0xFFFFFFF0];
	(erf) = vrcp.f32 v5  }
0x5e6: {  	v6 =	vld [tilespmem:s14+$0xFFFFFFF0];
	(erf) = vrcp.f32 v7  }
0x5e7: {  	v7 =	vld [tilespmem:s18+$0x0]  }
0x5e8: {  	v9 =	vld [tilespmem:s14+$0x0]  }
0x5e9: {  	v10 =	vld [tilespmem:s18+$0x10]  }
0x5ea: {  	v5 =	vsub.f32 v2, v1;
	v11 =	vld [tilespmem:s14+$0x10]  }
0x5eb: {  	v12 =	vld [tilespmem:s18+$0xFFFFFFE0];
	v2 =	vpop (erf)  }
0x5ec: {  	v1 =	vld.idx.msk [tilespmem:v3+s1+$0x0], $0xffff;
	v13 =	vmul.f32 v2, v5;
	v0 =	vpop (erf)  }
0x5ed: {  	s16 =	sadd.s32 $0x50, s16;
	v5 =	vld.idx.msk [tilespmem:v4+s1+$0x0], $0xffff;
	v4 =	vpop (erf)  }
0x5ee: {  	v8 =	vld.idx.msk [tilespmem:v6+s1+$0x0], $0xffff;
	[tilespmem:s16+$0x20] =	vst v13;
	v3 =	vpop (erf)  }
.Ltmp17:
0x5ef: {  	v6 =	vld.idx.msk [tilespmem:v7+s1+$0x0], $0xffff;
	v2 =	vpop (erf);
	(pc) =	sbr.rel @p0 .LBB2_36-.Ltmp17, $4  }
0x5f0: {  	v9 =	vld.idx.msk [tilespmem:v9+s1+$0x0], $0xffff  }
0x5f1: {  	v7 =	vld.idx.msk [tilespmem:v10+s1+$0x0], $0xffff  }
0x5f2: {  	v10 =	vld.idx.msk [tilespmem:v11+s1+$0x0], $0xffff  }
0x5f3: {  	s18 =	sadd.s32 $0x50, s18;
	v11 =	vld.idx.msk [tilespmem:v12+s1+$0x0], $0xffff  }
0x5f4: {  	_ = 	snop  }
0x5f5: {  	v5 =	vsub.f32 v8, v5  }
0x5f6: {  	v6 =	vsub.f32 v9, v6  }
0x5f7: {  	v4 =	vmul.f32 v4, v5;
	v5 =	vsub.f32 v10, v7  }
0x5f8: {  	v3 =	vmul.f32 v3, v6;
	v1 =	vsub.f32 v1, v11  }
0x5f9: {  	[tilespmem:s16+$0xFFFFFFF0] =	vst v4;
	v2 =	vmul.f32 v2, v5  }
0x5fa: {  	[tilespmem:s16+$0x0] =	vst v3;
	v0 =	vmul.f32 v0, v1  }
0x5fb: {  	[tilespmem:s16+$0x10] =	vst v2  }
0x5fc: {  	[tilespmem:s16+$0xFFFFFFE0] =	vst v0  }
0x5fd: {  	[hbm4b:s19+s1] =	stream.linear.scatter [tilespmem:s9], [sflag:$0x6], $0xA00, $0x38;
	[tilespmem:$0x1FF00] =	vst v63  }
0x5fe: {  	_ =	swait.ge [sflag:s4], $0xA00  }
0x5ff: {  	[sflag:s4] =	ssyncset.done $0x0  }
0x600: {  	[sflag:s4] =	ssyncadd.s32 $0xFFFFF600  }
0x601: {  	_ =	swait.ge [sflag:s4], $0xA00  }
0x602: {  	[sflag:s4] =	ssyncset.done $0x0  }
0x603: {  	[sflag:s4] =	ssyncadd.s32 $0xFFFFF600  }
0x604: {  	_ =	swait.ge [sflag:s4], $0xA00  }
0x605: {  	[sflag:s4] =	ssyncset.done $0x0  }
0x606: {  	[sflag:s4] =	ssyncadd.s32 $0xFFFFF600  }
0x607: {  	_ =	swait.ge [sflag:s10], $0xA00  }
0x608: {  	[sflag:s10] =	ssyncset.done $0x0  }
0x609: {  	s18 =	simm.s32 $0x18720;
	[sflag:s10] =	ssyncadd.s32 $0xFFFFF600  }
0x60a: {  	s14 =	simm.s32 $0x19120;
	v0 =	vld [tilespmem:s18+$0x20]  }
0x60b: {  	s15 =	simm.s32 $0x19B20;
	v1 =	vld [tilespmem:s14+$0x20]  }
0x60c: {  	v2 =	vld [tilespmem:s15+$0x20]  }
0x60d: {  	v3 =	vld [tilespmem:s15+$0xFFFFFFE0]  }
0x60e: {  	v4 =	vld [tilespmem:s15+$0xFFFFFFF0]  }
0x60f: {  	v5 =	vld [tilespmem:s15+$0x0]  }
0x610: {  	v6 =	vld [tilespmem:s15+$0x10]  }
0x611: {  	v7 =	vld [tilespmem:s14+$0xFFFFFFE0]  }
0x612: {  	v8 =	vld [tilespmem:s18+$0xFFFFFFF0]  }
0x613: {  	(erf) = vrcp.f32 v2;
	v2 =	vld [tilespmem:s14+$0xFFFFFFF0]  }
0x614: {  	(erf) = vrcp.f32 v3;
	v3 =	vld [tilespmem:s18+$0x0]  }
0x615: {  	(erf) = vrcp.f32 v4;
	v4 =	vld [tilespmem:s14+$0x0]  }
0x616: {  	v0 =	vld.idx.msk [tilespmem:v0+s1+$0x0], $0xffff  }
0x617: {  	v9 =	vld.idx.msk [tilespmem:v1+s1+$0x0], $0xffff  }
0x618: {  	v10 =	vld [tilespmem:s18+$0x10];
	(erf) = vrcp.f32 v5  }
0x619: {  	v11 =	vld [tilespmem:s14+$0x10];
	(erf) = vrcp.f32 v6  }
0x61a: {  	v12 =	vld [tilespmem:s18+$0xFFFFFFE0]  }
0x61b: {  	v5 =	vld.idx.msk [tilespmem:v8+s1+$0x0], $0xffff  }
0x61c: {  	v8 =	vld.idx.msk [tilespmem:v2+s1+$0x0], $0xffff;
	v2 =	vsub.f32 v9, v0  }
0x61d: {  	v1 =	vld.idx.msk [tilespmem:v7+s1+$0x0], $0xffff;
	v7 =	vpop (erf)  }
0x61e: {  	v6 =	vld.idx.msk [tilespmem:v3+s1+$0x0], $0xffff;
	v2 =	vmul.f32 v7, v2  }
0x61f: {  	v0 =	vpop (erf);
	v9 =	vld.idx.msk [tilespmem:v4+s1+$0x0], $0xffff  }
0x620: {  	v7 =	vld.idx.msk [tilespmem:v10+s1+$0x0], $0xffff;
	v4 =	vpop (erf)  }
0x621: {  	s16 =	simm.s32 $0x1A520;
	v10 =	vld.idx.msk [tilespmem:v11+s1+$0x0], $0xffff;
	v3 =	vpop (erf)  }
0x622: {  	s17 =	simm.s32 $0x0;
	s18 =	simm.s32 $0x18770;
	v11 =	vld.idx.msk [tilespmem:v12+s1+$0x0], $0xffff;
	[tilespmem:s16+$0x20] =	vst v2;
	v2 =	vpop (erf)  }
.LBB2_38:
0x623: {  	v12 =	vld [tilespmem:s18+$0x20];
	v5 =	vsub.f32 v8, v5;
	s14 =	sadd.s32 $0x50, s14  }
0x624: {  	s17 =	sadd.s32 $0x50, s17;
	s15 =	sadd.s32 $0x50, s15;
	v8 =	vld [tilespmem:s14+$0x20]  }
0x625: {  	p0 =	slt.u32 s17, $0x9B0;
	v13 =	vld [tilespmem:s15+$0x20];
	v4 =	vmul.f32 v4, v5;
	v5 =	vsub.f32 v9, v6  }
0x626: {  	v6 =	vld [tilespmem:s15+$0xFFFFFFE0]  }
0x627: {  	v9 =	vld [tilespmem:s15+$0xFFFFFFF0];
	[tilespmem:s16+$0xFFFFFFF0] =	vst v4;
	v3 =	vmul.f32 v3, v5;
	v4 =	vsub.f32 v10, v7  }
0x628: {  	v1 =	vsub.f32 v1, v11;
	v5 =	vld [tilespmem:s15+$0x0]  }
0x629: {  	v7 =	vld [tilespmem:s15+$0x10];
	[tilespmem:s16+$0x0] =	vst v3;
	v2 =	vmul.f32 v2, v4  }
0x62a: {  	v0 =	vmul.f32 v0, v1;
	v3 =	vld [tilespmem:s14+$0xFFFFFFE0];
	(erf) = vrcp.f32 v13  }
0x62b: {  	v1 =	vld.idx.msk [tilespmem:v12+s1+$0x0], $0xffff;
	(erf) = vrcp.f32 v6;
	[tilespmem:s16+$0x10] =	vst v2  }
0x62c: {  	v2 =	vld.idx.msk [tilespmem:v8+s1+$0x0], $0xffff;
	(erf) = vrcp.f32 v9;
	[tilespmem:s16+$0xFFFFFFE0] =	vst v0  }
0x62d: {  	v4 =	vld [tilespmem:s18+$0xFFFFFFF0];
	(erf) = vrcp.f32 v5  }
0x62e: {  	v6 =	vld [tilespmem:s14+$0xFFFFFFF0];
	(erf) = vrcp.f32 v7  }
0x62f: {  	v7 =	vld [tilespmem:s18+$0x0]  }
0x630: {  	v9 =	vld [tilespmem:s14+$0x0]  }
0x631: {  	v10 =	vld [tilespmem:s18+$0x10]  }
0x632: {  	v5 =	vsub.f32 v2, v1;
	v11 =	vld [tilespmem:s14+$0x10]  }
0x633: {  	v12 =	vld [tilespmem:s18+$0xFFFFFFE0];
	v2 =	vpop (erf)  }
0x634: {  	v1 =	vld.idx.msk [tilespmem:v3+s1+$0x0], $0xffff;
	v13 =	vmul.f32 v2, v5;
	v0 =	vpop (erf)  }
0x635: {  	s16 =	sadd.s32 $0x50, s16;
	v5 =	vld.idx.msk [tilespmem:v4+s1+$0x0], $0xffff;
	v4 =	vpop (erf)  }
0x636: {  	v8 =	vld.idx.msk [tilespmem:v6+s1+$0x0], $0xffff;
	[tilespmem:s16+$0x20] =	vst v13;
	v3 =	vpop (erf)  }
.Ltmp18:
0x637: {  	v6 =	vld.idx.msk [tilespmem:v7+s1+$0x0], $0xffff;
	v2 =	vpop (erf);
	(pc) =	sbr.rel @p0 .LBB2_38-.Ltmp18, $4  }
0x638: {  	v9 =	vld.idx.msk [tilespmem:v9+s1+$0x0], $0xffff  }
0x639: {  	v7 =	vld.idx.msk [tilespmem:v10+s1+$0x0], $0xffff  }
0x63a: {  	v10 =	vld.idx.msk [tilespmem:v11+s1+$0x0], $0xffff  }
0x63b: {  	s18 =	sadd.s32 $0x50, s18;
	v11 =	vld.idx.msk [tilespmem:v12+s1+$0x0], $0xffff  }
0x63c: {  	_ = 	snop  }
0x63d: {  	v5 =	vsub.f32 v8, v5  }
0x63e: {  	v6 =	vsub.f32 v9, v6  }
0x63f: {  	v4 =	vmul.f32 v4, v5;
	v5 =	vsub.f32 v10, v7  }
0x640: {  	v3 =	vmul.f32 v3, v6;
	v1 =	vsub.f32 v1, v11  }
0x641: {  	[tilespmem:s16+$0xFFFFFFF0] =	vst v4;
	v2 =	vmul.f32 v2, v5  }
0x642: {  	[tilespmem:s16+$0x0] =	vst v3;
	v0 =	vmul.f32 v0, v1  }
0x643: {  	[tilespmem:s16+$0x10] =	vst v2  }
0x644: {  	[tilespmem:s16+$0xFFFFFFE0] =	vst v0  }
0x645: {  	[hbm4b:s20+s1] =	stream.linear.scatter [tilespmem:s5], [sflag:$0x2], $0xA00, $0x38;
	[tilespmem:$0x1FF00] =	vst v63  }
0x646: {  	_ =	swait.ge [sflag:s6], $0x550  }
0x647: {  	[sflag:s6] =	ssyncset.done $0x0  }
0x648: {  	[sflag:s6] =	ssyncadd.s32 $0xFFFFFAB0  }
0x649: {  	_ =	swait.ge [sflag:s6], $0x550  }
0x64a: {  	[sflag:s6] =	ssyncset.done $0x0  }
0x64b: {  	[sflag:s6] =	ssyncadd.s32 $0xFFFFFAB0  }
0x64c: {  	_ =	swait.ge [sflag:s6], $0x550  }
0x64d: {  	[sflag:s6] =	ssyncset.done $0x0  }
0x64e: {  	[sflag:s6] =	ssyncadd.s32 $0xFFFFFAB0  }
0x64f: {  	_ =	swait.ge [sflag:s11], $0xA00  }
0x650: {  	[sflag:s11] =	ssyncset.done $0x0  }
0x651: {  	s18 =	simm.s32 $0x1AF20;
	[sflag:s11] =	ssyncadd.s32 $0xFFFFF600  }
0x652: {  	s14 =	simm.s32 $0x1B920;
	v0 =	vld [tilespmem:s18+$0x20]  }
0x653: {  	s15 =	simm.s32 $0x1C320;
	v1 =	vld [tilespmem:s14+$0x20]  }
0x654: {  	v2 =	vld [tilespmem:s15+$0x20]  }
0x655: {  	v3 =	vld [tilespmem:s15+$0xFFFFFFE0]  }
0x656: {  	v4 =	vld [tilespmem:s15+$0xFFFFFFF0]  }
0x657: {  	v5 =	vld [tilespmem:s15+$0x0]  }
0x658: {  	v6 =	vld [tilespmem:s15+$0x10]  }
0x659: {  	v7 =	vld [tilespmem:s14+$0xFFFFFFE0]  }
0x65a: {  	v8 =	vld [tilespmem:s18+$0xFFFFFFF0]  }
0x65b: {  	(erf) = vrcp.f32 v2;
	v2 =	vld [tilespmem:s14+$0xFFFFFFF0]  }
0x65c: {  	(erf) = vrcp.f32 v3;
	v3 =	vld [tilespmem:s18+$0x0]  }
0x65d: {  	(erf) = vrcp.f32 v4;
	v4 =	vld [tilespmem:s14+$0x0]  }
0x65e: {  	v0 =	vld.idx.msk [tilespmem:v0+s1+$0x0], $0xffff  }
0x65f: {  	v9 =	vld.idx.msk [tilespmem:v1+s1+$0x0], $0xffff  }
0x660: {  	v10 =	vld [tilespmem:s18+$0x10];
	(erf) = vrcp.f32 v5  }
0x661: {  	v11 =	vld [tilespmem:s14+$0x10];
	(erf) = vrcp.f32 v6  }
0x662: {  	v12 =	vld [tilespmem:s18+$0xFFFFFFE0]  }
0x663: {  	v5 =	vld.idx.msk [tilespmem:v8+s1+$0x0], $0xffff  }
0x664: {  	v8 =	vld.idx.msk [tilespmem:v2+s1+$0x0], $0xffff;
	v2 =	vsub.f32 v9, v0  }
0x665: {  	v1 =	vld.idx.msk [tilespmem:v7+s1+$0x0], $0xffff;
	v7 =	vpop (erf)  }
0x666: {  	v6 =	vld.idx.msk [tilespmem:v3+s1+$0x0], $0xffff;
	v2 =	vmul.f32 v7, v2  }
0x667: {  	v0 =	vpop (erf);
	v9 =	vld.idx.msk [tilespmem:v4+s1+$0x0], $0xffff  }
0x668: {  	v7 =	vld.idx.msk [tilespmem:v10+s1+$0x0], $0xffff;
	v4 =	vpop (erf)  }
0x669: {  	s16 =	simm.s32 $0x1CD20;
	v10 =	vld.idx.msk [tilespmem:v11+s1+$0x0], $0xffff;
	v3 =	vpop (erf)  }
0x66a: {  	s17 =	simm.s32 $0x0;
	s18 =	simm.s32 $0x1AF70;
	v11 =	vld.idx.msk [tilespmem:v12+s1+$0x0], $0xffff;
	[tilespmem:s16+$0x20] =	vst v2;
	v2 =	vpop (erf)  }
.LBB2_40:
0x66b: {  	v12 =	vld [tilespmem:s18+$0x20];
	v5 =	vsub.f32 v8, v5;
	s14 =	sadd.s32 $0x50, s14  }
0x66c: {  	s17 =	sadd.s32 $0x50, s17;
	s15 =	sadd.s32 $0x50, s15;
	v8 =	vld [tilespmem:s14+$0x20]  }
0x66d: {  	p0 =	slt.u32 s17, $0x500;
	v13 =	vld [tilespmem:s15+$0x20];
	v4 =	vmul.f32 v4, v5;
	v5 =	vsub.f32 v9, v6  }
0x66e: {  	v6 =	vld [tilespmem:s15+$0xFFFFFFE0]  }
0x66f: {  	v9 =	vld [tilespmem:s15+$0xFFFFFFF0];
	[tilespmem:s16+$0xFFFFFFF0] =	vst v4;
	v3 =	vmul.f32 v3, v5;
	v4 =	vsub.f32 v10, v7  }
0x670: {  	v1 =	vsub.f32 v1, v11;
	v5 =	vld [tilespmem:s15+$0x0]  }
0x671: {  	v7 =	vld [tilespmem:s15+$0x10];
	[tilespmem:s16+$0x0] =	vst v3;
	v2 =	vmul.f32 v2, v4  }
0x672: {  	v0 =	vmul.f32 v0, v1;
	v3 =	vld [tilespmem:s14+$0xFFFFFFE0];
	(erf) = vrcp.f32 v13  }
0x673: {  	v1 =	vld.idx.msk [tilespmem:v12+s1+$0x0], $0xffff;
	(erf) = vrcp.f32 v6;
	[tilespmem:s16+$0x10] =	vst v2  }
0x674: {  	v2 =	vld.idx.msk [tilespmem:v8+s1+$0x0], $0xffff;
	(erf) = vrcp.f32 v9;
	[tilespmem:s16+$0xFFFFFFE0] =	vst v0  }
0x675: {  	v4 =	vld [tilespmem:s18+$0xFFFFFFF0];
	(erf) = vrcp.f32 v5  }
0x676: {  	v6 =	vld [tilespmem:s14+$0xFFFFFFF0];
	(erf) = vrcp.f32 v7  }
0x677: {  	v7 =	vld [tilespmem:s18+$0x0]  }
0x678: {  	v9 =	vld [tilespmem:s14+$0x0]  }
0x679: {  	v10 =	vld [tilespmem:s18+$0x10]  }
0x67a: {  	v5 =	vsub.f32 v2, v1;
	v11 =	vld [tilespmem:s14+$0x10]  }
0x67b: {  	v12 =	vld [tilespmem:s18+$0xFFFFFFE0];
	v2 =	vpop (erf)  }
0x67c: {  	v1 =	vld.idx.msk [tilespmem:v3+s1+$0x0], $0xffff;
	v13 =	vmul.f32 v2, v5;
	v0 =	vpop (erf)  }
0x67d: {  	s16 =	sadd.s32 $0x50, s16;
	v5 =	vld.idx.msk [tilespmem:v4+s1+$0x0], $0xffff;
	v4 =	vpop (erf)  }
0x67e: {  	v8 =	vld.idx.msk [tilespmem:v6+s1+$0x0], $0xffff;
	[tilespmem:s16+$0x20] =	vst v13;
	v3 =	vpop (erf)  }
.Ltmp19:
0x67f: {  	v6 =	vld.idx.msk [tilespmem:v7+s1+$0x0], $0xffff;
	v2 =	vpop (erf);
	(pc) =	sbr.rel @p0 .LBB2_40-.Ltmp19, $4  }
0x680: {  	v9 =	vld.idx.msk [tilespmem:v9+s1+$0x0], $0xffff  }
0x681: {  	v7 =	vld.idx.msk [tilespmem:v10+s1+$0x0], $0xffff  }
0x682: {  	v10 =	vld.idx.msk [tilespmem:v11+s1+$0x0], $0xffff  }
0x683: {  	s18 =	sadd.s32 $0x50, s18;
	v11 =	vld.idx.msk [tilespmem:v12+s1+$0x0], $0xffff  }
0x684: {  	_ = 	snop  }
0x685: {  	v5 =	vsub.f32 v8, v5  }
0x686: {  	v6 =	vsub.f32 v9, v6  }
0x687: {  	v4 =	vmul.f32 v4, v5;
	v63 =	vsub.f32 v10, v7  }
0x688: {  	v3 =	vmul.f32 v3, v6;
	v1 =	vsub.f32 v1, v11  }
0x689: {  	[tilespmem:s16+$0xFFFFFFF0] =	vst v4;
	v2 =	vmul.f32 v2, v63  }
0x68a: {  	[tilespmem:s16+$0x0] =	vst v3;
	v0 =	vmul.f32 v0, v1  }
0x68b: {  	[tilespmem:s16+$0x10] =	vst v2  }
0x68c: {  	[tilespmem:s16+$0xFFFFFFE0] =	vst v0  }
0x68d: {  	[hbm4b:s21+s1] =	stream.linear.scatter [tilespmem:s7], [sflag:$0x4], $0x550, $0x38;
	[tilespmem:$0x1FF00] =	vst v63  }
0x68e: {  	_ =	swait.ge [sflag:s12], $0xA00  }
0x68f: {  	[sflag:s12] =	ssyncset.done $0x0  }
0x690: {  	s13 =	sadd.s32 $0x1, s13;
	[sflag:s12] =	ssyncadd.s32 $0xFFFFF600  }
0x691: {  	p0 =	sne.s32 s13, s23;
	_ =	swait.ge [sflag:s10], $0xA00  }
.Ltmp20:
0x692: {  	[sflag:s10] =	ssyncset.done $0x0;
	(pc) =	sbr.rel @p0 .LBB2_1-.Ltmp20, $4  }
0x693: {  	[sflag:s10] =	ssyncadd.s32 $0xFFFFF600  }
0x694: {  	_ =	swait.ge [sflag:s11], $0x550  }
0x695: {  	[sflag:s11] =	ssyncset.done $0x0  }
0x696: {  	[sflag:s11] =	ssyncadd.s32 $0xFFFFFAB0  }
0x697: {  	_ =	sfence.sel $0x180000  }
0x698: {  	[bflag:$0x0] =	sbarrier.arrive $0xFFFF  }
0x699: {  	_ =	strace $0x90000047  }
0x69a: {  	s0 =	stileid.u32;
	[bflag:$0x2] =	sbarrier.arrive $0xFFFF  }
0x69b: {  	p0 =	sne.s32 s0, $0x0;
	s0 =	rddreg [dreg:$0x5]  }
0x69c: {  	s0 =	sadd.s32 @!p0 $0x100000, s0  }
0x69d: {  	[sflag:s0] =	ssyncadd.tile.s32 @!p0 $0x1;
	_ =	shalt  }
.Lfunc_end2:
_tile_overlayer_lowered:
.L_overlay_start_2:
0x69e: {  	(tag) =	ssettag $0x2  }
0x69f: {  	s0 =	rddreg [dreg:$0x0];
	s2 =	stileid.u32  }
0x6a0: {  	s1 =	rddreg [dreg:$0x1];
	p0 =	sne.s32 s2, $0x0  }
0x6a1: {  	s3 =	rddreg [dreg:$0x2];
	[bflag:$0x3] =	sbarrier.arrive $0xFFFF;
	s2 =	simm.s32 @!p0 $0x1C07  }
0x6a2: {  	[timem:s3], [sflag:s2] =	dma.local @!p0 [hbm:s0], s1  }
0x6a3: {  	s0 =	simm.s32 @!p0 $0x7  }
0x6a4: {  	_ =	swait.ge @!p0 [sflag:s0], s1  }
0x6a5: {  	s1 =	ssub.s32 @!p0 $0x0, s1;
	[sflag:s0] =	ssyncset.done @!p0 $0x0  }
0x6a6: {  	[sflag:s0] =	ssyncadd.s32 @!p0 s1  }
0x6a7: {  	[bflag:$0x3] =	sbarrier.arrive $0xFFFF  }
0x6a8: {  	_ =	shalt  }

</sc_bundles>
